<compile_context>
chip_gen: v7x
topology: tpu7x:2x2x1
jax: 0.10.2.dev20260603
libtpu: 0.0.44.dev20260713+nightly
codegen_flags: <defaults>
</compile_context>

<pallas_src>
import jax
import jax.numpy as jnp
from jax import lax
from jax.experimental import pallas as pl
from jax.experimental.pallas import tpu as pltpu
from jax.experimental.pallas import tpu_sc as plsc

N = 10000
E = 320000
IN_DIM = 128
HEADS = 8
HI = 16
HID = HEADS * HI
OUT = 16

NC = 2
NS = 16
NW = NC * NS

CHUNK = 128
ETOT = E + N
CPW = -(-ETOT // (NW * CHUNK))
CPW += CPW % 2
EPAD = NW * CPW * CHUNK
CPT = EPAD // (NS * CHUNK)
ROWS_PER_TILE = 626
NPAD = NS * ROWS_PER_TILE
ZSLICES = [128, 128, 128, 128, 114]


TROWS = 2 * N + 8


def _proj1_body(x_ref, w1_ref, m_ref, n_ref, hstk_ref, asd_ref, ads_ref):
  x = x_ref[...]
  hstk_ref[...] = jnp.dot(x, w1_ref[0], preferred_element_type=jnp.float32)
  asd_ref[...] = jnp.dot(x, m_ref[0], preferred_element_type=jnp.float32)
  ads_ref[...] = jnp.dot(x, n_ref[0], preferred_element_type=jnp.float32)


def _proj1(x, W1, M, Nm, bn=1000):
  grid = (2, N // bn)
  return pl.pallas_call(
      _proj1_body,
      grid=grid,
      in_specs=[
          pl.BlockSpec((bn, IN_DIM), lambda f, i: (i, 0)),
          pl.BlockSpec((1, IN_DIM, HID // 2), lambda f, i: (f, 0, 0)),
          pl.BlockSpec((1, IN_DIM, 16), lambda f, i: (f, 0, 0)),
          pl.BlockSpec((1, IN_DIM, 16), lambda f, i: (f, 0, 0)),
      ],
      out_specs=[
          pl.BlockSpec((bn, HID // 2), lambda f, i: (f * (N // bn) + i, 0)),
          pl.BlockSpec((bn, 16), lambda f, i: (f * (N // bn) + i, 0)),
          pl.BlockSpec((bn, 16), lambda f, i: (f * (N // bn) + i, 0)),
      ],
      out_shape=[
          jax.ShapeDtypeStruct((TROWS, HID // 2), jnp.float32),
          jax.ShapeDtypeStruct((TROWS, 16), jnp.float32),
          jax.ShapeDtypeStruct((TROWS, 16), jnp.float32),
      ],
  )(x, W1, M, Nm)


def _edge1_body(hstk, asd1, ads1, edges, acc_out, den_out,
                epk,
                idx_srcA, idx_dstA, idx_dstgA, hbufA, asbufA, adbufA,
                wbufA, s0A, s1A, s2A, s3A, s4A,
                idx_srcB, idx_dstB, idx_dstgB, hbufB, asbufB, adbufB,
                wbufB, s0B, s1B, s2B, s3B, s4B,
                zbuf, zbuf16, acc_sh, den_sh):
  c = lax.axis_index("c")
  s = lax.axis_index("s")
  HW = HID // 2

  ecp = pltpu.async_copy(
      edges.at[pl.ds(pl.multiple_of(s * (CPT * CHUNK), CHUNK), CPT * CHUNK)],
      epk, s0A)

  def zrow(r, _):
    for j in range(HW // 16):
      zbuf[r, pl.ds(16 * j, 16)] = jnp.zeros((16,), jnp.float32)
    zbuf16[r, :] = jnp.zeros((16,), jnp.float32)
    return 0
  lax.fori_loop(0, CHUNK, zrow, 0)
  base_rows = s * ROWS_PER_TILE
  r0 = base_rows
  for zr in ZSLICES:
    pltpu.sync_copy(zbuf.at[pl.ds(0, zr)], acc_sh.at[pl.ds(r0, zr)])
    pltpu.sync_copy(zbuf16.at[pl.ds(0, zr)], den_sh.at[pl.ds(r0, zr)])
    r0 += zr
  ecp.wait()
  plsc.subcore_barrier()

  coff = c * N

  bufs = [
      (idx_srcA, idx_dstA, idx_dstgA, hbufA, asbufA, adbufA, wbufA,
       s0A, s1A, s2A, s3A, s4A),
      (idx_srcB, idx_dstB, idx_dstgB, hbufB, asbufB, adbufB, wbufB,
       s0B, s1B, s2B, s3B, s4B),
  ]

  def wait_scatters(bset):
    (idx_src, idx_dst, idx_dstg, hbuf, asbuf, adbuf, wbuf,
     s0, s1, s2, s3, s4) = bset
    pltpu.make_async_copy(hbuf, acc_sh.at[idx_dst], s3).wait()
    pltpu.make_async_copy(wbuf, den_sh.at[idx_dst], s4).wait()

  def start(i, bset):
    (idx_src, idx_dst, idx_dstg, hbuf, asbuf, adbuf, wbuf,
     s0, s1, s2, s3, s4) = bset

    @pl.when(i >= 2)
    def _():
      wait_scatters(bset)

    base = i * CHUNK

    @plsc.parallel_loop(0, CHUNK // 16, step=1, unroll=4)
    def unpack(q):
      v = epk[pl.ds(base + q * 16, 16)]
      idx_src[pl.ds(q * 16, 16)] = (v & 16383) + coff
      d = v >> 14
      idx_dst[pl.ds(q * 16, 16)] = d
      idx_dstg[pl.ds(q * 16, 16)] = d + coff
    pltpu.async_copy(hstk.at[idx_src], hbuf, s0)
    pltpu.async_copy(asd1.at[idx_src], asbuf, s1)
    pltpu.async_copy(ads1.at[idx_dstg], adbuf, s2)

  def wait_gathers(bset):
    (idx_src, idx_dst, idx_dstg, hbuf, asbuf, adbuf, wbuf,
     s0, s1, s2, s3, s4) = bset
    pltpu.make_async_copy(hstk.at[idx_src], hbuf, s0).wait()
    pltpu.make_async_copy(asd1.at[idx_src], asbuf, s1).wait()
    pltpu.make_async_copy(ads1.at[idx_dstg], adbuf, s2).wait()

  def compute_scatter(bset):
    (idx_src, idx_dst, idx_dstg, hbuf, asbuf, adbuf, wbuf,
     s0, s1, s2, s3, s4) = bset

    @plsc.parallel_loop(0, CHUNK, step=1, unroll=16)
    def edge_body(e):
      alpha = asbuf[e, :] + adbuf[e, :]
      w16 = jnp.exp(jnp.maximum(alpha, 0.2 * alpha))
      wbuf[e, :] = w16
      for j in range(HEADS // 2):
        wb = jnp.full((16,), w16[j], jnp.float32)
        hbuf[e, pl.ds(16 * j, 16)] = hbuf[e, pl.ds(16 * j, 16)] * wb

    pltpu.async_copy(hbuf, acc_sh.at[idx_dst], s3, add=True)
    pltpu.async_copy(wbuf, den_sh.at[idx_dst], s4, add=True)

  start(0, bufs[0])

  def pair_body(t, _):
    for k in range(2):
      i = 2 * t + k
      wait_gathers(bufs[k])

      @pl.when(i + 1 < CPT)
      def _():
        start(i + 1, bufs[1 - k])

      compute_scatter(bufs[k])
    return 0

  lax.fori_loop(0, CPT // 2, pair_body, 0)
  wait_scatters(bufs[0])
  wait_scatters(bufs[1])
  plsc.subcore_barrier()

  r0 = base_rows
  for zr in ZSLICES:
    pltpu.sync_copy(acc_sh.at[pl.ds(r0, zr)], acc_out.at[c, pl.ds(r0, zr)])
    pltpu.sync_copy(den_sh.at[pl.ds(r0, zr)], den_out.at[c, pl.ds(r0, zr)])
    r0 += zr


def _edge1(hstk, asd1, ads1, edges):
  mesh = plsc.VectorSubcoreMesh(core_axis_name="c", subcore_axis_name="s",
                                num_cores=NC, num_subcores=NS)
  HW = HID // 2
  fn = pl.kernel(
      _edge1_body,
      out_type=[
          jax.ShapeDtypeStruct((NC, NPAD, HW), jnp.float32),
          jax.ShapeDtypeStruct((NC, NPAD, 16), jnp.float32),
      ],
      mesh=mesh,
      scratch_types=(
          [pltpu.VMEM((CPT * CHUNK,), jnp.int32)]
          + 2 * [
              pltpu.VMEM((CHUNK,), jnp.int32),
              pltpu.VMEM((CHUNK,), jnp.int32),
              pltpu.VMEM((CHUNK,), jnp.int32),
              pltpu.VMEM((CHUNK, HW), jnp.float32),
              pltpu.VMEM((CHUNK, 16), jnp.float32),
              pltpu.VMEM((CHUNK, 16), jnp.float32),
              pltpu.VMEM((CHUNK, 16), jnp.float32),
              pltpu.SemaphoreType.DMA,
              pltpu.SemaphoreType.DMA,
              pltpu.SemaphoreType.DMA,
              pltpu.SemaphoreType.DMA,
              pltpu.SemaphoreType.DMA,
          ]
          + [
              pltpu.VMEM((CHUNK, HW), jnp.float32),
              pltpu.VMEM((CHUNK, 16), jnp.float32),
              pltpu.VMEM_SHARED((NPAD, HW), jnp.float32),
              pltpu.VMEM_SHARED((NPAD, 16), jnp.float32),
          ]
      ),
      compiler_params=pltpu.CompilerParams(use_tc_tiling_on_sc=False),
  )
  return fn(hstk, asd1, ads1, edges)


def _comb1_body(accA, accB, denA, denB, w2a_ref, w2b_ref, sl_ref, sh_ref,
                g_ref, g2_ref, b1a_ref, b1b_ref, hs2_ref, ad2_ref):
  dA = jnp.dot(denA[...], sl_ref[...],
               preferred_element_type=jnp.float32) + 1e-16
  dB = jnp.dot(denB[...], sh_ref[...],
               preferred_element_type=jnp.float32) + 1e-16
  hA = jnp.maximum(accA[...] / dA + b1a_ref[...], 0.0)
  hB = jnp.maximum(accB[...] / dB + b1b_ref[...], 0.0)
  f2 = (jnp.dot(hA, w2a_ref[...], preferred_element_type=jnp.float32)
        + jnp.dot(hB, w2b_ref[...], preferred_element_type=jnp.float32))
  hs2_ref[...] = jnp.dot(f2, g_ref[...], preferred_element_type=jnp.float32)
  ad2_ref[...] = jnp.dot(f2, g2_ref[...], preferred_element_type=jnp.float32)


def _comb1(accA, accB, denA, denB, W2a, W2b, SL, SH, G, G2, b1a, b1b,
           bn=1000):
  grid = (N // bn,)
  HW = HID // 2
  return pl.pallas_call(
      _comb1_body,
      grid=grid,
      in_specs=[
          pl.BlockSpec((bn, HW), lambda i: (i, 0)),
          pl.BlockSpec((bn, HW), lambda i: (i, 0)),
          pl.BlockSpec((bn, 16), lambda i: (i, 0)),
          pl.BlockSpec((bn, 16), lambda i: (i, 0)),
          pl.BlockSpec((HW, OUT), lambda i: (0, 0)),
          pl.BlockSpec((HW, OUT), lambda i: (0, 0)),
          pl.BlockSpec((16, HW), lambda i: (0, 0)),
          pl.BlockSpec((16, HW), lambda i: (0, 0)),
          pl.BlockSpec((OUT, 32), lambda i: (0, 0)),
          pl.BlockSpec((OUT, 16), lambda i: (0, 0)),
          pl.BlockSpec((1, HW), lambda i: (0, 0)),
          pl.BlockSpec((1, HW), lambda i: (0, 0)),
      ],
      out_specs=[
          pl.BlockSpec((bn, 32), lambda i: (i, 0)),
          pl.BlockSpec((bn, 16), lambda i: (i, 0)),
      ],
      out_shape=[
          jax.ShapeDtypeStruct((N, 32), jnp.float32),
          jax.ShapeDtypeStruct((N, 16), jnp.float32),
      ],
  )(accA, accB, denA, denB, W2a, W2b, SL, SH, G, G2, b1a, b1b)


def _edge2_body(hs2, ad2, edges, acc_out, den_out,
                epk,
                idx_srcA, idx_dstA, sbufA, dbufA, mbufA, wbufA,
                s0A, s1A, s3A, s4A,
                idx_srcB, idx_dstB, sbufB, dbufB, mbufB, wbufB,
                s0B, s1B, s3B, s4B,
                zbuf, acc_sh, den_sh):
  c = lax.axis_index("c")
  s = lax.axis_index("s")
  gw = c * NS + s

  ecp = pltpu.async_copy(
      edges.at[pl.ds(pl.multiple_of((c * NS + s) * (CPW * CHUNK), CHUNK),
                     CPW * CHUNK)],
      epk, s0A)

  def zrow(r, _):
    zbuf[r, :] = jnp.zeros((16,), jnp.float32)
    return 0
  lax.fori_loop(0, CHUNK, zrow, 0)
  base_rows = s * ROWS_PER_TILE
  r0 = base_rows
  for zr in ZSLICES:
    pltpu.sync_copy(zbuf.at[pl.ds(0, zr)], acc_sh.at[pl.ds(r0, zr)])
    pltpu.sync_copy(zbuf.at[pl.ds(0, zr)], den_sh.at[pl.ds(r0, zr)])
    r0 += zr
  ecp.wait()
  plsc.subcore_barrier()

  bufs = [
      (idx_srcA, idx_dstA, sbufA, dbufA, mbufA, wbufA, s0A, s1A, s3A, s4A),
      (idx_srcB, idx_dstB, sbufB, dbufB, mbufB, wbufB, s0B, s1B, s3B, s4B),
  ]

  def wait_scatters(bset):
    idx_src, idx_dst, sbuf, dbuf, mbuf, wbuf, s0, s1, s3, s4 = bset
    pltpu.make_async_copy(mbuf, acc_sh.at[idx_dst], s3).wait()
    pltpu.make_async_copy(wbuf, den_sh.at[idx_dst], s4).wait()

  def start(i, bset):
    idx_src, idx_dst, sbuf, dbuf, mbuf, wbuf, s0, s1, s3, s4 = bset

    @pl.when(i >= 2)
    def _():
      wait_scatters(bset)

    base = i * CHUNK

    @plsc.parallel_loop(0, CHUNK // 16, step=1, unroll=4)
    def unpack(q):
      v = epk[pl.ds(base + q * 16, 16)]
      idx_src[pl.ds(q * 16, 16)] = v & 16383
      idx_dst[pl.ds(q * 16, 16)] = v >> 14
    pltpu.async_copy(hs2.at[idx_src], sbuf, s0)
    pltpu.async_copy(ad2.at[idx_dst], dbuf, s1)

  def wait_gathers(bset):
    idx_src, idx_dst, sbuf, dbuf, mbuf, wbuf, s0, s1, s3, s4 = bset
    pltpu.make_async_copy(hs2.at[idx_src], sbuf, s0).wait()
    pltpu.make_async_copy(ad2.at[idx_dst], dbuf, s1).wait()

  def compute_scatter(bset):
    idx_src, idx_dst, sbuf, dbuf, mbuf, wbuf, s0, s1, s3, s4 = bset

    @plsc.parallel_loop(0, CHUNK, step=1, unroll=8)
    def edge_body(e):
      alpha = sbuf[e, pl.ds(16, 16)] + dbuf[e, :]
      w16 = jnp.exp(jnp.maximum(alpha, 0.2 * alpha))
      wb = jnp.full((16,), w16[0], jnp.float32)
      mbuf[e, :] = sbuf[e, pl.ds(0, 16)] * wb
      wbuf[e, :] = wb

    pltpu.async_copy(mbuf, acc_sh.at[idx_dst], s3, add=True)
    pltpu.async_copy(wbuf, den_sh.at[idx_dst], s4, add=True)

  start(0, bufs[0])

  def pair_body(t, _):
    for k in range(2):
      i = 2 * t + k
      wait_gathers(bufs[k])

      @pl.when(i + 1 < CPW)
      def _():
        start(i + 1, bufs[1 - k])

      compute_scatter(bufs[k])
    return 0

  lax.fori_loop(0, CPW // 2, pair_body, 0)
  wait_scatters(bufs[0])
  wait_scatters(bufs[1])
  plsc.subcore_barrier()

  r0 = base_rows
  for zr in ZSLICES:
    pltpu.sync_copy(acc_sh.at[pl.ds(r0, zr)], acc_out.at[c, pl.ds(r0, zr)])
    pltpu.sync_copy(den_sh.at[pl.ds(r0, zr)], den_out.at[c, pl.ds(r0, zr)])
    r0 += zr


def _edge2(hs2, ad2, edges):
  mesh = plsc.VectorSubcoreMesh(core_axis_name="c", subcore_axis_name="s",
                                num_cores=NC, num_subcores=NS)
  fn = pl.kernel(
      _edge2_body,
      out_type=[
          jax.ShapeDtypeStruct((NC, NPAD, 16), jnp.float32),
          jax.ShapeDtypeStruct((NC, NPAD, 16), jnp.float32),
      ],
      mesh=mesh,
      scratch_types=(
          [pltpu.VMEM((CPW * CHUNK,), jnp.int32)]
          + 2 * [
              pltpu.VMEM((CHUNK,), jnp.int32),
              pltpu.VMEM((CHUNK,), jnp.int32),
              pltpu.VMEM((CHUNK, 32), jnp.float32),
              pltpu.VMEM((CHUNK, 16), jnp.float32),
              pltpu.VMEM((CHUNK, 16), jnp.float32),
              pltpu.VMEM((CHUNK, 16), jnp.float32),
              pltpu.SemaphoreType.DMA,
              pltpu.SemaphoreType.DMA,
              pltpu.SemaphoreType.DMA,
              pltpu.SemaphoreType.DMA,
          ]
          + [
              pltpu.VMEM((CHUNK, 16), jnp.float32),
              pltpu.VMEM_SHARED((NPAD, 16), jnp.float32),
              pltpu.VMEM_SHARED((NPAD, 16), jnp.float32),
          ]
      ),
      compiler_params=pltpu.CompilerParams(use_tc_tiling_on_sc=False),
  )
  return fn(hs2, ad2, edges)


def _final_body(a2A, a2B, d2A, d2B, b2_ref, out_ref):
  o = (a2A[...] + a2B[...]) / (d2A[...] + d2B[...] + 1e-16) + b2_ref[...]
  m = jnp.max(o, axis=1, keepdims=True)
  ex = jnp.exp(o - m)
  out_ref[...] = (o - m) - jnp.log(jnp.sum(ex, axis=1, keepdims=True))


def _final(a2A, a2B, d2A, d2B, b2, bn=1000):
  grid = (N // bn,)
  return pl.pallas_call(
      _final_body,
      grid=grid,
      in_specs=[
          pl.BlockSpec((bn, 16), lambda i: (i, 0)),
          pl.BlockSpec((bn, 16), lambda i: (i, 0)),
          pl.BlockSpec((bn, 16), lambda i: (i, 0)),
          pl.BlockSpec((bn, 16), lambda i: (i, 0)),
          pl.BlockSpec((1, 16), lambda i: (0, 0)),
      ],
      out_specs=pl.BlockSpec((bn, 16), lambda i: (i, 0)),
      out_shape=jax.ShapeDtypeStruct((N, 16), jnp.float32),
  )(a2A, a2B, d2A, d2B, b2)


@jax.jit
def kernel(x, edge_index, W1, att_src1, att_dst1, b1, W2, att_src2,
           att_dst2, b2):
  eye8 = jnp.eye(HEADS, dtype=jnp.float32)
  ab_src = (att_src1[:, :, None] * eye8[:, None, :]).reshape(HID, HEADS)
  ab_dst = (att_dst1[:, :, None] * eye8[:, None, :]).reshape(HID, HEADS)
  AB = jnp.concatenate([ab_src, ab_dst], axis=1)
  AB2 = jnp.concatenate([ab_dst, ab_src], axis=1)
  perm16 = jnp.array([4, 5, 6, 7, 0, 1, 2, 3,
                      12, 13, 14, 15, 8, 9, 10, 11])
  ATT = jnp.concatenate([AB, AB[:, perm16], AB2, AB2[:, perm16]], axis=1)

  rows = jnp.arange(16)
  cols = jnp.arange(HID // 2)
  SL = (rows[:, None] == cols[None, :] // HI).astype(jnp.float32)

  G = jnp.zeros((OUT, 32), jnp.float32)
  G = G.at[:, :OUT].set(jnp.eye(OUT, dtype=jnp.float32))
  G = G.at[:, OUT:].set(jnp.broadcast_to(att_src2[0][:, None], (OUT, 16)))
  G2 = jnp.broadcast_to(att_dst2[0][:, None], (OUT, 16)).astype(jnp.float32)

  loops = jnp.arange(N, dtype=jnp.int32)
  pad = EPAD - ETOT
  srcs = jnp.concatenate([edge_index[0], loops,
                          jnp.zeros((pad,), jnp.int32)])
  dsts = jnp.concatenate([edge_index[1], loops,
                          jnp.full((pad,), N, jnp.int32)])
  edges = srcs | (dsts << 14)

  W1s = jnp.stack([W1[:, :HID // 2], W1[:, HID // 2:]])
  M = jnp.stack([W1 @ ATT[:, 0:16], W1 @ ATT[:, 16:32]])
  Nm = jnp.stack([W1 @ ATT[:, 32:48], W1 @ ATT[:, 48:64]])
  hstk, asd_stk, ads_stk = _proj1(x, W1s, M, Nm)
  accs, dens = _edge1(hstk, asd_stk, ads_stk, edges)
  hs2, ad2 = _comb1(accs[0, :N], accs[1, :N], dens[0, :N], dens[1, :N],
                    W2[:HID // 2], W2[HID // 2:], SL, SL, G, G2,
                    b1[:HID // 2].reshape(1, -1), b1[HID // 2:].reshape(1, -1))
  ad2p = jnp.concatenate([ad2, jnp.zeros((8, 16), jnp.float32)], axis=0)
  acc2, den2 = _edge2(hs2, ad2p, edges)
  out = _final(acc2[0, :N], acc2[1, :N], den2[0, :N], den2[1, :N],
               b2.reshape(1, OUT))
  return out

# --- scband reference (transcript-rebuilt; emitter-appended) ---
"""Pipeline reference for scband-gat-60335700574379 (READ-ONLY COPY).

The authoritative reference and input builder live on the scoring server;
editing this copy changes nothing except your own understanding.
"""

import jax, jax.numpy as jnp
import numpy as np

N = 10000
E = 320000
IN_DIM = 128
HI_DIM = 16
HEADS = 8
OUT_DIM = 16


def setup_inputs(seed: int = 0) -> dict:
    key = jax.random.key(seed)
    ks = jax.random.split(key, 12)
    x = jax.random.normal(ks[0], (N, IN_DIM), dtype=jnp.float32)
    edge_index = jax.random.randint(ks[1], (2, E), 0, N, dtype=jnp.int32)
    # layer 1: GATConv(in_dim=128, out=16, heads=8)
    s1 = 1.0 / np.sqrt(IN_DIM)
    W1 = jax.random.uniform(ks[2], (IN_DIM, HEADS * HI_DIM), dtype=jnp.float32, minval=-s1, maxval=s1)
    att_src1 = jax.random.uniform(ks[3], (HEADS, HI_DIM), dtype=jnp.float32, minval=-s1, maxval=s1)
    att_dst1 = jax.random.uniform(ks[4], (HEADS, HI_DIM), dtype=jnp.float32, minval=-s1, maxval=s1)
    b1 = jnp.zeros((HEADS * HI_DIM,), dtype=jnp.float32)
    # layer 2: GATConv(128, 16, heads=1)
    s2 = 1.0 / np.sqrt(HEADS * HI_DIM)
    W2 = jax.random.uniform(ks[5], (HEADS * HI_DIM, OUT_DIM), dtype=jnp.float32, minval=-s2, maxval=s2)
    att_src2 = jax.random.uniform(ks[6], (1, OUT_DIM), dtype=jnp.float32, minval=-s2, maxval=s2)
    att_dst2 = jax.random.uniform(ks[7], (1, OUT_DIM), dtype=jnp.float32, minval=-s2, maxval=s2)
    b2 = jnp.zeros((OUT_DIM,), dtype=jnp.float32)
    return {"x": x, "edge_index": edge_index, "W1": W1, "att_src1": att_src1, "att_dst1": att_dst1, "b1": b1, "W2": W2, "att_src2": att_src2, "att_dst2": att_dst2, "b2": b2}


def _segment_softmax(alpha, dst, num_nodes):
    amax = jax.ops.segment_max(alpha, dst, num_segments=num_nodes)
    amax = jnp.where(jnp.isfinite(amax), amax, 0.0)
    alpha = jnp.exp(alpha - amax[dst])
    denom = jax.ops.segment_sum(alpha, dst, num_segments=num_nodes)
    return alpha / (denom[dst] + 1e-16)


def _gat_conv(x, edge_index, W, att_src, att_dst, bias, heads, ch, num_nodes):
    # linear projection, split heads
    h = (x @ W).reshape(num_nodes, heads, ch)
    a_src = (h * att_src[None, :, :]).sum(-1)  # [N, H]
    a_dst = (h * att_dst[None, :, :]).sum(-1)  # [N, H]
    # add self loops (PyG default add_self_loops=True)
    loops = jnp.arange(num_nodes, dtype=edge_index.dtype)
    src = jnp.concatenate([edge_index[0], loops])
    dst = jnp.concatenate([edge_index[1], loops])
    alpha = a_src[src] + a_dst[dst]          # gather: [Etot, H]
    alpha = jax.nn.leaky_relu(alpha, 0.2)
    alpha = _segment_softmax(alpha, dst, num_nodes)
    msg = h[src] * alpha[:, :, None]          # gather: [Etot, H, C]
    out = jax.ops.segment_sum(msg, dst, num_segments=num_nodes)  # scatter-add
    return out.reshape(num_nodes, heads * ch) + bias


def reference(x, edge_index, W1, att_src1, att_dst1, b1, W2, att_src2, att_dst2, b2):
    h = jax.nn.relu(_gat_conv(x, edge_index, W1, att_src1, att_dst1, b1, HEADS, HI_DIM, N))
    # dropout is identity in eval mode
    out = _gat_conv(h, edge_index, W2, att_src2, att_dst2, b2, 1, OUT_DIM, N)
    return jax.nn.log_softmax(out, axis=1)

if __name__ == "__main__":
    import jax
    _d = setup_inputs()
    print(jax.jit(kernel)(*tuple(_d.values())))

</pallas_src>

<mosaic_0001>
#map = affine_map<(d0, d1) -> (0, 0)>
#map1 = affine_map<(d0, d1) -> (0)>
#map2 = affine_map<(d0, d1) -> (0, 0, 0)>
module attributes {stable_mosaic.version = 14 : i64} {
  func.func @_edge1_body(%arg0: i32, %arg1: i32, %arg2: memref<20008x64xf32, #tpu.memory_space<hbm>>, %arg3: memref<20008x16xf32, #tpu.memory_space<hbm>>, %arg4: memref<20008x16xf32, #tpu.memory_space<hbm>>, %arg5: memref<335872xi32, #tpu.memory_space<hbm>>, %arg6: memref<2x10016x64xf32, #tpu.memory_space<hbm>>, %arg7: memref<2x10016x16xf32, #tpu.memory_space<hbm>>, %arg8: memref<20992xi32, #tpu.memory_space<vmem>>, %arg9: memref<128xi32, #tpu.memory_space<vmem>>, %arg10: memref<128xi32, #tpu.memory_space<vmem>>, %arg11: memref<128xi32, #tpu.memory_space<vmem>>, %arg12: memref<128x64xf32, #tpu.memory_space<vmem>>, %arg13: memref<128x16xf32, #tpu.memory_space<vmem>>, %arg14: memref<128x16xf32, #tpu.memory_space<vmem>>, %arg15: memref<128x16xf32, #tpu.memory_space<vmem>>, %arg16: memref<!tpu.dma_semaphore, #tpu.memory_space<semaphore_mem>>, %arg17: memref<!tpu.dma_semaphore, #tpu.memory_space<semaphore_mem>>, %arg18: memref<!tpu.dma_semaphore, #tpu.memory_space<semaphore_mem>>, %arg19: memref<!tpu.dma_semaphore, #tpu.memory_space<semaphore_mem>>, %arg20: memref<!tpu.dma_semaphore, #tpu.memory_space<semaphore_mem>>, %arg21: memref<128xi32, #tpu.memory_space<vmem>>, %arg22: memref<128xi32, #tpu.memory_space<vmem>>, %arg23: memref<128xi32, #tpu.memory_space<vmem>>, %arg24: memref<128x64xf32, #tpu.memory_space<vmem>>, %arg25: memref<128x16xf32, #tpu.memory_space<vmem>>, %arg26: memref<128x16xf32, #tpu.memory_space<vmem>>, %arg27: memref<128x16xf32, #tpu.memory_space<vmem>>, %arg28: memref<!tpu.dma_semaphore, #tpu.memory_space<semaphore_mem>>, %arg29: memref<!tpu.dma_semaphore, #tpu.memory_space<semaphore_mem>>, %arg30: memref<!tpu.dma_semaphore, #tpu.memory_space<semaphore_mem>>, %arg31: memref<!tpu.dma_semaphore, #tpu.memory_space<semaphore_mem>>, %arg32: memref<!tpu.dma_semaphore, #tpu.memory_space<semaphore_mem>>, %arg33: memref<128x64xf32, #tpu.memory_space<vmem>>, %arg34: memref<128x16xf32, #tpu.memory_space<vmem>>, %arg35: memref<10016x64xf32, #tpu.memory_space<vmem_shared>>, %arg36: memref<10016x16xf32, #tpu.memory_space<vmem_shared>>) attributes {dimension_semantics = [#tpu.dimension_semantics<core_parallel>, #tpu.dimension_semantics<subcore_parallel>], iteration_bounds = array<i64: 2, 16>, scalar_prefetch = 0 : i64, scratch_operands = 29 : i64, tpu.core_type = #tpu.core_type<sc_vector_subcore>, window_params = [{transform_indices = #map}, {transform_indices = #map}, {transform_indices = #map}, {transform_indices = #map1}, {transform_indices = #map2}, {transform_indices = #map2}]} {
    %mul3A = arith.constant 20992 : i32
    %mul3A_0 = arith.muli %arg1, %mul3A : i32
    %multiple_of3A = tpu.assume_multiple %mul3A_0, 128 : i32
    %dma_start3A = tpu.memref_slice %arg5[%multiple_of3A] : memref<335872xi32, #tpu.memory_space<hbm>> -> memref<20992xi32, #tpu.memory_space<hbm>>
    %dma_start3A_1 = tpu.memref_slice %arg5[%multiple_of3A] : memref<335872xi32, #tpu.memory_space<hbm>> -> memref<20992xi32, #tpu.memory_space<hbm>>
    tpu.enqueue_dma source(%dma_start3A_1 : memref<20992xi32, #tpu.memory_space<hbm>>) target(%arg8 : memref<20992xi32, #tpu.memory_space<vmem>>) target_semaphore(%arg16 : memref<!tpu.dma_semaphore, #tpu.memory_space<semaphore_mem>>)
    %scan3A = arith.constant 0 : i32
    %scan3A_2 = arith.constant 0 : i32
    %scan3A_3 = arith.constant 128 : i32
    %scan3A_4 = arith.addi %scan3A_2, %scan3A_3 : i32
    %scan3A_5 = arith.constant 1 : i32
    %scan3A_6 = scf.for %scan3A_63 = %scan3A_2 to %scan3A_4 step %scan3A_5 iter_args(%scan3A_64 = %scan3A) -> (i32)  : i32 {
      %broadcast_in_dim3A = arith.constant 0.000000e+00 : f32
      %broadcast_in_dim3A_65 = vector.broadcast %broadcast_in_dim3A : f32 to vector<16xf32>
      %swap3A = arith.index_cast %scan3A_63 : i32 to index
      %swap3A_66 = arith.constant 0 : index
      %swap3A_67 = tpu.vector_load %arg33[%swap3A, %swap3A_66] {strides = array<i32>} : memref<128x64xf32, #tpu.memory_space<vmem>>, vector<1x16xf32>,
      %swap3A_68 = vector.shape_cast %swap3A_67 : vector<1x16xf32> to vector<16xf32>
      %swap3A_69 = vector.shape_cast %broadcast_in_dim3A_65 : vector<16xf32> to vector<1x16xf32>
      tpu.vector_store %arg33[%swap3A, %swap3A_66], %swap3A_69 {strides = array<i32>} : memref<128x64xf32, #tpu.memory_space<vmem>>, vector<1x16xf32>,
      %broadcast_in_dim3A_70 = arith.constant 0.000000e+00 : f32
      %broadcast_in_dim3A_71 = vector.broadcast %broadcast_in_dim3A_70 : f32 to vector<16xf32>
      %swap3A_72 = arith.index_cast %scan3A_63 : i32 to index
      %swap3A_73 = arith.constant 16 : index
      %swap3A_74 = tpu.vector_load %arg33[%swap3A_72, %swap3A_73] {strides = array<i32>} : memref<128x64xf32, #tpu.memory_space<vmem>>, vector<1x16xf32>,
      %swap3A_75 = vector.shape_cast %swap3A_74 : vector<1x16xf32> to vector<16xf32>
      %swap3A_76 = vector.shape_cast %broadcast_in_dim3A_71 : vector<16xf32> to vector<1x16xf32>
      tpu.vector_store %arg33[%swap3A_72, %swap3A_73], %swap3A_76 {strides = array<i32>} : memref<128x64xf32, #tpu.memory_space<vmem>>, vector<1x16xf32>,
      %broadcast_in_dim3A_77 = arith.constant 0.000000e+00 : f32
      %broadcast_in_dim3A_78 = vector.broadcast %broadcast_in_dim3A_77 : f32 to vector<16xf32>
      %swap3A_79 = arith.index_cast %scan3A_63 : i32 to index
      %swap3A_80 = arith.constant 32 : index
      %swap3A_81 = tpu.vector_load %arg33[%swap3A_79, %swap3A_80] {strides = array<i32>} : memref<128x64xf32, #tpu.memory_space<vmem>>, vector<1x16xf32>,
      %swap3A_82 = vector.shape_cast %swap3A_81 : vector<1x16xf32> to vector<16xf32>
      %swap3A_83 = vector.shape_cast %broadcast_in_dim3A_78 : vector<16xf32> to vector<1x16xf32>
      tpu.vector_store %arg33[%swap3A_79, %swap3A_80], %swap3A_83 {strides = array<i32>} : memref<128x64xf32, #tpu.memory_space<vmem>>, vector<1x16xf32>,
      %broadcast_in_dim3A_84 = arith.constant 0.000000e+00 : f32
      %broadcast_in_dim3A_85 = vector.broadcast %broadcast_in_dim3A_84 : f32 to vector<16xf32>
      %swap3A_86 = arith.index_cast %scan3A_63 : i32 to index
      %swap3A_87 = arith.constant 48 : index
      %swap3A_88 = tpu.vector_load %arg33[%swap3A_86, %swap3A_87] {strides = array<i32>} : memref<128x64xf32, #tpu.memory_space<vmem>>, vector<1x16xf32>,
      %swap3A_89 = vector.shape_cast %swap3A_88 : vector<1x16xf32> to vector<16xf32>
      %swap3A_90 = vector.shape_cast %broadcast_in_dim3A_85 : vector<16xf32> to vector<1x16xf32>
      tpu.vector_store %arg33[%swap3A_86, %swap3A_87], %swap3A_90 {strides = array<i32>} : memref<128x64xf32, #tpu.memory_space<vmem>>, vector<1x16xf32>,
      %broadcast_in_dim3A_91 = arith.constant 0.000000e+00 : f32
      %broadcast_in_dim3A_92 = vector.broadcast %broadcast_in_dim3A_91 : f32 to vector<16xf32>
      %swap3A_93 = arith.index_cast %scan3A_63 : i32 to index
      %swap3A_94 = arith.constant 0 : index
      %swap3A_95 = tpu.vector_load %arg34[%swap3A_93, %swap3A_94] {strides = array<i32>} : memref<128x16xf32, #tpu.memory_space<vmem>>, vector<1x16xf32>,
      %swap3A_96 = vector.shape_cast %swap3A_95 : vector<1x16xf32> to vector<16xf32>
      %swap3A_97 = vector.shape_cast %broadcast_in_dim3A_92 : vector<16xf32> to vector<1x16xf32>
      tpu.vector_store %arg34[%swap3A_93, %swap3A_94], %swap3A_97 {strides = array<i32>} : memref<128x16xf32, #tpu.memory_space<vmem>>, vector<1x16xf32>,
      %scan3A_98 = arith.constant 0 : i32
      scf.yield %scan3A_98 : i32
    }
    %scan3A_7 = arith.constant 128 : i32
    %mul3A_8 = arith.constant 626 : i32
    %mul3A_9 = arith.muli %arg1, %mul3A_8 : i32
    "tpu.region"() ({
      %run_scoped3A = tpu.sem_alloc : memref<!tpu.dma_semaphore, #tpu.memory_space<semaphore_mem>>
      %dma_start3A_63 = arith.constant 0 : i32
      %dma_start3A_64 = arith.constant 0 : i32
      %dma_start3A_65 = tpu.memref_slice %arg33[%dma_start3A_63, %dma_start3A_64] : memref<128x64xf32, #tpu.memory_space<vmem>> -> memref<128x64xf32, #tpu.memory_space<vmem>>
      %dma_start3A_66 = arith.constant 0 : i32
      %dma_start3A_67 = tpu.memref_slice %arg35[%mul3A_9, %dma_start3A_66] : memref<10016x64xf32, #tpu.memory_space<vmem_shared>> -> memref<128x64xf32, #tpu.memory_space<vmem_shared>>
      %dma_start3A_68 = arith.constant 0 : i32
      %dma_start3A_69 = tpu.memref_slice %arg35[%mul3A_9, %dma_start3A_68] : memref<10016x64xf32, #tpu.memory_space<vmem_shared>> -> memref<128x64xf32, #tpu.memory_space<vmem_shared>>
      %dma_start3A_70 = arith.constant 0 : i32
      %dma_start3A_71 = arith.constant 0 : i32
      %dma_start3A_72 = tpu.memref_slice %arg33[%dma_start3A_70, %dma_start3A_71] : memref<128x64xf32, #tpu.memory_space<vmem>> -> memref<128x64xf32, #tpu.memory_space<vmem>>
      tpu.enqueue_dma source(%dma_start3A_72 : memref<128x64xf32, #tpu.memory_space<vmem>>) target(%dma_start3A_69 : memref<128x64xf32, #tpu.memory_space<vmem_shared>>) target_semaphore(%run_scoped3A : memref<!tpu.dma_semaphore, #tpu.memory_space<semaphore_mem>>)
      %dma_wait3A_73 = arith.constant 0 : i32
      %dma_wait3A_74 = arith.constant 0 : i32
      %dma_wait3A_75 = tpu.memref_slice %arg33[%dma_wait3A_73, %dma_wait3A_74] : memref<128x64xf32, #tpu.memory_space<vmem>> -> memref<128x64xf32, #tpu.memory_space<vmem>>
      %dma_wait3A_76 = arith.constant 0 : i32
      %dma_wait3A_77 = tpu.memref_slice %arg35[%mul3A_9, %dma_wait3A_76] : memref<10016x64xf32, #tpu.memory_space<vmem_shared>> -> memref<128x64xf32, #tpu.memory_space<vmem_shared>>
      %dma_wait3A_78 = arith.constant 0 : i32
      %dma_wait3A_79 = tpu.memref_slice %arg35[%mul3A_9, %dma_wait3A_78] : memref<10016x64xf32, #tpu.memory_space<vmem_shared>> -> memref<128x64xf32, #tpu.memory_space<vmem_shared>>
      %dma_wait3A_80 = arith.constant 0 : i32
      %dma_wait3A_81 = arith.constant 0 : i32
      %dma_wait3A_82 = tpu.memref_slice %arg33[%dma_wait3A_80, %dma_wait3A_81] : memref<128x64xf32, #tpu.memory_space<vmem>> -> memref<128x64xf32, #tpu.memory_space<vmem>>
      tpu.wait_dma2 semaphore(%run_scoped3A : memref<!tpu.dma_semaphore, #tpu.memory_space<semaphore_mem>>) src(%dma_wait3A_82 : memref<128x64xf32, #tpu.memory_space<vmem>>) dst(%dma_wait3A_79 : memref<128x64xf32, #tpu.memory_space<vmem_shared>>)
      tpu.yield
    }) : () -> ()
    "tpu.region"() ({
      %run_scoped3A = tpu.sem_alloc : memref<!tpu.dma_semaphore, #tpu.memory_space<semaphore_mem>>
      %dma_start3A_63 = arith.constant 0 : i32
      %dma_start3A_64 = arith.constant 0 : i32
      %dma_start3A_65 = tpu.memref_slice %arg34[%dma_start3A_63, %dma_start3A_64] : memref<128x16xf32, #tpu.memory_space<vmem>> -> memref<128x16xf32, #tpu.memory_space<vmem>>
      %dma_start3A_66 = arith.constant 0 : i32
      %dma_start3A_67 = tpu.memref_slice %arg36[%mul3A_9, %dma_start3A_66] : memref<10016x16xf32, #tpu.memory_space<vmem_shared>> -> memref<128x16xf32, #tpu.memory_space<vmem_shared>>
      %dma_start3A_68 = arith.constant 0 : i32
      %dma_start3A_69 = tpu.memref_slice %arg36[%mul3A_9, %dma_start3A_68] : memref<10016x16xf32, #tpu.memory_space<vmem_shared>> -> memref<128x16xf32, #tpu.memory_space<vmem_shared>>
      %dma_start3A_70 = arith.constant 0 : i32
      %dma_start3A_71 = arith.constant 0 : i32
      %dma_start3A_72 = tpu.memref_slice %arg34[%dma_start3A_70, %dma_start3A_71] : memref<128x16xf32, #tpu.memory_space<vmem>> -> memref<128x16xf32, #tpu.memory_space<vmem>>
      tpu.enqueue_dma source(%dma_start3A_72 : memref<128x16xf32, #tpu.memory_space<vmem>>) target(%dma_start3A_69 : memref<128x16xf32, #tpu.memory_space<vmem_shared>>) target_semaphore(%run_scoped3A : memref<!tpu.dma_semaphore, #tpu.memory_space<semaphore_mem>>)
      %dma_wait3A_73 = arith.constant 0 : i32
      %dma_wait3A_74 = arith.constant 0 : i32
      %dma_wait3A_75 = tpu.memref_slice %arg34[%dma_wait3A_73, %dma_wait3A_74] : memref<128x16xf32, #tpu.memory_space<vmem>> -> memref<128x16xf32, #tpu.memory_space<vmem>>
      %dma_wait3A_76 = arith.constant 0 : i32
      %dma_wait3A_77 = tpu.memref_slice %arg36[%mul3A_9, %dma_wait3A_76] : memref<10016x16xf32, #tpu.memory_space<vmem_shared>> -> memref<128x16xf32, #tpu.memory_space<vmem_shared>>
      %dma_wait3A_78 = arith.constant 0 : i32
      %dma_wait3A_79 = tpu.memref_slice %arg36[%mul3A_9, %dma_wait3A_78] : memref<10016x16xf32, #tpu.memory_space<vmem_shared>> -> memref<128x16xf32, #tpu.memory_space<vmem_shared>>
      %dma_wait3A_80 = arith.constant 0 : i32
      %dma_wait3A_81 = arith.constant 0 : i32
      %dma_wait3A_82 = tpu.memref_slice %arg34[%dma_wait3A_80, %dma_wait3A_81] : memref<128x16xf32, #tpu.memory_space<vmem>> -> memref<128x16xf32, #tpu.memory_space<vmem>>
      tpu.wait_dma2 semaphore(%run_scoped3A : memref<!tpu.dma_semaphore, #tpu.memory_space<semaphore_mem>>) src(%dma_wait3A_82 : memref<128x16xf32, #tpu.memory_space<vmem>>) dst(%dma_wait3A_79 : memref<128x16xf32, #tpu.memory_space<vmem_shared>>)
      tpu.yield
    }) : () -> ()
    %add3A = arith.constant 128 : i32
    %add3A_10 = arith.addi %mul3A_9, %add3A : i32
    "tpu.region"() ({
      %run_scoped3A = tpu.sem_alloc : memref<!tpu.dma_semaphore, #tpu.memory_space<semaphore_mem>>
      %dma_start3A_63 = arith.constant 0 : i32
      %dma_start3A_64 = arith.constant 0 : i32
      %dma_start3A_65 = tpu.memref_slice %arg33[%dma_start3A_63, %dma_start3A_64] : memref<128x64xf32, #tpu.memory_space<vmem>> -> memref<128x64xf32, #tpu.memory_space<vmem>>
      %dma_start3A_66 = arith.constant 0 : i32
      %dma_start3A_67 = tpu.memref_slice %arg35[%add3A_10, %dma_start3A_66] : memref<10016x64xf32, #tpu.memory_space<vmem_shared>> -> memref<128x64xf32, #tpu.memory_space<vmem_shared>>
      %dma_start3A_68 = arith.constant 0 : i32
      %dma_start3A_69 = tpu.memref_slice %arg35[%add3A_10, %dma_start3A_68] : memref<10016x64xf32, #tpu.memory_space<vmem_shared>> -> memref<128x64xf32, #tpu.memory_space<vmem_shared>>
      %dma_start3A_70 = arith.constant 0 : i32
      %dma_start3A_71 = arith.constant 0 : i32
      %dma_start3A_72 = tpu.memref_slice %arg33[%dma_start3A_70, %dma_start3A_71] : memref<128x64xf32, #tpu.memory_space<vmem>> -> memref<128x64xf32, #tpu.memory_space<vmem>>
      tpu.enqueue_dma source(%dma_start3A_72 : memref<128x64xf32, #tpu.memory_space<vmem>>) target(%dma_start3A_69 : memref<128x64xf32, #tpu.memory_space<vmem_shared>>) target_semaphore(%run_scoped3A : memref<!tpu.dma_semaphore, #tpu.memory_space<semaphore_mem>>)
      %dma_wait3A_73 = arith.constant 0 : i32
      %dma_wait3A_74 = arith.constant 0 : i32
      %dma_wait3A_75 = tpu.memref_slice %arg33[%dma_wait3A_73, %dma_wait3A_74] : memref<128x64xf32, #tpu.memory_space<vmem>> -> memref<128x64xf32, #tpu.memory_space<vmem>>
      %dma_wait3A_76 = arith.constant 0 : i32
      %dma_wait3A_77 = tpu.memref_slice %arg35[%add3A_10, %dma_wait3A_76] : memref<10016x64xf32, #tpu.memory_space<vmem_shared>> -> memref<128x64xf32, #tpu.memory_space<vmem_shared>>
      %dma_wait3A_78 = arith.constant 0 : i32
      %dma_wait3A_79 = tpu.memref_slice %arg35[%add3A_10, %dma_wait3A_78] : memref<10016x64xf32, #tpu.memory_space<vmem_shared>> -> memref<128x64xf32, #tpu.memory_space<vmem_shared>>
      %dma_wait3A_80 = arith.constant 0 : i32
      %dma_wait3A_81 = arith.constant 0 : i32
      %dma_wait3A_82 = tpu.memref_slice %arg33[%dma_wait3A_80, %dma_wait3A_81] : memref<128x64xf32, #tpu.memory_space<vmem>> -> memref<128x64xf32, #tpu.memory_space<vmem>>
      tpu.wait_dma2 semaphore(%run_scoped3A : memref<!tpu.dma_semaphore, #tpu.memory_space<semaphore_mem>>) src(%dma_wait3A_82 : memref<128x64xf32, #tpu.memory_space<vmem>>) dst(%dma_wait3A_79 : memref<128x64xf32, #tpu.memory_space<vmem_shared>>)
      tpu.yield
    }) : () -> ()
    "tpu.region"() ({
      %run_scoped3A = tpu.sem_alloc : memref<!tpu.dma_semaphore, #tpu.memory_space<semaphore_mem>>
      %dma_start3A_63 = arith.constant 0 : i32
      %dma_start3A_64 = arith.constant 0 : i32
      %dma_start3A_65 = tpu.memref_slice %arg34[%dma_start3A_63, %dma_start3A_64] : memref<128x16xf32, #tpu.memory_space<vmem>> -> memref<128x16xf32, #tpu.memory_space<vmem>>
      %dma_start3A_66 = arith.constant 0 : i32
      %dma_start3A_67 = tpu.memref_slice %arg36[%add3A_10, %dma_start3A_66] : memref<10016x16xf32, #tpu.memory_space<vmem_shared>> -> memref<128x16xf32, #tpu.memory_space<vmem_shared>>
      %dma_start3A_68 = arith.constant 0 : i32
      %dma_start3A_69 = tpu.memref_slice %arg36[%add3A_10, %dma_start3A_68] : memref<10016x16xf32, #tpu.memory_space<vmem_shared>> -> memref<128x16xf32, #tpu.memory_space<vmem_shared>>
      %dma_start3A_70 = arith.constant 0 : i32
      %dma_start3A_71 = arith.constant 0 : i32
      %dma_start3A_72 = tpu.memref_slice %arg34[%dma_start3A_70, %dma_start3A_71] : memref<128x16xf32, #tpu.memory_space<vmem>> -> memref<128x16xf32, #tpu.memory_space<vmem>>
      tpu.enqueue_dma source(%dma_start3A_72 : memref<128x16xf32, #tpu.memory_space<vmem>>) target(%dma_start3A_69 : memref<128x16xf32, #tpu.memory_space<vmem_shared>>) target_semaphore(%run_scoped3A : memref<!tpu.dma_semaphore, #tpu.memory_space<semaphore_mem>>)
      %dma_wait3A_73 = arith.constant 0 : i32
      %dma_wait3A_74 = arith.constant 0 : i32
      %dma_wait3A_75 = tpu.memref_slice %arg34[%dma_wait3A_73, %dma_wait3A_74] : memref<128x16xf32, #tpu.memory_space<vmem>> -> memref<128x16xf32, #tpu.memory_space<vmem>>
      %dma_wait3A_76 = arith.constant 0 : i32
      %dma_wait3A_77 = tpu.memref_slice %arg36[%add3A_10, %dma_wait3A_76] : memref<10016x16xf32, #tpu.memory_space<vmem_shared>> -> memref<128x16xf32, #tpu.memory_space<vmem_shared>>
      %dma_wait3A_78 = arith.constant 0 : i32
      %dma_wait3A_79 = tpu.memref_slice %arg36[%add3A_10, %dma_wait3A_78] : memref<10016x16xf32, #tpu.memory_space<vmem_shared>> -> memref<128x16xf32, #tpu.memory_space<vmem_shared>>
      %dma_wait3A_80 = arith.constant 0 : i32
      %dma_wait3A_81 = arith.constant 0 : i32
      %dma_wait3A_82 = tpu.memref_slice %arg34[%dma_wait3A_80, %dma_wait3A_81] : memref<128x16xf32, #tpu.memory_space<vmem>> -> memref<128x16xf32, #tpu.memory_space<vmem>>
      tpu.wait_dma2 semaphore(%run_scoped3A : memref<!tpu.dma_semaphore, #tpu.memory_space<semaphore_mem>>) src(%dma_wait3A_82 : memref<128x16xf32, #tpu.memory_space<vmem>>) dst(%dma_wait3A_79 : memref<128x16xf32, #tpu.memory_space<vmem_shared>>)
      tpu.yield
    }) : () -> ()
    %add3A_11 = arith.constant 128 : i32
    %add3A_12 = arith.addi %add3A_10, %add3A_11 : i32
    "tpu.region"() ({
      %run_scoped3A = tpu.sem_alloc : memref<!tpu.dma_semaphore, #tpu.memory_space<semaphore_mem>>
      %dma_start3A_63 = arith.constant 0 : i32
      %dma_start3A_64 = arith.constant 0 : i32
      %dma_start3A_65 = tpu.memref_slice %arg33[%dma_start3A_63, %dma_start3A_64] : memref<128x64xf32, #tpu.memory_space<vmem>> -> memref<128x64xf32, #tpu.memory_space<vmem>>
      %dma_start3A_66 = arith.constant 0 : i32
      %dma_start3A_67 = tpu.memref_slice %arg35[%add3A_12, %dma_start3A_66] : memref<10016x64xf32, #tpu.memory_space<vmem_shared>> -> memref<128x64xf32, #tpu.memory_space<vmem_shared>>
      %dma_start3A_68 = arith.constant 0 : i32
      %dma_start3A_69 = tpu.memref_slice %arg35[%add3A_12, %dma_start3A_68] : memref<10016x64xf32, #tpu.memory_space<vmem_shared>> -> memref<128x64xf32, #tpu.memory_space<vmem_shared>>
      %dma_start3A_70 = arith.constant 0 : i32
      %dma_start3A_71 = arith.constant 0 : i32
      %dma_start3A_72 = tpu.memref_slice %arg33[%dma_start3A_70, %dma_start3A_71] : memref<128x64xf32, #tpu.memory_space<vmem>> -> memref<128x64xf32, #tpu.memory_space<vmem>>
      tpu.enqueue_dma source(%dma_start3A_72 : memref<128x64xf32, #tpu.memory_space<vmem>>) target(%dma_start3A_69 : memref<128x64xf32, #tpu.memory_space<vmem_shared>>) target_semaphore(%run_scoped3A : memref<!tpu.dma_semaphore, #tpu.memory_space<semaphore_mem>>)
      %dma_wait3A_73 = arith.constant 0 : i32
      %dma_wait3A_74 = arith.constant 0 : i32
      %dma_wait3A_75 = tpu.memref_slice %arg33[%dma_wait3A_73, %dma_wait3A_74] : memref<128x64xf32, #tpu.memory_space<vmem>> -> memref<128x64xf32, #tpu.memory_space<vmem>>
      %dma_wait3A_76 = arith.constant 0 : i32
      %dma_wait3A_77 = tpu.memref_slice %arg35[%add3A_12, %dma_wait3A_76] : memref<10016x64xf32, #tpu.memory_space<vmem_shared>> -> memref<128x64xf32, #tpu.memory_space<vmem_shared>>
      %dma_wait3A_78 = arith.constant 0 : i32
      %dma_wait3A_79 = tpu.memref_slice %arg35[%add3A_12, %dma_wait3A_78] : memref<10016x64xf32, #tpu.memory_space<vmem_shared>> -> memref<128x64xf32, #tpu.memory_space<vmem_shared>>
      %dma_wait3A_80 = arith.constant 0 : i32
      %dma_wait3A_81 = arith.constant 0 : i32
      %dma_wait3A_82 = tpu.memref_slice %arg33[%dma_wait3A_80, %dma_wait3A_81] : memref<128x64xf32, #tpu.memory_space<vmem>> -> memref<128x64xf32, #tpu.memory_space<vmem>>
      tpu.wait_dma2 semaphore(%run_scoped3A : memref<!tpu.dma_semaphore, #tpu.memory_space<semaphore_mem>>) src(%dma_wait3A_82 : memref<128x64xf32, #tpu.memory_space<vmem>>) dst(%dma_wait3A_79 : memref<128x64xf32, #tpu.memory_space<vmem_shared>>)
      tpu.yield
    }) : () -> ()
    "tpu.region"() ({
      %run_scoped3A = tpu.sem_alloc : memref<!tpu.dma_semaphore, #tpu.memory_space<semaphore_mem>>
      %dma_start3A_63 = arith.constant 0 : i32
      %dma_start3A_64 = arith.constant 0 : i32
      %dma_start3A_65 = tpu.memref_slice %arg34[%dma_start3A_63, %dma_start3A_64] : memref<128x16xf32, #tpu.memory_space<vmem>> -> memref<128x16xf32, #tpu.memory_space<vmem>>
      %dma_start3A_66 = arith.constant 0 : i32
      %dma_start3A_67 = tpu.memref_slice %arg36[%add3A_12, %dma_start3A_66] : memref<10016x16xf32, #tpu.memory_space<vmem_shared>> -> memref<128x16xf32, #tpu.memory_space<vmem_shared>>
      %dma_start3A_68 = arith.constant 0 : i32
      %dma_start3A_69 = tpu.memref_slice %arg36[%add3A_12, %dma_start3A_68] : memref<10016x16xf32, #tpu.memory_space<vmem_shared>> -> memref<128x16xf32, #tpu.memory_space<vmem_shared>>
      %dma_start3A_70 = arith.constant 0 : i32
      %dma_start3A_71 = arith.constant 0 : i32
      %dma_start3A_72 = tpu.memref_slice %arg34[%dma_start3A_70, %dma_start3A_71] : memref<128x16xf32, #tpu.memory_space<vmem>> -> memref<128x16xf32, #tpu.memory_space<vmem>>
      tpu.enqueue_dma source(%dma_start3A_72 : memref<128x16xf32, #tpu.memory_space<vmem>>) target(%dma_start3A_69 : memref<128x16xf32, #tpu.memory_space<vmem_shared>>) target_semaphore(%run_scoped3A : memref<!tpu.dma_semaphore, #tpu.memory_space<semaphore_mem>>)
      %dma_wait3A_73 = arith.constant 0 : i32
      %dma_wait3A_74 = arith.constant 0 : i32
      %dma_wait3A_75 = tpu.memref_slice %arg34[%dma_wait3A_73, %dma_wait3A_74] : memref<128x16xf32, #tpu.memory_space<vmem>> -> memref<128x16xf32, #tpu.memory_space<vmem>>
      %dma_wait3A_76 = arith.constant 0 : i32
      %dma_wait3A_77 = tpu.memref_slice %arg36[%add3A_12, %dma_wait3A_76] : memref<10016x16xf32, #tpu.memory_space<vmem_shared>> -> memref<128x16xf32, #tpu.memory_space<vmem_shared>>
      %dma_wait3A_78 = arith.constant 0 : i32
      %dma_wait3A_79 = tpu.memref_slice %arg36[%add3A_12, %dma_wait3A_78] : memref<10016x16xf32, #tpu.memory_space<vmem_shared>> -> memref<128x16xf32, #tpu.memory_space<vmem_shared>>
      %dma_wait3A_80 = arith.constant 0 : i32
      %dma_wait3A_81 = arith.constant 0 : i32
      %dma_wait3A_82 = tpu.memref_slice %arg34[%dma_wait3A_80, %dma_wait3A_81] : memref<128x16xf32, #tpu.memory_space<vmem>> -> memref<128x16xf32, #tpu.memory_space<vmem>>
      tpu.wait_dma2 semaphore(%run_scoped3A : memref<!tpu.dma_semaphore, #tpu.memory_space<semaphore_mem>>) src(%dma_wait3A_82 : memref<128x16xf32, #tpu.memory_space<vmem>>) dst(%dma_wait3A_79 : memref<128x16xf32, #tpu.memory_space<vmem_shared>>)
      tpu.yield
    }) : () -> ()
    %add3A_13 = arith.constant 128 : i32
    %add3A_14 = arith.addi %add3A_12, %add3A_13 : i32
    "tpu.region"() ({
      %run_scoped3A = tpu.sem_alloc : memref<!tpu.dma_semaphore, #tpu.memory_space<semaphore_mem>>
      %dma_start3A_63 = arith.constant 0 : i32
      %dma_start3A_64 = arith.constant 0 : i32
      %dma_start3A_65 = tpu.memref_slice %arg33[%dma_start3A_63, %dma_start3A_64] : memref<128x64xf32, #tpu.memory_space<vmem>> -> memref<128x64xf32, #tpu.memory_space<vmem>>
      %dma_start3A_66 = arith.constant 0 : i32
      %dma_start3A_67 = tpu.memref_slice %arg35[%add3A_14, %dma_start3A_66] : memref<10016x64xf32, #tpu.memory_space<vmem_shared>> -> memref<128x64xf32, #tpu.memory_space<vmem_shared>>
      %dma_start3A_68 = arith.constant 0 : i32
      %dma_start3A_69 = tpu.memref_slice %arg35[%add3A_14, %dma_start3A_68] : memref<10016x64xf32, #tpu.memory_space<vmem_shared>> -> memref<128x64xf32, #tpu.memory_space<vmem_shared>>
      %dma_start3A_70 = arith.constant 0 : i32
      %dma_start3A_71 = arith.constant 0 : i32
      %dma_start3A_72 = tpu.memref_slice %arg33[%dma_start3A_70, %dma_start3A_71] : memref<128x64xf32, #tpu.memory_space<vmem>> -> memref<128x64xf32, #tpu.memory_space<vmem>>
      tpu.enqueue_dma source(%dma_start3A_72 : memref<128x64xf32, #tpu.memory_space<vmem>>) target(%dma_start3A_69 : memref<128x64xf32, #tpu.memory_space<vmem_shared>>) target_semaphore(%run_scoped3A : memref<!tpu.dma_semaphore, #tpu.memory_space<semaphore_mem>>)
      %dma_wait3A_73 = arith.constant 0 : i32
      %dma_wait3A_74 = arith.constant 0 : i32
      %dma_wait3A_75 = tpu.memref_slice %arg33[%dma_wait3A_73, %dma_wait3A_74] : memref<128x64xf32, #tpu.memory_space<vmem>> -> memref<128x64xf32, #tpu.memory_space<vmem>>
      %dma_wait3A_76 = arith.constant 0 : i32
      %dma_wait3A_77 = tpu.memref_slice %arg35[%add3A_14, %dma_wait3A_76] : memref<10016x64xf32, #tpu.memory_space<vmem_shared>> -> memref<128x64xf32, #tpu.memory_space<vmem_shared>>
      %dma_wait3A_78 = arith.constant 0 : i32
      %dma_wait3A_79 = tpu.memref_slice %arg35[%add3A_14, %dma_wait3A_78] : memref<10016x64xf32, #tpu.memory_space<vmem_shared>> -> memref<128x64xf32, #tpu.memory_space<vmem_shared>>
      %dma_wait3A_80 = arith.constant 0 : i32
      %dma_wait3A_81 = arith.constant 0 : i32
      %dma_wait3A_82 = tpu.memref_slice %arg33[%dma_wait3A_80, %dma_wait3A_81] : memref<128x64xf32, #tpu.memory_space<vmem>> -> memref<128x64xf32, #tpu.memory_space<vmem>>
      tpu.wait_dma2 semaphore(%run_scoped3A : memref<!tpu.dma_semaphore, #tpu.memory_space<semaphore_mem>>) src(%dma_wait3A_82 : memref<128x64xf32, #tpu.memory_space<vmem>>) dst(%dma_wait3A_79 : memref<128x64xf32, #tpu.memory_space<vmem_shared>>)
      tpu.yield
    }) : () -> ()
    "tpu.region"() ({
      %run_scoped3A = tpu.sem_alloc : memref<!tpu.dma_semaphore, #tpu.memory_space<semaphore_mem>>
      %dma_start3A_63 = arith.constant 0 : i32
      %dma_start3A_64 = arith.constant 0 : i32
      %dma_start3A_65 = tpu.memref_slice %arg34[%dma_start3A_63, %dma_start3A_64] : memref<128x16xf32, #tpu.memory_space<vmem>> -> memref<128x16xf32, #tpu.memory_space<vmem>>
      %dma_start3A_66 = arith.constant 0 : i32
      %dma_start3A_67 = tpu.memref_slice %arg36[%add3A_14, %dma_start3A_66] : memref<10016x16xf32, #tpu.memory_space<vmem_shared>> -> memref<128x16xf32, #tpu.memory_space<vmem_shared>>
      %dma_start3A_68 = arith.constant 0 : i32
      %dma_start3A_69 = tpu.memref_slice %arg36[%add3A_14, %dma_start3A_68] : memref<10016x16xf32, #tpu.memory_space<vmem_shared>> -> memref<128x16xf32, #tpu.memory_space<vmem_shared>>
      %dma_start3A_70 = arith.constant 0 : i32
      %dma_start3A_71 = arith.constant 0 : i32
      %dma_start3A_72 = tpu.memref_slice %arg34[%dma_start3A_70, %dma_start3A_71] : memref<128x16xf32, #tpu.memory_space<vmem>> -> memref<128x16xf32, #tpu.memory_space<vmem>>
      tpu.enqueue_dma source(%dma_start3A_72 : memref<128x16xf32, #tpu.memory_space<vmem>>) target(%dma_start3A_69 : memref<128x16xf32, #tpu.memory_space<vmem_shared>>) target_semaphore(%run_scoped3A : memref<!tpu.dma_semaphore, #tpu.memory_space<semaphore_mem>>)
      %dma_wait3A_73 = arith.constant 0 : i32
      %dma_wait3A_74 = arith.constant 0 : i32
      %dma_wait3A_75 = tpu.memref_slice %arg34[%dma_wait3A_73, %dma_wait3A_74] : memref<128x16xf32, #tpu.memory_space<vmem>> -> memref<128x16xf32, #tpu.memory_space<vmem>>
      %dma_wait3A_76 = arith.constant 0 : i32
      %dma_wait3A_77 = tpu.memref_slice %arg36[%add3A_14, %dma_wait3A_76] : memref<10016x16xf32, #tpu.memory_space<vmem_shared>> -> memref<128x16xf32, #tpu.memory_space<vmem_shared>>
      %dma_wait3A_78 = arith.constant 0 : i32
      %dma_wait3A_79 = tpu.memref_slice %arg36[%add3A_14, %dma_wait3A_78] : memref<10016x16xf32, #tpu.memory_space<vmem_shared>> -> memref<128x16xf32, #tpu.memory_space<vmem_shared>>
      %dma_wait3A_80 = arith.constant 0 : i32
      %dma_wait3A_81 = arith.constant 0 : i32
      %dma_wait3A_82 = tpu.memref_slice %arg34[%dma_wait3A_80, %dma_wait3A_81] : memref<128x16xf32, #tpu.memory_space<vmem>> -> memref<128x16xf32, #tpu.memory_space<vmem>>
      tpu.wait_dma2 semaphore(%run_scoped3A : memref<!tpu.dma_semaphore, #tpu.memory_space<semaphore_mem>>) src(%dma_wait3A_82 : memref<128x16xf32, #tpu.memory_space<vmem>>) dst(%dma_wait3A_79 : memref<128x16xf32, #tpu.memory_space<vmem_shared>>)
      tpu.yield
    }) : () -> ()
    %add3A_15 = arith.constant 128 : i32
    %add3A_16 = arith.addi %add3A_14, %add3A_15 : i32
    "tpu.region"() ({
      %run_scoped3A = tpu.sem_alloc : memref<!tpu.dma_semaphore, #tpu.memory_space<semaphore_mem>>
      %dma_start3A_63 = arith.constant 0 : i32
      %dma_start3A_64 = arith.constant 0 : i32
      %dma_start3A_65 = tpu.memref_slice %arg33[%dma_start3A_63, %dma_start3A_64] : memref<128x64xf32, #tpu.memory_space<vmem>> -> memref<114x64xf32, #tpu.memory_space<vmem>>
      %dma_start3A_66 = arith.constant 0 : i32
      %dma_start3A_67 = tpu.memref_slice %arg35[%add3A_16, %dma_start3A_66] : memref<10016x64xf32, #tpu.memory_space<vmem_shared>> -> memref<114x64xf32, #tpu.memory_space<vmem_shared>>
      %dma_start3A_68 = arith.constant 0 : i32
      %dma_start3A_69 = tpu.memref_slice %arg35[%add3A_16, %dma_start3A_68] : memref<10016x64xf32, #tpu.memory_space<vmem_shared>> -> memref<114x64xf32, #tpu.memory_space<vmem_shared>>
      %dma_start3A_70 = arith.constant 0 : i32
      %dma_start3A_71 = arith.constant 0 : i32
      %dma_start3A_72 = tpu.memref_slice %arg33[%dma_start3A_70, %dma_start3A_71] : memref<128x64xf32, #tpu.memory_space<vmem>> -> memref<114x64xf32, #tpu.memory_space<vmem>>
      tpu.enqueue_dma source(%dma_start3A_72 : memref<114x64xf32, #tpu.memory_space<vmem>>) target(%dma_start3A_69 : memref<114x64xf32, #tpu.memory_space<vmem_shared>>) target_semaphore(%run_scoped3A : memref<!tpu.dma_semaphore, #tpu.memory_space<semaphore_mem>>)
      %dma_wait3A_73 = arith.constant 0 : i32
      %dma_wait3A_74 = arith.constant 0 : i32
      %dma_wait3A_75 = tpu.memref_slice %arg33[%dma_wait3A_73, %dma_wait3A_74] : memref<128x64xf32, #tpu.memory_space<vmem>> -> memref<114x64xf32, #tpu.memory_space<vmem>>
      %dma_wait3A_76 = arith.constant 0 : i32
      %dma_wait3A_77 = tpu.memref_slice %arg35[%add3A_16, %dma_wait3A_76] : memref<10016x64xf32, #tpu.memory_space<vmem_shared>> -> memref<114x64xf32, #tpu.memory_space<vmem_shared>>
      %dma_wait3A_78 = arith.constant 0 : i32
      %dma_wait3A_79 = tpu.memref_slice %arg35[%add3A_16, %dma_wait3A_78] : memref<10016x64xf32, #tpu.memory_space<vmem_shared>> -> memref<114x64xf32, #tpu.memory_space<vmem_shared>>
      %dma_wait3A_80 = arith.constant 0 : i32
      %dma_wait3A_81 = arith.constant 0 : i32
      %dma_wait3A_82 = tpu.memref_slice %arg33[%dma_wait3A_80, %dma_wait3A_81] : memref<128x64xf32, #tpu.memory_space<vmem>> -> memref<114x64xf32, #tpu.memory_space<vmem>>
      tpu.wait_dma2 semaphore(%run_scoped3A : memref<!tpu.dma_semaphore, #tpu.memory_space<semaphore_mem>>) src(%dma_wait3A_82 : memref<114x64xf32, #tpu.memory_space<vmem>>) dst(%dma_wait3A_79 : memref<114x64xf32, #tpu.memory_space<vmem_shared>>)
      tpu.yield
    }) : () -> ()
    "tpu.region"() ({
      %run_scoped3A = tpu.sem_alloc : memref<!tpu.dma_semaphore, #tpu.memory_space<semaphore_mem>>
      %dma_start3A_63 = arith.constant 0 : i32
      %dma_start3A_64 = arith.constant 0 : i32
      %dma_start3A_65 = tpu.memref_slice %arg34[%dma_start3A_63, %dma_start3A_64] : memref<128x16xf32, #tpu.memory_space<vmem>> -> memref<114x16xf32, #tpu.memory_space<vmem>>
      %dma_start3A_66 = arith.constant 0 : i32
      %dma_start3A_67 = tpu.memref_slice %arg36[%add3A_16, %dma_start3A_66] : memref<10016x16xf32, #tpu.memory_space<vmem_shared>> -> memref<114x16xf32, #tpu.memory_space<vmem_shared>>
      %dma_start3A_68 = arith.constant 0 : i32
      %dma_start3A_69 = tpu.memref_slice %arg36[%add3A_16, %dma_start3A_68] : memref<10016x16xf32, #tpu.memory_space<vmem_shared>> -> memref<114x16xf32, #tpu.memory_space<vmem_shared>>
      %dma_start3A_70 = arith.constant 0 : i32
      %dma_start3A_71 = arith.constant 0 : i32
      %dma_start3A_72 = tpu.memref_slice %arg34[%dma_start3A_70, %dma_start3A_71] : memref<128x16xf32, #tpu.memory_space<vmem>> -> memref<114x16xf32, #tpu.memory_space<vmem>>
      tpu.enqueue_dma source(%dma_start3A_72 : memref<114x16xf32, #tpu.memory_space<vmem>>) target(%dma_start3A_69 : memref<114x16xf32, #tpu.memory_space<vmem_shared>>) target_semaphore(%run_scoped3A : memref<!tpu.dma_semaphore, #tpu.memory_space<semaphore_mem>>)
      %dma_wait3A_73 = arith.constant 0 : i32
      %dma_wait3A_74 = arith.constant 0 : i32
      %dma_wait3A_75 = tpu.memref_slice %arg34[%dma_wait3A_73, %dma_wait3A_74] : memref<128x16xf32, #tpu.memory_space<vmem>> -> memref<114x16xf32, #tpu.memory_space<vmem>>
      %dma_wait3A_76 = arith.constant 0 : i32
      %dma_wait3A_77 = tpu.memref_slice %arg36[%add3A_16, %dma_wait3A_76] : memref<10016x16xf32, #tpu.memory_space<vmem_shared>> -> memref<114x16xf32, #tpu.memory_space<vmem_shared>>
      %dma_wait3A_78 = arith.constant 0 : i32
      %dma_wait3A_79 = tpu.memref_slice %arg36[%add3A_16, %dma_wait3A_78] : memref<10016x16xf32, #tpu.memory_space<vmem_shared>> -> memref<114x16xf32, #tpu.memory_space<vmem_shared>>
      %dma_wait3A_80 = arith.constant 0 : i32
      %dma_wait3A_81 = arith.constant 0 : i32
      %dma_wait3A_82 = tpu.memref_slice %arg34[%dma_wait3A_80, %dma_wait3A_81] : memref<128x16xf32, #tpu.memory_space<vmem>> -> memref<114x16xf32, #tpu.memory_space<vmem>>
      tpu.wait_dma2 semaphore(%run_scoped3A : memref<!tpu.dma_semaphore, #tpu.memory_space<semaphore_mem>>) src(%dma_wait3A_82 : memref<114x16xf32, #tpu.memory_space<vmem>>) dst(%dma_wait3A_79 : memref<114x16xf32, #tpu.memory_space<vmem_shared>>)
      tpu.yield
    }) : () -> ()
    %add3A_17 = arith.constant 114 : i32
    %add3A_18 = arith.addi %add3A_16, %add3A_17 : i32
    %dma_wait3A = tpu.memref_slice %arg5[%multiple_of3A] : memref<335872xi32, #tpu.memory_space<hbm>> -> memref<20992xi32, #tpu.memory_space<hbm>>
    %dma_wait3A_19 = tpu.memref_slice %arg5[%multiple_of3A] : memref<335872xi32, #tpu.memory_space<hbm>> -> memref<20992xi32, #tpu.memory_space<hbm>>
    tpu.wait_dma2 semaphore(%arg16 : memref<!tpu.dma_semaphore, #tpu.memory_space<semaphore_mem>>) src(%dma_wait3A_19 : memref<20992xi32, #tpu.memory_space<hbm>>) dst(%arg8 : memref<20992xi32, #tpu.memory_space<vmem>>)
    %barrier3A = arith.constant 0 : index
    tpu.barrier barrier_id(%barrier3A)
    %mul3A_20 = arith.constant 10000 : i32
    %mul3A_21 = arith.muli %arg0, %mul3A_20 : i32
    %parallel_loop3A = arith.constant 0 : i32
    %parallel_loop3A_22 = arith.constant 8 : i32
    %parallel_loop3A_23 = arith.constant 1 : i32
    scf.for %parallel_loop3A_63 = %parallel_loop3A to %parallel_loop3A_22 step %parallel_loop3A_23  : i32 {
      %parallel_loop3A_64 = arith.constant 16 : i32
      %parallel_loop3A_65 = arith.muli %parallel_loop3A_63, %parallel_loop3A_64 : i32
      %parallel_loop3A_66 = arith.constant 0 : i32
      %parallel_loop3A_67 = arith.addi %parallel_loop3A_66, %parallel_loop3A_65 : i32
      %parallel_loop3A_68 = arith.index_cast %parallel_loop3A_67 : i32 to index
      %parallel_loop3A_69 = tpu.vector_load %arg8[%parallel_loop3A_68] {strides = array<i32>} : memref<20992xi32, #tpu.memory_space<vmem>>, vector<16xi32>,
      %parallel_loop3A_70 = vector.shape_cast %parallel_loop3A_69 : vector<16xi32> to vector<16xi32>
      %parallel_loop3A_71 = arith.constant 16383 : i32
      %parallel_loop3A_72 = vector.broadcast %parallel_loop3A_71 : i32 to vector<16xi32>
      %parallel_loop3A_73 = arith.andi %parallel_loop3A_70, %parallel_loop3A_72 : vector<16xi32>
      %parallel_loop3A_74 = vector.broadcast %mul3A_21 : i32 to vector<16xi32>
      %parallel_loop3A_75 = arith.addi %parallel_loop3A_73, %parallel_loop3A_74 : vector<16xi32>
      %parallel_loop3A_76 = arith.constant 16 : i32
      %parallel_loop3A_77 = arith.muli %parallel_loop3A_63, %parallel_loop3A_76 : i32
      %parallel_loop3A_78 = arith.index_cast %parallel_loop3A_77 : i32 to index
      %parallel_loop3A_79 = tpu.vector_load %arg9[%parallel_loop3A_78] {strides = array<i32>} : memref<128xi32, #tpu.memory_space<vmem>>, vector<16xi32>,
      %parallel_loop3A_80 = vector.shape_cast %parallel_loop3A_79 : vector<16xi32> to vector<16xi32>
      %parallel_loop3A_81 = vector.shape_cast %parallel_loop3A_75 : vector<16xi32> to vector<16xi32>
      tpu.vector_store %arg9[%parallel_loop3A_78], %parallel_loop3A_81 {strides = array<i32>} : memref<128xi32, #tpu.memory_space<vmem>>, vector<16xi32>,
      %parallel_loop3A_82 = arith.constant 14 : i32
      %parallel_loop3A_83 = vector.broadcast %parallel_loop3A_82 : i32 to vector<16xi32>
      %parallel_loop3A_84 = arith.shrsi %parallel_loop3A_70, %parallel_loop3A_83 : vector<16xi32>
      %parallel_loop3A_85 = arith.constant 16 : i32
      %parallel_loop3A_86 = arith.muli %parallel_loop3A_63, %parallel_loop3A_85 : i32
      %parallel_loop3A_87 = arith.index_cast %parallel_loop3A_86 : i32 to index
      %parallel_loop3A_88 = tpu.vector_load %arg10[%parallel_loop3A_87] {strides = array<i32>} : memref<128xi32, #tpu.memory_space<vmem>>, vector<16xi32>,
      %parallel_loop3A_89 = vector.shape_cast %parallel_loop3A_88 : vector<16xi32> to vector<16xi32>
      %parallel_loop3A_90 = vector.shape_cast %parallel_loop3A_84 : vector<16xi32> to vector<16xi32>
      tpu.vector_store %arg10[%parallel_loop3A_87], %parallel_loop3A_90 {strides = array<i32>} : memref<128xi32, #tpu.memory_space<vmem>>, vector<16xi32>,
      %parallel_loop3A_91 = vector.broadcast %mul3A_21 : i32 to vector<16xi32>
      %parallel_loop3A_92 = arith.addi %parallel_loop3A_84, %parallel_loop3A_91 : vector<16xi32>
      %parallel_loop3A_93 = arith.constant 16 : i32
      %parallel_loop3A_94 = arith.muli %parallel_loop3A_63, %parallel_loop3A_93 : i32
      %parallel_loop3A_95 = arith.index_cast %parallel_loop3A_94 : i32 to index
      %parallel_loop3A_96 = tpu.vector_load %arg11[%parallel_loop3A_95] {strides = array<i32>} : memref<128xi32, #tpu.memory_space<vmem>>, vector<16xi32>,
      %parallel_loop3A_97 = vector.shape_cast %parallel_loop3A_96 : vector<16xi32> to vector<16xi32>
      %parallel_loop3A_98 = vector.shape_cast %parallel_loop3A_92 : vector<16xi32> to vector<16xi32>
      tpu.vector_store %arg11[%parallel_loop3A_95], %parallel_loop3A_98 {strides = array<i32>} : memref<128xi32, #tpu.memory_space<vmem>>, vector<16xi32>,
    } {sc.loop_unroll_factor = 4 : i64, sc.parallel_access}
    %dma_start3A_24 = arith.constant 0 : i32
    %dma_start3A_25 = arith.constant 0 : i32
    %dma_start3A_26 = tpu.memref_slice %arg2[%dma_start3A_24, %dma_start3A_25] : memref<20008x64xf32, #tpu.memory_space<hbm>> -> memref<20008x64xf32, #tpu.memory_space<hbm>>
    tpu.enqueue_indirect_dma source(%dma_start3A_26 : memref<20008x64xf32, #tpu.memory_space<hbm>>) target(%arg12 : memref<128x64xf32, #tpu.memory_space<vmem>>) offsets(%arg9 : memref<128xi32, #tpu.memory_space<vmem>>) semaphore(%arg16 : memref<!tpu.dma_semaphore, #tpu.memory_space<semaphore_mem>>)
    %dma_start3A_27 = arith.constant 0 : i32
    %dma_start3A_28 = arith.constant 0 : i32
    %dma_start3A_29 = tpu.memref_slice %arg3[%dma_start3A_27, %dma_start3A_28] : memref<20008x16xf32, #tpu.memory_space<hbm>> -> memref<20008x16xf32, #tpu.memory_space<hbm>>
    tpu.enqueue_indirect_dma source(%dma_start3A_29 : memref<20008x16xf32, #tpu.memory_space<hbm>>) target(%arg13 : memref<128x16xf32, #tpu.memory_space<vmem>>) offsets(%arg9 : memref<128xi32, #tpu.memory_space<vmem>>) semaphore(%arg17 : memref<!tpu.dma_semaphore, #tpu.memory_space<semaphore_mem>>)
    %dma_start3A_30 = arith.constant 0 : i32
    %dma_start3A_31 = arith.constant 0 : i32
    %dma_start3A_32 = tpu.memref_slice %arg4[%dma_start3A_30, %dma_start3A_31] : memref<20008x16xf32, #tpu.memory_space<hbm>> -> memref<20008x16xf32, #tpu.memory_space<hbm>>
    tpu.enqueue_indirect_dma source(%dma_start3A_32 : memref<20008x16xf32, #tpu.memory_space<hbm>>) target(%arg14 : memref<128x16xf32, #tpu.memory_space<vmem>>) offsets(%arg11 : memref<128xi32, #tpu.memory_space<vmem>>) semaphore(%arg18 : memref<!tpu.dma_semaphore, #tpu.memory_space<semaphore_mem>>)
    %scan3A_33 = arith.constant 0 : i32
    %scan3A_34 = arith.constant 0 : i32
    %scan3A_35 = arith.constant 82 : i32
    %scan3A_36 = arith.addi %scan3A_34, %scan3A_35 : i32
    %scan3A_37 = arith.constant 1 : i32
    %scan3A_38 = scf.for %scan3A_63 = %scan3A_34 to %scan3A_36 step %scan3A_37 iter_args(%scan3A_64 = %scan3A_33) -> (i32)  : i32 {
      %mul3A_65 = arith.constant 2 : i32
      %mul3A_66 = arith.muli %mul3A_65, %scan3A_63 : i32
      %add3A_67 = arith.constant 0 : i32
      %add3A_68 = arith.addi %mul3A_66, %add3A_67 : i32
      %dma_wait3A_69 = arith.constant 0 : i32
      %dma_wait3A_70 = arith.constant 0 : i32
      %dma_wait3A_71 = tpu.memref_slice %arg2[%dma_wait3A_69, %dma_wait3A_70] : memref<20008x64xf32, #tpu.memory_space<hbm>> -> memref<20008x64xf32, #tpu.memory_space<hbm>>
      tpu.wait_indirect_dma semaphore(%arg16 : memref<!tpu.dma_semaphore, #tpu.memory_space<semaphore_mem>>) src(%dma_wait3A_71 : memref<20008x64xf32, #tpu.memory_space<hbm>>) dst(%arg12 : memref<128x64xf32, #tpu.memory_space<vmem>>)
      %dma_wait3A_72 = arith.constant 0 : i32
      %dma_wait3A_73 = arith.constant 0 : i32
      %dma_wait3A_74 = tpu.memref_slice %arg3[%dma_wait3A_72, %dma_wait3A_73] : memref<20008x16xf32, #tpu.memory_space<hbm>> -> memref<20008x16xf32, #tpu.memory_space<hbm>>
      tpu.wait_indirect_dma semaphore(%arg17 : memref<!tpu.dma_semaphore, #tpu.memory_space<semaphore_mem>>) src(%dma_wait3A_74 : memref<20008x16xf32, #tpu.memory_space<hbm>>) dst(%arg13 : memref<128x16xf32, #tpu.memory_space<vmem>>)
      %dma_wait3A_75 = arith.constant 0 : i32
      %dma_wait3A_76 = arith.constant 0 : i32
      %dma_wait3A_77 = tpu.memref_slice %arg4[%dma_wait3A_75, %dma_wait3A_76] : memref<20008x16xf32, #tpu.memory_space<hbm>> -> memref<20008x16xf32, #tpu.memory_space<hbm>>
      tpu.wait_indirect_dma semaphore(%arg18 : memref<!tpu.dma_semaphore, #tpu.memory_space<semaphore_mem>>) src(%dma_wait3A_77 : memref<20008x16xf32, #tpu.memory_space<hbm>>) dst(%arg14 : memref<128x16xf32, #tpu.memory_space<vmem>>)
      %add3A_78 = arith.constant 1 : i32
      %add3A_79 = arith.addi %add3A_68, %add3A_78 : i32
      %lt3A = arith.constant 164 : i32
      %lt3A_80 = arith.cmpi slt, %add3A_79, %lt3A : i32
      %convert_element_type3A = arith.extui %lt3A_80 : i1 to i32
      %cond3A = arith.constant 0 : i32
      %cond3A_81 = arith.cmpi ne, %convert_element_type3A, %cond3A : i32
      scf.if %cond3A_81 {
        %add3A_121 = arith.constant 1 : i32
        %add3A_122 = arith.addi %add3A_68, %add3A_121 : i32
        %ge3A = arith.constant 2 : i32
        %ge3A_123 = arith.cmpi sge, %add3A_122, %ge3A : i32
        %convert_element_type3A_124 = arith.extui %ge3A_123 : i1 to i32
        %cond3A_125 = arith.constant 0 : i32
        %cond3A_126 = arith.cmpi ne, %convert_element_type3A_124, %cond3A_125 : i32
        scf.if %cond3A_126 {
          %dma_wait3A_141 = arith.constant 0 : i32
          %dma_wait3A_142 = arith.constant 0 : i32
          %dma_wait3A_143 = tpu.memref_slice %arg35[%dma_wait3A_141, %dma_wait3A_142] : memref<10016x64xf32, #tpu.memory_space<vmem_shared>> -> memref<10016x64xf32, #tpu.memory_space<vmem_shared>>
          tpu.wait_indirect_dma semaphore(%arg31 : memref<!tpu.dma_semaphore, #tpu.memory_space<semaphore_mem>>) src(%arg24 : memref<128x64xf32, #tpu.memory_space<vmem>>) dst(%dma_wait3A_143 : memref<10016x64xf32, #tpu.memory_space<vmem_shared>>)
          %dma_wait3A_144 = arith.constant 0 : i32
          %dma_wait3A_145 = arith.constant 0 : i32
          %dma_wait3A_146 = tpu.memref_slice %arg36[%dma_wait3A_144, %dma_wait3A_145] : memref<10016x16xf32, #tpu.memory_space<vmem_shared>> -> memref<10016x16xf32, #tpu.memory_space<vmem_shared>>
          tpu.wait_indirect_dma semaphore(%arg32 : memref<!tpu.dma_semaphore, #tpu.memory_space<semaphore_mem>>) src(%arg27 : memref<128x16xf32, #tpu.memory_space<vmem>>) dst(%dma_wait3A_146 : memref<10016x16xf32, #tpu.memory_space<vmem_shared>>)
        } else {
        }
        %mul3A_127 = arith.constant 128 : i32
        %mul3A_128 = arith.muli %add3A_122, %mul3A_127 : i32
        %parallel_loop3A_129 = arith.constant 0 : i32
        %parallel_loop3A_130 = arith.constant 8 : i32
        %parallel_loop3A_131 = arith.constant 1 : i32
        scf.for %parallel_loop3A_141 = %parallel_loop3A_129 to %parallel_loop3A_130 step %parallel_loop3A_131  : i32 {
          %parallel_loop3A_142 = arith.constant 16 : i32
          %parallel_loop3A_143 = arith.muli %parallel_loop3A_141, %parallel_loop3A_142 : i32
          %parallel_loop3A_144 = arith.addi %mul3A_128, %parallel_loop3A_143 : i32
          %parallel_loop3A_145 = arith.index_cast %parallel_loop3A_144 : i32 to index
          %parallel_loop3A_146 = tpu.vector_load %arg8[%parallel_loop3A_145] {strides = array<i32>} : memref<20992xi32, #tpu.memory_space<vmem>>, vector<16xi32>,
          %parallel_loop3A_147 = vector.shape_cast %parallel_loop3A_146 : vector<16xi32> to vector<16xi32>
          %parallel_loop3A_148 = arith.constant 16383 : i32
          %parallel_loop3A_149 = vector.broadcast %parallel_loop3A_148 : i32 to vector<16xi32>
          %parallel_loop3A_150 = arith.andi %parallel_loop3A_147, %parallel_loop3A_149 : vector<16xi32>
          %parallel_loop3A_151 = vector.broadcast %mul3A_21 : i32 to vector<16xi32>
          %parallel_loop3A_152 = arith.addi %parallel_loop3A_150, %parallel_loop3A_151 : vector<16xi32>
          %parallel_loop3A_153 = arith.constant 16 : i32
          %parallel_loop3A_154 = arith.muli %parallel_loop3A_141, %parallel_loop3A_153 : i32
          %parallel_loop3A_155 = arith.index_cast %parallel_loop3A_154 : i32 to index
          %parallel_loop3A_156 = tpu.vector_load %arg21[%parallel_loop3A_155] {strides = array<i32>} : memref<128xi32, #tpu.memory_space<vmem>>, vector<16xi32>,
          %parallel_loop3A_157 = vector.shape_cast %parallel_loop3A_156 : vector<16xi32> to vector<16xi32>
          %parallel_loop3A_158 = vector.shape_cast %parallel_loop3A_152 : vector<16xi32> to vector<16xi32>
          tpu.vector_store %arg21[%parallel_loop3A_155], %parallel_loop3A_158 {strides = array<i32>} : memref<128xi32, #tpu.memory_space<vmem>>, vector<16xi32>,
          %parallel_loop3A_159 = arith.constant 14 : i32
          %parallel_loop3A_160 = vector.broadcast %parallel_loop3A_159 : i32 to vector<16xi32>
          %parallel_loop3A_161 = arith.shrsi %parallel_loop3A_147, %parallel_loop3A_160 : vector<16xi32>
          %parallel_loop3A_162 = arith.constant 16 : i32
          %parallel_loop3A_163 = arith.muli %parallel_loop3A_141, %parallel_loop3A_162 : i32
          %parallel_loop3A_164 = arith.index_cast %parallel_loop3A_163 : i32 to index
          %parallel_loop3A_165 = tpu.vector_load %arg22[%parallel_loop3A_164] {strides = array<i32>} : memref<128xi32, #tpu.memory_space<vmem>>, vector<16xi32>,
          %parallel_loop3A_166 = vector.shape_cast %parallel_loop3A_165 : vector<16xi32> to vector<16xi32>
          %parallel_loop3A_167 = vector.shape_cast %parallel_loop3A_161 : vector<16xi32> to vector<16xi32>
          tpu.vector_store %arg22[%parallel_loop3A_164], %parallel_loop3A_167 {strides = array<i32>} : memref<128xi32, #tpu.memory_space<vmem>>, vector<16xi32>,
          %parallel_loop3A_168 = vector.broadcast %mul3A_21 : i32 to vector<16xi32>
          %parallel_loop3A_169 = arith.addi %parallel_loop3A_161, %parallel_loop3A_168 : vector<16xi32>
          %parallel_loop3A_170 = arith.constant 16 : i32
          %parallel_loop3A_171 = arith.muli %parallel_loop3A_141, %parallel_loop3A_170 : i32
          %parallel_loop3A_172 = arith.index_cast %parallel_loop3A_171 : i32 to index
          %parallel_loop3A_173 = tpu.vector_load %arg23[%parallel_loop3A_172] {strides = array<i32>} : memref<128xi32, #tpu.memory_space<vmem>>, vector<16xi32>,
          %parallel_loop3A_174 = vector.shape_cast %parallel_loop3A_173 : vector<16xi32> to vector<16xi32>
          %parallel_loop3A_175 = vector.shape_cast %parallel_loop3A_169 : vector<16xi32> to vector<16xi32>
          tpu.vector_store %arg23[%parallel_loop3A_172], %parallel_loop3A_175 {strides = array<i32>} : memref<128xi32, #tpu.memory_space<vmem>>, vector<16xi32>,
        } {sc.loop_unroll_factor = 4 : i64, sc.parallel_access}
        %dma_start3A_132 = arith.constant 0 : i32
        %dma_start3A_133 = arith.constant 0 : i32
        %dma_start3A_134 = tpu.memref_slice %arg2[%dma_start3A_132, %dma_start3A_133] : memref<20008x64xf32, #tpu.memory_space<hbm>> -> memref<20008x64xf32, #tpu.memory_space<hbm>>
        tpu.enqueue_indirect_dma source(%dma_start3A_134 : memref<20008x64xf32, #tpu.memory_space<hbm>>) target(%arg24 : memref<128x64xf32, #tpu.memory_space<vmem>>) offsets(%arg21 : memref<128xi32, #tpu.memory_space<vmem>>) semaphore(%arg28 : memref<!tpu.dma_semaphore, #tpu.memory_space<semaphore_mem>>)
        %dma_start3A_135 = arith.constant 0 : i32
        %dma_start3A_136 = arith.constant 0 : i32
        %dma_start3A_137 = tpu.memref_slice %arg3[%dma_start3A_135, %dma_start3A_136] : memref<20008x16xf32, #tpu.memory_space<hbm>> -> memref<20008x16xf32, #tpu.memory_space<hbm>>
        tpu.enqueue_indirect_dma source(%dma_start3A_137 : memref<20008x16xf32, #tpu.memory_space<hbm>>) target(%arg25 : memref<128x16xf32, #tpu.memory_space<vmem>>) offsets(%arg21 : memref<128xi32, #tpu.memory_space<vmem>>) semaphore(%arg29 : memref<!tpu.dma_semaphore, #tpu.memory_space<semaphore_mem>>)
        %dma_start3A_138 = arith.constant 0 : i32
        %dma_start3A_139 = arith.constant 0 : i32
        %dma_start3A_140 = tpu.memref_slice %arg4[%dma_start3A_138, %dma_start3A_139] : memref<20008x16xf32, #tpu.memory_space<hbm>> -> memref<20008x16xf32, #tpu.memory_space<hbm>>
        tpu.enqueue_indirect_dma source(%dma_start3A_140 : memref<20008x16xf32, #tpu.memory_space<hbm>>) target(%arg26 : memref<128x16xf32, #tpu.memory_space<vmem>>) offsets(%arg23 : memref<128xi32, #tpu.memory_space<vmem>>) semaphore(%arg30 : memref<!tpu.dma_semaphore, #tpu.memory_space<semaphore_mem>>)
      } else {
      }
      %parallel_loop3A_82 = arith.constant 0 : i32
      %parallel_loop3A_83 = arith.constant 128 : i32
      %parallel_loop3A_84 = arith.constant 1 : i32
      scf.for %parallel_loop3A_121 = %parallel_loop3A_82 to %parallel_loop3A_83 step %parallel_loop3A_84  : i32 {
        %parallel_loop3A_122 = arith.index_cast %parallel_loop3A_121 : i32 to index
        %parallel_loop3A_123 = arith.constant 0 : index
        %parallel_loop3A_124 = tpu.vector_load %arg13[%parallel_loop3A_122, %parallel_loop3A_123] {strides = array<i32>} : memref<128x16xf32, #tpu.memory_space<vmem>>, vector<1x16xf32>,
        %parallel_loop3A_125 = vector.shape_cast %parallel_loop3A_124 : vector<1x16xf32> to vector<16xf32>
        %parallel_loop3A_126 = arith.index_cast %parallel_loop3A_121 : i32 to index
        %parallel_loop3A_127 = arith.constant 0 : index
        %parallel_loop3A_128 = tpu.vector_load %arg14[%parallel_loop3A_126, %parallel_loop3A_127] {strides = array<i32>} : memref<128x16xf32, #tpu.memory_space<vmem>>, vector<1x16xf32>,
        %parallel_loop3A_129 = vector.shape_cast %parallel_loop3A_128 : vector<1x16xf32> to vector<16xf32>
        %parallel_loop3A_130 = arith.addf %parallel_loop3A_125, %parallel_loop3A_129 : vector<16xf32>
        %parallel_loop3A_131 = arith.constant 2.000000e-01 : f32
        %parallel_loop3A_132 = vector.broadcast %parallel_loop3A_131 : f32 to vector<16xf32>
        %parallel_loop3A_133 = arith.mulf %parallel_loop3A_132, %parallel_loop3A_130 : vector<16xf32>
        %parallel_loop3A_134 = arith.maximumf %parallel_loop3A_130, %parallel_loop3A_133 : vector<16xf32>
        %parallel_loop3A_135 = math.exp %parallel_loop3A_134 : vector<16xf32>
        %parallel_loop3A_136 = arith.index_cast %parallel_loop3A_121 : i32 to index
        %parallel_loop3A_137 = arith.constant 0 : index
        %parallel_loop3A_138 = tpu.vector_load %arg15[%parallel_loop3A_136, %parallel_loop3A_137] {strides = array<i32>} : memref<128x16xf32, #tpu.memory_space<vmem>>, vector<1x16xf32>,
        %parallel_loop3A_139 = vector.shape_cast %parallel_loop3A_138 : vector<1x16xf32> to vector<16xf32>
        %parallel_loop3A_140 = vector.shape_cast %parallel_loop3A_135 : vector<16xf32> to vector<1x16xf32>
        tpu.vector_store %arg15[%parallel_loop3A_136, %parallel_loop3A_137], %parallel_loop3A_140 {strides = array<i32>} : memref<128x16xf32, #tpu.memory_space<vmem>>, vector<1x16xf32>,
        %parallel_loop3A_141 = vector.extract_strided_slice %parallel_loop3A_135 {offsets = [0], sizes = [1], strides = [1]} : vector<16xf32> to vector<1xf32>
        %parallel_loop3A_142 = vector.extract %parallel_loop3A_141[0] : f32 from vector<1xf32>
        %parallel_loop3A_143 = vector.broadcast %parallel_loop3A_142 : f32 to vector<16xf32>
        %parallel_loop3A_144 = arith.index_cast %parallel_loop3A_121 : i32 to index
        %parallel_loop3A_145 = arith.constant 0 : index
        %parallel_loop3A_146 = tpu.vector_load %arg12[%parallel_loop3A_144, %parallel_loop3A_145] {strides = array<i32>} : memref<128x64xf32, #tpu.memory_space<vmem>>, vector<1x16xf32>,
        %parallel_loop3A_147 = vector.shape_cast %parallel_loop3A_146 : vector<1x16xf32> to vector<16xf32>
        %parallel_loop3A_148 = arith.mulf %parallel_loop3A_147, %parallel_loop3A_143 : vector<16xf32>
        %parallel_loop3A_149 = arith.index_cast %parallel_loop3A_121 : i32 to index
        %parallel_loop3A_150 = arith.constant 0 : index
        %parallel_loop3A_151 = tpu.vector_load %arg12[%parallel_loop3A_149, %parallel_loop3A_150] {strides = array<i32>} : memref<128x64xf32, #tpu.memory_space<vmem>>, vector<1x16xf32>,
        %parallel_loop3A_152 = vector.shape_cast %parallel_loop3A_151 : vector<1x16xf32> to vector<16xf32>
        %parallel_loop3A_153 = vector.shape_cast %parallel_loop3A_148 : vector<16xf32> to vector<1x16xf32>
        tpu.vector_store %arg12[%parallel_loop3A_149, %parallel_loop3A_150], %parallel_loop3A_153 {strides = array<i32>} : memref<128x64xf32, #tpu.memory_space<vmem>>, vector<1x16xf32>,
        %parallel_loop3A_154 = vector.extract_strided_slice %parallel_loop3A_135 {offsets = [1], sizes = [1], strides = [1]} : vector<16xf32> to vector<1xf32>
        %parallel_loop3A_155 = vector.extract %parallel_loop3A_154[0] : f32 from vector<1xf32>
        %parallel_loop3A_156 = vector.broadcast %parallel_loop3A_155 : f32 to vector<16xf32>
        %parallel_loop3A_157 = arith.index_cast %parallel_loop3A_121 : i32 to index
        %parallel_loop3A_158 = arith.constant 16 : index
        %parallel_loop3A_159 = tpu.vector_load %arg12[%parallel_loop3A_157, %parallel_loop3A_158] {strides = array<i32>} : memref<128x64xf32, #tpu.memory_space<vmem>>, vector<1x16xf32>,
        %parallel_loop3A_160 = vector.shape_cast %parallel_loop3A_159 : vector<1x16xf32> to vector<16xf32>
        %parallel_loop3A_161 = arith.mulf %parallel_loop3A_160, %parallel_loop3A_156 : vector<16xf32>
        %parallel_loop3A_162 = arith.index_cast %parallel_loop3A_121 : i32 to index
        %parallel_loop3A_163 = arith.constant 16 : index
        %parallel_loop3A_164 = tpu.vector_load %arg12[%parallel_loop3A_162, %parallel_loop3A_163] {strides = array<i32>} : memref<128x64xf32, #tpu.memory_space<vmem>>, vector<1x16xf32>,
        %parallel_loop3A_165 = vector.shape_cast %parallel_loop3A_164 : vector<1x16xf32> to vector<16xf32>
        %parallel_loop3A_166 = vector.shape_cast %parallel_loop3A_161 : vector<16xf32> to vector<1x16xf32>
        tpu.vector_store %arg12[%parallel_loop3A_162, %parallel_loop3A_163], %parallel_loop3A_166 {strides = array<i32>} : memref<128x64xf32, #tpu.memory_space<vmem>>, vector<1x16xf32>,
        %parallel_loop3A_167 = vector.extract_strided_slice %parallel_loop3A_135 {offsets = [2], sizes = [1], strides = [1]} : vector<16xf32> to vector<1xf32>
        %parallel_loop3A_168 = vector.extract %parallel_loop3A_167[0] : f32 from vector<1xf32>
        %parallel_loop3A_169 = vector.broadcast %parallel_loop3A_168 : f32 to vector<16xf32>
        %parallel_loop3A_170 = arith.index_cast %parallel_loop3A_121 : i32 to index
        %parallel_loop3A_171 = arith.constant 32 : index
        %parallel_loop3A_172 = tpu.vector_load %arg12[%parallel_loop3A_170, %parallel_loop3A_171] {strides = array<i32>} : memref<128x64xf32, #tpu.memory_space<vmem>>, vector<1x16xf32>,
        %parallel_loop3A_173 = vector.shape_cast %parallel_loop3A_172 : vector<1x16xf32> to vector<16xf32>
        %parallel_loop3A_174 = arith.mulf %parallel_loop3A_173, %parallel_loop3A_169 : vector<16xf32>
        %parallel_loop3A_175 = arith.index_cast %parallel_loop3A_121 : i32 to index
        %parallel_loop3A_176 = arith.constant 32 : index
        %parallel_loop3A_177 = tpu.vector_load %arg12[%parallel_loop3A_175, %parallel_loop3A_176] {strides = array<i32>} : memref<128x64xf32, #tpu.memory_space<vmem>>, vector<1x16xf32>,
        %parallel_loop3A_178 = vector.shape_cast %parallel_loop3A_177 : vector<1x16xf32> to vector<16xf32>
        %parallel_loop3A_179 = vector.shape_cast %parallel_loop3A_174 : vector<16xf32> to vector<1x16xf32>
        tpu.vector_store %arg12[%parallel_loop3A_175, %parallel_loop3A_176], %parallel_loop3A_179 {strides = array<i32>} : memref<128x64xf32, #tpu.memory_space<vmem>>, vector<1x16xf32>,
        %parallel_loop3A_180 = vector.extract_strided_slice %parallel_loop3A_135 {offsets = [3], sizes = [1], strides = [1]} : vector<16xf32> to vector<1xf32>
        %parallel_loop3A_181 = vector.extract %parallel_loop3A_180[0] : f32 from vector<1xf32>
        %parallel_loop3A_182 = vector.broadcast %parallel_loop3A_181 : f32 to vector<16xf32>
        %parallel_loop3A_183 = arith.index_cast %parallel_loop3A_121 : i32 to index
        %parallel_loop3A_184 = arith.constant 48 : index
        %parallel_loop3A_185 = tpu.vector_load %arg12[%parallel_loop3A_183, %parallel_loop3A_184] {strides = array<i32>} : memref<128x64xf32, #tpu.memory_space<vmem>>, vector<1x16xf32>,
        %parallel_loop3A_186 = vector.shape_cast %parallel_loop3A_185 : vector<1x16xf32> to vector<16xf32>
        %parallel_loop3A_187 = arith.mulf %parallel_loop3A_186, %parallel_loop3A_182 : vector<16xf32>
        %parallel_loop3A_188 = arith.index_cast %parallel_loop3A_121 : i32 to index
        %parallel_loop3A_189 = arith.constant 48 : index
        %parallel_loop3A_190 = tpu.vector_load %arg12[%parallel_loop3A_188, %parallel_loop3A_189] {strides = array<i32>} : memref<128x64xf32, #tpu.memory_space<vmem>>, vector<1x16xf32>,
        %parallel_loop3A_191 = vector.shape_cast %parallel_loop3A_190 : vector<1x16xf32> to vector<16xf32>
        %parallel_loop3A_192 = vector.shape_cast %parallel_loop3A_187 : vector<16xf32> to vector<1x16xf32>
        tpu.vector_store %arg12[%parallel_loop3A_188, %parallel_loop3A_189], %parallel_loop3A_192 {strides = array<i32>} : memref<128x64xf32, #tpu.memory_space<vmem>>, vector<1x16xf32>,
      } {sc.loop_unroll_factor = 16 : i64, sc.parallel_access}
      %dma_start3A_85 = arith.constant 0 : i32
      %dma_start3A_86 = arith.constant 0 : i32
      %dma_start3A_87 = tpu.memref_slice %arg35[%dma_start3A_85, %dma_start3A_86] : memref<10016x64xf32, #tpu.memory_space<vmem_shared>> -> memref<10016x64xf32, #tpu.memory_space<vmem_shared>>
      tpu.enqueue_indirect_dma source(%arg12 : memref<128x64xf32, #tpu.memory_space<vmem>>) target(%dma_start3A_87 : memref<10016x64xf32, #tpu.memory_space<vmem_shared>>) offsets(%arg10 : memref<128xi32, #tpu.memory_space<vmem>>) semaphore(%arg19 : memref<!tpu.dma_semaphore, #tpu.memory_space<semaphore_mem>>) {add = true}
      %dma_start3A_88 = arith.constant 0 : i32
      %dma_start3A_89 = arith.constant 0 : i32
      %dma_start3A_90 = tpu.memref_slice %arg36[%dma_start3A_88, %dma_start3A_89] : memref<10016x16xf32, #tpu.memory_space<vmem_shared>> -> memref<10016x16xf32, #tpu.memory_space<vmem_shared>>
      tpu.enqueue_indirect_dma source(%arg15 : memref<128x16xf32, #tpu.memory_space<vmem>>) target(%dma_start3A_90 : memref<10016x16xf32, #tpu.memory_space<vmem_shared>>) offsets(%arg10 : memref<128xi32, #tpu.memory_space<vmem>>) semaphore(%arg20 : memref<!tpu.dma_semaphore, #tpu.memory_space<semaphore_mem>>) {add = true}
      %mul3A_91 = arith.constant 2 : i32
      %mul3A_92 = arith.muli %mul3A_91, %scan3A_63 : i32
      %add3A_93 = arith.constant 1 : i32
      %add3A_94 = arith.addi %mul3A_92, %add3A_93 : i32
      %dma_wait3A_95 = arith.constant 0 : i32
      %dma_wait3A_96 = arith.constant 0 : i32
      %dma_wait3A_97 = tpu.memref_slice %arg2[%dma_wait3A_95, %dma_wait3A_96] : memref<20008x64xf32, #tpu.memory_space<hbm>> -> memref<20008x64xf32, #tpu.memory_space<hbm>>
      tpu.wait_indirect_dma semaphore(%arg28 : memref<!tpu.dma_semaphore, #tpu.memory_space<semaphore_mem>>) src(%dma_wait3A_97 : memref<20008x64xf32, #tpu.memory_space<hbm>>) dst(%arg24 : memref<128x64xf32, #tpu.memory_space<vmem>>)
      %dma_wait3A_98 = arith.constant 0 : i32
      %dma_wait3A_99 = arith.constant 0 : i32
      %dma_wait3A_100 = tpu.memref_slice %arg3[%dma_wait3A_98, %dma_wait3A_99] : memref<20008x16xf32, #tpu.memory_space<hbm>> -> memref<20008x16xf32, #tpu.memory_space<hbm>>
      tpu.wait_indirect_dma semaphore(%arg29 : memref<!tpu.dma_semaphore, #tpu.memory_space<semaphore_mem>>) src(%dma_wait3A_100 : memref<20008x16xf32, #tpu.memory_space<hbm>>) dst(%arg25 : memref<128x16xf32, #tpu.memory_space<vmem>>)
      %dma_wait3A_101 = arith.constant 0 : i32
      %dma_wait3A_102 = arith.constant 0 : i32
      %dma_wait3A_103 = tpu.memref_slice %arg4[%dma_wait3A_101, %dma_wait3A_102] : memref<20008x16xf32, #tpu.memory_space<hbm>> -> memref<20008x16xf32, #tpu.memory_space<hbm>>
      tpu.wait_indirect_dma semaphore(%arg30 : memref<!tpu.dma_semaphore, #tpu.memory_space<semaphore_mem>>) src(%dma_wait3A_103 : memref<20008x16xf32, #tpu.memory_space<hbm>>) dst(%arg26 : memref<128x16xf32, #tpu.memory_space<vmem>>)
      %add3A_104 = arith.constant 1 : i32
      %add3A_105 = arith.addi %add3A_94, %add3A_104 : i32
      %lt3A_106 = arith.constant 164 : i32
      %lt3A_107 = arith.cmpi slt, %add3A_105, %lt3A_106 : i32
      %convert_element_type3A_108 = arith.extui %lt3A_107 : i1 to i32
      %cond3A_109 = arith.constant 0 : i32
      %cond3A_110 = arith.cmpi ne, %convert_element_type3A_108, %cond3A_109 : i32
      scf.if %cond3A_110 {
        %add3A_121 = arith.constant 1 : i32
        %add3A_122 = arith.addi %add3A_94, %add3A_121 : i32
        %ge3A = arith.constant 2 : i32
        %ge3A_123 = arith.cmpi sge, %add3A_122, %ge3A : i32
        %convert_element_type3A_124 = arith.extui %ge3A_123 : i1 to i32
        %cond3A_125 = arith.constant 0 : i32
        %cond3A_126 = arith.cmpi ne, %convert_element_type3A_124, %cond3A_125 : i32
        scf.if %cond3A_126 {
          %dma_wait3A_141 = arith.constant 0 : i32
          %dma_wait3A_142 = arith.constant 0 : i32
          %dma_wait3A_143 = tpu.memref_slice %arg35[%dma_wait3A_141, %dma_wait3A_142] : memref<10016x64xf32, #tpu.memory_space<vmem_shared>> -> memref<10016x64xf32, #tpu.memory_space<vmem_shared>>
          tpu.wait_indirect_dma semaphore(%arg19 : memref<!tpu.dma_semaphore, #tpu.memory_space<semaphore_mem>>) src(%arg12 : memref<128x64xf32, #tpu.memory_space<vmem>>) dst(%dma_wait3A_143 : memref<10016x64xf32, #tpu.memory_space<vmem_shared>>)
          %dma_wait3A_144 = arith.constant 0 : i32
          %dma_wait3A_145 = arith.constant 0 : i32
          %dma_wait3A_146 = tpu.memref_slice %arg36[%dma_wait3A_144, %dma_wait3A_145] : memref<10016x16xf32, #tpu.memory_space<vmem_shared>> -> memref<10016x16xf32, #tpu.memory_space<vmem_shared>>
          tpu.wait_indirect_dma semaphore(%arg20 : memref<!tpu.dma_semaphore, #tpu.memory_space<semaphore_mem>>) src(%arg15 : memref<128x16xf32, #tpu.memory_space<vmem>>) dst(%dma_wait3A_146 : memref<10016x16xf32, #tpu.memory_space<vmem_shared>>)
        } else {
        }
        %mul3A_127 = arith.constant 128 : i32
        %mul3A_128 = arith.muli %add3A_122, %mul3A_127 : i32
        %parallel_loop3A_129 = arith.constant 0 : i32
        %parallel_loop3A_130 = arith.constant 8 : i32
        %parallel_loop3A_131 = arith.constant 1 : i32
        scf.for %parallel_loop3A_141 = %parallel_loop3A_129 to %parallel_loop3A_130 step %parallel_loop3A_131  : i32 {
          %parallel_loop3A_142 = arith.constant 16 : i32
          %parallel_loop3A_143 = arith.muli %parallel_loop3A_141, %parallel_loop3A_142 : i32
          %parallel_loop3A_144 = arith.addi %mul3A_128, %parallel_loop3A_143 : i32
          %parallel_loop3A_145 = arith.index_cast %parallel_loop3A_144 : i32 to index
          %parallel_loop3A_146 = tpu.vector_load %arg8[%parallel_loop3A_145] {strides = array<i32>} : memref<20992xi32, #tpu.memory_space<vmem>>, vector<16xi32>,
          %parallel_loop3A_147 = vector.shape_cast %parallel_loop3A_146 : vector<16xi32> to vector<16xi32>
          %parallel_loop3A_148 = arith.constant 16383 : i32
          %parallel_loop3A_149 = vector.broadcast %parallel_loop3A_148 : i32 to vector<16xi32>
          %parallel_loop3A_150 = arith.andi %parallel_loop3A_147, %parallel_loop3A_149 : vector<16xi32>
          %parallel_loop3A_151 = vector.broadcast %mul3A_21 : i32 to vector<16xi32>
          %parallel_loop3A_152 = arith.addi %parallel_loop3A_150, %parallel_loop3A_151 : vector<16xi32>
          %parallel_loop3A_153 = arith.constant 16 : i32
          %parallel_loop3A_154 = arith.muli %parallel_loop3A_141, %parallel_loop3A_153 : i32
          %parallel_loop3A_155 = arith.index_cast %parallel_loop3A_154 : i32 to index
          %parallel_loop3A_156 = tpu.vector_load %arg9[%parallel_loop3A_155] {strides = array<i32>} : memref<128xi32, #tpu.memory_space<vmem>>, vector<16xi32>,
          %parallel_loop3A_157 = vector.shape_cast %parallel_loop3A_156 : vector<16xi32> to vector<16xi32>
          %parallel_loop3A_158 = vector.shape_cast %parallel_loop3A_152 : vector<16xi32> to vector<16xi32>
          tpu.vector_store %arg9[%parallel_loop3A_155], %parallel_loop3A_158 {strides = array<i32>} : memref<128xi32, #tpu.memory_space<vmem>>, vector<16xi32>,
          %parallel_loop3A_159 = arith.constant 14 : i32
          %parallel_loop3A_160 = vector.broadcast %parallel_loop3A_159 : i32 to vector<16xi32>
          %parallel_loop3A_161 = arith.shrsi %parallel_loop3A_147, %parallel_loop3A_160 : vector<16xi32>
          %parallel_loop3A_162 = arith.constant 16 : i32
          %parallel_loop3A_163 = arith.muli %parallel_loop3A_141, %parallel_loop3A_162 : i32
          %parallel_loop3A_164 = arith.index_cast %parallel_loop3A_163 : i32 to index
          %parallel_loop3A_165 = tpu.vector_load %arg10[%parallel_loop3A_164] {strides = array<i32>} : memref<128xi32, #tpu.memory_space<vmem>>, vector<16xi32>,
          %parallel_loop3A_166 = vector.shape_cast %parallel_loop3A_165 : vector<16xi32> to vector<16xi32>
          %parallel_loop3A_167 = vector.shape_cast %parallel_loop3A_161 : vector<16xi32> to vector<16xi32>
          tpu.vector_store %arg10[%parallel_loop3A_164], %parallel_loop3A_167 {strides = array<i32>} : memref<128xi32, #tpu.memory_space<vmem>>, vector<16xi32>,
          %parallel_loop3A_168 = vector.broadcast %mul3A_21 : i32 to vector<16xi32>
          %parallel_loop3A_169 = arith.addi %parallel_loop3A_161, %parallel_loop3A_168 : vector<16xi32>
          %parallel_loop3A_170 = arith.constant 16 : i32
          %parallel_loop3A_171 = arith.muli %parallel_loop3A_141, %parallel_loop3A_170 : i32
          %parallel_loop3A_172 = arith.index_cast %parallel_loop3A_171 : i32 to index
          %parallel_loop3A_173 = tpu.vector_load %arg11[%parallel_loop3A_172] {strides = array<i32>} : memref<128xi32, #tpu.memory_space<vmem>>, vector<16xi32>,
          %parallel_loop3A_174 = vector.shape_cast %parallel_loop3A_173 : vector<16xi32> to vector<16xi32>
          %parallel_loop3A_175 = vector.shape_cast %parallel_loop3A_169 : vector<16xi32> to vector<16xi32>
          tpu.vector_store %arg11[%parallel_loop3A_172], %parallel_loop3A_175 {strides = array<i32>} : memref<128xi32, #tpu.memory_space<vmem>>, vector<16xi32>,
        } {sc.loop_unroll_factor = 4 : i64, sc.parallel_access}
        %dma_start3A_132 = arith.constant 0 : i32
        %dma_start3A_133 = arith.constant 0 : i32
        %dma_start3A_134 = tpu.memref_slice %arg2[%dma_start3A_132, %dma_start3A_133] : memref<20008x64xf32, #tpu.memory_space<hbm>> -> memref<20008x64xf32, #tpu.memory_space<hbm>>
        tpu.enqueue_indirect_dma source(%dma_start3A_134 : memref<20008x64xf32, #tpu.memory_space<hbm>>) target(%arg12 : memref<128x64xf32, #tpu.memory_space<vmem>>) offsets(%arg9 : memref<128xi32, #tpu.memory_space<vmem>>) semaphore(%arg16 : memref<!tpu.dma_semaphore, #tpu.memory_space<semaphore_mem>>)
        %dma_start3A_135 = arith.constant 0 : i32
        %dma_start3A_136 = arith.constant 0 : i32
        %dma_start3A_137 = tpu.memref_slice %arg3[%dma_start3A_135, %dma_start3A_136] : memref<20008x16xf32, #tpu.memory_space<hbm>> -> memref<20008x16xf32, #tpu.memory_space<hbm>>
        tpu.enqueue_indirect_dma source(%dma_start3A_137 : memref<20008x16xf32, #tpu.memory_space<hbm>>) target(%arg13 : memref<128x16xf32, #tpu.memory_space<vmem>>) offsets(%arg9 : memref<128xi32, #tpu.memory_space<vmem>>) semaphore(%arg17 : memref<!tpu.dma_semaphore, #tpu.memory_space<semaphore_mem>>)
        %dma_start3A_138 = arith.constant 0 : i32
        %dma_start3A_139 = arith.constant 0 : i32
        %dma_start3A_140 = tpu.memref_slice %arg4[%dma_start3A_138, %dma_start3A_139] : memref<20008x16xf32, #tpu.memory_space<hbm>> -> memref<20008x16xf32, #tpu.memory_space<hbm>>
        tpu.enqueue_indirect_dma source(%dma_start3A_140 : memref<20008x16xf32, #tpu.memory_space<hbm>>) target(%arg14 : memref<128x16xf32, #tpu.memory_space<vmem>>) offsets(%arg11 : memref<128xi32, #tpu.memory_space<vmem>>) semaphore(%arg18 : memref<!tpu.dma_semaphore, #tpu.memory_space<semaphore_mem>>)
      } else {
      }
      %parallel_loop3A_111 = arith.constant 0 : i32
      %parallel_loop3A_112 = arith.constant 128 : i32
      %parallel_loop3A_113 = arith.constant 1 : i32
      scf.for %parallel_loop3A_121 = %parallel_loop3A_111 to %parallel_loop3A_112 step %parallel_loop3A_113  : i32 {
        %parallel_loop3A_122 = arith.index_cast %parallel_loop3A_121 : i32 to index
        %parallel_loop3A_123 = arith.constant 0 : index
        %parallel_loop3A_124 = tpu.vector_load %arg25[%parallel_loop3A_122, %parallel_loop3A_123] {strides = array<i32>} : memref<128x16xf32, #tpu.memory_space<vmem>>, vector<1x16xf32>,
        %parallel_loop3A_125 = vector.shape_cast %parallel_loop3A_124 : vector<1x16xf32> to vector<16xf32>
        %parallel_loop3A_126 = arith.index_cast %parallel_loop3A_121 : i32 to index
        %parallel_loop3A_127 = arith.constant 0 : index
        %parallel_loop3A_128 = tpu.vector_load %arg26[%parallel_loop3A_126, %parallel_loop3A_127] {strides = array<i32>} : memref<128x16xf32, #tpu.memory_space<vmem>>, vector<1x16xf32>,
        %parallel_loop3A_129 = vector.shape_cast %parallel_loop3A_128 : vector<1x16xf32> to vector<16xf32>
        %parallel_loop3A_130 = arith.addf %parallel_loop3A_125, %parallel_loop3A_129 : vector<16xf32>
        %parallel_loop3A_131 = arith.constant 2.000000e-01 : f32
        %parallel_loop3A_132 = vector.broadcast %parallel_loop3A_131 : f32 to vector<16xf32>
        %parallel_loop3A_133 = arith.mulf %parallel_loop3A_132, %parallel_loop3A_130 : vector<16xf32>
        %parallel_loop3A_134 = arith.maximumf %parallel_loop3A_130, %parallel_loop3A_133 : vector<16xf32>
        %parallel_loop3A_135 = math.exp %parallel_loop3A_134 : vector<16xf32>
        %parallel_loop3A_136 = arith.index_cast %parallel_loop3A_121 : i32 to index
        %parallel_loop3A_137 = arith.constant 0 : index
        %parallel_loop3A_138 = tpu.vector_load %arg27[%parallel_loop3A_136, %parallel_loop3A_137] {strides = array<i32>} : memref<128x16xf32, #tpu.memory_space<vmem>>, vector<1x16xf32>,
        %parallel_loop3A_139 = vector.shape_cast %parallel_loop3A_138 : vector<1x16xf32> to vector<16xf32>
        %parallel_loop3A_140 = vector.shape_cast %parallel_loop3A_135 : vector<16xf32> to vector<1x16xf32>
        tpu.vector_store %arg27[%parallel_loop3A_136, %parallel_loop3A_137], %parallel_loop3A_140 {strides = array<i32>} : memref<128x16xf32, #tpu.memory_space<vmem>>, vector<1x16xf32>,
        %parallel_loop3A_141 = vector.extract_strided_slice %parallel_loop3A_135 {offsets = [0], sizes = [1], strides = [1]} : vector<16xf32> to vector<1xf32>
        %parallel_loop3A_142 = vector.extract %parallel_loop3A_141[0] : f32 from vector<1xf32>
        %parallel_loop3A_143 = vector.broadcast %parallel_loop3A_142 : f32 to vector<16xf32>
        %parallel_loop3A_144 = arith.index_cast %parallel_loop3A_121 : i32 to index
        %parallel_loop3A_145 = arith.constant 0 : index
        %parallel_loop3A_146 = tpu.vector_load %arg24[%parallel_loop3A_144, %parallel_loop3A_145] {strides = array<i32>} : memref<128x64xf32, #tpu.memory_space<vmem>>, vector<1x16xf32>,
        %parallel_loop3A_147 = vector.shape_cast %parallel_loop3A_146 : vector<1x16xf32> to vector<16xf32>
        %parallel_loop3A_148 = arith.mulf %parallel_loop3A_147, %parallel_loop3A_143 : vector<16xf32>
        %parallel_loop3A_149 = arith.index_cast %parallel_loop3A_121 : i32 to index
        %parallel_loop3A_150 = arith.constant 0 : index
        %parallel_loop3A_151 = tpu.vector_load %arg24[%parallel_loop3A_149, %parallel_loop3A_150] {strides = array<i32>} : memref<128x64xf32, #tpu.memory_space<vmem>>, vector<1x16xf32>,
        %parallel_loop3A_152 = vector.shape_cast %parallel_loop3A_151 : vector<1x16xf32> to vector<16xf32>
        %parallel_loop3A_153 = vector.shape_cast %parallel_loop3A_148 : vector<16xf32> to vector<1x16xf32>
        tpu.vector_store %arg24[%parallel_loop3A_149, %parallel_loop3A_150], %parallel_loop3A_153 {strides = array<i32>} : memref<128x64xf32, #tpu.memory_space<vmem>>, vector<1x16xf32>,
        %parallel_loop3A_154 = vector.extract_strided_slice %parallel_loop3A_135 {offsets = [1], sizes = [1], strides = [1]} : vector<16xf32> to vector<1xf32>
        %parallel_loop3A_155 = vector.extract %parallel_loop3A_154[0] : f32 from vector<1xf32>
        %parallel_loop3A_156 = vector.broadcast %parallel_loop3A_155 : f32 to vector<16xf32>
        %parallel_loop3A_157 = arith.index_cast %parallel_loop3A_121 : i32 to index
        %parallel_loop3A_158 = arith.constant 16 : index
        %parallel_loop3A_159 = tpu.vector_load %arg24[%parallel_loop3A_157, %parallel_loop3A_158] {strides = array<i32>} : memref<128x64xf32, #tpu.memory_space<vmem>>, vector<1x16xf32>,
        %parallel_loop3A_160 = vector.shape_cast %parallel_loop3A_159 : vector<1x16xf32> to vector<16xf32>
        %parallel_loop3A_161 = arith.mulf %parallel_loop3A_160, %parallel_loop3A_156 : vector<16xf32>
        %parallel_loop3A_162 = arith.index_cast %parallel_loop3A_121 : i32 to index
        %parallel_loop3A_163 = arith.constant 16 : index
        %parallel_loop3A_164 = tpu.vector_load %arg24[%parallel_loop3A_162, %parallel_loop3A_163] {strides = array<i32>} : memref<128x64xf32, #tpu.memory_space<vmem>>, vector<1x16xf32>,
        %parallel_loop3A_165 = vector.shape_cast %parallel_loop3A_164 : vector<1x16xf32> to vector<16xf32>
        %parallel_loop3A_166 = vector.shape_cast %parallel_loop3A_161 : vector<16xf32> to vector<1x16xf32>
        tpu.vector_store %arg24[%parallel_loop3A_162, %parallel_loop3A_163], %parallel_loop3A_166 {strides = array<i32>} : memref<128x64xf32, #tpu.memory_space<vmem>>, vector<1x16xf32>,
        %parallel_loop3A_167 = vector.extract_strided_slice %parallel_loop3A_135 {offsets = [2], sizes = [1], strides = [1]} : vector<16xf32> to vector<1xf32>
        %parallel_loop3A_168 = vector.extract %parallel_loop3A_167[0] : f32 from vector<1xf32>
        %parallel_loop3A_169 = vector.broadcast %parallel_loop3A_168 : f32 to vector<16xf32>
        %parallel_loop3A_170 = arith.index_cast %parallel_loop3A_121 : i32 to index
        %parallel_loop3A_171 = arith.constant 32 : index
        %parallel_loop3A_172 = tpu.vector_load %arg24[%parallel_loop3A_170, %parallel_loop3A_171] {strides = array<i32>} : memref<128x64xf32, #tpu.memory_space<vmem>>, vector<1x16xf32>,
        %parallel_loop3A_173 = vector.shape_cast %parallel_loop3A_172 : vector<1x16xf32> to vector<16xf32>
        %parallel_loop3A_174 = arith.mulf %parallel_loop3A_173, %parallel_loop3A_169 : vector<16xf32>
        %parallel_loop3A_175 = arith.index_cast %parallel_loop3A_121 : i32 to index
        %parallel_loop3A_176 = arith.constant 32 : index
        %parallel_loop3A_177 = tpu.vector_load %arg24[%parallel_loop3A_175, %parallel_loop3A_176] {strides = array<i32>} : memref<128x64xf32, #tpu.memory_space<vmem>>, vector<1x16xf32>,
        %parallel_loop3A_178 = vector.shape_cast %parallel_loop3A_177 : vector<1x16xf32> to vector<16xf32>
        %parallel_loop3A_179 = vector.shape_cast %parallel_loop3A_174 : vector<16xf32> to vector<1x16xf32>
        tpu.vector_store %arg24[%parallel_loop3A_175, %parallel_loop3A_176], %parallel_loop3A_179 {strides = array<i32>} : memref<128x64xf32, #tpu.memory_space<vmem>>, vector<1x16xf32>,
        %parallel_loop3A_180 = vector.extract_strided_slice %parallel_loop3A_135 {offsets = [3], sizes = [1], strides = [1]} : vector<16xf32> to vector<1xf32>
        %parallel_loop3A_181 = vector.extract %parallel_loop3A_180[0] : f32 from vector<1xf32>
        %parallel_loop3A_182 = vector.broadcast %parallel_loop3A_181 : f32 to vector<16xf32>
        %parallel_loop3A_183 = arith.index_cast %parallel_loop3A_121 : i32 to index
        %parallel_loop3A_184 = arith.constant 48 : index
        %parallel_loop3A_185 = tpu.vector_load %arg24[%parallel_loop3A_183, %parallel_loop3A_184] {strides = array<i32>} : memref<128x64xf32, #tpu.memory_space<vmem>>, vector<1x16xf32>,
        %parallel_loop3A_186 = vector.shape_cast %parallel_loop3A_185 : vector<1x16xf32> to vector<16xf32>
        %parallel_loop3A_187 = arith.mulf %parallel_loop3A_186, %parallel_loop3A_182 : vector<16xf32>
        %parallel_loop3A_188 = arith.index_cast %parallel_loop3A_121 : i32 to index
        %parallel_loop3A_189 = arith.constant 48 : index
        %parallel_loop3A_190 = tpu.vector_load %arg24[%parallel_loop3A_188, %parallel_loop3A_189] {strides = array<i32>} : memref<128x64xf32, #tpu.memory_space<vmem>>, vector<1x16xf32>,
        %parallel_loop3A_191 = vector.shape_cast %parallel_loop3A_190 : vector<1x16xf32> to vector<16xf32>
        %parallel_loop3A_192 = vector.shape_cast %parallel_loop3A_187 : vector<16xf32> to vector<1x16xf32>
        tpu.vector_store %arg24[%parallel_loop3A_188, %parallel_loop3A_189], %parallel_loop3A_192 {strides = array<i32>} : memref<128x64xf32, #tpu.memory_space<vmem>>, vector<1x16xf32>,
      } {sc.loop_unroll_factor = 16 : i64, sc.parallel_access}
      %dma_start3A_114 = arith.constant 0 : i32
      %dma_start3A_115 = arith.constant 0 : i32
      %dma_start3A_116 = tpu.memref_slice %arg35[%dma_start3A_114, %dma_start3A_115] : memref<10016x64xf32, #tpu.memory_space<vmem_shared>> -> memref<10016x64xf32, #tpu.memory_space<vmem_shared>>
      tpu.enqueue_indirect_dma source(%arg24 : memref<128x64xf32, #tpu.memory_space<vmem>>) target(%dma_start3A_116 : memref<10016x64xf32, #tpu.memory_space<vmem_shared>>) offsets(%arg22 : memref<128xi32, #tpu.memory_space<vmem>>) semaphore(%arg31 : memref<!tpu.dma_semaphore, #tpu.memory_space<semaphore_mem>>) {add = true}
      %dma_start3A_117 = arith.constant 0 : i32
      %dma_start3A_118 = arith.constant 0 : i32
      %dma_start3A_119 = tpu.memref_slice %arg36[%dma_start3A_117, %dma_start3A_118] : memref<10016x16xf32, #tpu.memory_space<vmem_shared>> -> memref<10016x16xf32, #tpu.memory_space<vmem_shared>>
      tpu.enqueue_indirect_dma source(%arg27 : memref<128x16xf32, #tpu.memory_space<vmem>>) target(%dma_start3A_119 : memref<10016x16xf32, #tpu.memory_space<vmem_shared>>) offsets(%arg22 : memref<128xi32, #tpu.memory_space<vmem>>) semaphore(%arg32 : memref<!tpu.dma_semaphore, #tpu.memory_space<semaphore_mem>>) {add = true}
      %scan3A_120 = arith.constant 0 : i32
      scf.yield %scan3A_120 : i32
    }
    %scan3A_39 = arith.constant 82 : i32
    %dma_wait3A_40 = arith.constant 0 : i32
    %dma_wait3A_41 = arith.constant 0 : i32
    %dma_wait3A_42 = tpu.memref_slice %arg35[%dma_wait3A_40, %dma_wait3A_41] : memref<10016x64xf32, #tpu.memory_space<vmem_shared>> -> memref<10016x64xf32, #tpu.memory_space<vmem_shared>>
    tpu.wait_indirect_dma semaphore(%arg19 : memref<!tpu.dma_semaphore, #tpu.memory_space<semaphore_mem>>) src(%arg12 : memref<128x64xf32, #tpu.memory_space<vmem>>) dst(%dma_wait3A_42 : memref<10016x64xf32, #tpu.memory_space<vmem_shared>>)
    %dma_wait3A_43 = arith.constant 0 : i32
    %dma_wait3A_44 = arith.constant 0 : i32
    %dma_wait3A_45 = tpu.memref_slice %arg36[%dma_wait3A_43, %dma_wait3A_44] : memref<10016x16xf32, #tpu.memory_space<vmem_shared>> -> memref<10016x16xf32, #tpu.memory_space<vmem_shared>>
    tpu.wait_indirect_dma semaphore(%arg20 : memref<!tpu.dma_semaphore, #tpu.memory_space<semaphore_mem>>) src(%arg15 : memref<128x16xf32, #tpu.memory_space<vmem>>) dst(%dma_wait3A_45 : memref<10016x16xf32, #tpu.memory_space<vmem_shared>>)
    %dma_wait3A_46 = arith.constant 0 : i32
    %dma_wait3A_47 = arith.constant 0 : i32
    %dma_wait3A_48 = tpu.memref_slice %arg35[%dma_wait3A_46, %dma_wait3A_47] : memref<10016x64xf32, #tpu.memory_space<vmem_shared>> -> memref<10016x64xf32, #tpu.memory_space<vmem_shared>>
    tpu.wait_indirect_dma semaphore(%arg31 : memref<!tpu.dma_semaphore, #tpu.memory_space<semaphore_mem>>) src(%arg24 : memref<128x64xf32, #tpu.memory_space<vmem>>) dst(%dma_wait3A_48 : memref<10016x64xf32, #tpu.memory_space<vmem_shared>>)
    %dma_wait3A_49 = arith.constant 0 : i32
    %dma_wait3A_50 = arith.constant 0 : i32
    %dma_wait3A_51 = tpu.memref_slice %arg36[%dma_wait3A_49, %dma_wait3A_50] : memref<10016x16xf32, #tpu.memory_space<vmem_shared>> -> memref<10016x16xf32, #tpu.memory_space<vmem_shared>>
    tpu.wait_indirect_dma semaphore(%arg32 : memref<!tpu.dma_semaphore, #tpu.memory_space<semaphore_mem>>) src(%arg27 : memref<128x16xf32, #tpu.memory_space<vmem>>) dst(%dma_wait3A_51 : memref<10016x16xf32, #tpu.memory_space<vmem_shared>>)
    %barrier3A_52 = arith.constant 0 : index
    tpu.barrier barrier_id(%barrier3A_52)
    "tpu.region"() ({
      %run_scoped3A = tpu.sem_alloc : memref<!tpu.dma_semaphore, #tpu.memory_space<semaphore_mem>>
      %dma_start3A_63 = arith.constant 0 : i32
      %dma_start3A_64 = tpu.memref_slice %arg6[%arg0, %mul3A_9, %dma_start3A_63] : memref<2x10016x64xf32, #tpu.memory_space<hbm>> -> memref<1x128x64xf32, #tpu.memory_space<hbm>>
      %dma_start3A_65 = tpu.memref_squeeze %dma_start3A_64 : memref<1x128x64xf32, #tpu.memory_space<hbm>> -> memref<128x64xf32, #tpu.memory_space<hbm>>
      %dma_start3A_66 = arith.constant 0 : i32
      %dma_start3A_67 = tpu.memref_slice %arg35[%mul3A_9, %dma_start3A_66] : memref<10016x64xf32, #tpu.memory_space<vmem_shared>> -> memref<128x64xf32, #tpu.memory_space<vmem_shared>>
      tpu.enqueue_dma source(%dma_start3A_67 : memref<128x64xf32, #tpu.memory_space<vmem_shared>>) target(%dma_start3A_65 : memref<128x64xf32, #tpu.memory_space<hbm>>) target_semaphore(%run_scoped3A : memref<!tpu.dma_semaphore, #tpu.memory_space<semaphore_mem>>)
      %dma_wait3A_68 = arith.constant 0 : i32
      %dma_wait3A_69 = tpu.memref_slice %arg6[%arg0, %mul3A_9, %dma_wait3A_68] : memref<2x10016x64xf32, #tpu.memory_space<hbm>> -> memref<1x128x64xf32, #tpu.memory_space<hbm>>
      %dma_wait3A_70 = tpu.memref_squeeze %dma_wait3A_69 : memref<1x128x64xf32, #tpu.memory_space<hbm>> -> memref<128x64xf32, #tpu.memory_space<hbm>>
      %dma_wait3A_71 = arith.constant 0 : i32
      %dma_wait3A_72 = tpu.memref_slice %arg35[%mul3A_9, %dma_wait3A_71] : memref<10016x64xf32, #tpu.memory_space<vmem_shared>> -> memref<128x64xf32, #tpu.memory_space<vmem_shared>>
      tpu.wait_dma2 semaphore(%run_scoped3A : memref<!tpu.dma_semaphore, #tpu.memory_space<semaphore_mem>>) src(%dma_wait3A_72 : memref<128x64xf32, #tpu.memory_space<vmem_shared>>) dst(%dma_wait3A_70 : memref<128x64xf32, #tpu.memory_space<hbm>>)
      tpu.yield
    }) : () -> ()
    "tpu.region"() ({
      %run_scoped3A = tpu.sem_alloc : memref<!tpu.dma_semaphore, #tpu.memory_space<semaphore_mem>>
      %dma_start3A_63 = arith.constant 0 : i32
      %dma_start3A_64 = tpu.memref_slice %arg7[%arg0, %mul3A_9, %dma_start3A_63] : memref<2x10016x16xf32, #tpu.memory_space<hbm>> -> memref<1x128x16xf32, #tpu.memory_space<hbm>>
      %dma_start3A_65 = tpu.memref_squeeze %dma_start3A_64 : memref<1x128x16xf32, #tpu.memory_space<hbm>> -> memref<128x16xf32, #tpu.memory_space<hbm>>
      %dma_start3A_66 = arith.constant 0 : i32
      %dma_start3A_67 = tpu.memref_slice %arg36[%mul3A_9, %dma_start3A_66] : memref<10016x16xf32, #tpu.memory_space<vmem_shared>> -> memref<128x16xf32, #tpu.memory_space<vmem_shared>>
      tpu.enqueue_dma source(%dma_start3A_67 : memref<128x16xf32, #tpu.memory_space<vmem_shared>>) target(%dma_start3A_65 : memref<128x16xf32, #tpu.memory_space<hbm>>) target_semaphore(%run_scoped3A : memref<!tpu.dma_semaphore, #tpu.memory_space<semaphore_mem>>)
      %dma_wait3A_68 = arith.constant 0 : i32
      %dma_wait3A_69 = tpu.memref_slice %arg7[%arg0, %mul3A_9, %dma_wait3A_68] : memref<2x10016x16xf32, #tpu.memory_space<hbm>> -> memref<1x128x16xf32, #tpu.memory_space<hbm>>
      %dma_wait3A_70 = tpu.memref_squeeze %dma_wait3A_69 : memref<1x128x16xf32, #tpu.memory_space<hbm>> -> memref<128x16xf32, #tpu.memory_space<hbm>>
      %dma_wait3A_71 = arith.constant 0 : i32
      %dma_wait3A_72 = tpu.memref_slice %arg36[%mul3A_9, %dma_wait3A_71] : memref<10016x16xf32, #tpu.memory_space<vmem_shared>> -> memref<128x16xf32, #tpu.memory_space<vmem_shared>>
      tpu.wait_dma2 semaphore(%run_scoped3A : memref<!tpu.dma_semaphore, #tpu.memory_space<semaphore_mem>>) src(%dma_wait3A_72 : memref<128x16xf32, #tpu.memory_space<vmem_shared>>) dst(%dma_wait3A_70 : memref<128x16xf32, #tpu.memory_space<hbm>>)
      tpu.yield
    }) : () -> ()
    %add3A_53 = arith.constant 128 : i32
    %add3A_54 = arith.addi %mul3A_9, %add3A_53 : i32
    "tpu.region"() ({
      %run_scoped3A = tpu.sem_alloc : memref<!tpu.dma_semaphore, #tpu.memory_space<semaphore_mem>>
      %dma_start3A_63 = arith.constant 0 : i32
      %dma_start3A_64 = tpu.memref_slice %arg6[%arg0, %add3A_54, %dma_start3A_63] : memref<2x10016x64xf32, #tpu.memory_space<hbm>> -> memref<1x128x64xf32, #tpu.memory_space<hbm>>
      %dma_start3A_65 = tpu.memref_squeeze %dma_start3A_64 : memref<1x128x64xf32, #tpu.memory_space<hbm>> -> memref<128x64xf32, #tpu.memory_space<hbm>>
      %dma_start3A_66 = arith.constant 0 : i32
      %dma_start3A_67 = tpu.memref_slice %arg35[%add3A_54, %dma_start3A_66] : memref<10016x64xf32, #tpu.memory_space<vmem_shared>> -> memref<128x64xf32, #tpu.memory_space<vmem_shared>>
      tpu.enqueue_dma source(%dma_start3A_67 : memref<128x64xf32, #tpu.memory_space<vmem_shared>>) target(%dma_start3A_65 : memref<128x64xf32, #tpu.memory_space<hbm>>) target_semaphore(%run_scoped3A : memref<!tpu.dma_semaphore, #tpu.memory_space<semaphore_mem>>)
      %dma_wait3A_68 = arith.constant 0 : i32
      %dma_wait3A_69 = tpu.memref_slice %arg6[%arg0, %add3A_54, %dma_wait3A_68] : memref<2x10016x64xf32, #tpu.memory_space<hbm>> -> memref<1x128x64xf32, #tpu.memory_space<hbm>>
      %dma_wait3A_70 = tpu.memref_squeeze %dma_wait3A_69 : memref<1x128x64xf32, #tpu.memory_space<hbm>> -> memref<128x64xf32, #tpu.memory_space<hbm>>
      %dma_wait3A_71 = arith.constant 0 : i32
      %dma_wait3A_72 = tpu.memref_slice %arg35[%add3A_54, %dma_wait3A_71] : memref<10016x64xf32, #tpu.memory_space<vmem_shared>> -> memref<128x64xf32, #tpu.memory_space<vmem_shared>>
      tpu.wait_dma2 semaphore(%run_scoped3A : memref<!tpu.dma_semaphore, #tpu.memory_space<semaphore_mem>>) src(%dma_wait3A_72 : memref<128x64xf32, #tpu.memory_space<vmem_shared>>) dst(%dma_wait3A_70 : memref<128x64xf32, #tpu.memory_space<hbm>>)
      tpu.yield
    }) : () -> ()
    "tpu.region"() ({
      %run_scoped3A = tpu.sem_alloc : memref<!tpu.dma_semaphore, #tpu.memory_space<semaphore_mem>>
      %dma_start3A_63 = arith.constant 0 : i32
      %dma_start3A_64 = tpu.memref_slice %arg7[%arg0, %add3A_54, %dma_start3A_63] : memref<2x10016x16xf32, #tpu.memory_space<hbm>> -> memref<1x128x16xf32, #tpu.memory_space<hbm>>
      %dma_start3A_65 = tpu.memref_squeeze %dma_start3A_64 : memref<1x128x16xf32, #tpu.memory_space<hbm>> -> memref<128x16xf32, #tpu.memory_space<hbm>>
      %dma_start3A_66 = arith.constant 0 : i32
      %dma_start3A_67 = tpu.memref_slice %arg36[%add3A_54, %dma_start3A_66] : memref<10016x16xf32, #tpu.memory_space<vmem_shared>> -> memref<128x16xf32, #tpu.memory_space<vmem_shared>>
      tpu.enqueue_dma source(%dma_start3A_67 : memref<128x16xf32, #tpu.memory_space<vmem_shared>>) target(%dma_start3A_65 : memref<128x16xf32, #tpu.memory_space<hbm>>) target_semaphore(%run_scoped3A : memref<!tpu.dma_semaphore, #tpu.memory_space<semaphore_mem>>)
      %dma_wait3A_68 = arith.constant 0 : i32
      %dma_wait3A_69 = tpu.memref_slice %arg7[%arg0, %add3A_54, %dma_wait3A_68] : memref<2x10016x16xf32, #tpu.memory_space<hbm>> -> memref<1x128x16xf32, #tpu.memory_space<hbm>>
      %dma_wait3A_70 = tpu.memref_squeeze %dma_wait3A_69 : memref<1x128x16xf32, #tpu.memory_space<hbm>> -> memref<128x16xf32, #tpu.memory_space<hbm>>
      %dma_wait3A_71 = arith.constant 0 : i32
      %dma_wait3A_72 = tpu.memref_slice %arg36[%add3A_54, %dma_wait3A_71] : memref<10016x16xf32, #tpu.memory_space<vmem_shared>> -> memref<128x16xf32, #tpu.memory_space<vmem_shared>>
      tpu.wait_dma2 semaphore(%run_scoped3A : memref<!tpu.dma_semaphore, #tpu.memory_space<semaphore_mem>>) src(%dma_wait3A_72 : memref<128x16xf32, #tpu.memory_space<vmem_shared>>) dst(%dma_wait3A_70 : memref<128x16xf32, #tpu.memory_space<hbm>>)
      tpu.yield
    }) : () -> ()
    %add3A_55 = arith.constant 128 : i32
    %add3A_56 = arith.addi %add3A_54, %add3A_55 : i32
    "tpu.region"() ({
      %run_scoped3A = tpu.sem_alloc : memref<!tpu.dma_semaphore, #tpu.memory_space<semaphore_mem>>
      %dma_start3A_63 = arith.constant 0 : i32
      %dma_start3A_64 = tpu.memref_slice %arg6[%arg0, %add3A_56, %dma_start3A_63] : memref<2x10016x64xf32, #tpu.memory_space<hbm>> -> memref<1x128x64xf32, #tpu.memory_space<hbm>>
      %dma_start3A_65 = tpu.memref_squeeze %dma_start3A_64 : memref<1x128x64xf32, #tpu.memory_space<hbm>> -> memref<128x64xf32, #tpu.memory_space<hbm>>
      %dma_start3A_66 = arith.constant 0 : i32
      %dma_start3A_67 = tpu.memref_slice %arg35[%add3A_56, %dma_start3A_66] : memref<10016x64xf32, #tpu.memory_space<vmem_shared>> -> memref<128x64xf32, #tpu.memory_space<vmem_shared>>
      tpu.enqueue_dma source(%dma_start3A_67 : memref<128x64xf32, #tpu.memory_space<vmem_shared>>) target(%dma_start3A_65 : memref<128x64xf32, #tpu.memory_space<hbm>>) target_semaphore(%run_scoped3A : memref<!tpu.dma_semaphore, #tpu.memory_space<semaphore_mem>>)
      %dma_wait3A_68 = arith.constant 0 : i32
      %dma_wait3A_69 = tpu.memref_slice %arg6[%arg0, %add3A_56, %dma_wait3A_68] : memref<2x10016x64xf32, #tpu.memory_space<hbm>> -> memref<1x128x64xf32, #tpu.memory_space<hbm>>
      %dma_wait3A_70 = tpu.memref_squeeze %dma_wait3A_69 : memref<1x128x64xf32, #tpu.memory_space<hbm>> -> memref<128x64xf32, #tpu.memory_space<hbm>>
      %dma_wait3A_71 = arith.constant 0 : i32
      %dma_wait3A_72 = tpu.memref_slice %arg35[%add3A_56, %dma_wait3A_71] : memref<10016x64xf32, #tpu.memory_space<vmem_shared>> -> memref<128x64xf32, #tpu.memory_space<vmem_shared>>
      tpu.wait_dma2 semaphore(%run_scoped3A : memref<!tpu.dma_semaphore, #tpu.memory_space<semaphore_mem>>) src(%dma_wait3A_72 : memref<128x64xf32, #tpu.memory_space<vmem_shared>>) dst(%dma_wait3A_70 : memref<128x64xf32, #tpu.memory_space<hbm>>)
      tpu.yield
    }) : () -> ()
    "tpu.region"() ({
      %run_scoped3A = tpu.sem_alloc : memref<!tpu.dma_semaphore, #tpu.memory_space<semaphore_mem>>
      %dma_start3A_63 = arith.constant 0 : i32
      %dma_start3A_64 = tpu.memref_slice %arg7[%arg0, %add3A_56, %dma_start3A_63] : memref<2x10016x16xf32, #tpu.memory_space<hbm>> -> memref<1x128x16xf32, #tpu.memory_space<hbm>>
      %dma_start3A_65 = tpu.memref_squeeze %dma_start3A_64 : memref<1x128x16xf32, #tpu.memory_space<hbm>> -> memref<128x16xf32, #tpu.memory_space<hbm>>
      %dma_start3A_66 = arith.constant 0 : i32
      %dma_start3A_67 = tpu.memref_slice %arg36[%add3A_56, %dma_start3A_66] : memref<10016x16xf32, #tpu.memory_space<vmem_shared>> -> memref<128x16xf32, #tpu.memory_space<vmem_shared>>
      tpu.enqueue_dma source(%dma_start3A_67 : memref<128x16xf32, #tpu.memory_space<vmem_shared>>) target(%dma_start3A_65 : memref<128x16xf32, #tpu.memory_space<hbm>>) target_semaphore(%run_scoped3A : memref<!tpu.dma_semaphore, #tpu.memory_space<semaphore_mem>>)
      %dma_wait3A_68 = arith.constant 0 : i32
      %dma_wait3A_69 = tpu.memref_slice %arg7[%arg0, %add3A_56, %dma_wait3A_68] : memref<2x10016x16xf32, #tpu.memory_space<hbm>> -> memref<1x128x16xf32, #tpu.memory_space<hbm>>
      %dma_wait3A_70 = tpu.memref_squeeze %dma_wait3A_69 : memref<1x128x16xf32, #tpu.memory_space<hbm>> -> memref<128x16xf32, #tpu.memory_space<hbm>>
      %dma_wait3A_71 = arith.constant 0 : i32
      %dma_wait3A_72 = tpu.memref_slice %arg36[%add3A_56, %dma_wait3A_71] : memref<10016x16xf32, #tpu.memory_space<vmem_shared>> -> memref<128x16xf32, #tpu.memory_space<vmem_shared>>
      tpu.wait_dma2 semaphore(%run_scoped3A : memref<!tpu.dma_semaphore, #tpu.memory_space<semaphore_mem>>) src(%dma_wait3A_72 : memref<128x16xf32, #tpu.memory_space<vmem_shared>>) dst(%dma_wait3A_70 : memref<128x16xf32, #tpu.memory_space<hbm>>)
      tpu.yield
    }) : () -> ()
    %add3A_57 = arith.constant 128 : i32
    %add3A_58 = arith.addi %add3A_56, %add3A_57 : i32
    "tpu.region"() ({
      %run_scoped3A = tpu.sem_alloc : memref<!tpu.dma_semaphore, #tpu.memory_space<semaphore_mem>>
      %dma_start3A_63 = arith.constant 0 : i32
      %dma_start3A_64 = tpu.memref_slice %arg6[%arg0, %add3A_58, %dma_start3A_63] : memref<2x10016x64xf32, #tpu.memory_space<hbm>> -> memref<1x128x64xf32, #tpu.memory_space<hbm>>
      %dma_start3A_65 = tpu.memref_squeeze %dma_start3A_64 : memref<1x128x64xf32, #tpu.memory_space<hbm>> -> memref<128x64xf32, #tpu.memory_space<hbm>>
      %dma_start3A_66 = arith.constant 0 : i32
      %dma_start3A_67 = tpu.memref_slice %arg35[%add3A_58, %dma_start3A_66] : memref<10016x64xf32, #tpu.memory_space<vmem_shared>> -> memref<128x64xf32, #tpu.memory_space<vmem_shared>>
      tpu.enqueue_dma source(%dma_start3A_67 : memref<128x64xf32, #tpu.memory_space<vmem_shared>>) target(%dma_start3A_65 : memref<128x64xf32, #tpu.memory_space<hbm>>) target_semaphore(%run_scoped3A : memref<!tpu.dma_semaphore, #tpu.memory_space<semaphore_mem>>)
      %dma_wait3A_68 = arith.constant 0 : i32
      %dma_wait3A_69 = tpu.memref_slice %arg6[%arg0, %add3A_58, %dma_wait3A_68] : memref<2x10016x64xf32, #tpu.memory_space<hbm>> -> memref<1x128x64xf32, #tpu.memory_space<hbm>>
      %dma_wait3A_70 = tpu.memref_squeeze %dma_wait3A_69 : memref<1x128x64xf32, #tpu.memory_space<hbm>> -> memref<128x64xf32, #tpu.memory_space<hbm>>
      %dma_wait3A_71 = arith.constant 0 : i32
      %dma_wait3A_72 = tpu.memref_slice %arg35[%add3A_58, %dma_wait3A_71] : memref<10016x64xf32, #tpu.memory_space<vmem_shared>> -> memref<128x64xf32, #tpu.memory_space<vmem_shared>>
      tpu.wait_dma2 semaphore(%run_scoped3A : memref<!tpu.dma_semaphore, #tpu.memory_space<semaphore_mem>>) src(%dma_wait3A_72 : memref<128x64xf32, #tpu.memory_space<vmem_shared>>) dst(%dma_wait3A_70 : memref<128x64xf32, #tpu.memory_space<hbm>>)
      tpu.yield
    }) : () -> ()
    "tpu.region"() ({
      %run_scoped3A = tpu.sem_alloc : memref<!tpu.dma_semaphore, #tpu.memory_space<semaphore_mem>>
      %dma_start3A_63 = arith.constant 0 : i32
      %dma_start3A_64 = tpu.memref_slice %arg7[%arg0, %add3A_58, %dma_start3A_63] : memref<2x10016x16xf32, #tpu.memory_space<hbm>> -> memref<1x128x16xf32, #tpu.memory_space<hbm>>
      %dma_start3A_65 = tpu.memref_squeeze %dma_start3A_64 : memref<1x128x16xf32, #tpu.memory_space<hbm>> -> memref<128x16xf32, #tpu.memory_space<hbm>>
      %dma_start3A_66 = arith.constant 0 : i32
      %dma_start3A_67 = tpu.memref_slice %arg36[%add3A_58, %dma_start3A_66] : memref<10016x16xf32, #tpu.memory_space<vmem_shared>> -> memref<128x16xf32, #tpu.memory_space<vmem_shared>>
      tpu.enqueue_dma source(%dma_start3A_67 : memref<128x16xf32, #tpu.memory_space<vmem_shared>>) target(%dma_start3A_65 : memref<128x16xf32, #tpu.memory_space<hbm>>) target_semaphore(%run_scoped3A : memref<!tpu.dma_semaphore, #tpu.memory_space<semaphore_mem>>)
      %dma_wait3A_68 = arith.constant 0 : i32
      %dma_wait3A_69 = tpu.memref_slice %arg7[%arg0, %add3A_58, %dma_wait3A_68] : memref<2x10016x16xf32, #tpu.memory_space<hbm>> -> memref<1x128x16xf32, #tpu.memory_space<hbm>>
      %dma_wait3A_70 = tpu.memref_squeeze %dma_wait3A_69 : memref<1x128x16xf32, #tpu.memory_space<hbm>> -> memref<128x16xf32, #tpu.memory_space<hbm>>
      %dma_wait3A_71 = arith.constant 0 : i32
      %dma_wait3A_72 = tpu.memref_slice %arg36[%add3A_58, %dma_wait3A_71] : memref<10016x16xf32, #tpu.memory_space<vmem_shared>> -> memref<128x16xf32, #tpu.memory_space<vmem_shared>>
      tpu.wait_dma2 semaphore(%run_scoped3A : memref<!tpu.dma_semaphore, #tpu.memory_space<semaphore_mem>>) src(%dma_wait3A_72 : memref<128x16xf32, #tpu.memory_space<vmem_shared>>) dst(%dma_wait3A_70 : memref<128x16xf32, #tpu.memory_space<hbm>>)
      tpu.yield
    }) : () -> ()
    %add3A_59 = arith.constant 128 : i32
    %add3A_60 = arith.addi %add3A_58, %add3A_59 : i32
    "tpu.region"() ({
      %run_scoped3A = tpu.sem_alloc : memref<!tpu.dma_semaphore, #tpu.memory_space<semaphore_mem>>
      %dma_start3A_63 = arith.constant 0 : i32
      %dma_start3A_64 = tpu.memref_slice %arg6[%arg0, %add3A_60, %dma_start3A_63] : memref<2x10016x64xf32, #tpu.memory_space<hbm>> -> memref<1x114x64xf32, #tpu.memory_space<hbm>>
      %dma_start3A_65 = tpu.memref_squeeze %dma_start3A_64 : memref<1x114x64xf32, #tpu.memory_space<hbm>> -> memref<114x64xf32, #tpu.memory_space<hbm>>
      %dma_start3A_66 = arith.constant 0 : i32
      %dma_start3A_67 = tpu.memref_slice %arg35[%add3A_60, %dma_start3A_66] : memref<10016x64xf32, #tpu.memory_space<vmem_shared>> -> memref<114x64xf32, #tpu.memory_space<vmem_shared>>
      tpu.enqueue_dma source(%dma_start3A_67 : memref<114x64xf32, #tpu.memory_space<vmem_shared>>) target(%dma_start3A_65 : memref<114x64xf32, #tpu.memory_space<hbm>>) target_semaphore(%run_scoped3A : memref<!tpu.dma_semaphore, #tpu.memory_space<semaphore_mem>>)
      %dma_wait3A_68 = arith.constant 0 : i32
      %dma_wait3A_69 = tpu.memref_slice %arg6[%arg0, %add3A_60, %dma_wait3A_68] : memref<2x10016x64xf32, #tpu.memory_space<hbm>> -> memref<1x114x64xf32, #tpu.memory_space<hbm>>
      %dma_wait3A_70 = tpu.memref_squeeze %dma_wait3A_69 : memref<1x114x64xf32, #tpu.memory_space<hbm>> -> memref<114x64xf32, #tpu.memory_space<hbm>>
      %dma_wait3A_71 = arith.constant 0 : i32
      %dma_wait3A_72 = tpu.memref_slice %arg35[%add3A_60, %dma_wait3A_71] : memref<10016x64xf32, #tpu.memory_space<vmem_shared>> -> memref<114x64xf32, #tpu.memory_space<vmem_shared>>
      tpu.wait_dma2 semaphore(%run_scoped3A : memref<!tpu.dma_semaphore, #tpu.memory_space<semaphore_mem>>) src(%dma_wait3A_72 : memref<114x64xf32, #tpu.memory_space<vmem_shared>>) dst(%dma_wait3A_70 : memref<114x64xf32, #tpu.memory_space<hbm>>)
      tpu.yield
    }) : () -> ()
    "tpu.region"() ({
      %run_scoped3A = tpu.sem_alloc : memref<!tpu.dma_semaphore, #tpu.memory_space<semaphore_mem>>
      %dma_start3A_63 = arith.constant 0 : i32
      %dma_start3A_64 = tpu.memref_slice %arg7[%arg0, %add3A_60, %dma_start3A_63] : memref<2x10016x16xf32, #tpu.memory_space<hbm>> -> memref<1x114x16xf32, #tpu.memory_space<hbm>>
      %dma_start3A_65 = tpu.memref_squeeze %dma_start3A_64 : memref<1x114x16xf32, #tpu.memory_space<hbm>> -> memref<114x16xf32, #tpu.memory_space<hbm>>
      %dma_start3A_66 = arith.constant 0 : i32
      %dma_start3A_67 = tpu.memref_slice %arg36[%add3A_60, %dma_start3A_66] : memref<10016x16xf32, #tpu.memory_space<vmem_shared>> -> memref<114x16xf32, #tpu.memory_space<vmem_shared>>
      tpu.enqueue_dma source(%dma_start3A_67 : memref<114x16xf32, #tpu.memory_space<vmem_shared>>) target(%dma_start3A_65 : memref<114x16xf32, #tpu.memory_space<hbm>>) target_semaphore(%run_scoped3A : memref<!tpu.dma_semaphore, #tpu.memory_space<semaphore_mem>>)
      %dma_wait3A_68 = arith.constant 0 : i32
      %dma_wait3A_69 = tpu.memref_slice %arg7[%arg0, %add3A_60, %dma_wait3A_68] : memref<2x10016x16xf32, #tpu.memory_space<hbm>> -> memref<1x114x16xf32, #tpu.memory_space<hbm>>
      %dma_wait3A_70 = tpu.memref_squeeze %dma_wait3A_69 : memref<1x114x16xf32, #tpu.memory_space<hbm>> -> memref<114x16xf32, #tpu.memory_space<hbm>>
      %dma_wait3A_71 = arith.constant 0 : i32
      %dma_wait3A_72 = tpu.memref_slice %arg36[%add3A_60, %dma_wait3A_71] : memref<10016x16xf32, #tpu.memory_space<vmem_shared>> -> memref<114x16xf32, #tpu.memory_space<vmem_shared>>
      tpu.wait_dma2 semaphore(%run_scoped3A : memref<!tpu.dma_semaphore, #tpu.memory_space<semaphore_mem>>) src(%dma_wait3A_72 : memref<114x16xf32, #tpu.memory_space<vmem_shared>>) dst(%dma_wait3A_70 : memref<114x16xf32, #tpu.memory_space<hbm>>)
      tpu.yield
    }) : () -> ()
    %add3A_61 = arith.constant 114 : i32
    %add3A_62 = arith.addi %add3A_60, %add3A_61 : i32
    return
  }
}

#map = affine_map<(d0, d1) -> (0, 0)>
#map1 = affine_map<(d0, d1) -> (0)>
#map2 = affine_map<(d0, d1) -> (0, 0, 0)>
module attributes {stable_mosaic.version = 14 : i64} {
  func.func @_edge2_body(%arg0: i32, %arg1: i32, %arg2: memref<10000x32xf32, #tpu.memory_space<hbm>>, %arg3: memref<10008x16xf32, #tpu.memory_space<hbm>>, %arg4: memref<335872xi32, #tpu.memory_space<hbm>>, %arg5: memref<2x10016x16xf32, #tpu.memory_space<hbm>>, %arg6: memref<2x10016x16xf32, #tpu.memory_space<hbm>>, %arg7: memref<10496xi32, #tpu.memory_space<vmem>>, %arg8: memref<128xi32, #tpu.memory_space<vmem>>, %arg9: memref<128xi32, #tpu.memory_space<vmem>>, %arg10: memref<128x32xf32, #tpu.memory_space<vmem>>, %arg11: memref<128x16xf32, #tpu.memory_space<vmem>>, %arg12: memref<128x16xf32, #tpu.memory_space<vmem>>, %arg13: memref<128x16xf32, #tpu.memory_space<vmem>>, %arg14: memref<!tpu.dma_semaphore, #tpu.memory_space<semaphore_mem>>, %arg15: memref<!tpu.dma_semaphore, #tpu.memory_space<semaphore_mem>>, %arg16: memref<!tpu.dma_semaphore, #tpu.memory_space<semaphore_mem>>, %arg17: memref<!tpu.dma_semaphore, #tpu.memory_space<semaphore_mem>>, %arg18: memref<128xi32, #tpu.memory_space<vmem>>, %arg19: memref<128xi32, #tpu.memory_space<vmem>>, %arg20: memref<128x32xf32, #tpu.memory_space<vmem>>, %arg21: memref<128x16xf32, #tpu.memory_space<vmem>>, %arg22: memref<128x16xf32, #tpu.memory_space<vmem>>, %arg23: memref<128x16xf32, #tpu.memory_space<vmem>>, %arg24: memref<!tpu.dma_semaphore, #tpu.memory_space<semaphore_mem>>, %arg25: memref<!tpu.dma_semaphore, #tpu.memory_space<semaphore_mem>>, %arg26: memref<!tpu.dma_semaphore, #tpu.memory_space<semaphore_mem>>, %arg27: memref<!tpu.dma_semaphore, #tpu.memory_space<semaphore_mem>>, %arg28: memref<128x16xf32, #tpu.memory_space<vmem>>, %arg29: memref<10016x16xf32, #tpu.memory_space<vmem_shared>>, %arg30: memref<10016x16xf32, #tpu.memory_space<vmem_shared>>) attributes {dimension_semantics = [#tpu.dimension_semantics<core_parallel>, #tpu.dimension_semantics<subcore_parallel>], iteration_bounds = array<i64: 2, 16>, scalar_prefetch = 0 : i64, scratch_operands = 24 : i64, tpu.core_type = #tpu.core_type<sc_vector_subcore>, window_params = [{transform_indices = #map}, {transform_indices = #map}, {transform_indices = #map1}, {transform_indices = #map2}, {transform_indices = #map2}]} {
    %mul3A = arith.constant 16 : i32
    %mul3A_0 = arith.muli %arg0, %mul3A : i32
    %add3A = arith.addi %mul3A_0, %arg1 : i32
    %mul3A_1 = arith.constant 16 : i32
    %mul3A_2 = arith.muli %arg0, %mul3A_1 : i32
    %add3A_3 = arith.addi %mul3A_2, %arg1 : i32
    %mul3A_4 = arith.constant 10496 : i32
    %mul3A_5 = arith.muli %add3A_3, %mul3A_4 : i32
    %multiple_of3A = tpu.assume_multiple %mul3A_5, 128 : i32
    %dma_start3A = tpu.memref_slice %arg4[%multiple_of3A] : memref<335872xi32, #tpu.memory_space<hbm>> -> memref<10496xi32, #tpu.memory_space<hbm>>
    %dma_start3A_6 = tpu.memref_slice %arg4[%multiple_of3A] : memref<335872xi32, #tpu.memory_space<hbm>> -> memref<10496xi32, #tpu.memory_space<hbm>>
    tpu.enqueue_dma source(%dma_start3A_6 : memref<10496xi32, #tpu.memory_space<hbm>>) target(%arg7 : memref<10496xi32, #tpu.memory_space<vmem>>) target_semaphore(%arg14 : memref<!tpu.dma_semaphore, #tpu.memory_space<semaphore_mem>>)
    %scan3A = arith.constant 0 : i32
    %scan3A_7 = arith.constant 0 : i32
    %scan3A_8 = arith.constant 128 : i32
    %scan3A_9 = arith.addi %scan3A_7, %scan3A_8 : i32
    %scan3A_10 = arith.constant 1 : i32
    %scan3A_11 = scf.for %scan3A_64 = %scan3A_7 to %scan3A_9 step %scan3A_10 iter_args(%scan3A_65 = %scan3A) -> (i32)  : i32 {
      %broadcast_in_dim3A = arith.constant 0.000000e+00 : f32
      %broadcast_in_dim3A_66 = vector.broadcast %broadcast_in_dim3A : f32 to vector<16xf32>
      %swap3A = arith.index_cast %scan3A_64 : i32 to index
      %swap3A_67 = arith.constant 0 : index
      %swap3A_68 = tpu.vector_load %arg28[%swap3A, %swap3A_67] {strides = array<i32>} : memref<128x16xf32, #tpu.memory_space<vmem>>, vector<1x16xf32>,
      %swap3A_69 = vector.shape_cast %swap3A_68 : vector<1x16xf32> to vector<16xf32>
      %swap3A_70 = vector.shape_cast %broadcast_in_dim3A_66 : vector<16xf32> to vector<1x16xf32>
      tpu.vector_store %arg28[%swap3A, %swap3A_67], %swap3A_70 {strides = array<i32>} : memref<128x16xf32, #tpu.memory_space<vmem>>, vector<1x16xf32>,
      %scan3A_71 = arith.constant 0 : i32
      scf.yield %scan3A_71 : i32
    }
    %scan3A_12 = arith.constant 128 : i32
    %mul3A_13 = arith.constant 626 : i32
    %mul3A_14 = arith.muli %arg1, %mul3A_13 : i32
    "tpu.region"() ({
      %run_scoped3A = tpu.sem_alloc : memref<!tpu.dma_semaphore, #tpu.memory_space<semaphore_mem>>
      %dma_start3A_64 = arith.constant 0 : i32
      %dma_start3A_65 = arith.constant 0 : i32
      %dma_start3A_66 = tpu.memref_slice %arg28[%dma_start3A_64, %dma_start3A_65] : memref<128x16xf32, #tpu.memory_space<vmem>> -> memref<128x16xf32, #tpu.memory_space<vmem>>
      %dma_start3A_67 = arith.constant 0 : i32
      %dma_start3A_68 = tpu.memref_slice %arg29[%mul3A_14, %dma_start3A_67] : memref<10016x16xf32, #tpu.memory_space<vmem_shared>> -> memref<128x16xf32, #tpu.memory_space<vmem_shared>>
      %dma_start3A_69 = arith.constant 0 : i32
      %dma_start3A_70 = tpu.memref_slice %arg29[%mul3A_14, %dma_start3A_69] : memref<10016x16xf32, #tpu.memory_space<vmem_shared>> -> memref<128x16xf32, #tpu.memory_space<vmem_shared>>
      %dma_start3A_71 = arith.constant 0 : i32
      %dma_start3A_72 = arith.constant 0 : i32
      %dma_start3A_73 = tpu.memref_slice %arg28[%dma_start3A_71, %dma_start3A_72] : memref<128x16xf32, #tpu.memory_space<vmem>> -> memref<128x16xf32, #tpu.memory_space<vmem>>
      tpu.enqueue_dma source(%dma_start3A_73 : memref<128x16xf32, #tpu.memory_space<vmem>>) target(%dma_start3A_70 : memref<128x16xf32, #tpu.memory_space<vmem_shared>>) target_semaphore(%run_scoped3A : memref<!tpu.dma_semaphore, #tpu.memory_space<semaphore_mem>>)
      %dma_wait3A_74 = arith.constant 0 : i32
      %dma_wait3A_75 = arith.constant 0 : i32
      %dma_wait3A_76 = tpu.memref_slice %arg28[%dma_wait3A_74, %dma_wait3A_75] : memref<128x16xf32, #tpu.memory_space<vmem>> -> memref<128x16xf32, #tpu.memory_space<vmem>>
      %dma_wait3A_77 = arith.constant 0 : i32
      %dma_wait3A_78 = tpu.memref_slice %arg29[%mul3A_14, %dma_wait3A_77] : memref<10016x16xf32, #tpu.memory_space<vmem_shared>> -> memref<128x16xf32, #tpu.memory_space<vmem_shared>>
      %dma_wait3A_79 = arith.constant 0 : i32
      %dma_wait3A_80 = tpu.memref_slice %arg29[%mul3A_14, %dma_wait3A_79] : memref<10016x16xf32, #tpu.memory_space<vmem_shared>> -> memref<128x16xf32, #tpu.memory_space<vmem_shared>>
      %dma_wait3A_81 = arith.constant 0 : i32
      %dma_wait3A_82 = arith.constant 0 : i32
      %dma_wait3A_83 = tpu.memref_slice %arg28[%dma_wait3A_81, %dma_wait3A_82] : memref<128x16xf32, #tpu.memory_space<vmem>> -> memref<128x16xf32, #tpu.memory_space<vmem>>
      tpu.wait_dma2 semaphore(%run_scoped3A : memref<!tpu.dma_semaphore, #tpu.memory_space<semaphore_mem>>) src(%dma_wait3A_83 : memref<128x16xf32, #tpu.memory_space<vmem>>) dst(%dma_wait3A_80 : memref<128x16xf32, #tpu.memory_space<vmem_shared>>)
      tpu.yield
    }) : () -> ()
    "tpu.region"() ({
      %run_scoped3A = tpu.sem_alloc : memref<!tpu.dma_semaphore, #tpu.memory_space<semaphore_mem>>
      %dma_start3A_64 = arith.constant 0 : i32
      %dma_start3A_65 = arith.constant 0 : i32
      %dma_start3A_66 = tpu.memref_slice %arg28[%dma_start3A_64, %dma_start3A_65] : memref<128x16xf32, #tpu.memory_space<vmem>> -> memref<128x16xf32, #tpu.memory_space<vmem>>
      %dma_start3A_67 = arith.constant 0 : i32
      %dma_start3A_68 = tpu.memref_slice %arg30[%mul3A_14, %dma_start3A_67] : memref<10016x16xf32, #tpu.memory_space<vmem_shared>> -> memref<128x16xf32, #tpu.memory_space<vmem_shared>>
      %dma_start3A_69 = arith.constant 0 : i32
      %dma_start3A_70 = tpu.memref_slice %arg30[%mul3A_14, %dma_start3A_69] : memref<10016x16xf32, #tpu.memory_space<vmem_shared>> -> memref<128x16xf32, #tpu.memory_space<vmem_shared>>
      %dma_start3A_71 = arith.constant 0 : i32
      %dma_start3A_72 = arith.constant 0 : i32
      %dma_start3A_73 = tpu.memref_slice %arg28[%dma_start3A_71, %dma_start3A_72] : memref<128x16xf32, #tpu.memory_space<vmem>> -> memref<128x16xf32, #tpu.memory_space<vmem>>
      tpu.enqueue_dma source(%dma_start3A_73 : memref<128x16xf32, #tpu.memory_space<vmem>>) target(%dma_start3A_70 : memref<128x16xf32, #tpu.memory_space<vmem_shared>>) target_semaphore(%run_scoped3A : memref<!tpu.dma_semaphore, #tpu.memory_space<semaphore_mem>>)
      %dma_wait3A_74 = arith.constant 0 : i32
      %dma_wait3A_75 = arith.constant 0 : i32
      %dma_wait3A_76 = tpu.memref_slice %arg28[%dma_wait3A_74, %dma_wait3A_75] : memref<128x16xf32, #tpu.memory_space<vmem>> -> memref<128x16xf32, #tpu.memory_space<vmem>>
      %dma_wait3A_77 = arith.constant 0 : i32
      %dma_wait3A_78 = tpu.memref_slice %arg30[%mul3A_14, %dma_wait3A_77] : memref<10016x16xf32, #tpu.memory_space<vmem_shared>> -> memref<128x16xf32, #tpu.memory_space<vmem_shared>>
      %dma_wait3A_79 = arith.constant 0 : i32
      %dma_wait3A_80 = tpu.memref_slice %arg30[%mul3A_14, %dma_wait3A_79] : memref<10016x16xf32, #tpu.memory_space<vmem_shared>> -> memref<128x16xf32, #tpu.memory_space<vmem_shared>>
      %dma_wait3A_81 = arith.constant 0 : i32
      %dma_wait3A_82 = arith.constant 0 : i32
      %dma_wait3A_83 = tpu.memref_slice %arg28[%dma_wait3A_81, %dma_wait3A_82] : memref<128x16xf32, #tpu.memory_space<vmem>> -> memref<128x16xf32, #tpu.memory_space<vmem>>
      tpu.wait_dma2 semaphore(%run_scoped3A : memref<!tpu.dma_semaphore, #tpu.memory_space<semaphore_mem>>) src(%dma_wait3A_83 : memref<128x16xf32, #tpu.memory_space<vmem>>) dst(%dma_wait3A_80 : memref<128x16xf32, #tpu.memory_space<vmem_shared>>)
      tpu.yield
    }) : () -> ()
    %add3A_15 = arith.constant 128 : i32
    %add3A_16 = arith.addi %mul3A_14, %add3A_15 : i32
    "tpu.region"() ({
      %run_scoped3A = tpu.sem_alloc : memref<!tpu.dma_semaphore, #tpu.memory_space<semaphore_mem>>
      %dma_start3A_64 = arith.constant 0 : i32
      %dma_start3A_65 = arith.constant 0 : i32
      %dma_start3A_66 = tpu.memref_slice %arg28[%dma_start3A_64, %dma_start3A_65] : memref<128x16xf32, #tpu.memory_space<vmem>> -> memref<128x16xf32, #tpu.memory_space<vmem>>
      %dma_start3A_67 = arith.constant 0 : i32
      %dma_start3A_68 = tpu.memref_slice %arg29[%add3A_16, %dma_start3A_67] : memref<10016x16xf32, #tpu.memory_space<vmem_shared>> -> memref<128x16xf32, #tpu.memory_space<vmem_shared>>
      %dma_start3A_69 = arith.constant 0 : i32
      %dma_start3A_70 = tpu.memref_slice %arg29[%add3A_16, %dma_start3A_69] : memref<10016x16xf32, #tpu.memory_space<vmem_shared>> -> memref<128x16xf32, #tpu.memory_space<vmem_shared>>
      %dma_start3A_71 = arith.constant 0 : i32
      %dma_start3A_72 = arith.constant 0 : i32
      %dma_start3A_73 = tpu.memref_slice %arg28[%dma_start3A_71, %dma_start3A_72] : memref<128x16xf32, #tpu.memory_space<vmem>> -> memref<128x16xf32, #tpu.memory_space<vmem>>
      tpu.enqueue_dma source(%dma_start3A_73 : memref<128x16xf32, #tpu.memory_space<vmem>>) target(%dma_start3A_70 : memref<128x16xf32, #tpu.memory_space<vmem_shared>>) target_semaphore(%run_scoped3A : memref<!tpu.dma_semaphore, #tpu.memory_space<semaphore_mem>>)
      %dma_wait3A_74 = arith.constant 0 : i32
      %dma_wait3A_75 = arith.constant 0 : i32
      %dma_wait3A_76 = tpu.memref_slice %arg28[%dma_wait3A_74, %dma_wait3A_75] : memref<128x16xf32, #tpu.memory_space<vmem>> -> memref<128x16xf32, #tpu.memory_space<vmem>>
      %dma_wait3A_77 = arith.constant 0 : i32
      %dma_wait3A_78 = tpu.memref_slice %arg29[%add3A_16, %dma_wait3A_77] : memref<10016x16xf32, #tpu.memory_space<vmem_shared>> -> memref<128x16xf32, #tpu.memory_space<vmem_shared>>
      %dma_wait3A_79 = arith.constant 0 : i32
      %dma_wait3A_80 = tpu.memref_slice %arg29[%add3A_16, %dma_wait3A_79] : memref<10016x16xf32, #tpu.memory_space<vmem_shared>> -> memref<128x16xf32, #tpu.memory_space<vmem_shared>>
      %dma_wait3A_81 = arith.constant 0 : i32
      %dma_wait3A_82 = arith.constant 0 : i32
      %dma_wait3A_83 = tpu.memref_slice %arg28[%dma_wait3A_81, %dma_wait3A_82] : memref<128x16xf32, #tpu.memory_space<vmem>> -> memref<128x16xf32, #tpu.memory_space<vmem>>
      tpu.wait_dma2 semaphore(%run_scoped3A : memref<!tpu.dma_semaphore, #tpu.memory_space<semaphore_mem>>) src(%dma_wait3A_83 : memref<128x16xf32, #tpu.memory_space<vmem>>) dst(%dma_wait3A_80 : memref<128x16xf32, #tpu.memory_space<vmem_shared>>)
      tpu.yield
    }) : () -> ()
    "tpu.region"() ({
      %run_scoped3A = tpu.sem_alloc : memref<!tpu.dma_semaphore, #tpu.memory_space<semaphore_mem>>
      %dma_start3A_64 = arith.constant 0 : i32
      %dma_start3A_65 = arith.constant 0 : i32
      %dma_start3A_66 = tpu.memref_slice %arg28[%dma_start3A_64, %dma_start3A_65] : memref<128x16xf32, #tpu.memory_space<vmem>> -> memref<128x16xf32, #tpu.memory_space<vmem>>
      %dma_start3A_67 = arith.constant 0 : i32
      %dma_start3A_68 = tpu.memref_slice %arg30[%add3A_16, %dma_start3A_67] : memref<10016x16xf32, #tpu.memory_space<vmem_shared>> -> memref<128x16xf32, #tpu.memory_space<vmem_shared>>
      %dma_start3A_69 = arith.constant 0 : i32
      %dma_start3A_70 = tpu.memref_slice %arg30[%add3A_16, %dma_start3A_69] : memref<10016x16xf32, #tpu.memory_space<vmem_shared>> -> memref<128x16xf32, #tpu.memory_space<vmem_shared>>
      %dma_start3A_71 = arith.constant 0 : i32
      %dma_start3A_72 = arith.constant 0 : i32
      %dma_start3A_73 = tpu.memref_slice %arg28[%dma_start3A_71, %dma_start3A_72] : memref<128x16xf32, #tpu.memory_space<vmem>> -> memref<128x16xf32, #tpu.memory_space<vmem>>
      tpu.enqueue_dma source(%dma_start3A_73 : memref<128x16xf32, #tpu.memory_space<vmem>>) target(%dma_start3A_70 : memref<128x16xf32, #tpu.memory_space<vmem_shared>>) target_semaphore(%run_scoped3A : memref<!tpu.dma_semaphore, #tpu.memory_space<semaphore_mem>>)
      %dma_wait3A_74 = arith.constant 0 : i32
      %dma_wait3A_75 = arith.constant 0 : i32
      %dma_wait3A_76 = tpu.memref_slice %arg28[%dma_wait3A_74, %dma_wait3A_75] : memref<128x16xf32, #tpu.memory_space<vmem>> -> memref<128x16xf32, #tpu.memory_space<vmem>>
      %dma_wait3A_77 = arith.constant 0 : i32
      %dma_wait3A_78 = tpu.memref_slice %arg30[%add3A_16, %dma_wait3A_77] : memref<10016x16xf32, #tpu.memory_space<vmem_shared>> -> memref<128x16xf32, #tpu.memory_space<vmem_shared>>
      %dma_wait3A_79 = arith.constant 0 : i32
      %dma_wait3A_80 = tpu.memref_slice %arg30[%add3A_16, %dma_wait3A_79] : memref<10016x16xf32, #tpu.memory_space<vmem_shared>> -> memref<128x16xf32, #tpu.memory_space<vmem_shared>>
      %dma_wait3A_81 = arith.constant 0 : i32
      %dma_wait3A_82 = arith.constant 0 : i32
      %dma_wait3A_83 = tpu.memref_slice %arg28[%dma_wait3A_81, %dma_wait3A_82] : memref<128x16xf32, #tpu.memory_space<vmem>> -> memref<128x16xf32, #tpu.memory_space<vmem>>
      tpu.wait_dma2 semaphore(%run_scoped3A : memref<!tpu.dma_semaphore, #tpu.memory_space<semaphore_mem>>) src(%dma_wait3A_83 : memref<128x16xf32, #tpu.memory_space<vmem>>) dst(%dma_wait3A_80 : memref<128x16xf32, #tpu.memory_space<vmem_shared>>)
      tpu.yield
    }) : () -> ()
    %add3A_17 = arith.constant 128 : i32
    %add3A_18 = arith.addi %add3A_16, %add3A_17 : i32
    "tpu.region"() ({
      %run_scoped3A = tpu.sem_alloc : memref<!tpu.dma_semaphore, #tpu.memory_space<semaphore_mem>>
      %dma_start3A_64 = arith.constant 0 : i32
      %dma_start3A_65 = arith.constant 0 : i32
      %dma_start3A_66 = tpu.memref_slice %arg28[%dma_start3A_64, %dma_start3A_65] : memref<128x16xf32, #tpu.memory_space<vmem>> -> memref<128x16xf32, #tpu.memory_space<vmem>>
      %dma_start3A_67 = arith.constant 0 : i32
      %dma_start3A_68 = tpu.memref_slice %arg29[%add3A_18, %dma_start3A_67] : memref<10016x16xf32, #tpu.memory_space<vmem_shared>> -> memref<128x16xf32, #tpu.memory_space<vmem_shared>>
      %dma_start3A_69 = arith.constant 0 : i32
      %dma_start3A_70 = tpu.memref_slice %arg29[%add3A_18, %dma_start3A_69] : memref<10016x16xf32, #tpu.memory_space<vmem_shared>> -> memref<128x16xf32, #tpu.memory_space<vmem_shared>>
      %dma_start3A_71 = arith.constant 0 : i32
      %dma_start3A_72 = arith.constant 0 : i32
      %dma_start3A_73 = tpu.memref_slice %arg28[%dma_start3A_71, %dma_start3A_72] : memref<128x16xf32, #tpu.memory_space<vmem>> -> memref<128x16xf32, #tpu.memory_space<vmem>>
      tpu.enqueue_dma source(%dma_start3A_73 : memref<128x16xf32, #tpu.memory_space<vmem>>) target(%dma_start3A_70 : memref<128x16xf32, #tpu.memory_space<vmem_shared>>) target_semaphore(%run_scoped3A : memref<!tpu.dma_semaphore, #tpu.memory_space<semaphore_mem>>)
      %dma_wait3A_74 = arith.constant 0 : i32
      %dma_wait3A_75 = arith.constant 0 : i32
      %dma_wait3A_76 = tpu.memref_slice %arg28[%dma_wait3A_74, %dma_wait3A_75] : memref<128x16xf32, #tpu.memory_space<vmem>> -> memref<128x16xf32, #tpu.memory_space<vmem>>
      %dma_wait3A_77 = arith.constant 0 : i32
      %dma_wait3A_78 = tpu.memref_slice %arg29[%add3A_18, %dma_wait3A_77] : memref<10016x16xf32, #tpu.memory_space<vmem_shared>> -> memref<128x16xf32, #tpu.memory_space<vmem_shared>>
      %dma_wait3A_79 = arith.constant 0 : i32
      %dma_wait3A_80 = tpu.memref_slice %arg29[%add3A_18, %dma_wait3A_79] : memref<10016x16xf32, #tpu.memory_space<vmem_shared>> -> memref<128x16xf32, #tpu.memory_space<vmem_shared>>
      %dma_wait3A_81 = arith.constant 0 : i32
      %dma_wait3A_82 = arith.constant 0 : i32
      %dma_wait3A_83 = tpu.memref_slice %arg28[%dma_wait3A_81, %dma_wait3A_82] : memref<128x16xf32, #tpu.memory_space<vmem>> -> memref<128x16xf32, #tpu.memory_space<vmem>>
      tpu.wait_dma2 semaphore(%run_scoped3A : memref<!tpu.dma_semaphore, #tpu.memory_space<semaphore_mem>>) src(%dma_wait3A_83 : memref<128x16xf32, #tpu.memory_space<vmem>>) dst(%dma_wait3A_80 : memref<128x16xf32, #tpu.memory_space<vmem_shared>>)
      tpu.yield
    }) : () -> ()
    "tpu.region"() ({
      %run_scoped3A = tpu.sem_alloc : memref<!tpu.dma_semaphore, #tpu.memory_space<semaphore_mem>>
      %dma_start3A_64 = arith.constant 0 : i32
      %dma_start3A_65 = arith.constant 0 : i32
      %dma_start3A_66 = tpu.memref_slice %arg28[%dma_start3A_64, %dma_start3A_65] : memref<128x16xf32, #tpu.memory_space<vmem>> -> memref<128x16xf32, #tpu.memory_space<vmem>>
      %dma_start3A_67 = arith.constant 0 : i32
      %dma_start3A_68 = tpu.memref_slice %arg30[%add3A_18, %dma_start3A_67] : memref<10016x16xf32, #tpu.memory_space<vmem_shared>> -> memref<128x16xf32, #tpu.memory_space<vmem_shared>>
      %dma_start3A_69 = arith.constant 0 : i32
      %dma_start3A_70 = tpu.memref_slice %arg30[%add3A_18, %dma_start3A_69] : memref<10016x16xf32, #tpu.memory_space<vmem_shared>> -> memref<128x16xf32, #tpu.memory_space<vmem_shared>>
      %dma_start3A_71 = arith.constant 0 : i32
      %dma_start3A_72 = arith.constant 0 : i32
      %dma_start3A_73 = tpu.memref_slice %arg28[%dma_start3A_71, %dma_start3A_72] : memref<128x16xf32, #tpu.memory_space<vmem>> -> memref<128x16xf32, #tpu.memory_space<vmem>>
      tpu.enqueue_dma source(%dma_start3A_73 : memref<128x16xf32, #tpu.memory_space<vmem>>) target(%dma_start3A_70 : memref<128x16xf32, #tpu.memory_space<vmem_shared>>) target_semaphore(%run_scoped3A : memref<!tpu.dma_semaphore, #tpu.memory_space<semaphore_mem>>)
      %dma_wait3A_74 = arith.constant 0 : i32
      %dma_wait3A_75 = arith.constant 0 : i32
      %dma_wait3A_76 = tpu.memref_slice %arg28[%dma_wait3A_74, %dma_wait3A_75] : memref<128x16xf32, #tpu.memory_space<vmem>> -> memref<128x16xf32, #tpu.memory_space<vmem>>
      %dma_wait3A_77 = arith.constant 0 : i32
      %dma_wait3A_78 = tpu.memref_slice %arg30[%add3A_18, %dma_wait3A_77] : memref<10016x16xf32, #tpu.memory_space<vmem_shared>> -> memref<128x16xf32, #tpu.memory_space<vmem_shared>>
      %dma_wait3A_79 = arith.constant 0 : i32
      %dma_wait3A_80 = tpu.memref_slice %arg30[%add3A_18, %dma_wait3A_79] : memref<10016x16xf32, #tpu.memory_space<vmem_shared>> -> memref<128x16xf32, #tpu.memory_space<vmem_shared>>
      %dma_wait3A_81 = arith.constant 0 : i32
      %dma_wait3A_82 = arith.constant 0 : i32
      %dma_wait3A_83 = tpu.memref_slice %arg28[%dma_wait3A_81, %dma_wait3A_82] : memref<128x16xf32, #tpu.memory_space<vmem>> -> memref<128x16xf32, #tpu.memory_space<vmem>>
      tpu.wait_dma2 semaphore(%run_scoped3A : memref<!tpu.dma_semaphore, #tpu.memory_space<semaphore_mem>>) src(%dma_wait3A_83 : memref<128x16xf32, #tpu.memory_space<vmem>>) dst(%dma_wait3A_80 : memref<128x16xf32, #tpu.memory_space<vmem_shared>>)
      tpu.yield
    }) : () -> ()
    %add3A_19 = arith.constant 128 : i32
    %add3A_20 = arith.addi %add3A_18, %add3A_19 : i32
    "tpu.region"() ({
      %run_scoped3A = tpu.sem_alloc : memref<!tpu.dma_semaphore, #tpu.memory_space<semaphore_mem>>
      %dma_start3A_64 = arith.constant 0 : i32
      %dma_start3A_65 = arith.constant 0 : i32
      %dma_start3A_66 = tpu.memref_slice %arg28[%dma_start3A_64, %dma_start3A_65] : memref<128x16xf32, #tpu.memory_space<vmem>> -> memref<128x16xf32, #tpu.memory_space<vmem>>
      %dma_start3A_67 = arith.constant 0 : i32
      %dma_start3A_68 = tpu.memref_slice %arg29[%add3A_20, %dma_start3A_67] : memref<10016x16xf32, #tpu.memory_space<vmem_shared>> -> memref<128x16xf32, #tpu.memory_space<vmem_shared>>
      %dma_start3A_69 = arith.constant 0 : i32
      %dma_start3A_70 = tpu.memref_slice %arg29[%add3A_20, %dma_start3A_69] : memref<10016x16xf32, #tpu.memory_space<vmem_shared>> -> memref<128x16xf32, #tpu.memory_space<vmem_shared>>
      %dma_start3A_71 = arith.constant 0 : i32
      %dma_start3A_72 = arith.constant 0 : i32
      %dma_start3A_73 = tpu.memref_slice %arg28[%dma_start3A_71, %dma_start3A_72] : memref<128x16xf32, #tpu.memory_space<vmem>> -> memref<128x16xf32, #tpu.memory_space<vmem>>
      tpu.enqueue_dma source(%dma_start3A_73 : memref<128x16xf32, #tpu.memory_space<vmem>>) target(%dma_start3A_70 : memref<128x16xf32, #tpu.memory_space<vmem_shared>>) target_semaphore(%run_scoped3A : memref<!tpu.dma_semaphore, #tpu.memory_space<semaphore_mem>>)
      %dma_wait3A_74 = arith.constant 0 : i32
      %dma_wait3A_75 = arith.constant 0 : i32
      %dma_wait3A_76 = tpu.memref_slice %arg28[%dma_wait3A_74, %dma_wait3A_75] : memref<128x16xf32, #tpu.memory_space<vmem>> -> memref<128x16xf32, #tpu.memory_space<vmem>>
      %dma_wait3A_77 = arith.constant 0 : i32
      %dma_wait3A_78 = tpu.memref_slice %arg29[%add3A_20, %dma_wait3A_77] : memref<10016x16xf32, #tpu.memory_space<vmem_shared>> -> memref<128x16xf32, #tpu.memory_space<vmem_shared>>
      %dma_wait3A_79 = arith.constant 0 : i32
      %dma_wait3A_80 = tpu.memref_slice %arg29[%add3A_20, %dma_wait3A_79] : memref<10016x16xf32, #tpu.memory_space<vmem_shared>> -> memref<128x16xf32, #tpu.memory_space<vmem_shared>>
      %dma_wait3A_81 = arith.constant 0 : i32
      %dma_wait3A_82 = arith.constant 0 : i32
      %dma_wait3A_83 = tpu.memref_slice %arg28[%dma_wait3A_81, %dma_wait3A_82] : memref<128x16xf32, #tpu.memory_space<vmem>> -> memref<128x16xf32, #tpu.memory_space<vmem>>
      tpu.wait_dma2 semaphore(%run_scoped3A : memref<!tpu.dma_semaphore, #tpu.memory_space<semaphore_mem>>) src(%dma_wait3A_83 : memref<128x16xf32, #tpu.memory_space<vmem>>) dst(%dma_wait3A_80 : memref<128x16xf32, #tpu.memory_space<vmem_shared>>)
      tpu.yield
    }) : () -> ()
    "tpu.region"() ({
      %run_scoped3A = tpu.sem_alloc : memref<!tpu.dma_semaphore, #tpu.memory_space<semaphore_mem>>
      %dma_start3A_64 = arith.constant 0 : i32
      %dma_start3A_65 = arith.constant 0 : i32
      %dma_start3A_66 = tpu.memref_slice %arg28[%dma_start3A_64, %dma_start3A_65] : memref<128x16xf32, #tpu.memory_space<vmem>> -> memref<128x16xf32, #tpu.memory_space<vmem>>
      %dma_start3A_67 = arith.constant 0 : i32
      %dma_start3A_68 = tpu.memref_slice %arg30[%add3A_20, %dma_start3A_67] : memref<10016x16xf32, #tpu.memory_space<vmem_shared>> -> memref<128x16xf32, #tpu.memory_space<vmem_shared>>
      %dma_start3A_69 = arith.constant 0 : i32
      %dma_start3A_70 = tpu.memref_slice %arg30[%add3A_20, %dma_start3A_69] : memref<10016x16xf32, #tpu.memory_space<vmem_shared>> -> memref<128x16xf32, #tpu.memory_space<vmem_shared>>
      %dma_start3A_71 = arith.constant 0 : i32
      %dma_start3A_72 = arith.constant 0 : i32
      %dma_start3A_73 = tpu.memref_slice %arg28[%dma_start3A_71, %dma_start3A_72] : memref<128x16xf32, #tpu.memory_space<vmem>> -> memref<128x16xf32, #tpu.memory_space<vmem>>
      tpu.enqueue_dma source(%dma_start3A_73 : memref<128x16xf32, #tpu.memory_space<vmem>>) target(%dma_start3A_70 : memref<128x16xf32, #tpu.memory_space<vmem_shared>>) target_semaphore(%run_scoped3A : memref<!tpu.dma_semaphore, #tpu.memory_space<semaphore_mem>>)
      %dma_wait3A_74 = arith.constant 0 : i32
      %dma_wait3A_75 = arith.constant 0 : i32
      %dma_wait3A_76 = tpu.memref_slice %arg28[%dma_wait3A_74, %dma_wait3A_75] : memref<128x16xf32, #tpu.memory_space<vmem>> -> memref<128x16xf32, #tpu.memory_space<vmem>>
      %dma_wait3A_77 = arith.constant 0 : i32
      %dma_wait3A_78 = tpu.memref_slice %arg30[%add3A_20, %dma_wait3A_77] : memref<10016x16xf32, #tpu.memory_space<vmem_shared>> -> memref<128x16xf32, #tpu.memory_space<vmem_shared>>
      %dma_wait3A_79 = arith.constant 0 : i32
      %dma_wait3A_80 = tpu.memref_slice %arg30[%add3A_20, %dma_wait3A_79] : memref<10016x16xf32, #tpu.memory_space<vmem_shared>> -> memref<128x16xf32, #tpu.memory_space<vmem_shared>>
      %dma_wait3A_81 = arith.constant 0 : i32
      %dma_wait3A_82 = arith.constant 0 : i32
      %dma_wait3A_83 = tpu.memref_slice %arg28[%dma_wait3A_81, %dma_wait3A_82] : memref<128x16xf32, #tpu.memory_space<vmem>> -> memref<128x16xf32, #tpu.memory_space<vmem>>
      tpu.wait_dma2 semaphore(%run_scoped3A : memref<!tpu.dma_semaphore, #tpu.memory_space<semaphore_mem>>) src(%dma_wait3A_83 : memref<128x16xf32, #tpu.memory_space<vmem>>) dst(%dma_wait3A_80 : memref<128x16xf32, #tpu.memory_space<vmem_shared>>)
      tpu.yield
    }) : () -> ()
    %add3A_21 = arith.constant 128 : i32
    %add3A_22 = arith.addi %add3A_20, %add3A_21 : i32
    "tpu.region"() ({
      %run_scoped3A = tpu.sem_alloc : memref<!tpu.dma_semaphore, #tpu.memory_space<semaphore_mem>>
      %dma_start3A_64 = arith.constant 0 : i32
      %dma_start3A_65 = arith.constant 0 : i32
      %dma_start3A_66 = tpu.memref_slice %arg28[%dma_start3A_64, %dma_start3A_65] : memref<128x16xf32, #tpu.memory_space<vmem>> -> memref<114x16xf32, #tpu.memory_space<vmem>>
      %dma_start3A_67 = arith.constant 0 : i32
      %dma_start3A_68 = tpu.memref_slice %arg29[%add3A_22, %dma_start3A_67] : memref<10016x16xf32, #tpu.memory_space<vmem_shared>> -> memref<114x16xf32, #tpu.memory_space<vmem_shared>>
      %dma_start3A_69 = arith.constant 0 : i32
      %dma_start3A_70 = tpu.memref_slice %arg29[%add3A_22, %dma_start3A_69] : memref<10016x16xf32, #tpu.memory_space<vmem_shared>> -> memref<114x16xf32, #tpu.memory_space<vmem_shared>>
      %dma_start3A_71 = arith.constant 0 : i32
      %dma_start3A_72 = arith.constant 0 : i32
      %dma_start3A_73 = tpu.memref_slice %arg28[%dma_start3A_71, %dma_start3A_72] : memref<128x16xf32, #tpu.memory_space<vmem>> -> memref<114x16xf32, #tpu.memory_space<vmem>>
      tpu.enqueue_dma source(%dma_start3A_73 : memref<114x16xf32, #tpu.memory_space<vmem>>) target(%dma_start3A_70 : memref<114x16xf32, #tpu.memory_space<vmem_shared>>) target_semaphore(%run_scoped3A : memref<!tpu.dma_semaphore, #tpu.memory_space<semaphore_mem>>)
      %dma_wait3A_74 = arith.constant 0 : i32
      %dma_wait3A_75 = arith.constant 0 : i32
      %dma_wait3A_76 = tpu.memref_slice %arg28[%dma_wait3A_74, %dma_wait3A_75] : memref<128x16xf32, #tpu.memory_space<vmem>> -> memref<114x16xf32, #tpu.memory_space<vmem>>
      %dma_wait3A_77 = arith.constant 0 : i32
      %dma_wait3A_78 = tpu.memref_slice %arg29[%add3A_22, %dma_wait3A_77] : memref<10016x16xf32, #tpu.memory_space<vmem_shared>> -> memref<114x16xf32, #tpu.memory_space<vmem_shared>>
      %dma_wait3A_79 = arith.constant 0 : i32
      %dma_wait3A_80 = tpu.memref_slice %arg29[%add3A_22, %dma_wait3A_79] : memref<10016x16xf32, #tpu.memory_space<vmem_shared>> -> memref<114x16xf32, #tpu.memory_space<vmem_shared>>
      %dma_wait3A_81 = arith.constant 0 : i32
      %dma_wait3A_82 = arith.constant 0 : i32
      %dma_wait3A_83 = tpu.memref_slice %arg28[%dma_wait3A_81, %dma_wait3A_82] : memref<128x16xf32, #tpu.memory_space<vmem>> -> memref<114x16xf32, #tpu.memory_space<vmem>>
      tpu.wait_dma2 semaphore(%run_scoped3A : memref<!tpu.dma_semaphore, #tpu.memory_space<semaphore_mem>>) src(%dma_wait3A_83 : memref<114x16xf32, #tpu.memory_space<vmem>>) dst(%dma_wait3A_80 : memref<114x16xf32, #tpu.memory_space<vmem_shared>>)
      tpu.yield
    }) : () -> ()
    "tpu.region"() ({
      %run_scoped3A = tpu.sem_alloc : memref<!tpu.dma_semaphore, #tpu.memory_space<semaphore_mem>>
      %dma_start3A_64 = arith.constant 0 : i32
      %dma_start3A_65 = arith.constant 0 : i32
      %dma_start3A_66 = tpu.memref_slice %arg28[%dma_start3A_64, %dma_start3A_65] : memref<128x16xf32, #tpu.memory_space<vmem>> -> memref<114x16xf32, #tpu.memory_space<vmem>>
      %dma_start3A_67 = arith.constant 0 : i32
      %dma_start3A_68 = tpu.memref_slice %arg30[%add3A_22, %dma_start3A_67] : memref<10016x16xf32, #tpu.memory_space<vmem_shared>> -> memref<114x16xf32, #tpu.memory_space<vmem_shared>>
      %dma_start3A_69 = arith.constant 0 : i32
      %dma_start3A_70 = tpu.memref_slice %arg30[%add3A_22, %dma_start3A_69] : memref<10016x16xf32, #tpu.memory_space<vmem_shared>> -> memref<114x16xf32, #tpu.memory_space<vmem_shared>>
      %dma_start3A_71 = arith.constant 0 : i32
      %dma_start3A_72 = arith.constant 0 : i32
      %dma_start3A_73 = tpu.memref_slice %arg28[%dma_start3A_71, %dma_start3A_72] : memref<128x16xf32, #tpu.memory_space<vmem>> -> memref<114x16xf32, #tpu.memory_space<vmem>>
      tpu.enqueue_dma source(%dma_start3A_73 : memref<114x16xf32, #tpu.memory_space<vmem>>) target(%dma_start3A_70 : memref<114x16xf32, #tpu.memory_space<vmem_shared>>) target_semaphore(%run_scoped3A : memref<!tpu.dma_semaphore, #tpu.memory_space<semaphore_mem>>)
      %dma_wait3A_74 = arith.constant 0 : i32
      %dma_wait3A_75 = arith.constant 0 : i32
      %dma_wait3A_76 = tpu.memref_slice %arg28[%dma_wait3A_74, %dma_wait3A_75] : memref<128x16xf32, #tpu.memory_space<vmem>> -> memref<114x16xf32, #tpu.memory_space<vmem>>
      %dma_wait3A_77 = arith.constant 0 : i32
      %dma_wait3A_78 = tpu.memref_slice %arg30[%add3A_22, %dma_wait3A_77] : memref<10016x16xf32, #tpu.memory_space<vmem_shared>> -> memref<114x16xf32, #tpu.memory_space<vmem_shared>>
      %dma_wait3A_79 = arith.constant 0 : i32
      %dma_wait3A_80 = tpu.memref_slice %arg30[%add3A_22, %dma_wait3A_79] : memref<10016x16xf32, #tpu.memory_space<vmem_shared>> -> memref<114x16xf32, #tpu.memory_space<vmem_shared>>
      %dma_wait3A_81 = arith.constant 0 : i32
      %dma_wait3A_82 = arith.constant 0 : i32
      %dma_wait3A_83 = tpu.memref_slice %arg28[%dma_wait3A_81, %dma_wait3A_82] : memref<128x16xf32, #tpu.memory_space<vmem>> -> memref<114x16xf32, #tpu.memory_space<vmem>>
      tpu.wait_dma2 semaphore(%run_scoped3A : memref<!tpu.dma_semaphore, #tpu.memory_space<semaphore_mem>>) src(%dma_wait3A_83 : memref<114x16xf32, #tpu.memory_space<vmem>>) dst(%dma_wait3A_80 : memref<114x16xf32, #tpu.memory_space<vmem_shared>>)
      tpu.yield
    }) : () -> ()
    %add3A_23 = arith.constant 114 : i32
    %add3A_24 = arith.addi %add3A_22, %add3A_23 : i32
    %dma_wait3A = tpu.memref_slice %arg4[%multiple_of3A] : memref<335872xi32, #tpu.memory_space<hbm>> -> memref<10496xi32, #tpu.memory_space<hbm>>
    %dma_wait3A_25 = tpu.memref_slice %arg4[%multiple_of3A] : memref<335872xi32, #tpu.memory_space<hbm>> -> memref<10496xi32, #tpu.memory_space<hbm>>
    tpu.wait_dma2 semaphore(%arg14 : memref<!tpu.dma_semaphore, #tpu.memory_space<semaphore_mem>>) src(%dma_wait3A_25 : memref<10496xi32, #tpu.memory_space<hbm>>) dst(%arg7 : memref<10496xi32, #tpu.memory_space<vmem>>)
    %barrier3A = arith.constant 0 : index
    tpu.barrier barrier_id(%barrier3A)
    %parallel_loop3A = arith.constant 0 : i32
    %parallel_loop3A_26 = arith.constant 8 : i32
    %parallel_loop3A_27 = arith.constant 1 : i32
    scf.for %parallel_loop3A_64 = %parallel_loop3A to %parallel_loop3A_26 step %parallel_loop3A_27  : i32 {
      %parallel_loop3A_65 = arith.constant 16 : i32
      %parallel_loop3A_66 = arith.muli %parallel_loop3A_64, %parallel_loop3A_65 : i32
      %parallel_loop3A_67 = arith.constant 0 : i32
      %parallel_loop3A_68 = arith.addi %parallel_loop3A_67, %parallel_loop3A_66 : i32
      %parallel_loop3A_69 = arith.index_cast %parallel_loop3A_68 : i32 to index
      %parallel_loop3A_70 = tpu.vector_load %arg7[%parallel_loop3A_69] {strides = array<i32>} : memref<10496xi32, #tpu.memory_space<vmem>>, vector<16xi32>,
      %parallel_loop3A_71 = vector.shape_cast %parallel_loop3A_70 : vector<16xi32> to vector<16xi32>
      %parallel_loop3A_72 = arith.constant 16383 : i32
      %parallel_loop3A_73 = vector.broadcast %parallel_loop3A_72 : i32 to vector<16xi32>
      %parallel_loop3A_74 = arith.andi %parallel_loop3A_71, %parallel_loop3A_73 : vector<16xi32>
      %parallel_loop3A_75 = arith.constant 16 : i32
      %parallel_loop3A_76 = arith.muli %parallel_loop3A_64, %parallel_loop3A_75 : i32
      %parallel_loop3A_77 = arith.index_cast %parallel_loop3A_76 : i32 to index
      %parallel_loop3A_78 = tpu.vector_load %arg8[%parallel_loop3A_77] {strides = array<i32>} : memref<128xi32, #tpu.memory_space<vmem>>, vector<16xi32>,
      %parallel_loop3A_79 = vector.shape_cast %parallel_loop3A_78 : vector<16xi32> to vector<16xi32>
      %parallel_loop3A_80 = vector.shape_cast %parallel_loop3A_74 : vector<16xi32> to vector<16xi32>
      tpu.vector_store %arg8[%parallel_loop3A_77], %parallel_loop3A_80 {strides = array<i32>} : memref<128xi32, #tpu.memory_space<vmem>>, vector<16xi32>,
      %parallel_loop3A_81 = arith.constant 14 : i32
      %parallel_loop3A_82 = vector.broadcast %parallel_loop3A_81 : i32 to vector<16xi32>
      %parallel_loop3A_83 = arith.shrsi %parallel_loop3A_71, %parallel_loop3A_82 : vector<16xi32>
      %parallel_loop3A_84 = arith.constant 16 : i32
      %parallel_loop3A_85 = arith.muli %parallel_loop3A_64, %parallel_loop3A_84 : i32
      %parallel_loop3A_86 = arith.index_cast %parallel_loop3A_85 : i32 to index
      %parallel_loop3A_87 = tpu.vector_load %arg9[%parallel_loop3A_86] {strides = array<i32>} : memref<128xi32, #tpu.memory_space<vmem>>, vector<16xi32>,
      %parallel_loop3A_88 = vector.shape_cast %parallel_loop3A_87 : vector<16xi32> to vector<16xi32>
      %parallel_loop3A_89 = vector.shape_cast %parallel_loop3A_83 : vector<16xi32> to vector<16xi32>
      tpu.vector_store %arg9[%parallel_loop3A_86], %parallel_loop3A_89 {strides = array<i32>} : memref<128xi32, #tpu.memory_space<vmem>>, vector<16xi32>,
    } {sc.loop_unroll_factor = 4 : i64, sc.parallel_access}
    %dma_start3A_28 = arith.constant 0 : i32
    %dma_start3A_29 = arith.constant 0 : i32
    %dma_start3A_30 = tpu.memref_slice %arg2[%dma_start3A_28, %dma_start3A_29] : memref<10000x32xf32, #tpu.memory_space<hbm>> -> memref<10000x32xf32, #tpu.memory_space<hbm>>
    tpu.enqueue_indirect_dma source(%dma_start3A_30 : memref<10000x32xf32, #tpu.memory_space<hbm>>) target(%arg10 : memref<128x32xf32, #tpu.memory_space<vmem>>) offsets(%arg8 : memref<128xi32, #tpu.memory_space<vmem>>) semaphore(%arg14 : memref<!tpu.dma_semaphore, #tpu.memory_space<semaphore_mem>>)
    %dma_start3A_31 = arith.constant 0 : i32
    %dma_start3A_32 = arith.constant 0 : i32
    %dma_start3A_33 = tpu.memref_slice %arg3[%dma_start3A_31, %dma_start3A_32] : memref<10008x16xf32, #tpu.memory_space<hbm>> -> memref<10008x16xf32, #tpu.memory_space<hbm>>
    tpu.enqueue_indirect_dma source(%dma_start3A_33 : memref<10008x16xf32, #tpu.memory_space<hbm>>) target(%arg11 : memref<128x16xf32, #tpu.memory_space<vmem>>) offsets(%arg9 : memref<128xi32, #tpu.memory_space<vmem>>) semaphore(%arg15 : memref<!tpu.dma_semaphore, #tpu.memory_space<semaphore_mem>>)
    %scan3A_34 = arith.constant 0 : i32
    %scan3A_35 = arith.constant 0 : i32
    %scan3A_36 = arith.constant 41 : i32
    %scan3A_37 = arith.addi %scan3A_35, %scan3A_36 : i32
    %scan3A_38 = arith.constant 1 : i32
    %scan3A_39 = scf.for %scan3A_64 = %scan3A_35 to %scan3A_37 step %scan3A_38 iter_args(%scan3A_65 = %scan3A_34) -> (i32)  : i32 {
      %mul3A_66 = arith.constant 2 : i32
      %mul3A_67 = arith.muli %mul3A_66, %scan3A_64 : i32
      %add3A_68 = arith.constant 0 : i32
      %add3A_69 = arith.addi %mul3A_67, %add3A_68 : i32
      %dma_wait3A_70 = arith.constant 0 : i32
      %dma_wait3A_71 = arith.constant 0 : i32
      %dma_wait3A_72 = tpu.memref_slice %arg2[%dma_wait3A_70, %dma_wait3A_71] : memref<10000x32xf32, #tpu.memory_space<hbm>> -> memref<10000x32xf32, #tpu.memory_space<hbm>>
      tpu.wait_indirect_dma semaphore(%arg14 : memref<!tpu.dma_semaphore, #tpu.memory_space<semaphore_mem>>) src(%dma_wait3A_72 : memref<10000x32xf32, #tpu.memory_space<hbm>>) dst(%arg10 : memref<128x32xf32, #tpu.memory_space<vmem>>)
      %dma_wait3A_73 = arith.constant 0 : i32
      %dma_wait3A_74 = arith.constant 0 : i32
      %dma_wait3A_75 = tpu.memref_slice %arg3[%dma_wait3A_73, %dma_wait3A_74] : memref<10008x16xf32, #tpu.memory_space<hbm>> -> memref<10008x16xf32, #tpu.memory_space<hbm>>
      tpu.wait_indirect_dma semaphore(%arg15 : memref<!tpu.dma_semaphore, #tpu.memory_space<semaphore_mem>>) src(%dma_wait3A_75 : memref<10008x16xf32, #tpu.memory_space<hbm>>) dst(%arg11 : memref<128x16xf32, #tpu.memory_space<vmem>>)
      %add3A_76 = arith.constant 1 : i32
      %add3A_77 = arith.addi %add3A_69, %add3A_76 : i32
      %lt3A = arith.constant 82 : i32
      %lt3A_78 = arith.cmpi slt, %add3A_77, %lt3A : i32
      %convert_element_type3A = arith.extui %lt3A_78 : i1 to i32
      %cond3A = arith.constant 0 : i32
      %cond3A_79 = arith.cmpi ne, %convert_element_type3A, %cond3A : i32
      scf.if %cond3A_79 {
        %add3A_116 = arith.constant 1 : i32
        %add3A_117 = arith.addi %add3A_69, %add3A_116 : i32
        %ge3A = arith.constant 2 : i32
        %ge3A_118 = arith.cmpi sge, %add3A_117, %ge3A : i32
        %convert_element_type3A_119 = arith.extui %ge3A_118 : i1 to i32
        %cond3A_120 = arith.constant 0 : i32
        %cond3A_121 = arith.cmpi ne, %convert_element_type3A_119, %cond3A_120 : i32
        scf.if %cond3A_121 {
          %dma_wait3A_133 = arith.constant 0 : i32
          %dma_wait3A_134 = arith.constant 0 : i32
          %dma_wait3A_135 = tpu.memref_slice %arg29[%dma_wait3A_133, %dma_wait3A_134] : memref<10016x16xf32, #tpu.memory_space<vmem_shared>> -> memref<10016x16xf32, #tpu.memory_space<vmem_shared>>
          tpu.wait_indirect_dma semaphore(%arg26 : memref<!tpu.dma_semaphore, #tpu.memory_space<semaphore_mem>>) src(%arg22 : memref<128x16xf32, #tpu.memory_space<vmem>>) dst(%dma_wait3A_135 : memref<10016x16xf32, #tpu.memory_space<vmem_shared>>)
          %dma_wait3A_136 = arith.constant 0 : i32
          %dma_wait3A_137 = arith.constant 0 : i32
          %dma_wait3A_138 = tpu.memref_slice %arg30[%dma_wait3A_136, %dma_wait3A_137] : memref<10016x16xf32, #tpu.memory_space<vmem_shared>> -> memref<10016x16xf32, #tpu.memory_space<vmem_shared>>
          tpu.wait_indirect_dma semaphore(%arg27 : memref<!tpu.dma_semaphore, #tpu.memory_space<semaphore_mem>>) src(%arg23 : memref<128x16xf32, #tpu.memory_space<vmem>>) dst(%dma_wait3A_138 : memref<10016x16xf32, #tpu.memory_space<vmem_shared>>)
        } else {
        }
        %mul3A_122 = arith.constant 128 : i32
        %mul3A_123 = arith.muli %add3A_117, %mul3A_122 : i32
        %parallel_loop3A_124 = arith.constant 0 : i32
        %parallel_loop3A_125 = arith.constant 8 : i32
        %parallel_loop3A_126 = arith.constant 1 : i32
        scf.for %parallel_loop3A_133 = %parallel_loop3A_124 to %parallel_loop3A_125 step %parallel_loop3A_126  : i32 {
          %parallel_loop3A_134 = arith.constant 16 : i32
          %parallel_loop3A_135 = arith.muli %parallel_loop3A_133, %parallel_loop3A_134 : i32
          %parallel_loop3A_136 = arith.addi %mul3A_123, %parallel_loop3A_135 : i32
          %parallel_loop3A_137 = arith.index_cast %parallel_loop3A_136 : i32 to index
          %parallel_loop3A_138 = tpu.vector_load %arg7[%parallel_loop3A_137] {strides = array<i32>} : memref<10496xi32, #tpu.memory_space<vmem>>, vector<16xi32>,
          %parallel_loop3A_139 = vector.shape_cast %parallel_loop3A_138 : vector<16xi32> to vector<16xi32>
          %parallel_loop3A_140 = arith.constant 16383 : i32
          %parallel_loop3A_141 = vector.broadcast %parallel_loop3A_140 : i32 to vector<16xi32>
          %parallel_loop3A_142 = arith.andi %parallel_loop3A_139, %parallel_loop3A_141 : vector<16xi32>
          %parallel_loop3A_143 = arith.constant 16 : i32
          %parallel_loop3A_144 = arith.muli %parallel_loop3A_133, %parallel_loop3A_143 : i32
          %parallel_loop3A_145 = arith.index_cast %parallel_loop3A_144 : i32 to index
          %parallel_loop3A_146 = tpu.vector_load %arg18[%parallel_loop3A_145] {strides = array<i32>} : memref<128xi32, #tpu.memory_space<vmem>>, vector<16xi32>,
          %parallel_loop3A_147 = vector.shape_cast %parallel_loop3A_146 : vector<16xi32> to vector<16xi32>
          %parallel_loop3A_148 = vector.shape_cast %parallel_loop3A_142 : vector<16xi32> to vector<16xi32>
          tpu.vector_store %arg18[%parallel_loop3A_145], %parallel_loop3A_148 {strides = array<i32>} : memref<128xi32, #tpu.memory_space<vmem>>, vector<16xi32>,
          %parallel_loop3A_149 = arith.constant 14 : i32
          %parallel_loop3A_150 = vector.broadcast %parallel_loop3A_149 : i32 to vector<16xi32>
          %parallel_loop3A_151 = arith.shrsi %parallel_loop3A_139, %parallel_loop3A_150 : vector<16xi32>
          %parallel_loop3A_152 = arith.constant 16 : i32
          %parallel_loop3A_153 = arith.muli %parallel_loop3A_133, %parallel_loop3A_152 : i32
          %parallel_loop3A_154 = arith.index_cast %parallel_loop3A_153 : i32 to index
          %parallel_loop3A_155 = tpu.vector_load %arg19[%parallel_loop3A_154] {strides = array<i32>} : memref<128xi32, #tpu.memory_space<vmem>>, vector<16xi32>,
          %parallel_loop3A_156 = vector.shape_cast %parallel_loop3A_155 : vector<16xi32> to vector<16xi32>
          %parallel_loop3A_157 = vector.shape_cast %parallel_loop3A_151 : vector<16xi32> to vector<16xi32>
          tpu.vector_store %arg19[%parallel_loop3A_154], %parallel_loop3A_157 {strides = array<i32>} : memref<128xi32, #tpu.memory_space<vmem>>, vector<16xi32>,
        } {sc.loop_unroll_factor = 4 : i64, sc.parallel_access}
        %dma_start3A_127 = arith.constant 0 : i32
        %dma_start3A_128 = arith.constant 0 : i32
        %dma_start3A_129 = tpu.memref_slice %arg2[%dma_start3A_127, %dma_start3A_128] : memref<10000x32xf32, #tpu.memory_space<hbm>> -> memref<10000x32xf32, #tpu.memory_space<hbm>>
        tpu.enqueue_indirect_dma source(%dma_start3A_129 : memref<10000x32xf32, #tpu.memory_space<hbm>>) target(%arg20 : memref<128x32xf32, #tpu.memory_space<vmem>>) offsets(%arg18 : memref<128xi32, #tpu.memory_space<vmem>>) semaphore(%arg24 : memref<!tpu.dma_semaphore, #tpu.memory_space<semaphore_mem>>)
        %dma_start3A_130 = arith.constant 0 : i32
        %dma_start3A_131 = arith.constant 0 : i32
        %dma_start3A_132 = tpu.memref_slice %arg3[%dma_start3A_130, %dma_start3A_131] : memref<10008x16xf32, #tpu.memory_space<hbm>> -> memref<10008x16xf32, #tpu.memory_space<hbm>>
        tpu.enqueue_indirect_dma source(%dma_start3A_132 : memref<10008x16xf32, #tpu.memory_space<hbm>>) target(%arg21 : memref<128x16xf32, #tpu.memory_space<vmem>>) offsets(%arg19 : memref<128xi32, #tpu.memory_space<vmem>>) semaphore(%arg25 : memref<!tpu.dma_semaphore, #tpu.memory_space<semaphore_mem>>)
      } else {
      }
      %parallel_loop3A_80 = arith.constant 0 : i32
      %parallel_loop3A_81 = arith.constant 128 : i32
      %parallel_loop3A_82 = arith.constant 1 : i32
      scf.for %parallel_loop3A_116 = %parallel_loop3A_80 to %parallel_loop3A_81 step %parallel_loop3A_82  : i32 {
        %parallel_loop3A_117 = arith.index_cast %parallel_loop3A_116 : i32 to index
        %parallel_loop3A_118 = arith.constant 16 : index
        %parallel_loop3A_119 = tpu.vector_load %arg10[%parallel_loop3A_117, %parallel_loop3A_118] {strides = array<i32>} : memref<128x32xf32, #tpu.memory_space<vmem>>, vector<1x16xf32>,
        %parallel_loop3A_120 = vector.shape_cast %parallel_loop3A_119 : vector<1x16xf32> to vector<16xf32>
        %parallel_loop3A_121 = arith.index_cast %parallel_loop3A_116 : i32 to index
        %parallel_loop3A_122 = arith.constant 0 : index
        %parallel_loop3A_123 = tpu.vector_load %arg11[%parallel_loop3A_121, %parallel_loop3A_122] {strides = array<i32>} : memref<128x16xf32, #tpu.memory_space<vmem>>, vector<1x16xf32>,
        %parallel_loop3A_124 = vector.shape_cast %parallel_loop3A_123 : vector<1x16xf32> to vector<16xf32>
        %parallel_loop3A_125 = arith.addf %parallel_loop3A_120, %parallel_loop3A_124 : vector<16xf32>
        %parallel_loop3A_126 = arith.constant 2.000000e-01 : f32
        %parallel_loop3A_127 = vector.broadcast %parallel_loop3A_126 : f32 to vector<16xf32>
        %parallel_loop3A_128 = arith.mulf %parallel_loop3A_127, %parallel_loop3A_125 : vector<16xf32>
        %parallel_loop3A_129 = arith.maximumf %parallel_loop3A_125, %parallel_loop3A_128 : vector<16xf32>
        %parallel_loop3A_130 = math.exp %parallel_loop3A_129 : vector<16xf32>
        %parallel_loop3A_131 = vector.extract_strided_slice %parallel_loop3A_130 {offsets = [0], sizes = [1], strides = [1]} : vector<16xf32> to vector<1xf32>
        %parallel_loop3A_132 = vector.extract %parallel_loop3A_131[0] : f32 from vector<1xf32>
        %parallel_loop3A_133 = vector.broadcast %parallel_loop3A_132 : f32 to vector<16xf32>
        %parallel_loop3A_134 = arith.index_cast %parallel_loop3A_116 : i32 to index
        %parallel_loop3A_135 = arith.constant 0 : index
        %parallel_loop3A_136 = tpu.vector_load %arg10[%parallel_loop3A_134, %parallel_loop3A_135] {strides = array<i32>} : memref<128x32xf32, #tpu.memory_space<vmem>>, vector<1x16xf32>,
        %parallel_loop3A_137 = vector.shape_cast %parallel_loop3A_136 : vector<1x16xf32> to vector<16xf32>
        %parallel_loop3A_138 = arith.mulf %parallel_loop3A_137, %parallel_loop3A_133 : vector<16xf32>
        %parallel_loop3A_139 = arith.index_cast %parallel_loop3A_116 : i32 to index
        %parallel_loop3A_140 = arith.constant 0 : index
        %parallel_loop3A_141 = tpu.vector_load %arg12[%parallel_loop3A_139, %parallel_loop3A_140] {strides = array<i32>} : memref<128x16xf32, #tpu.memory_space<vmem>>, vector<1x16xf32>,
        %parallel_loop3A_142 = vector.shape_cast %parallel_loop3A_141 : vector<1x16xf32> to vector<16xf32>
        %parallel_loop3A_143 = vector.shape_cast %parallel_loop3A_138 : vector<16xf32> to vector<1x16xf32>
        tpu.vector_store %arg12[%parallel_loop3A_139, %parallel_loop3A_140], %parallel_loop3A_143 {strides = array<i32>} : memref<128x16xf32, #tpu.memory_space<vmem>>, vector<1x16xf32>,
        %parallel_loop3A_144 = arith.index_cast %parallel_loop3A_116 : i32 to index
        %parallel_loop3A_145 = arith.constant 0 : index
        %parallel_loop3A_146 = tpu.vector_load %arg13[%parallel_loop3A_144, %parallel_loop3A_145] {strides = array<i32>} : memref<128x16xf32, #tpu.memory_space<vmem>>, vector<1x16xf32>,
        %parallel_loop3A_147 = vector.shape_cast %parallel_loop3A_146 : vector<1x16xf32> to vector<16xf32>
        %parallel_loop3A_148 = vector.shape_cast %parallel_loop3A_133 : vector<16xf32> to vector<1x16xf32>
        tpu.vector_store %arg13[%parallel_loop3A_144, %parallel_loop3A_145], %parallel_loop3A_148 {strides = array<i32>} : memref<128x16xf32, #tpu.memory_space<vmem>>, vector<1x16xf32>,
      } {sc.loop_unroll_factor = 8 : i64, sc.parallel_access}
      %dma_start3A_83 = arith.constant 0 : i32
      %dma_start3A_84 = arith.constant 0 : i32
      %dma_start3A_85 = tpu.memref_slice %arg29[%dma_start3A_83, %dma_start3A_84] : memref<10016x16xf32, #tpu.memory_space<vmem_shared>> -> memref<10016x16xf32, #tpu.memory_space<vmem_shared>>
      tpu.enqueue_indirect_dma source(%arg12 : memref<128x16xf32, #tpu.memory_space<vmem>>) target(%dma_start3A_85 : memref<10016x16xf32, #tpu.memory_space<vmem_shared>>) offsets(%arg9 : memref<128xi32, #tpu.memory_space<vmem>>) semaphore(%arg16 : memref<!tpu.dma_semaphore, #tpu.memory_space<semaphore_mem>>) {add = true}
      %dma_start3A_86 = arith.constant 0 : i32
      %dma_start3A_87 = arith.constant 0 : i32
      %dma_start3A_88 = tpu.memref_slice %arg30[%dma_start3A_86, %dma_start3A_87] : memref<10016x16xf32, #tpu.memory_space<vmem_shared>> -> memref<10016x16xf32, #tpu.memory_space<vmem_shared>>
      tpu.enqueue_indirect_dma source(%arg13 : memref<128x16xf32, #tpu.memory_space<vmem>>) target(%dma_start3A_88 : memref<10016x16xf32, #tpu.memory_space<vmem_shared>>) offsets(%arg9 : memref<128xi32, #tpu.memory_space<vmem>>) semaphore(%arg17 : memref<!tpu.dma_semaphore, #tpu.memory_space<semaphore_mem>>) {add = true}
      %mul3A_89 = arith.constant 2 : i32
      %mul3A_90 = arith.muli %mul3A_89, %scan3A_64 : i32
      %add3A_91 = arith.constant 1 : i32
      %add3A_92 = arith.addi %mul3A_90, %add3A_91 : i32
      %dma_wait3A_93 = arith.constant 0 : i32
      %dma_wait3A_94 = arith.constant 0 : i32
      %dma_wait3A_95 = tpu.memref_slice %arg2[%dma_wait3A_93, %dma_wait3A_94] : memref<10000x32xf32, #tpu.memory_space<hbm>> -> memref<10000x32xf32, #tpu.memory_space<hbm>>
      tpu.wait_indirect_dma semaphore(%arg24 : memref<!tpu.dma_semaphore, #tpu.memory_space<semaphore_mem>>) src(%dma_wait3A_95 : memref<10000x32xf32, #tpu.memory_space<hbm>>) dst(%arg20 : memref<128x32xf32, #tpu.memory_space<vmem>>)
      %dma_wait3A_96 = arith.constant 0 : i32
      %dma_wait3A_97 = arith.constant 0 : i32
      %dma_wait3A_98 = tpu.memref_slice %arg3[%dma_wait3A_96, %dma_wait3A_97] : memref<10008x16xf32, #tpu.memory_space<hbm>> -> memref<10008x16xf32, #tpu.memory_space<hbm>>
      tpu.wait_indirect_dma semaphore(%arg25 : memref<!tpu.dma_semaphore, #tpu.memory_space<semaphore_mem>>) src(%dma_wait3A_98 : memref<10008x16xf32, #tpu.memory_space<hbm>>) dst(%arg21 : memref<128x16xf32, #tpu.memory_space<vmem>>)
      %add3A_99 = arith.constant 1 : i32
      %add3A_100 = arith.addi %add3A_92, %add3A_99 : i32
      %lt3A_101 = arith.constant 82 : i32
      %lt3A_102 = arith.cmpi slt, %add3A_100, %lt3A_101 : i32
      %convert_element_type3A_103 = arith.extui %lt3A_102 : i1 to i32
      %cond3A_104 = arith.constant 0 : i32
      %cond3A_105 = arith.cmpi ne, %convert_element_type3A_103, %cond3A_104 : i32
      scf.if %cond3A_105 {
        %add3A_116 = arith.constant 1 : i32
        %add3A_117 = arith.addi %add3A_92, %add3A_116 : i32
        %ge3A = arith.constant 2 : i32
        %ge3A_118 = arith.cmpi sge, %add3A_117, %ge3A : i32
        %convert_element_type3A_119 = arith.extui %ge3A_118 : i1 to i32
        %cond3A_120 = arith.constant 0 : i32
        %cond3A_121 = arith.cmpi ne, %convert_element_type3A_119, %cond3A_120 : i32
        scf.if %cond3A_121 {
          %dma_wait3A_133 = arith.constant 0 : i32
          %dma_wait3A_134 = arith.constant 0 : i32
          %dma_wait3A_135 = tpu.memref_slice %arg29[%dma_wait3A_133, %dma_wait3A_134] : memref<10016x16xf32, #tpu.memory_space<vmem_shared>> -> memref<10016x16xf32, #tpu.memory_space<vmem_shared>>
          tpu.wait_indirect_dma semaphore(%arg16 : memref<!tpu.dma_semaphore, #tpu.memory_space<semaphore_mem>>) src(%arg12 : memref<128x16xf32, #tpu.memory_space<vmem>>) dst(%dma_wait3A_135 : memref<10016x16xf32, #tpu.memory_space<vmem_shared>>)
          %dma_wait3A_136 = arith.constant 0 : i32
          %dma_wait3A_137 = arith.constant 0 : i32
          %dma_wait3A_138 = tpu.memref_slice %arg30[%dma_wait3A_136, %dma_wait3A_137] : memref<10016x16xf32, #tpu.memory_space<vmem_shared>> -> memref<10016x16xf32, #tpu.memory_space<vmem_shared>>
          tpu.wait_indirect_dma semaphore(%arg17 : memref<!tpu.dma_semaphore, #tpu.memory_space<semaphore_mem>>) src(%arg13 : memref<128x16xf32, #tpu.memory_space<vmem>>) dst(%dma_wait3A_138 : memref<10016x16xf32, #tpu.memory_space<vmem_shared>>)
        } else {
        }
        %mul3A_122 = arith.constant 128 : i32
        %mul3A_123 = arith.muli %add3A_117, %mul3A_122 : i32
        %parallel_loop3A_124 = arith.constant 0 : i32
        %parallel_loop3A_125 = arith.constant 8 : i32
        %parallel_loop3A_126 = arith.constant 1 : i32
        scf.for %parallel_loop3A_133 = %parallel_loop3A_124 to %parallel_loop3A_125 step %parallel_loop3A_126  : i32 {
          %parallel_loop3A_134 = arith.constant 16 : i32
          %parallel_loop3A_135 = arith.muli %parallel_loop3A_133, %parallel_loop3A_134 : i32
          %parallel_loop3A_136 = arith.addi %mul3A_123, %parallel_loop3A_135 : i32
          %parallel_loop3A_137 = arith.index_cast %parallel_loop3A_136 : i32 to index
          %parallel_loop3A_138 = tpu.vector_load %arg7[%parallel_loop3A_137] {strides = array<i32>} : memref<10496xi32, #tpu.memory_space<vmem>>, vector<16xi32>,
          %parallel_loop3A_139 = vector.shape_cast %parallel_loop3A_138 : vector<16xi32> to vector<16xi32>
          %parallel_loop3A_140 = arith.constant 16383 : i32
          %parallel_loop3A_141 = vector.broadcast %parallel_loop3A_140 : i32 to vector<16xi32>
          %parallel_loop3A_142 = arith.andi %parallel_loop3A_139, %parallel_loop3A_141 : vector<16xi32>
          %parallel_loop3A_143 = arith.constant 16 : i32
          %parallel_loop3A_144 = arith.muli %parallel_loop3A_133, %parallel_loop3A_143 : i32
          %parallel_loop3A_145 = arith.index_cast %parallel_loop3A_144 : i32 to index
          %parallel_loop3A_146 = tpu.vector_load %arg8[%parallel_loop3A_145] {strides = array<i32>} : memref<128xi32, #tpu.memory_space<vmem>>, vector<16xi32>,
          %parallel_loop3A_147 = vector.shape_cast %parallel_loop3A_146 : vector<16xi32> to vector<16xi32>
          %parallel_loop3A_148 = vector.shape_cast %parallel_loop3A_142 : vector<16xi32> to vector<16xi32>
          tpu.vector_store %arg8[%parallel_loop3A_145], %parallel_loop3A_148 {strides = array<i32>} : memref<128xi32, #tpu.memory_space<vmem>>, vector<16xi32>,
          %parallel_loop3A_149 = arith.constant 14 : i32
          %parallel_loop3A_150 = vector.broadcast %parallel_loop3A_149 : i32 to vector<16xi32>
          %parallel_loop3A_151 = arith.shrsi %parallel_loop3A_139, %parallel_loop3A_150 : vector<16xi32>
          %parallel_loop3A_152 = arith.constant 16 : i32
          %parallel_loop3A_153 = arith.muli %parallel_loop3A_133, %parallel_loop3A_152 : i32
          %parallel_loop3A_154 = arith.index_cast %parallel_loop3A_153 : i32 to index
          %parallel_loop3A_155 = tpu.vector_load %arg9[%parallel_loop3A_154] {strides = array<i32>} : memref<128xi32, #tpu.memory_space<vmem>>, vector<16xi32>,
          %parallel_loop3A_156 = vector.shape_cast %parallel_loop3A_155 : vector<16xi32> to vector<16xi32>
          %parallel_loop3A_157 = vector.shape_cast %parallel_loop3A_151 : vector<16xi32> to vector<16xi32>
          tpu.vector_store %arg9[%parallel_loop3A_154], %parallel_loop3A_157 {strides = array<i32>} : memref<128xi32, #tpu.memory_space<vmem>>, vector<16xi32>,
        } {sc.loop_unroll_factor = 4 : i64, sc.parallel_access}
        %dma_start3A_127 = arith.constant 0 : i32
        %dma_start3A_128 = arith.constant 0 : i32
        %dma_start3A_129 = tpu.memref_slice %arg2[%dma_start3A_127, %dma_start3A_128] : memref<10000x32xf32, #tpu.memory_space<hbm>> -> memref<10000x32xf32, #tpu.memory_space<hbm>>
        tpu.enqueue_indirect_dma source(%dma_start3A_129 : memref<10000x32xf32, #tpu.memory_space<hbm>>) target(%arg10 : memref<128x32xf32, #tpu.memory_space<vmem>>) offsets(%arg8 : memref<128xi32, #tpu.memory_space<vmem>>) semaphore(%arg14 : memref<!tpu.dma_semaphore, #tpu.memory_space<semaphore_mem>>)
        %dma_start3A_130 = arith.constant 0 : i32
        %dma_start3A_131 = arith.constant 0 : i32
        %dma_start3A_132 = tpu.memref_slice %arg3[%dma_start3A_130, %dma_start3A_131] : memref<10008x16xf32, #tpu.memory_space<hbm>> -> memref<10008x16xf32, #tpu.memory_space<hbm>>
        tpu.enqueue_indirect_dma source(%dma_start3A_132 : memref<10008x16xf32, #tpu.memory_space<hbm>>) target(%arg11 : memref<128x16xf32, #tpu.memory_space<vmem>>) offsets(%arg9 : memref<128xi32, #tpu.memory_space<vmem>>) semaphore(%arg15 : memref<!tpu.dma_semaphore, #tpu.memory_space<semaphore_mem>>)
      } else {
      }
      %parallel_loop3A_106 = arith.constant 0 : i32
      %parallel_loop3A_107 = arith.constant 128 : i32
      %parallel_loop3A_108 = arith.constant 1 : i32
      scf.for %parallel_loop3A_116 = %parallel_loop3A_106 to %parallel_loop3A_107 step %parallel_loop3A_108  : i32 {
        %parallel_loop3A_117 = arith.index_cast %parallel_loop3A_116 : i32 to index
        %parallel_loop3A_118 = arith.constant 16 : index
        %parallel_loop3A_119 = tpu.vector_load %arg20[%parallel_loop3A_117, %parallel_loop3A_118] {strides = array<i32>} : memref<128x32xf32, #tpu.memory_space<vmem>>, vector<1x16xf32>,
        %parallel_loop3A_120 = vector.shape_cast %parallel_loop3A_119 : vector<1x16xf32> to vector<16xf32>
        %parallel_loop3A_121 = arith.index_cast %parallel_loop3A_116 : i32 to index
        %parallel_loop3A_122 = arith.constant 0 : index
        %parallel_loop3A_123 = tpu.vector_load %arg21[%parallel_loop3A_121, %parallel_loop3A_122] {strides = array<i32>} : memref<128x16xf32, #tpu.memory_space<vmem>>, vector<1x16xf32>,
        %parallel_loop3A_124 = vector.shape_cast %parallel_loop3A_123 : vector<1x16xf32> to vector<16xf32>
        %parallel_loop3A_125 = arith.addf %parallel_loop3A_120, %parallel_loop3A_124 : vector<16xf32>
        %parallel_loop3A_126 = arith.constant 2.000000e-01 : f32
        %parallel_loop3A_127 = vector.broadcast %parallel_loop3A_126 : f32 to vector<16xf32>
        %parallel_loop3A_128 = arith.mulf %parallel_loop3A_127, %parallel_loop3A_125 : vector<16xf32>
        %parallel_loop3A_129 = arith.maximumf %parallel_loop3A_125, %parallel_loop3A_128 : vector<16xf32>
        %parallel_loop3A_130 = math.exp %parallel_loop3A_129 : vector<16xf32>
        %parallel_loop3A_131 = vector.extract_strided_slice %parallel_loop3A_130 {offsets = [0], sizes = [1], strides = [1]} : vector<16xf32> to vector<1xf32>
        %parallel_loop3A_132 = vector.extract %parallel_loop3A_131[0] : f32 from vector<1xf32>
        %parallel_loop3A_133 = vector.broadcast %parallel_loop3A_132 : f32 to vector<16xf32>
        %parallel_loop3A_134 = arith.index_cast %parallel_loop3A_116 : i32 to index
        %parallel_loop3A_135 = arith.constant 0 : index
        %parallel_loop3A_136 = tpu.vector_load %arg20[%parallel_loop3A_134, %parallel_loop3A_135] {strides = array<i32>} : memref<128x32xf32, #tpu.memory_space<vmem>>, vector<1x16xf32>,
        %parallel_loop3A_137 = vector.shape_cast %parallel_loop3A_136 : vector<1x16xf32> to vector<16xf32>
        %parallel_loop3A_138 = arith.mulf %parallel_loop3A_137, %parallel_loop3A_133 : vector<16xf32>
        %parallel_loop3A_139 = arith.index_cast %parallel_loop3A_116 : i32 to index
        %parallel_loop3A_140 = arith.constant 0 : index
        %parallel_loop3A_141 = tpu.vector_load %arg22[%parallel_loop3A_139, %parallel_loop3A_140] {strides = array<i32>} : memref<128x16xf32, #tpu.memory_space<vmem>>, vector<1x16xf32>,
        %parallel_loop3A_142 = vector.shape_cast %parallel_loop3A_141 : vector<1x16xf32> to vector<16xf32>
        %parallel_loop3A_143 = vector.shape_cast %parallel_loop3A_138 : vector<16xf32> to vector<1x16xf32>
        tpu.vector_store %arg22[%parallel_loop3A_139, %parallel_loop3A_140], %parallel_loop3A_143 {strides = array<i32>} : memref<128x16xf32, #tpu.memory_space<vmem>>, vector<1x16xf32>,
        %parallel_loop3A_144 = arith.index_cast %parallel_loop3A_116 : i32 to index
        %parallel_loop3A_145 = arith.constant 0 : index
        %parallel_loop3A_146 = tpu.vector_load %arg23[%parallel_loop3A_144, %parallel_loop3A_145] {strides = array<i32>} : memref<128x16xf32, #tpu.memory_space<vmem>>, vector<1x16xf32>,
        %parallel_loop3A_147 = vector.shape_cast %parallel_loop3A_146 : vector<1x16xf32> to vector<16xf32>
        %parallel_loop3A_148 = vector.shape_cast %parallel_loop3A_133 : vector<16xf32> to vector<1x16xf32>
        tpu.vector_store %arg23[%parallel_loop3A_144, %parallel_loop3A_145], %parallel_loop3A_148 {strides = array<i32>} : memref<128x16xf32, #tpu.memory_space<vmem>>, vector<1x16xf32>,
      } {sc.loop_unroll_factor = 8 : i64, sc.parallel_access}
      %dma_start3A_109 = arith.constant 0 : i32
      %dma_start3A_110 = arith.constant 0 : i32
      %dma_start3A_111 = tpu.memref_slice %arg29[%dma_start3A_109, %dma_start3A_110] : memref<10016x16xf32, #tpu.memory_space<vmem_shared>> -> memref<10016x16xf32, #tpu.memory_space<vmem_shared>>
      tpu.enqueue_indirect_dma source(%arg22 : memref<128x16xf32, #tpu.memory_space<vmem>>) target(%dma_start3A_111 : memref<10016x16xf32, #tpu.memory_space<vmem_shared>>) offsets(%arg19 : memref<128xi32, #tpu.memory_space<vmem>>) semaphore(%arg26 : memref<!tpu.dma_semaphore, #tpu.memory_space<semaphore_mem>>) {add = true}
      %dma_start3A_112 = arith.constant 0 : i32
      %dma_start3A_113 = arith.constant 0 : i32
      %dma_start3A_114 = tpu.memref_slice %arg30[%dma_start3A_112, %dma_start3A_113] : memref<10016x16xf32, #tpu.memory_space<vmem_shared>> -> memref<10016x16xf32, #tpu.memory_space<vmem_shared>>
      tpu.enqueue_indirect_dma source(%arg23 : memref<128x16xf32, #tpu.memory_space<vmem>>) target(%dma_start3A_114 : memref<10016x16xf32, #tpu.memory_space<vmem_shared>>) offsets(%arg19 : memref<128xi32, #tpu.memory_space<vmem>>) semaphore(%arg27 : memref<!tpu.dma_semaphore, #tpu.memory_space<semaphore_mem>>) {add = true}
      %scan3A_115 = arith.constant 0 : i32
      scf.yield %scan3A_115 : i32
    }
    %scan3A_40 = arith.constant 41 : i32
    %dma_wait3A_41 = arith.constant 0 : i32
    %dma_wait3A_42 = arith.constant 0 : i32
    %dma_wait3A_43 = tpu.memref_slice %arg29[%dma_wait3A_41, %dma_wait3A_42] : memref<10016x16xf32, #tpu.memory_space<vmem_shared>> -> memref<10016x16xf32, #tpu.memory_space<vmem_shared>>
    tpu.wait_indirect_dma semaphore(%arg16 : memref<!tpu.dma_semaphore, #tpu.memory_space<semaphore_mem>>) src(%arg12 : memref<128x16xf32, #tpu.memory_space<vmem>>) dst(%dma_wait3A_43 : memref<10016x16xf32, #tpu.memory_space<vmem_shared>>)
    %dma_wait3A_44 = arith.constant 0 : i32
    %dma_wait3A_45 = arith.constant 0 : i32
    %dma_wait3A_46 = tpu.memref_slice %arg30[%dma_wait3A_44, %dma_wait3A_45] : memref<10016x16xf32, #tpu.memory_space<vmem_shared>> -> memref<10016x16xf32, #tpu.memory_space<vmem_shared>>
    tpu.wait_indirect_dma semaphore(%arg17 : memref<!tpu.dma_semaphore, #tpu.memory_space<semaphore_mem>>) src(%arg13 : memref<128x16xf32, #tpu.memory_space<vmem>>) dst(%dma_wait3A_46 : memref<10016x16xf32, #tpu.memory_space<vmem_shared>>)
    %dma_wait3A_47 = arith.constant 0 : i32
    %dma_wait3A_48 = arith.constant 0 : i32
    %dma_wait3A_49 = tpu.memref_slice %arg29[%dma_wait3A_47, %dma_wait3A_48] : memref<10016x16xf32, #tpu.memory_space<vmem_shared>> -> memref<10016x16xf32, #tpu.memory_space<vmem_shared>>
    tpu.wait_indirect_dma semaphore(%arg26 : memref<!tpu.dma_semaphore, #tpu.memory_space<semaphore_mem>>) src(%arg22 : memref<128x16xf32, #tpu.memory_space<vmem>>) dst(%dma_wait3A_49 : memref<10016x16xf32, #tpu.memory_space<vmem_shared>>)
    %dma_wait3A_50 = arith.constant 0 : i32
    %dma_wait3A_51 = arith.constant 0 : i32
    %dma_wait3A_52 = tpu.memref_slice %arg30[%dma_wait3A_50, %dma_wait3A_51] : memref<10016x16xf32, #tpu.memory_space<vmem_shared>> -> memref<10016x16xf32, #tpu.memory_space<vmem_shared>>
    tpu.wait_indirect_dma semaphore(%arg27 : memref<!tpu.dma_semaphore, #tpu.memory_space<semaphore_mem>>) src(%arg23 : memref<128x16xf32, #tpu.memory_space<vmem>>) dst(%dma_wait3A_52 : memref<10016x16xf32, #tpu.memory_space<vmem_shared>>)
    %barrier3A_53 = arith.constant 0 : index
    tpu.barrier barrier_id(%barrier3A_53)
    "tpu.region"() ({
      %run_scoped3A = tpu.sem_alloc : memref<!tpu.dma_semaphore, #tpu.memory_space<semaphore_mem>>
      %dma_start3A_64 = arith.constant 0 : i32
      %dma_start3A_65 = tpu.memref_slice %arg5[%arg0, %mul3A_14, %dma_start3A_64] : memref<2x10016x16xf32, #tpu.memory_space<hbm>> -> memref<1x128x16xf32, #tpu.memory_space<hbm>>
      %dma_start3A_66 = tpu.memref_squeeze %dma_start3A_65 : memref<1x128x16xf32, #tpu.memory_space<hbm>> -> memref<128x16xf32, #tpu.memory_space<hbm>>
      %dma_start3A_67 = arith.constant 0 : i32
      %dma_start3A_68 = tpu.memref_slice %arg29[%mul3A_14, %dma_start3A_67] : memref<10016x16xf32, #tpu.memory_space<vmem_shared>> -> memref<128x16xf32, #tpu.memory_space<vmem_shared>>
      tpu.enqueue_dma source(%dma_start3A_68 : memref<128x16xf32, #tpu.memory_space<vmem_shared>>) target(%dma_start3A_66 : memref<128x16xf32, #tpu.memory_space<hbm>>) target_semaphore(%run_scoped3A : memref<!tpu.dma_semaphore, #tpu.memory_space<semaphore_mem>>)
      %dma_wait3A_69 = arith.constant 0 : i32
      %dma_wait3A_70 = tpu.memref_slice %arg5[%arg0, %mul3A_14, %dma_wait3A_69] : memref<2x10016x16xf32, #tpu.memory_space<hbm>> -> memref<1x128x16xf32, #tpu.memory_space<hbm>>
      %dma_wait3A_71 = tpu.memref_squeeze %dma_wait3A_70 : memref<1x128x16xf32, #tpu.memory_space<hbm>> -> memref<128x16xf32, #tpu.memory_space<hbm>>
      %dma_wait3A_72 = arith.constant 0 : i32
      %dma_wait3A_73 = tpu.memref_slice %arg29[%mul3A_14, %dma_wait3A_72] : memref<10016x16xf32, #tpu.memory_space<vmem_shared>> -> memref<128x16xf32, #tpu.memory_space<vmem_shared>>
      tpu.wait_dma2 semaphore(%run_scoped3A : memref<!tpu.dma_semaphore, #tpu.memory_space<semaphore_mem>>) src(%dma_wait3A_73 : memref<128x16xf32, #tpu.memory_space<vmem_shared>>) dst(%dma_wait3A_71 : memref<128x16xf32, #tpu.memory_space<hbm>>)
      tpu.yield
    }) : () -> ()
    "tpu.region"() ({
      %run_scoped3A = tpu.sem_alloc : memref<!tpu.dma_semaphore, #tpu.memory_space<semaphore_mem>>
      %dma_start3A_64 = arith.constant 0 : i32
      %dma_start3A_65 = tpu.memref_slice %arg6[%arg0, %mul3A_14, %dma_start3A_64] : memref<2x10016x16xf32, #tpu.memory_space<hbm>> -> memref<1x128x16xf32, #tpu.memory_space<hbm>>
      %dma_start3A_66 = tpu.memref_squeeze %dma_start3A_65 : memref<1x128x16xf32, #tpu.memory_space<hbm>> -> memref<128x16xf32, #tpu.memory_space<hbm>>
      %dma_start3A_67 = arith.constant 0 : i32
      %dma_start3A_68 = tpu.memref_slice %arg30[%mul3A_14, %dma_start3A_67] : memref<10016x16xf32, #tpu.memory_space<vmem_shared>> -> memref<128x16xf32, #tpu.memory_space<vmem_shared>>
      tpu.enqueue_dma source(%dma_start3A_68 : memref<128x16xf32, #tpu.memory_space<vmem_shared>>) target(%dma_start3A_66 : memref<128x16xf32, #tpu.memory_space<hbm>>) target_semaphore(%run_scoped3A : memref<!tpu.dma_semaphore, #tpu.memory_space<semaphore_mem>>)
      %dma_wait3A_69 = arith.constant 0 : i32
      %dma_wait3A_70 = tpu.memref_slice %arg6[%arg0, %mul3A_14, %dma_wait3A_69] : memref<2x10016x16xf32, #tpu.memory_space<hbm>> -> memref<1x128x16xf32, #tpu.memory_space<hbm>>
      %dma_wait3A_71 = tpu.memref_squeeze %dma_wait3A_70 : memref<1x128x16xf32, #tpu.memory_space<hbm>> -> memref<128x16xf32, #tpu.memory_space<hbm>>
      %dma_wait3A_72 = arith.constant 0 : i32
      %dma_wait3A_73 = tpu.memref_slice %arg30[%mul3A_14, %dma_wait3A_72] : memref<10016x16xf32, #tpu.memory_space<vmem_shared>> -> memref<128x16xf32, #tpu.memory_space<vmem_shared>>
      tpu.wait_dma2 semaphore(%run_scoped3A : memref<!tpu.dma_semaphore, #tpu.memory_space<semaphore_mem>>) src(%dma_wait3A_73 : memref<128x16xf32, #tpu.memory_space<vmem_shared>>) dst(%dma_wait3A_71 : memref<128x16xf32, #tpu.memory_space<hbm>>)
      tpu.yield
    }) : () -> ()
    %add3A_54 = arith.constant 128 : i32
    %add3A_55 = arith.addi %mul3A_14, %add3A_54 : i32
    "tpu.region"() ({
      %run_scoped3A = tpu.sem_alloc : memref<!tpu.dma_semaphore, #tpu.memory_space<semaphore_mem>>
      %dma_start3A_64 = arith.constant 0 : i32
      %dma_start3A_65 = tpu.memref_slice %arg5[%arg0, %add3A_55, %dma_start3A_64] : memref<2x10016x16xf32, #tpu.memory_space<hbm>> -> memref<1x128x16xf32, #tpu.memory_space<hbm>>
      %dma_start3A_66 = tpu.memref_squeeze %dma_start3A_65 : memref<1x128x16xf32, #tpu.memory_space<hbm>> -> memref<128x16xf32, #tpu.memory_space<hbm>>
      %dma_start3A_67 = arith.constant 0 : i32
      %dma_start3A_68 = tpu.memref_slice %arg29[%add3A_55, %dma_start3A_67] : memref<10016x16xf32, #tpu.memory_space<vmem_shared>> -> memref<128x16xf32, #tpu.memory_space<vmem_shared>>
      tpu.enqueue_dma source(%dma_start3A_68 : memref<128x16xf32, #tpu.memory_space<vmem_shared>>) target(%dma_start3A_66 : memref<128x16xf32, #tpu.memory_space<hbm>>) target_semaphore(%run_scoped3A : memref<!tpu.dma_semaphore, #tpu.memory_space<semaphore_mem>>)
      %dma_wait3A_69 = arith.constant 0 : i32
      %dma_wait3A_70 = tpu.memref_slice %arg5[%arg0, %add3A_55, %dma_wait3A_69] : memref<2x10016x16xf32, #tpu.memory_space<hbm>> -> memref<1x128x16xf32, #tpu.memory_space<hbm>>
      %dma_wait3A_71 = tpu.memref_squeeze %dma_wait3A_70 : memref<1x128x16xf32, #tpu.memory_space<hbm>> -> memref<128x16xf32, #tpu.memory_space<hbm>>
      %dma_wait3A_72 = arith.constant 0 : i32
      %dma_wait3A_73 = tpu.memref_slice %arg29[%add3A_55, %dma_wait3A_72] : memref<10016x16xf32, #tpu.memory_space<vmem_shared>> -> memref<128x16xf32, #tpu.memory_space<vmem_shared>>
      tpu.wait_dma2 semaphore(%run_scoped3A : memref<!tpu.dma_semaphore, #tpu.memory_space<semaphore_mem>>) src(%dma_wait3A_73 : memref<128x16xf32, #tpu.memory_space<vmem_shared>>) dst(%dma_wait3A_71 : memref<128x16xf32, #tpu.memory_space<hbm>>)
      tpu.yield
    }) : () -> ()
    "tpu.region"() ({
      %run_scoped3A = tpu.sem_alloc : memref<!tpu.dma_semaphore, #tpu.memory_space<semaphore_mem>>
      %dma_start3A_64 = arith.constant 0 : i32
      %dma_start3A_65 = tpu.memref_slice %arg6[%arg0, %add3A_55, %dma_start3A_64] : memref<2x10016x16xf32, #tpu.memory_space<hbm>> -> memref<1x128x16xf32, #tpu.memory_space<hbm>>
      %dma_start3A_66 = tpu.memref_squeeze %dma_start3A_65 : memref<1x128x16xf32, #tpu.memory_space<hbm>> -> memref<128x16xf32, #tpu.memory_space<hbm>>
      %dma_start3A_67 = arith.constant 0 : i32
      %dma_start3A_68 = tpu.memref_slice %arg30[%add3A_55, %dma_start3A_67] : memref<10016x16xf32, #tpu.memory_space<vmem_shared>> -> memref<128x16xf32, #tpu.memory_space<vmem_shared>>
      tpu.enqueue_dma source(%dma_start3A_68 : memref<128x16xf32, #tpu.memory_space<vmem_shared>>) target(%dma_start3A_66 : memref<128x16xf32, #tpu.memory_space<hbm>>) target_semaphore(%run_scoped3A : memref<!tpu.dma_semaphore, #tpu.memory_space<semaphore_mem>>)
      %dma_wait3A_69 = arith.constant 0 : i32
      %dma_wait3A_70 = tpu.memref_slice %arg6[%arg0, %add3A_55, %dma_wait3A_69] : memref<2x10016x16xf32, #tpu.memory_space<hbm>> -> memref<1x128x16xf32, #tpu.memory_space<hbm>>
      %dma_wait3A_71 = tpu.memref_squeeze %dma_wait3A_70 : memref<1x128x16xf32, #tpu.memory_space<hbm>> -> memref<128x16xf32, #tpu.memory_space<hbm>>
      %dma_wait3A_72 = arith.constant 0 : i32
      %dma_wait3A_73 = tpu.memref_slice %arg30[%add3A_55, %dma_wait3A_72] : memref<10016x16xf32, #tpu.memory_space<vmem_shared>> -> memref<128x16xf32, #tpu.memory_space<vmem_shared>>
      tpu.wait_dma2 semaphore(%run_scoped3A : memref<!tpu.dma_semaphore, #tpu.memory_space<semaphore_mem>>) src(%dma_wait3A_73 : memref<128x16xf32, #tpu.memory_space<vmem_shared>>) dst(%dma_wait3A_71 : memref<128x16xf32, #tpu.memory_space<hbm>>)
      tpu.yield
    }) : () -> ()
    %add3A_56 = arith.constant 128 : i32
    %add3A_57 = arith.addi %add3A_55, %add3A_56 : i32
    "tpu.region"() ({
      %run_scoped3A = tpu.sem_alloc : memref<!tpu.dma_semaphore, #tpu.memory_space<semaphore_mem>>
      %dma_start3A_64 = arith.constant 0 : i32
      %dma_start3A_65 = tpu.memref_slice %arg5[%arg0, %add3A_57, %dma_start3A_64] : memref<2x10016x16xf32, #tpu.memory_space<hbm>> -> memref<1x128x16xf32, #tpu.memory_space<hbm>>
      %dma_start3A_66 = tpu.memref_squeeze %dma_start3A_65 : memref<1x128x16xf32, #tpu.memory_space<hbm>> -> memref<128x16xf32, #tpu.memory_space<hbm>>
      %dma_start3A_67 = arith.constant 0 : i32
      %dma_start3A_68 = tpu.memref_slice %arg29[%add3A_57, %dma_start3A_67] : memref<10016x16xf32, #tpu.memory_space<vmem_shared>> -> memref<128x16xf32, #tpu.memory_space<vmem_shared>>
      tpu.enqueue_dma source(%dma_start3A_68 : memref<128x16xf32, #tpu.memory_space<vmem_shared>>) target(%dma_start3A_66 : memref<128x16xf32, #tpu.memory_space<hbm>>) target_semaphore(%run_scoped3A : memref<!tpu.dma_semaphore, #tpu.memory_space<semaphore_mem>>)
      %dma_wait3A_69 = arith.constant 0 : i32
      %dma_wait3A_70 = tpu.memref_slice %arg5[%arg0, %add3A_57, %dma_wait3A_69] : memref<2x10016x16xf32, #tpu.memory_space<hbm>> -> memref<1x128x16xf32, #tpu.memory_space<hbm>>
      %dma_wait3A_71 = tpu.memref_squeeze %dma_wait3A_70 : memref<1x128x16xf32, #tpu.memory_space<hbm>> -> memref<128x16xf32, #tpu.memory_space<hbm>>
      %dma_wait3A_72 = arith.constant 0 : i32
      %dma_wait3A_73 = tpu.memref_slice %arg29[%add3A_57, %dma_wait3A_72] : memref<10016x16xf32, #tpu.memory_space<vmem_shared>> -> memref<128x16xf32, #tpu.memory_space<vmem_shared>>
      tpu.wait_dma2 semaphore(%run_scoped3A : memref<!tpu.dma_semaphore, #tpu.memory_space<semaphore_mem>>) src(%dma_wait3A_73 : memref<128x16xf32, #tpu.memory_space<vmem_shared>>) dst(%dma_wait3A_71 : memref<128x16xf32, #tpu.memory_space<hbm>>)
      tpu.yield
    }) : () -> ()
    "tpu.region"() ({
      %run_scoped3A = tpu.sem_alloc : memref<!tpu.dma_semaphore, #tpu.memory_space<semaphore_mem>>
      %dma_start3A_64 = arith.constant 0 : i32
      %dma_start3A_65 = tpu.memref_slice %arg6[%arg0, %add3A_57, %dma_start3A_64] : memref<2x10016x16xf32, #tpu.memory_space<hbm>> -> memref<1x128x16xf32, #tpu.memory_space<hbm>>
      %dma_start3A_66 = tpu.memref_squeeze %dma_start3A_65 : memref<1x128x16xf32, #tpu.memory_space<hbm>> -> memref<128x16xf32, #tpu.memory_space<hbm>>
      %dma_start3A_67 = arith.constant 0 : i32
      %dma_start3A_68 = tpu.memref_slice %arg30[%add3A_57, %dma_start3A_67] : memref<10016x16xf32, #tpu.memory_space<vmem_shared>> -> memref<128x16xf32, #tpu.memory_space<vmem_shared>>
      tpu.enqueue_dma source(%dma_start3A_68 : memref<128x16xf32, #tpu.memory_space<vmem_shared>>) target(%dma_start3A_66 : memref<128x16xf32, #tpu.memory_space<hbm>>) target_semaphore(%run_scoped3A : memref<!tpu.dma_semaphore, #tpu.memory_space<semaphore_mem>>)
      %dma_wait3A_69 = arith.constant 0 : i32
      %dma_wait3A_70 = tpu.memref_slice %arg6[%arg0, %add3A_57, %dma_wait3A_69] : memref<2x10016x16xf32, #tpu.memory_space<hbm>> -> memref<1x128x16xf32, #tpu.memory_space<hbm>>
      %dma_wait3A_71 = tpu.memref_squeeze %dma_wait3A_70 : memref<1x128x16xf32, #tpu.memory_space<hbm>> -> memref<128x16xf32, #tpu.memory_space<hbm>>
      %dma_wait3A_72 = arith.constant 0 : i32
      %dma_wait3A_73 = tpu.memref_slice %arg30[%add3A_57, %dma_wait3A_72] : memref<10016x16xf32, #tpu.memory_space<vmem_shared>> -> memref<128x16xf32, #tpu.memory_space<vmem_shared>>
      tpu.wait_dma2 semaphore(%run_scoped3A : memref<!tpu.dma_semaphore, #tpu.memory_space<semaphore_mem>>) src(%dma_wait3A_73 : memref<128x16xf32, #tpu.memory_space<vmem_shared>>) dst(%dma_wait3A_71 : memref<128x16xf32, #tpu.memory_space<hbm>>)
      tpu.yield
    }) : () -> ()
    %add3A_58 = arith.constant 128 : i32
    %add3A_59 = arith.addi %add3A_57, %add3A_58 : i32
    "tpu.region"() ({
      %run_scoped3A = tpu.sem_alloc : memref<!tpu.dma_semaphore, #tpu.memory_space<semaphore_mem>>
      %dma_start3A_64 = arith.constant 0 : i32
      %dma_start3A_65 = tpu.memref_slice %arg5[%arg0, %add3A_59, %dma_start3A_64] : memref<2x10016x16xf32, #tpu.memory_space<hbm>> -> memref<1x128x16xf32, #tpu.memory_space<hbm>>
      %dma_start3A_66 = tpu.memref_squeeze %dma_start3A_65 : memref<1x128x16xf32, #tpu.memory_space<hbm>> -> memref<128x16xf32, #tpu.memory_space<hbm>>
      %dma_start3A_67 = arith.constant 0 : i32
      %dma_start3A_68 = tpu.memref_slice %arg29[%add3A_59, %dma_start3A_67] : memref<10016x16xf32, #tpu.memory_space<vmem_shared>> -> memref<128x16xf32, #tpu.memory_space<vmem_shared>>
      tpu.enqueue_dma source(%dma_start3A_68 : memref<128x16xf32, #tpu.memory_space<vmem_shared>>) target(%dma_start3A_66 : memref<128x16xf32, #tpu.memory_space<hbm>>) target_semaphore(%run_scoped3A : memref<!tpu.dma_semaphore, #tpu.memory_space<semaphore_mem>>)
      %dma_wait3A_69 = arith.constant 0 : i32
      %dma_wait3A_70 = tpu.memref_slice %arg5[%arg0, %add3A_59, %dma_wait3A_69] : memref<2x10016x16xf32, #tpu.memory_space<hbm>> -> memref<1x128x16xf32, #tpu.memory_space<hbm>>
      %dma_wait3A_71 = tpu.memref_squeeze %dma_wait3A_70 : memref<1x128x16xf32, #tpu.memory_space<hbm>> -> memref<128x16xf32, #tpu.memory_space<hbm>>
      %dma_wait3A_72 = arith.constant 0 : i32
      %dma_wait3A_73 = tpu.memref_slice %arg29[%add3A_59, %dma_wait3A_72] : memref<10016x16xf32, #tpu.memory_space<vmem_shared>> -> memref<128x16xf32, #tpu.memory_space<vmem_shared>>
      tpu.wait_dma2 semaphore(%run_scoped3A : memref<!tpu.dma_semaphore, #tpu.memory_space<semaphore_mem>>) src(%dma_wait3A_73 : memref<128x16xf32, #tpu.memory_space<vmem_shared>>) dst(%dma_wait3A_71 : memref<128x16xf32, #tpu.memory_space<hbm>>)
      tpu.yield
    }) : () -> ()
    "tpu.region"() ({
      %run_scoped3A = tpu.sem_alloc : memref<!tpu.dma_semaphore, #tpu.memory_space<semaphore_mem>>
      %dma_start3A_64 = arith.constant 0 : i32
      %dma_start3A_65 = tpu.memref_slice %arg6[%arg0, %add3A_59, %dma_start3A_64] : memref<2x10016x16xf32, #tpu.memory_space<hbm>> -> memref<1x128x16xf32, #tpu.memory_space<hbm>>
      %dma_start3A_66 = tpu.memref_squeeze %dma_start3A_65 : memref<1x128x16xf32, #tpu.memory_space<hbm>> -> memref<128x16xf32, #tpu.memory_space<hbm>>
      %dma_start3A_67 = arith.constant 0 : i32
      %dma_start3A_68 = tpu.memref_slice %arg30[%add3A_59, %dma_start3A_67] : memref<10016x16xf32, #tpu.memory_space<vmem_shared>> -> memref<128x16xf32, #tpu.memory_space<vmem_shared>>
      tpu.enqueue_dma source(%dma_start3A_68 : memref<128x16xf32, #tpu.memory_space<vmem_shared>>) target(%dma_start3A_66 : memref<128x16xf32, #tpu.memory_space<hbm>>) target_semaphore(%run_scoped3A : memref<!tpu.dma_semaphore, #tpu.memory_space<semaphore_mem>>)
      %dma_wait3A_69 = arith.constant 0 : i32
      %dma_wait3A_70 = tpu.memref_slice %arg6[%arg0, %add3A_59, %dma_wait3A_69] : memref<2x10016x16xf32, #tpu.memory_space<hbm>> -> memref<1x128x16xf32, #tpu.memory_space<hbm>>
      %dma_wait3A_71 = tpu.memref_squeeze %dma_wait3A_70 : memref<1x128x16xf32, #tpu.memory_space<hbm>> -> memref<128x16xf32, #tpu.memory_space<hbm>>
      %dma_wait3A_72 = arith.constant 0 : i32
      %dma_wait3A_73 = tpu.memref_slice %arg30[%add3A_59, %dma_wait3A_72] : memref<10016x16xf32, #tpu.memory_space<vmem_shared>> -> memref<128x16xf32, #tpu.memory_space<vmem_shared>>
      tpu.wait_dma2 semaphore(%run_scoped3A : memref<!tpu.dma_semaphore, #tpu.memory_space<semaphore_mem>>) src(%dma_wait3A_73 : memref<128x16xf32, #tpu.memory_space<vmem_shared>>) dst(%dma_wait3A_71 : memref<128x16xf32, #tpu.memory_space<hbm>>)
      tpu.yield
    }) : () -> ()
    %add3A_60 = arith.constant 128 : i32
    %add3A_61 = arith.addi %add3A_59, %add3A_60 : i32
    "tpu.region"() ({
      %run_scoped3A = tpu.sem_alloc : memref<!tpu.dma_semaphore, #tpu.memory_space<semaphore_mem>>
      %dma_start3A_64 = arith.constant 0 : i32
      %dma_start3A_65 = tpu.memref_slice %arg5[%arg0, %add3A_61, %dma_start3A_64] : memref<2x10016x16xf32, #tpu.memory_space<hbm>> -> memref<1x114x16xf32, #tpu.memory_space<hbm>>
      %dma_start3A_66 = tpu.memref_squeeze %dma_start3A_65 : memref<1x114x16xf32, #tpu.memory_space<hbm>> -> memref<114x16xf32, #tpu.memory_space<hbm>>
      %dma_start3A_67 = arith.constant 0 : i32
      %dma_start3A_68 = tpu.memref_slice %arg29[%add3A_61, %dma_start3A_67] : memref<10016x16xf32, #tpu.memory_space<vmem_shared>> -> memref<114x16xf32, #tpu.memory_space<vmem_shared>>
      tpu.enqueue_dma source(%dma_start3A_68 : memref<114x16xf32, #tpu.memory_space<vmem_shared>>) target(%dma_start3A_66 : memref<114x16xf32, #tpu.memory_space<hbm>>) target_semaphore(%run_scoped3A : memref<!tpu.dma_semaphore, #tpu.memory_space<semaphore_mem>>)
      %dma_wait3A_69 = arith.constant 0 : i32
      %dma_wait3A_70 = tpu.memref_slice %arg5[%arg0, %add3A_61, %dma_wait3A_69] : memref<2x10016x16xf32, #tpu.memory_space<hbm>> -> memref<1x114x16xf32, #tpu.memory_space<hbm>>
      %dma_wait3A_71 = tpu.memref_squeeze %dma_wait3A_70 : memref<1x114x16xf32, #tpu.memory_space<hbm>> -> memref<114x16xf32, #tpu.memory_space<hbm>>
      %dma_wait3A_72 = arith.constant 0 : i32
      %dma_wait3A_73 = tpu.memref_slice %arg29[%add3A_61, %dma_wait3A_72] : memref<10016x16xf32, #tpu.memory_space<vmem_shared>> -> memref<114x16xf32, #tpu.memory_space<vmem_shared>>
      tpu.wait_dma2 semaphore(%run_scoped3A : memref<!tpu.dma_semaphore, #tpu.memory_space<semaphore_mem>>) src(%dma_wait3A_73 : memref<114x16xf32, #tpu.memory_space<vmem_shared>>) dst(%dma_wait3A_71 : memref<114x16xf32, #tpu.memory_space<hbm>>)
      tpu.yield
    }) : () -> ()
    "tpu.region"() ({
      %run_scoped3A = tpu.sem_alloc : memref<!tpu.dma_semaphore, #tpu.memory_space<semaphore_mem>>
      %dma_start3A_64 = arith.constant 0 : i32
      %dma_start3A_65 = tpu.memref_slice %arg6[%arg0, %add3A_61, %dma_start3A_64] : memref<2x10016x16xf32, #tpu.memory_space<hbm>> -> memref<1x114x16xf32, #tpu.memory_space<hbm>>
      %dma_start3A_66 = tpu.memref_squeeze %dma_start3A_65 : memref<1x114x16xf32, #tpu.memory_space<hbm>> -> memref<114x16xf32, #tpu.memory_space<hbm>>
      %dma_start3A_67 = arith.constant 0 : i32
      %dma_start3A_68 = tpu.memref_slice %arg30[%add3A_61, %dma_start3A_67] : memref<10016x16xf32, #tpu.memory_space<vmem_shared>> -> memref<114x16xf32, #tpu.memory_space<vmem_shared>>
      tpu.enqueue_dma source(%dma_start3A_68 : memref<114x16xf32, #tpu.memory_space<vmem_shared>>) target(%dma_start3A_66 : memref<114x16xf32, #tpu.memory_space<hbm>>) target_semaphore(%run_scoped3A : memref<!tpu.dma_semaphore, #tpu.memory_space<semaphore_mem>>)
      %dma_wait3A_69 = arith.constant 0 : i32
      %dma_wait3A_70 = tpu.memref_slice %arg6[%arg0, %add3A_61, %dma_wait3A_69] : memref<2x10016x16xf32, #tpu.memory_space<hbm>> -> memref<1x114x16xf32, #tpu.memory_space<hbm>>
      %dma_wait3A_71 = tpu.memref_squeeze %dma_wait3A_70 : memref<1x114x16xf32, #tpu.memory_space<hbm>> -> memref<114x16xf32, #tpu.memory_space<hbm>>
      %dma_wait3A_72 = arith.constant 0 : i32
      %dma_wait3A_73 = tpu.memref_slice %arg30[%add3A_61, %dma_wait3A_72] : memref<10016x16xf32, #tpu.memory_space<vmem_shared>> -> memref<114x16xf32, #tpu.memory_space<vmem_shared>>
      tpu.wait_dma2 semaphore(%run_scoped3A : memref<!tpu.dma_semaphore, #tpu.memory_space<semaphore_mem>>) src(%dma_wait3A_73 : memref<114x16xf32, #tpu.memory_space<vmem_shared>>) dst(%dma_wait3A_71 : memref<114x16xf32, #tpu.memory_space<hbm>>)
      tpu.yield
    }) : () -> ()
    %add3A_62 = arith.constant 114 : i32
    %add3A_63 = arith.addi %add3A_61, %add3A_62 : i32
    return
  }
}

module attributes {stable_mosaic.version = 14 : i64} {
  func.func @_proj1_body(%arg0: i32, %arg1: i32, %arg2: memref<1000x128xf32, #tpu.memory_space<vmem>>, %arg3: memref<1x128x64xf32, #tpu.memory_space<vmem>>, %arg4: memref<1x128x16xf32, #tpu.memory_space<vmem>>, %arg5: memref<1x128x16xf32, #tpu.memory_space<vmem>>, %arg6: memref<1000x64xf32, #tpu.memory_space<vmem>>, %arg7: memref<1000x16xf32, #tpu.memory_space<vmem>>, %arg8: memref<1000x16xf32, #tpu.memory_space<vmem>>) attributes {dimension_semantics = [#tpu.dimension_semantics<arbitrary>, #tpu.dimension_semantics<arbitrary>], iteration_bounds = array<i64: 2, 10>, scalar_prefetch = 0 : i64, scratch_operands = 0 : i64, tpu.core_type = #tpu.core_type<tc>, window_params = [{transform_indices = @transform_0, window_bounds = array<i64: 1000, 128>}, {transform_indices = @transform_1, window_bounds = array<i64: 1, 128, 64>}, {transform_indices = @transform_2, window_bounds = array<i64: 1, 128, 16>}, {transform_indices = @transform_3, window_bounds = array<i64: 1, 128, 16>}, {transform_indices = @transform_4, window_bounds = array<i64: 1000, 64>}, {transform_indices = @transform_5, window_bounds = array<i64: 1000, 16>}, {transform_indices = @transform_6, window_bounds = array<i64: 1000, 16>}]} {
    %get3A = arith.constant 0 : index
    %get3A_0 = arith.constant 0 : index
    %get3A_1 = vector.load %arg2[%get3A, %get3A_0] : memref<1000x128xf32, #tpu.memory_space<vmem>>, vector<1000x128xf32>
    %get3A_2 = arith.constant 0 : index
    %get3A_3 = arith.constant 0 : index
    %get3A_4 = arith.constant 0 : index
    %get3A_5 = vector.load %arg3[%get3A_2, %get3A_3, %get3A_4] : memref<1x128x64xf32, #tpu.memory_space<vmem>>, vector<1x128x64xf32>
    %get3A_6 = vector.shape_cast %get3A_5 : vector<1x128x64xf32> to vector<128x64xf32>
    %dot_general3A = arith.constant dense<0.000000e+00> : vector<1000x64xf32>
    %dot_general3A_7 = tpu.matmul %get3A_1, %get3A_6, %dot_general3A {dimension_numbers = #tpu.dot_dimension_numbers<[1], [0], [0], [1], [0, 0, 1, 1], [], []>, transpose_lhs_hint = false} : vector<1000x128xf32>, vector<128x64xf32>, vector<1000x64xf32> -> vector<1000x64xf32>
    %swap3A = arith.constant 0 : index
    %swap3A_8 = arith.constant 0 : index
    %swap3A_9 = vector.load %arg6[%swap3A, %swap3A_8] : memref<1000x64xf32, #tpu.memory_space<vmem>>, vector<1000x64xf32>
    tpu.vector_store %arg6[%swap3A, %swap3A_8], %dot_general3A_7 {strides = array<i32>} : memref<1000x64xf32, #tpu.memory_space<vmem>>, vector<1000x64xf32>,
    %get3A_10 = arith.constant 0 : index
    %get3A_11 = arith.constant 0 : index
    %get3A_12 = arith.constant 0 : index
    %get3A_13 = vector.load %arg4[%get3A_10, %get3A_11, %get3A_12] : memref<1x128x16xf32, #tpu.memory_space<vmem>>, vector<1x128x16xf32>
    %get3A_14 = vector.shape_cast %get3A_13 : vector<1x128x16xf32> to vector<128x16xf32>
    %dot_general3A_15 = arith.constant dense<0.000000e+00> : vector<1000x16xf32>
    %dot_general3A_16 = tpu.matmul %get3A_1, %get3A_14, %dot_general3A_15 {dimension_numbers = #tpu.dot_dimension_numbers<[1], [0], [0], [1], [0, 0, 1, 1], [], []>, transpose_lhs_hint = false} : vector<1000x128xf32>, vector<128x16xf32>, vector<1000x16xf32> -> vector<1000x16xf32>
    %swap3A_17 = arith.constant 0 : index
    %swap3A_18 = arith.constant 0 : index
    %swap3A_19 = vector.load %arg7[%swap3A_17, %swap3A_18] : memref<1000x16xf32, #tpu.memory_space<vmem>>, vector<1000x16xf32>
    tpu.vector_store %arg7[%swap3A_17, %swap3A_18], %dot_general3A_16 {strides = array<i32>} : memref<1000x16xf32, #tpu.memory_space<vmem>>, vector<1000x16xf32>,
    %get3A_20 = arith.constant 0 : index
    %get3A_21 = arith.constant 0 : index
    %get3A_22 = arith.constant 0 : index
    %get3A_23 = vector.load %arg5[%get3A_20, %get3A_21, %get3A_22] : memref<1x128x16xf32, #tpu.memory_space<vmem>>, vector<1x128x16xf32>
    %get3A_24 = vector.shape_cast %get3A_23 : vector<1x128x16xf32> to vector<128x16xf32>
    %dot_general3A_25 = arith.constant dense<0.000000e+00> : vector<1000x16xf32>
    %dot_general3A_26 = tpu.matmul %get3A_1, %get3A_24, %dot_general3A_25 {dimension_numbers = #tpu.dot_dimension_numbers<[1], [0], [0], [1], [0, 0, 1, 1], [], []>, transpose_lhs_hint = false} : vector<1000x128xf32>, vector<128x16xf32>, vector<1000x16xf32> -> vector<1000x16xf32>
    %swap3A_27 = arith.constant 0 : index
    %swap3A_28 = arith.constant 0 : index
    %swap3A_29 = vector.load %arg8[%swap3A_27, %swap3A_28] : memref<1000x16xf32, #tpu.memory_space<vmem>>, vector<1000x16xf32>
    tpu.vector_store %arg8[%swap3A_27, %swap3A_28], %dot_general3A_26 {strides = array<i32>} : memref<1000x16xf32, #tpu.memory_space<vmem>>, vector<1000x16xf32>,
    return
  }
  func.func @transform_0(%arg0: i32, %arg1: i32) -> (i32, i32) {
    %c0_i32 = arith.constant 0 : i32
    %c0_i32_0 = arith.constant 0 : i32
    return %arg1, %c0_i32 : i32, i32
  }
  func.func @transform_1(%arg0: i32, %arg1: i32) -> (i32, i32, i32) {
    %c0_i32 = arith.constant 0 : i32
    %c0_i32_0 = arith.constant 0 : i32
    %c0_i32_1 = arith.constant 0 : i32
    return %arg0, %c0_i32, %c0_i32_0 : i32, i32, i32
  }
  func.func @transform_2(%arg0: i32, %arg1: i32) -> (i32, i32, i32) {
    %c0_i32 = arith.constant 0 : i32
    %c0_i32_0 = arith.constant 0 : i32
    %c0_i32_1 = arith.constant 0 : i32
    return %arg0, %c0_i32, %c0_i32_0 : i32, i32, i32
  }
  func.func @transform_3(%arg0: i32, %arg1: i32) -> (i32, i32, i32) {
    %c0_i32 = arith.constant 0 : i32
    %c0_i32_0 = arith.constant 0 : i32
    %c0_i32_1 = arith.constant 0 : i32
    return %arg0, %c0_i32, %c0_i32_0 : i32, i32, i32
  }
  func.func @transform_4(%arg0: i32, %arg1: i32) -> (i32, i32) {
    %mul3A = arith.constant 10 : i32
    %mul3A_0 = arith.muli %arg0, %mul3A : i32
    %add3A = arith.addi %mul3A_0, %arg1 : i32
    %c0_i32 = arith.constant 0 : i32
    %c0_i32_1 = arith.constant 0 : i32
    return %add3A, %c0_i32 : i32, i32
  }
  func.func @transform_5(%arg0: i32, %arg1: i32) -> (i32, i32) {
    %mul3A = arith.constant 10 : i32
    %mul3A_0 = arith.muli %arg0, %mul3A : i32
    %add3A = arith.addi %mul3A_0, %arg1 : i32
    %c0_i32 = arith.constant 0 : i32
    %c0_i32_1 = arith.constant 0 : i32
    return %add3A, %c0_i32 : i32, i32
  }
  func.func @transform_6(%arg0: i32, %arg1: i32) -> (i32, i32) {
    %mul3A = arith.constant 10 : i32
    %mul3A_0 = arith.muli %arg0, %mul3A : i32
    %add3A = arith.addi %mul3A_0, %arg1 : i32
    %c0_i32 = arith.constant 0 : i32
    %c0_i32_1 = arith.constant 0 : i32
    return %add3A, %c0_i32 : i32, i32
  }
}

module attributes {stable_mosaic.version = 14 : i64} {
  func.func @_comb1_body(%arg0: i32, %arg1: memref<1000x64xf32, #tpu.memory_space<vmem>>, %arg2: memref<1000x64xf32, #tpu.memory_space<vmem>>, %arg3: memref<1000x16xf32, #tpu.memory_space<vmem>>, %arg4: memref<1000x16xf32, #tpu.memory_space<vmem>>, %arg5: memref<64x16xf32, #tpu.memory_space<vmem>>, %arg6: memref<64x16xf32, #tpu.memory_space<vmem>>, %arg7: memref<16x64xf32, #tpu.memory_space<vmem>>, %arg8: memref<16x64xf32, #tpu.memory_space<vmem>>, %arg9: memref<16x32xf32, #tpu.memory_space<vmem>>, %arg10: memref<16x16xf32, #tpu.memory_space<vmem>>, %arg11: memref<1x64xf32, #tpu.memory_space<vmem>>, %arg12: memref<1x64xf32, #tpu.memory_space<vmem>>, %arg13: memref<1000x32xf32, #tpu.memory_space<vmem>>, %arg14: memref<1000x16xf32, #tpu.memory_space<vmem>>) attributes {dimension_semantics = [#tpu.dimension_semantics<arbitrary>], iteration_bounds = array<i64: 10>, scalar_prefetch = 0 : i64, scratch_operands = 0 : i64, tpu.core_type = #tpu.core_type<tc>, window_params = [{transform_indices = @transform_0, window_bounds = array<i64: 1000, 64>}, {transform_indices = @transform_1, window_bounds = array<i64: 1000, 64>}, {transform_indices = @transform_2, window_bounds = array<i64: 1000, 16>}, {transform_indices = @transform_3, window_bounds = array<i64: 1000, 16>}, {pipeline_mode = #tpu.pipeline_mode<synchronous>, transform_indices = @transform_4, window_bounds = array<i64: 64, 16>}, {pipeline_mode = #tpu.pipeline_mode<synchronous>, transform_indices = @transform_5, window_bounds = array<i64: 64, 16>}, {pipeline_mode = #tpu.pipeline_mode<synchronous>, transform_indices = @transform_6, window_bounds = array<i64: 16, 64>}, {pipeline_mode = #tpu.pipeline_mode<synchronous>, transform_indices = @transform_7, window_bounds = array<i64: 16, 64>}, {pipeline_mode = #tpu.pipeline_mode<synchronous>, transform_indices = @transform_8, window_bounds = array<i64: 16, 32>}, {pipeline_mode = #tpu.pipeline_mode<synchronous>, transform_indices = @transform_9, window_bounds = array<i64: 16, 16>}, {pipeline_mode = #tpu.pipeline_mode<synchronous>, transform_indices = @transform_10, window_bounds = array<i64: 1, 64>}, {pipeline_mode = #tpu.pipeline_mode<synchronous>, transform_indices = @transform_11, window_bounds = array<i64: 1, 64>}, {transform_indices = @transform_12, window_bounds = array<i64: 1000, 32>}, {transform_indices = @transform_13, window_bounds = array<i64: 1000, 16>}]} {
    %get3A = arith.constant 0 : index
    %get3A_0 = arith.constant 0 : index
    %get3A_1 = vector.load %arg3[%get3A, %get3A_0] : memref<1000x16xf32, #tpu.memory_space<vmem>>, vector<1000x16xf32>
    %get3A_2 = arith.constant 0 : index
    %get3A_3 = arith.constant 0 : index
    %get3A_4 = vector.load %arg7[%get3A_2, %get3A_3] : memref<16x64xf32, #tpu.memory_space<vmem>>, vector<16x64xf32>
    %dot_general3A = arith.constant dense<0.000000e+00> : vector<1000x64xf32>
    %dot_general3A_5 = tpu.matmul %get3A_1, %get3A_4, %dot_general3A {dimension_numbers = #tpu.dot_dimension_numbers<[1], [0], [0], [1], [0, 0, 1, 1], [], []>, transpose_lhs_hint = false} : vector<1000x16xf32>, vector<16x64xf32>, vector<1000x64xf32> -> vector<1000x64xf32>
    %add3A = arith.constant 1.000000e-16 : f32
    %add3A_6 = vector.broadcast %add3A : f32 to vector<1000x64xf32>
    %add3A_7 = arith.addf %dot_general3A_5, %add3A_6 : vector<1000x64xf32>
    %get3A_8 = arith.constant 0 : index
    %get3A_9 = arith.constant 0 : index
    %get3A_10 = vector.load %arg4[%get3A_8, %get3A_9] : memref<1000x16xf32, #tpu.memory_space<vmem>>, vector<1000x16xf32>
    %get3A_11 = arith.constant 0 : index
    %get3A_12 = arith.constant 0 : index
    %get3A_13 = vector.load %arg8[%get3A_11, %get3A_12] : memref<16x64xf32, #tpu.memory_space<vmem>>, vector<16x64xf32>
    %dot_general3A_14 = arith.constant dense<0.000000e+00> : vector<1000x64xf32>
    %dot_general3A_15 = tpu.matmul %get3A_10, %get3A_13, %dot_general3A_14 {dimension_numbers = #tpu.dot_dimension_numbers<[1], [0], [0], [1], [0, 0, 1, 1], [], []>, transpose_lhs_hint = false} : vector<1000x16xf32>, vector<16x64xf32>, vector<1000x64xf32> -> vector<1000x64xf32>
    %add3A_16 = arith.constant 1.000000e-16 : f32
    %add3A_17 = vector.broadcast %add3A_16 : f32 to vector<1000x64xf32>
    %add3A_18 = arith.addf %dot_general3A_15, %add3A_17 : vector<1000x64xf32>
    %get3A_19 = arith.constant 0 : index
    %get3A_20 = arith.constant 0 : index
    %get3A_21 = vector.load %arg1[%get3A_19, %get3A_20] : memref<1000x64xf32, #tpu.memory_space<vmem>>, vector<1000x64xf32>
    %div3A = arith.divf %get3A_21, %add3A_7 : vector<1000x64xf32>
    %get3A_22 = arith.constant 0 : index
    %get3A_23 = arith.constant 0 : index
    %get3A_24 = vector.load %arg11[%get3A_22, %get3A_23] : memref<1x64xf32, #tpu.memory_space<vmem>>, vector<1x64xf32>
    %add3A_25 = vector.broadcast %get3A_24 : vector<1x64xf32> to vector<1000x64xf32>
    %add3A_26 = arith.addf %div3A, %add3A_25 : vector<1000x64xf32>
    %max3A = arith.constant 0.000000e+00 : f32
    %max3A_27 = vector.broadcast %max3A : f32 to vector<1000x64xf32>
    %max3A_28 = arith.maximumf %add3A_26, %max3A_27 : vector<1000x64xf32>
    %get3A_29 = arith.constant 0 : index
    %get3A_30 = arith.constant 0 : index
    %get3A_31 = vector.load %arg2[%get3A_29, %get3A_30] : memref<1000x64xf32, #tpu.memory_space<vmem>>, vector<1000x64xf32>
    %div3A_32 = arith.divf %get3A_31, %add3A_18 : vector<1000x64xf32>
    %get3A_33 = arith.constant 0 : index
    %get3A_34 = arith.constant 0 : index
    %get3A_35 = vector.load %arg12[%get3A_33, %get3A_34] : memref<1x64xf32, #tpu.memory_space<vmem>>, vector<1x64xf32>
    %add3A_36 = vector.broadcast %get3A_35 : vector<1x64xf32> to vector<1000x64xf32>
    %add3A_37 = arith.addf %div3A_32, %add3A_36 : vector<1000x64xf32>
    %max3A_38 = arith.constant 0.000000e+00 : f32
    %max3A_39 = vector.broadcast %max3A_38 : f32 to vector<1000x64xf32>
    %max3A_40 = arith.maximumf %add3A_37, %max3A_39 : vector<1000x64xf32>
    %get3A_41 = arith.constant 0 : index
    %get3A_42 = arith.constant 0 : index
    %get3A_43 = vector.load %arg5[%get3A_41, %get3A_42] : memref<64x16xf32, #tpu.memory_space<vmem>>, vector<64x16xf32>
    %dot_general3A_44 = arith.constant dense<0.000000e+00> : vector<1000x16xf32>
    %dot_general3A_45 = tpu.matmul %max3A_28, %get3A_43, %dot_general3A_44 {dimension_numbers = #tpu.dot_dimension_numbers<[1], [0], [0], [1], [0, 0, 1, 1], [], []>, transpose_lhs_hint = false} : vector<1000x64xf32>, vector<64x16xf32>, vector<1000x16xf32> -> vector<1000x16xf32>
    %get3A_46 = arith.constant 0 : index
    %get3A_47 = arith.constant 0 : index
    %get3A_48 = vector.load %arg6[%get3A_46, %get3A_47] : memref<64x16xf32, #tpu.memory_space<vmem>>, vector<64x16xf32>
    %dot_general3A_49 = arith.constant dense<0.000000e+00> : vector<1000x16xf32>
    %dot_general3A_50 = tpu.matmul %max3A_40, %get3A_48, %dot_general3A_49 {dimension_numbers = #tpu.dot_dimension_numbers<[1], [0], [0], [1], [0, 0, 1, 1], [], []>, transpose_lhs_hint = false} : vector<1000x64xf32>, vector<64x16xf32>, vector<1000x16xf32> -> vector<1000x16xf32>
    %add3A_51 = arith.addf %dot_general3A_45, %dot_general3A_50 : vector<1000x16xf32>
    %get3A_52 = arith.constant 0 : index
    %get3A_53 = arith.constant 0 : index
    %get3A_54 = vector.load %arg9[%get3A_52, %get3A_53] : memref<16x32xf32, #tpu.memory_space<vmem>>, vector<16x32xf32>
    %dot_general3A_55 = arith.constant dense<0.000000e+00> : vector<1000x32xf32>
    %dot_general3A_56 = tpu.matmul %add3A_51, %get3A_54, %dot_general3A_55 {dimension_numbers = #tpu.dot_dimension_numbers<[1], [0], [0], [1], [0, 0, 1, 1], [], []>, transpose_lhs_hint = false} : vector<1000x16xf32>, vector<16x32xf32>, vector<1000x32xf32> -> vector<1000x32xf32>
    %swap3A = arith.constant 0 : index
    %swap3A_57 = arith.constant 0 : index
    %swap3A_58 = vector.load %arg13[%swap3A, %swap3A_57] : memref<1000x32xf32, #tpu.memory_space<vmem>>, vector<1000x32xf32>
    tpu.vector_store %arg13[%swap3A, %swap3A_57], %dot_general3A_56 {strides = array<i32>} : memref<1000x32xf32, #tpu.memory_space<vmem>>, vector<1000x32xf32>,
    %get3A_59 = arith.constant 0 : index
    %get3A_60 = arith.constant 0 : index
    %get3A_61 = vector.load %arg10[%get3A_59, %get3A_60] : memref<16x16xf32, #tpu.memory_space<vmem>>, vector<16x16xf32>
    %dot_general3A_62 = arith.constant dense<0.000000e+00> : vector<1000x16xf32>
    %dot_general3A_63 = tpu.matmul %add3A_51, %get3A_61, %dot_general3A_62 {dimension_numbers = #tpu.dot_dimension_numbers<[1], [0], [0], [1], [0, 0, 1, 1], [], []>, transpose_lhs_hint = false} : vector<1000x16xf32>, vector<16x16xf32>, vector<1000x16xf32> -> vector<1000x16xf32>
    %swap3A_64 = arith.constant 0 : index
    %swap3A_65 = arith.constant 0 : index
    %swap3A_66 = vector.load %arg14[%swap3A_64, %swap3A_65] : memref<1000x16xf32, #tpu.memory_space<vmem>>, vector<1000x16xf32>
    tpu.vector_store %arg14[%swap3A_64, %swap3A_65], %dot_general3A_63 {strides = array<i32>} : memref<1000x16xf32, #tpu.memory_space<vmem>>, vector<1000x16xf32>,
    return
  }
  func.func @transform_0(%arg0: i32) -> (i32, i32) {
    %c0_i32 = arith.constant 0 : i32
    %c0_i32_0 = arith.constant 0 : i32
    return %arg0, %c0_i32 : i32, i32
  }
  func.func @transform_1(%arg0: i32) -> (i32, i32) {
    %c0_i32 = arith.constant 0 : i32
    %c0_i32_0 = arith.constant 0 : i32
    return %arg0, %c0_i32 : i32, i32
  }
  func.func @transform_2(%arg0: i32) -> (i32, i32) {
    %c0_i32 = arith.constant 0 : i32
    %c0_i32_0 = arith.constant 0 : i32
    return %arg0, %c0_i32 : i32, i32
  }
  func.func @transform_3(%arg0: i32) -> (i32, i32) {
    %c0_i32 = arith.constant 0 : i32
    %c0_i32_0 = arith.constant 0 : i32
    return %arg0, %c0_i32 : i32, i32
  }
  func.func @transform_4(%arg0: i32) -> (i32, i32) {
    %c0_i32 = arith.constant 0 : i32
    %c0_i32_0 = arith.constant 0 : i32
    %c0_i32_1 = arith.constant 0 : i32
    return %c0_i32, %c0_i32_0 : i32, i32
  }
  func.func @transform_5(%arg0: i32) -> (i32, i32) {
    %c0_i32 = arith.constant 0 : i32
    %c0_i32_0 = arith.constant 0 : i32
    %c0_i32_1 = arith.constant 0 : i32
    return %c0_i32, %c0_i32_0 : i32, i32
  }
  func.func @transform_6(%arg0: i32) -> (i32, i32) {
    %c0_i32 = arith.constant 0 : i32
    %c0_i32_0 = arith.constant 0 : i32
    %c0_i32_1 = arith.constant 0 : i32
    return %c0_i32, %c0_i32_0 : i32, i32
  }
  func.func @transform_7(%arg0: i32) -> (i32, i32) {
    %c0_i32 = arith.constant 0 : i32
    %c0_i32_0 = arith.constant 0 : i32
    %c0_i32_1 = arith.constant 0 : i32
    return %c0_i32, %c0_i32_0 : i32, i32
  }
  func.func @transform_8(%arg0: i32) -> (i32, i32) {
    %c0_i32 = arith.constant 0 : i32
    %c0_i32_0 = arith.constant 0 : i32
    %c0_i32_1 = arith.constant 0 : i32
    return %c0_i32, %c0_i32_0 : i32, i32
  }
  func.func @transform_9(%arg0: i32) -> (i32, i32) {
    %c0_i32 = arith.constant 0 : i32
    %c0_i32_0 = arith.constant 0 : i32
    %c0_i32_1 = arith.constant 0 : i32
    return %c0_i32, %c0_i32_0 : i32, i32
  }
  func.func @transform_10(%arg0: i32) -> (i32, i32) {
    %c0_i32 = arith.constant 0 : i32
    %c0_i32_0 = arith.constant 0 : i32
    %c0_i32_1 = arith.constant 0 : i32
    return %c0_i32, %c0_i32_0 : i32, i32
  }
  func.func @transform_11(%arg0: i32) -> (i32, i32) {
    %c0_i32 = arith.constant 0 : i32
    %c0_i32_0 = arith.constant 0 : i32
    %c0_i32_1 = arith.constant 0 : i32
    return %c0_i32, %c0_i32_0 : i32, i32
  }
  func.func @transform_12(%arg0: i32) -> (i32, i32) {
    %c0_i32 = arith.constant 0 : i32
    %c0_i32_0 = arith.constant 0 : i32
    return %arg0, %c0_i32 : i32, i32
  }
  func.func @transform_13(%arg0: i32) -> (i32, i32) {
    %c0_i32 = arith.constant 0 : i32
    %c0_i32_0 = arith.constant 0 : i32
    return %arg0, %c0_i32 : i32, i32
  }
}

module attributes {stable_mosaic.version = 14 : i64} {
  func.func @_final_body(%arg0: i32, %arg1: memref<1000x16xf32, #tpu.memory_space<vmem>>, %arg2: memref<1000x16xf32, #tpu.memory_space<vmem>>, %arg3: memref<1000x16xf32, #tpu.memory_space<vmem>>, %arg4: memref<1000x16xf32, #tpu.memory_space<vmem>>, %arg5: memref<1x16xf32, #tpu.memory_space<vmem>>, %arg6: memref<1000x16xf32, #tpu.memory_space<vmem>>) attributes {dimension_semantics = [#tpu.dimension_semantics<arbitrary>], iteration_bounds = array<i64: 10>, scalar_prefetch = 0 : i64, scratch_operands = 0 : i64, tpu.core_type = #tpu.core_type<tc>, window_params = [{transform_indices = @transform_0, window_bounds = array<i64: 1000, 16>}, {transform_indices = @transform_1, window_bounds = array<i64: 1000, 16>}, {transform_indices = @transform_2, window_bounds = array<i64: 1000, 16>}, {transform_indices = @transform_3, window_bounds = array<i64: 1000, 16>}, {pipeline_mode = #tpu.pipeline_mode<synchronous>, transform_indices = @transform_4, window_bounds = array<i64: 1, 16>}, {transform_indices = @transform_5, window_bounds = array<i64: 1000, 16>}]} {
    %get3A = arith.constant 0 : index
    %get3A_0 = arith.constant 0 : index
    %get3A_1 = vector.load %arg1[%get3A, %get3A_0] : memref<1000x16xf32, #tpu.memory_space<vmem>>, vector<1000x16xf32>
    %get3A_2 = arith.constant 0 : index
    %get3A_3 = arith.constant 0 : index
    %get3A_4 = vector.load %arg2[%get3A_2, %get3A_3] : memref<1000x16xf32, #tpu.memory_space<vmem>>, vector<1000x16xf32>
    %add3A = arith.addf %get3A_1, %get3A_4 : vector<1000x16xf32>
    %get3A_5 = arith.constant 0 : index
    %get3A_6 = arith.constant 0 : index
    %get3A_7 = vector.load %arg3[%get3A_5, %get3A_6] : memref<1000x16xf32, #tpu.memory_space<vmem>>, vector<1000x16xf32>
    %get3A_8 = arith.constant 0 : index
    %get3A_9 = arith.constant 0 : index
    %get3A_10 = vector.load %arg4[%get3A_8, %get3A_9] : memref<1000x16xf32, #tpu.memory_space<vmem>>, vector<1000x16xf32>
    %add3A_11 = arith.addf %get3A_7, %get3A_10 : vector<1000x16xf32>
    %add3A_12 = arith.constant 1.000000e-16 : f32
    %add3A_13 = vector.broadcast %add3A_12 : f32 to vector<1000x16xf32>
    %add3A_14 = arith.addf %add3A_11, %add3A_13 : vector<1000x16xf32>
    %div3A = arith.divf %add3A, %add3A_14 : vector<1000x16xf32>
    %get3A_15 = arith.constant 0 : index
    %get3A_16 = arith.constant 0 : index
    %get3A_17 = vector.load %arg5[%get3A_15, %get3A_16] : memref<1x16xf32, #tpu.memory_space<vmem>>, vector<1x16xf32>
    %add3A_18 = vector.broadcast %get3A_17 : vector<1x16xf32> to vector<1000x16xf32>
    %add3A_19 = arith.addf %div3A, %add3A_18 : vector<1000x16xf32>
    %reduce_max3A = arith.constant dense<0xFF800000> : vector<1000xf32>
    %reduce_max3A_20 = vector.multi_reduction <maximumf>, %add3A_19, %reduce_max3A [1] : vector<1000x16xf32> to vector<1000xf32>
    %broadcast_in_dim3A = vector.shape_cast %reduce_max3A_20 : vector<1000xf32> to vector<1000x1xf32>
    %sub3A = vector.broadcast %broadcast_in_dim3A : vector<1000x1xf32> to vector<1000x16xf32>
    %sub3A_21 = arith.subf %add3A_19, %sub3A : vector<1000x16xf32>
    %exp3A = math.exp %sub3A_21 : vector<1000x16xf32>
    %sub3A_22 = vector.broadcast %broadcast_in_dim3A : vector<1000x1xf32> to vector<1000x16xf32>
    %sub3A_23 = arith.subf %add3A_19, %sub3A_22 : vector<1000x16xf32>
    %reduce_sum3A = arith.constant dense<0.000000e+00> : vector<1000xf32>
    %reduce_sum3A_24 = vector.multi_reduction <add>, %exp3A, %reduce_sum3A [1] : vector<1000x16xf32> to vector<1000xf32>
    %broadcast_in_dim3A_25 = vector.shape_cast %reduce_sum3A_24 : vector<1000xf32> to vector<1000x1xf32>
    %log3A = math.log %broadcast_in_dim3A_25 : vector<1000x1xf32>
    %sub3A_26 = vector.broadcast %log3A : vector<1000x1xf32> to vector<1000x16xf32>
    %sub3A_27 = arith.subf %sub3A_23, %sub3A_26 : vector<1000x16xf32>
    %swap3A = arith.constant 0 : index
    %swap3A_28 = arith.constant 0 : index
    %swap3A_29 = vector.load %arg6[%swap3A, %swap3A_28] : memref<1000x16xf32, #tpu.memory_space<vmem>>, vector<1000x16xf32>
    tpu.vector_store %arg6[%swap3A, %swap3A_28], %sub3A_27 {strides = array<i32>} : memref<1000x16xf32, #tpu.memory_space<vmem>>, vector<1000x16xf32>,
    return
  }
  func.func @transform_0(%arg0: i32) -> (i32, i32) {
    %c0_i32 = arith.constant 0 : i32
    %c0_i32_0 = arith.constant 0 : i32
    return %arg0, %c0_i32 : i32, i32
  }
  func.func @transform_1(%arg0: i32) -> (i32, i32) {
    %c0_i32 = arith.constant 0 : i32
    %c0_i32_0 = arith.constant 0 : i32
    return %arg0, %c0_i32 : i32, i32
  }
  func.func @transform_2(%arg0: i32) -> (i32, i32) {
    %c0_i32 = arith.constant 0 : i32
    %c0_i32_0 = arith.constant 0 : i32
    return %arg0, %c0_i32 : i32, i32
  }
  func.func @transform_3(%arg0: i32) -> (i32, i32) {
    %c0_i32 = arith.constant 0 : i32
    %c0_i32_0 = arith.constant 0 : i32
    return %arg0, %c0_i32 : i32, i32
  }
  func.func @transform_4(%arg0: i32) -> (i32, i32) {
    %c0_i32 = arith.constant 0 : i32
    %c0_i32_0 = arith.constant 0 : i32
    %c0_i32_1 = arith.constant 0 : i32
    return %c0_i32, %c0_i32_0 : i32, i32
  }
  func.func @transform_5(%arg0: i32) -> (i32, i32) {
    %c0_i32 = arith.constant 0 : i32
    %c0_i32_0 = arith.constant 0 : i32
    return %arg0, %c0_i32 : i32, i32
  }
}

</mosaic_0001>

<sc_bundles>
// kernel: kernel.10.cloned.1.call-start
scs
__scs_entry_jumppad:
0x0: {  	(pc) =	sbr.rel $0x88, $3  }
0x1: {  	(tag) =	ssettag $0x0;
	lr =	simm.s32 $0x1  }
0x2: {  	[smem:$0x3F97] =	sst lr;
	_ =	strace $0xD0000000  }
0x3: {  	_ = 	snop  }
0x4: {  	_ = 	snop  }
0x5: {  	_ = 	snop  }
0x6: {  	_ = 	snop  }
0x7: {  	_ = 	snop  }
__scs_overlays_trampoline_lowered:
0x8: {  	[smem:$0x3FA6] =	sst s0  }
0x9: {  	[smem:$0x3FA7] =	sst s1  }
0xa: {  	[smem:$0x3FA8] =	sst s2  }
0xb: {  	[smem:$0x3FA9] =	sst s3  }
0xc: {  	[smem:$0x3FAA] =	sst s4  }
0xd: {  	[smem:$0x3FAB] =	sst s5  }
0xe: {  	[smem:$0x3FAC] =	sst s6  }
0xf: {  	[smem:$0x3FAD] =	sst s7  }
0x10: {  	[smem:$0x3FAE] =	sst s8  }
0x11: {  	[smem:$0x3FAF] =	sst s9;
	s0 =	simm.s32 @!p0 $0x0  }
0x12: {  	s1 =	sld [smem:$0x3F95];
	s0 =	simm.s32 @p0 $0x1  }
0x13: {  	[smem:$0x3FB0] =	sst s0;
	s0 =	simm.s32 @!p1 $0x0  }
0x14: {  	s2 =	sld [smem:$0x3F94];
	s0 =	simm.s32 @p1 $0x1  }
0x15: {  	[smem:$0x3FB1] =	sst s0;
	s0 =	simm.s32 @!p2 $0x0  }
0x16: {  	s3 =	sld [smem:$0x3FDB];
	s0 =	simm.s32 @p2 $0x1  }
0x17: {  	s4 =	simm.s32 $0x1BF5;
	[smem:$0x3FB3] =	sst s0  }
0x18: {  	s0 =	sld [smem:$0x3F96];
	_ =	swait.ge [sflag:s4], $0x0  }
0x19: {  	s7 =	sld [smem:$0x3F97]  }
0x1a: {  	s8 =	sadd.s32 $0xFFFFE003, lr  }
0x1b: {  	s9 =	sadd.s32 $0xFFFFFEF7, lr;
	s5 =	simm.s32 $0xFFFFFFFF;
	p2 =	slt.u32 s8, $0xFFFFF086  }
0x1c: {  	p1 =	slt.u32 s9, $0xF7A;
	s5 =	simm.s32 @!p2 $0x0  }
0x1d: {  	s5 =	simm.s32 @p1 $0x1;
	p0 =	seq.s32 s7, s2  }
0x1e: {  	s7 =	smul.u32 @!p0 $0xF7A, s2;
	p2 =	seq.s32 @!p0 s5, $0x0  }
0x1f: {  	s9 =	smul.u32 $0xF7A, s1;
	s8 =	simm.s32 @!p0 $0x1BF5;
	p2 =	por !p2, p0  }
0x20: {  	[sflag:s8] =	ssyncset.s32 @!p0 $0xFFFFF086;
	s6 =	sadd.s32 @!p0 s3, s7;
	s7 =	simm.s32 @!p0 $0x108  }
0x21: {  	s3 =	sadd.s32 s3, s9;
	s6 =	sadd.s32 @!p0 $0x88, s6;
	s7 =	simm.s32 @p2 $0x1082  }
0x22: {  	[simem:s7], [sflag:s8] =	dma.local @!p0 [hbm:s6], $0xF7A  }
0x23: {  	s9 =	sor.u32 $0xD0000000, s2;
	s6 =	simm.s32 $0x108;
	_ =	swait.ge @!p0 [sflag:s8], $0x0  }
0x24: {  	s3 =	sadd.s32 $0x88, s3;
	s6 =	simm.s32 @!p1 $0x1082;
	[sflag:s4] =	ssyncset.s32 $0xFFFFF086  }
0x25: {  	[simem:s6], [sflag:s4] =	dma.local [hbm:s3], $0xF7A  }
0x26: {  	[smem:$0x3F97] =	sst s1;
	(tag) =	ssettag s2;
	_ =	strace s9  }
0x27: {  	s1 =	sld [smem:$0x3FA7]  }
0x28: {  	s2 =	sld [smem:$0x3FA8]  }
0x29: {  	s4 =	sld [smem:$0x3FAA]  }
0x2a: {  	p0 =	seq.s32 s5, $0x0;
	s5 =	sld [smem:$0x3FAB]  }
0x2b: {  	s6 =	sld [smem:$0x3FAC]  }
0x2c: {  	s7 =	sld [smem:$0x3FAD]  }
0x2d: {  	s3 =	simm.s32 $0x108;
	s8 =	sld [smem:$0x3FAE]  }
0x2e: {  	s3 =	simm.s32 @!p0 $0x1082;
	s9 =	sld [smem:$0x3FAF]  }
0x2f: {  	lr =	sadd.s32 s0, s3;
	s0 =	sld [smem:$0x3FA6]  }
0x30: {  	s3 =	sld [smem:$0x3FA9]  }
0x31: {  	[smem:$0x3FB2] =	sst s10  }
0x32: {  	s10 =	sld [smem:$0x3FB0];
	_ =	sdelay $0x3  }
0x33: {  	p0 =	seq.s32 s10, $0x1;
	s10 =	sld [smem:$0x3FB2];
	_ =	sdelay $0x3  }
0x34: {  	[smem:$0x3FB2] =	sst s10  }
0x35: {  	s10 =	sld [smem:$0x3FB1];
	_ =	sdelay $0x3  }
0x36: {  	p1 =	seq.s32 s10, $0x1;
	s10 =	sld [smem:$0x3FB2];
	_ =	sdelay $0x3  }
0x37: {  	[smem:$0x3FB2] =	sst s10  }
0x38: {  	s10 =	sld [smem:$0x3FB3]  }
0x39: {  	_ = 	snop;
	(pc) =	sbr.ind lr, $3  }
0x3a: {  	_ = 	snop  }
0x3b: {  	_ = 	snop  }
0x3c: {  	p2 =	seq.s32 s10, $0x1;
	s10 =	sld [smem:$0x3FB2]  }
0x3d: {  	_ =	shalt  }
0x3e: {  	_ =	shalt  }
0x3f: {  	_ =	shalt  }
0x40: {  	_ =	shalt  }
0x41: {  	_ =	shalt  }
0x42: {  	_ =	shalt  }
0x43: {  	_ =	shalt  }
0x44: {  	_ =	shalt  }
0x45: {  	_ =	shalt  }
0x46: {  	_ =	shalt  }
0x47: {  	_ =	shalt  }
0x48: {  	_ =	shalt  }
0x49: {  	_ =	shalt  }
0x4a: {  	_ =	shalt  }
0x4b: {  	_ =	shalt  }
0x4c: {  	_ =	shalt  }
0x4d: {  	_ =	shalt  }
0x4e: {  	_ =	shalt  }
0x4f: {  	_ =	shalt  }
0x50: {  	_ =	shalt  }
0x51: {  	_ =	shalt  }
0x52: {  	_ =	shalt  }
0x53: {  	_ =	shalt  }
0x54: {  	_ =	shalt  }
0x55: {  	_ =	shalt  }
0x56: {  	_ =	shalt  }
0x57: {  	_ =	shalt  }
0x58: {  	_ =	shalt  }
0x59: {  	_ =	shalt  }
0x5a: {  	_ =	shalt  }
0x5b: {  	_ =	shalt  }
0x5c: {  	_ =	shalt  }
0x5d: {  	_ =	shalt  }
0x5e: {  	_ =	shalt  }
0x5f: {  	_ =	shalt  }
0x60: {  	_ =	shalt  }
0x61: {  	_ =	shalt  }
0x62: {  	_ =	shalt  }
0x63: {  	_ =	shalt  }
0x64: {  	_ =	shalt  }
0x65: {  	_ =	shalt  }
0x66: {  	_ =	shalt  }
0x67: {  	_ =	shalt  }
0x68: {  	_ =	shalt  }
0x69: {  	_ =	shalt  }
0x6a: {  	_ =	shalt  }
0x6b: {  	_ =	shalt  }
0x6c: {  	_ =	shalt  }
0x6d: {  	_ =	shalt  }
0x6e: {  	_ =	shalt  }
0x6f: {  	_ =	shalt  }
0x70: {  	_ =	shalt  }
0x71: {  	_ =	shalt  }
0x72: {  	_ =	shalt  }
0x73: {  	_ =	shalt  }
0x74: {  	_ =	shalt  }
0x75: {  	_ =	shalt  }
0x76: {  	_ =	shalt  }
0x77: {  	_ =	shalt  }
0x78: {  	_ =	shalt  }
0x79: {  	_ =	shalt  }
0x7a: {  	_ =	shalt  }
0x7b: {  	_ =	shalt  }
0x7c: {  	_ =	shalt  }
0x7d: {  	_ =	shalt  }
0x7e: {  	_ =	shalt  }
0x7f: {  	_ =	shalt  }
0x80: {  	_ =	shalt  }
0x81: {  	_ =	shalt  }
0x82: {  	_ =	shalt  }
0x83: {  	_ =	shalt  }
0x84: {  	_ =	shalt  }
0x85: {  	_ =	shalt  }
0x86: {  	_ =	shalt  }
0x87: {  	_ =	shalt  }
.Lfunc_end0:
.L_simem_size_0:
called_computation.1_lowered:
.L_overlay_start_0:
0x88: {  	s2 =	sld [smem:$0x3FD9]  }
0x89: {  	s3 =	sld [smem:$0x3FFE];
	_ =	sdelay $0x1  }
0x8a: {  	s1 =	srdreg.scid  }
0x8b: {  	s0 =	sand.u32 $0x1, s1  }
0x8c: {  	s17 =	sshll.u32 s0, $0xA;
	s2 =	sadd.s32 s3, s2  }
0x8d: {  	s2 =	sadd.s32 s2, s17  }
0x8e: {  	[smem:$0x3FBE] =	sst s2  }
0x8f: {  	_ = 	snop  }
0x90: {  	s2 =	sld [smem:$0x3FD0];
	(tm) =	ssettm $0x1  }
0x91: {  	s18 =	sld [smem:$0x3FFB];
	_ =	sdelay $0x3  }
0x92: {  	_ =	strace s18  }
0x93: {  	s3 =	sld [smem:$0x3FFC];
	_ =	sdelay $0x3  }
0x94: {  	_ =	strace s3  }
0x95: {  	s3 =	sld [smem:$0x3FFD];
	_ =	sdelay $0x3  }
0x96: {  	_ =	strace s3  }
0x97: {  	_ =	strace $0x8FFFFFFF  }
0x98: {  	s19 =	sld [smem:$0x3FDB];
	_ =	sdelay $0x1  }
0x99: {  	s4 =	simm.s32 $_scs_section_size  }
0x9a: {  	s5 =	simm.s32 $_size__tile_overlayer_lowered;
	s6 =	simm.s32 $_tile_overlayer_lowered  }
0x9b: {  	s22 =	simm.s32 $0x1BFF;
	s21 =	sshll.u32 s6, $0x1;
	s3 =	sadd.s32 s4, s19  }
0x9c: {  	s7 =	simm.s32 $0x0;
	s20 =	sshll.u32 s5, $0x1;
	s5 =	sadd.s32 s21, s3  }
0x9d: {  	[timem:s7], [sflag:s22] =	dma.local [hbm:s5], s20  }
0x9e: {  	_ =	swait.ge [sflag:s22], s20  }
0x9f: {  	s4 =	ssub.s32 $0x0, s20;
	[sflag:s22] =	ssyncset.done $0x0  }
0xa0: {  	[sflag:s22] =	ssyncadd.s32 s4;
	_ =	sdelay $0x1  }
0xa1: {  	s23 =	simm.s32 $0x1B8B  }
0xa2: {  	_ =	swait.ge [sflag:s23], $0x1  }
0xa3: {  	[sflag:s23] =	ssyncset.done $0x0  }
0xa4: {  	s25 =	simm.s32 $0x1B8E;
	s24 =	sld [smem:$0x3FFE];
	[sflag:s23] =	ssyncadd.s32 $0xFFFFFFFF  }
0xa5: {  	s26 =	simm.s32 $execute0_lowered;
	[smem:$0x3FD2] =	sst s25  }
0xa6: {  	s5 =	sshll.u32 s26, $0x1;
	_ =	strace $0x80000049;
	[dreg:$0x1] =	wrdreg $0xFFFFFFFF  }
0xa7: {  	s28 =	simm.s32 $_size_execute0_lowered;
	s3 =	sadd.s32 s3, s5;
	[dreg:$0x0] =	wrdreg $0x0  }
0xa8: {  	s5 =	sshll.u32 s28, $0x1;
	[dreg:$0x2] =	wrdreg s3  }
0xa9: {  	[dreg:$0x3] =	wrdreg s5  }
0xaa: {  	[dreg:$0x4] =	wrdreg $0xC0  }
0xab: {  	_ =	task [dreg:s7], $0x5FFFF  }
0xac: {  	[dreg:$0x1] =	wrdreg $0xFFFFFFFF  }
0xad: {  	[dreg:$0x0] =	wrdreg $0x60  }
0xae: {  	[dreg:$0x2] =	wrdreg s24  }
0xaf: {  	[dreg:$0x3] =	wrdreg s2  }
0xb0: {  	[dreg:$0x4] =	wrdreg $0x83000  }
0xb1: {  	[dreg:$0x5] =	wrdreg $0xAA200  }
0xb2: {  	[dreg:$0x6] =	wrdreg $0x9  }
0xb3: {  	_ =	task.clear_ibuf [dreg:s7], $0x7FFFF;
	_ =	strace $0x90000049  }
0xb4: {  	s29 =	simm.s32 $0x9;
	_ =	strace $0x8000004B  }
0xb5: {  	_ =	swait.ge [sflag:s29], $0x1  }
0xb6: {  	[sflag:s29] =	ssyncadd.s32 $0xFFFFFFFF  }
0xb7: {  	_ =	strace $0x9000004B  }
0xb8: {  	_ =	sfence  }
0xb9: {  	s30 =	sld [smem:$0x0];
	_ =	sdelay $0x2  }
0xba: {  	s31 =	sshll.u32 s1, $0xD;
	s1 =	sshrl.u32 s1, $0x2  }
0xbb: {  	s3 =	sand.u32 $0x4000, s31;
	s1 =	sadd.s32 s1, s30  }
0xbc: {  	s0 =	sor.u32 s3, s0;
	s1 =	sshll.u32 s1, $0x11  }
0xbd: {  	s0 =	sor.u32 s1, s0  }
0xbe: {  	s0 =	sadd.s32 $0x8F2B, s0  }
0xbf: {  	[sflag:s0] =	ssyncadd.remote.s32 $0x1  }
0xc0: {  	_ =	sfence.sel $0xFFFF  }
0xc1: {  	[dreg:$0x0] =	wrdreg $0xFFFFFFFF;
	(pc) =	sbr.abs _section_cstart, $3  }
0xc2: {  	[dreg:$0x1] =	wrdreg $0xFFFFFFFF  }
0xc3: {  	_ =	task.clear_ibuf [dreg:s7], $0x2FFFF;
	_ =	strace $0x9FFFFFFF  }
0xc4: {  	(tm) =	ssettm $0x7FFFFFFF  }
0xc5: {  	_ =	shalt  }
tec
execute0_lowered:
.L_overlay_start_1:
0x0: {  	(tag) =	ssettag $0x1  }
0x1: {  	s1 =	rddreg [dreg:$0x0]  }
0x2: {  	s0 =	rddreg [dreg:$0x1]  }
0x3: {  	s2 =	srdreg.scid;
	s3 =	rddreg [dreg:$0x2]  }
0x4: {  	s4 =	rddreg [dreg:$0x3];
	s10 =	stileid.u32  }
0x5: {  	s6 =	simm.s32 $0x0;
	s31 =	simm.s32 $0x9;
	s29 =	simm.s32 $0x6  }
0x6: {  	s2 =	sand.u32 $0x1, s2;
	[smem:$0x7FF] =	sst s6;
	s6 =	sadd.s32 $0x3600, s1  }
0x7: {  	s5 =	sshll.u32 s2, $0x4;
	s7 =	ssub.s32 $0x2, s2;
	s2 =	smul.u32 $0x27200, s2  }
0x8: {  	s8 =	sadd.s32 $0x17200, s1;
	s5 =	sor.u32 s10, s5;
	s10 =	smul.u32 $0x2720, s10  }
0x9: {  	_ =	strace $0x8000004A;
	s9 =	sshrl.u32 s7, $0x1;
	s5 =	smul.u32 $0x520, s5  }
0xa: {  	s7 =	ssub.s32 s7, s9;
	s9 =	simm.s32 $0x7300;
	s22 =	sadd.s32 s10, s3  }
0xb: {  	s23 =	sadd.s32 s10, s4;
	s21 =	sadd.s32 $0x800, s10;
	s24 =	sadd.s32 $0x1000, s10  }
0xc: {  	s11 =	sadd.s32 s10, s2;
	s12 =	sadd.s32 $0x1800, s10;
	s10 =	sadd.s32 $0x2000, s10  }
0xd: {  	s5 =	sadd.s32 s5, s1;
	s1 =	sadd.s32 $0xD400, s1;
	[dreg:$0x6] =	wrdreg s22  }
0xe: {  	s11 =	sshrl.u32 s11, $0x3;
	s18 =	sadd.s32 s24, s4;
	[dreg:$0x7] =	wrdreg s23  }
0xf: {  	s13 =	sadd.s32 s2, s21;
	s19 =	sadd.s32 s12, s3;
	[dreg:$0x15] =	wrdreg s18  }
0x10: {  	s26 =	sadd.s32 s2, s24;
	s20 =	sadd.s32 s12, s4;
	[dreg:$0x16] =	wrdreg s19  }
0x11: {  	s28 =	sadd.s32 s24, s3;
	s24 =	sadd.s32 s10, s4;
	[dreg:$0x17] =	wrdreg s20  }
0x12: {  	s30 =	sadd.s32 s2, s12;
	s2 =	sadd.s32 s2, s10;
	[dreg:$0x19] =	wrdreg s24  }
0x13: {  	s12 =	simm.s32 $0x2;
	s5 =	sadd.s32 $0x21000, s5;
	[dreg:$0x14] =	wrdreg s28  }
0x14: {  	s14 =	sadd.s32 s8, s11;
	s13 =	sshrl.u32 s13, $0x3;
	[dreg:$0x5] =	wrdreg s5  }
0x15: {  	s11 =	sadd.s32 s1, s11;
	s2 =	sshrl.u32 s2, $0x3;
	[dreg:$0x8] =	wrdreg s14  }
0x16: {  	s18 =	simm.s32 $0x4A00;
	[dreg:$0x9] =	wrdreg s11;
	s25 =	sadd.s32 s8, s13  }
0x17: {  	s19 =	simm.s32 $0x5;
	s13 =	sadd.s32 s1, s13;
	[dreg:$0xa] =	wrdreg s25  }
0x18: {  	s11 =	sshrl.u32 s26, $0x3;
	s26 =	sadd.s32 s21, s4;
	[dreg:$0xb] =	wrdreg s13  }
0x19: {  	s20 =	simm.s32 $0x3;
	s15 =	sadd.s32 s8, s11;
	[dreg:$0x13] =	wrdreg s26  }
0x1a: {  	s5 =	simm.s32 $0x80;
	s11 =	sadd.s32 s1, s11;
	[dreg:$0xc] =	wrdreg s15  }
0x1b: {  	s25 =	sadd.s32 s21, s3;
	s21 =	sadd.s32 s10, s3;
	[dreg:$0xd] =	wrdreg s11  }
0x1c: {  	s13 =	sshrl.u32 s30, $0x3;
	s30 =	smax.u32 s7, $0x1;
	[dreg:$0x18] =	wrdreg s21  }
0x1d: {  	s14 =	simm.s32 $0x5300;
	s10 =	simm.s32 $0x2980;
	[dreg:$0x1a] =	wrdreg s30  }
0x1e: {  	s7 =	simm.s32 $0x0;
	s16 =	sadd.s32 s8, s13;
	[dreg:$0x12] =	wrdreg s25  }
0x1f: {  	s17 =	sadd.s32 s1, s13;
	s8 =	sadd.s32 s8, s2;
	[dreg:$0xe] =	wrdreg s16  }
0x20: {  	s1 =	sadd.s32 s1, s2;
	s11 =	simm.s32 $0x3A00;
	[dreg:$0xf] =	wrdreg s17  }
0x21: {  	s13 =	simm.s32 $0x5200;
	s15 =	simm.s32 $0x5280;
	[dreg:$0x10] =	wrdreg s8  }
0x22: {  	s21 =	simm.s32 $0x4;
	[dreg:$0x11] =	wrdreg s1;
	s1 =	simm.s32 $0x1  }
0x23: {  	v0 =	vimm.f32 $0.0e+00;
	s16 =	simm.s32 $0x6300;
	s17 =	simm.s32 $0x4200;
	s8 =	simm.s32 $0x6B00  }
.LBB2_1:
0x24: {  	s2 =	simm.s32 $0x0;
	s30 =	rddreg [dreg:$0x5]  }
0x25: {  	[tilespmem:s2], [sflag:$0x1] =	stream.linear.gather [hbm4b:s30+s2], $0x2900, $0x38;
	[tilespmem:$0xD140] =	vst v63  }
0x26: {  	[dreg:$0x1b] =	wrdreg s7;
	s7 =	simm.s32 $0x0;
	s2 =	simm.s32 $0x40  }
.LBB2_2:
0x27: {  	p0 =	sne.s32 s2, $0x1FC0;
	[tilespmem:s7+$0x7B00] =	vst v0;
	s7 =	smov.u32 s2;
	s2 =	sadd.s32 $0x40, s2  }
.Ltmp0:
0x28: {  	(pc) =	sbr.rel @p0 .LBB2_2-.Ltmp0, $2  }
0x29: {  	_ =	sdelay $0x2  }
0x2a: {  	s7 =	sshra.s32 s7, $0x2  }
0x2b: {  	[tilespmem:s7+$0x7B00] =	vst v0;
	s24 =	simm.s32 $0x7B00  }
0x2c: {  	[spmem:s22] =	stream.linear.scatter [tilespmem:s24], [sflag:$0x9], $0x800, $0x38;
	[tilespmem:$0xD140] =	vst v63  }
0x2d: {  	_ =	swait.ge [sflag:s31], $0x800  }
0x2e: {  	[sflag:s31] =	ssyncset.done $0x0  }
0x2f: {  	[sflag:s31] =	ssyncadd.s32 $0xFFFFF800  }
0x30: {  	[spmem:s23] =	stream.linear.scatter [tilespmem:s24], [sflag:$0x9], $0x800, $0x38;
	[tilespmem:$0xD140] =	vst v63  }
0x31: {  	_ =	swait.ge [sflag:s31], $0x800  }
0x32: {  	[sflag:s31] =	ssyncset.done $0x0  }
0x33: {  	[sflag:s31] =	ssyncadd.s32 $0xFFFFF800  }
0x34: {  	[spmem:s25] =	stream.linear.scatter [tilespmem:s24], [sflag:$0x9], $0x800, $0x38;
	[tilespmem:$0xD140] =	vst v63  }
0x35: {  	_ =	swait.ge [sflag:s31], $0x800  }
0x36: {  	[sflag:s31] =	ssyncset.done $0x0  }
0x37: {  	[sflag:s31] =	ssyncadd.s32 $0xFFFFF800  }
0x38: {  	[spmem:s26] =	stream.linear.scatter [tilespmem:s24], [sflag:$0x9], $0x800, $0x38;
	[tilespmem:$0xD140] =	vst v63  }
0x39: {  	_ =	swait.ge [sflag:s31], $0x800  }
0x3a: {  	[sflag:s31] =	ssyncset.done $0x0  }
0x3b: {  	[sflag:s31] =	ssyncadd.s32 $0xFFFFF800  }
0x3c: {  	[spmem:s28] =	stream.linear.scatter [tilespmem:s24], [sflag:$0x9], $0x800, $0x38;
	[tilespmem:$0xD140] =	vst v63  }
0x3d: {  	_ =	swait.ge [sflag:s31], $0x800  }
0x3e: {  	[sflag:s31] =	ssyncset.done $0x0  }
0x3f: {  	s2 =	rddreg [dreg:$0x15];
	[sflag:s31] =	ssyncadd.s32 $0xFFFFF800  }
0x40: {  	[spmem:s2] =	stream.linear.scatter [tilespmem:s24], [sflag:$0x9], $0x800, $0x38;
	[tilespmem:$0xD140] =	vst v63  }
0x41: {  	_ =	swait.ge [sflag:s31], $0x800  }
0x42: {  	[sflag:s31] =	ssyncset.done $0x0  }
0x43: {  	s25 =	rddreg [dreg:$0x16];
	[sflag:s31] =	ssyncadd.s32 $0xFFFFF800  }
0x44: {  	[spmem:s25] =	stream.linear.scatter [tilespmem:s24], [sflag:$0x9], $0x800, $0x38;
	[tilespmem:$0xD140] =	vst v63  }
0x45: {  	_ =	swait.ge [sflag:s31], $0x800  }
0x46: {  	[sflag:s31] =	ssyncset.done $0x0  }
0x47: {  	s26 =	rddreg [dreg:$0x17];
	[sflag:s31] =	ssyncadd.s32 $0xFFFFF800  }
0x48: {  	[spmem:s26] =	stream.linear.scatter [tilespmem:s24], [sflag:$0x9], $0x800, $0x38;
	[tilespmem:$0xD140] =	vst v63  }
0x49: {  	_ =	swait.ge [sflag:s31], $0x800  }
0x4a: {  	[sflag:s31] =	ssyncset.done $0x0  }
0x4b: {  	s28 =	rddreg [dreg:$0x18];
	[sflag:s31] =	ssyncadd.s32 $0xFFFFF800  }
0x4c: {  	[spmem:s28] =	stream.linear.scatter [tilespmem:s24], [sflag:$0x9], $0x720, $0x38;
	[tilespmem:$0xD140] =	vst v63  }
0x4d: {  	_ =	swait.ge [sflag:s31], $0x720  }
0x4e: {  	[sflag:s31] =	ssyncset.done $0x0  }
0x4f: {  	s30 =	rddreg [dreg:$0x19];
	[sflag:s31] =	ssyncadd.s32 $0xFFFFF8E0  }
0x50: {  	[spmem:s30] =	stream.linear.scatter [tilespmem:s24], [sflag:$0x9], $0x720, $0x38;
	[tilespmem:$0xD140] =	vst v63  }
0x51: {  	_ =	swait.ge [sflag:s31], $0x720  }
0x52: {  	[sflag:s31] =	ssyncset.done $0x0  }
0x53: {  	[sflag:s31] =	ssyncadd.s32 $0xFFFFF8E0  }
0x54: {  	_ =	swait.ge [sflag:s1], $0x2900  }
0x55: {  	[sflag:s1] =	ssyncset.done $0x0  }
0x56: {  	[sflag:s1] =	ssyncadd.s32 $0xFFFFD700  }
0x57: {  	p0 =	por $0x1, $0x1;
	s2 =	simm.s32 $0x0;
	[bflag:$0x0] =	sbarrier.arrive $0xFFFF  }
.LBB2_4:
0x58: {  	v1 =	vld [tilespmem:s2+$0x0]  }
0x59: {  	s7 =	sor.u32 $0x10, s2  }
0x5a: {  	v2 =	vld [tilespmem:s7+$0x0]  }
0x5b: {  	s28 =	sor.u32 $0x20, s2  }
0x5c: {  	v3 =	vld [tilespmem:s28+$0x0]  }
0x5d: {  	s30 =	sor.u32 $0x30, s2;
	v4 =	vand.u32 $0x3FFF, v1  }
0x5e: {  	v63 =	vld [tilespmem:s30+$0x0];
	v1 =	vshra.s32 v1, $0xE;
	[tilespmem:s2+$0x2900] =	vst v4  }
0x5f: {  	[tilespmem:s2+$0x2980] =	vst v1;
	v1 =	vand.u32 $0x3FFF, v2  }
0x60: {  	p1 =	por p0, p0;
	[tilespmem:s2+$0x2910] =	vst v1;
	v1 =	vshra.s32 v2, $0xE  }
.Ltmp1:
0x61: {  	[tilespmem:s2+$0x2990] =	vst v1;
	v1 =	vand.u32 $0x3FFF, v3;
	(pc) =	sbr.rel @p1 .LBB2_4-.Ltmp1, $4  }
0x62: {  	[tilespmem:s2+$0x2920] =	vst v1;
	v1 =	vshra.s32 v3, $0xE  }
0x63: {  	[tilespmem:s2+$0x29A0] =	vst v1;
	v1 =	vand.u32 $0x3FFF, v63  }
0x64: {  	[tilespmem:s2+$0x2930] =	vst v1;
	v1 =	vshra.s32 v63, $0xE  }
0x65: {  	p0 =	por $0x0, $0x0;
	[tilespmem:s2+$0x29B0] =	vst v1;
	s2 =	simm.s32 $0x40  }
0x66: {  	s2 =	simm.s32 $0x2900;
	s7 =	simm.s32 $0x2A00  }
0x67: {  	[tilespmem:s7], [sflag:$0x1] =	stream.indirect.gather [hbm4b:s6+s5], $0x20, s2, s5, $0xb8;
	[tilespmem:$0xD140] =	vst v63  }
0x68: {  	s23 =	simm.s32 $0x0  }
0x69: {  	[tilespmem:s11], [sflag:$0x2] =	stream.indirect.gather [hbm4b:s0+s5], $0x10, s10, s5, $0xb8;
	[tilespmem:$0xD140] =	vst v63  }
.LBB2_6:
0x6a: {  	_ =	swait.ge [sflag:s1], $0x1000  }
0x6b: {  	[sflag:s1] =	ssyncset.done $0x0  }
0x6c: {  	[sflag:s1] =	ssyncadd.s32 $0xFFFFF000  }
0x6d: {  	_ =	swait.ge [sflag:s12], $0x800  }
0x6e: {  	p0 =	seq.s32 s23, $0x0;
	s7 =	sshll.u32 s23, $0xA;
	[sflag:s12] =	ssyncset.done $0x0  }
0x6f: {  	s2 =	simm.s32 @!p0 $0x7;
	s24 =	sshra.s32 s7, $0x2;
	[sflag:s12] =	ssyncadd.s32 $0xFFFFF800  }
0x70: {  	s7 =	sor.u32 $0x80, s24;
	_ =	swait.ge @!p0 [sflag:s2], $0x800  }
0x71: {  	v1 =	vmov s7;
	[sflag:s2] =	ssyncset.done @!p0 $0x0  }
0x72: {  	[sflag:s2] =	ssyncadd.s32 @!p0 $0xFFFFF800;
	s2 =	simm.s32 @!p0 $0x8  }
0x73: {  	_ =	swait.ge @!p0 [sflag:s2], $0x800  }
0x74: {  	[sflag:s2] =	ssyncset.done @!p0 $0x0  }
0x75: {  	[sflag:s2] =	ssyncadd.s32 @!p0 $0xFFFFF800;
	p0 =	por $0x1, $0x1;
	s2 =	simm.s32 $0x0  }
.LBB2_7:
0x76: {  	v2 =	vld.idx.msk [tilespmem:v1+s2+$0x0 ss:$0x1], $0xffff;
	_ =	sdelay $0x1  }
0x77: {  	v3 =	vld.idx.msk [tilespmem:v1+s2+$0x10 ss:$0x1], $0xffff;
	_ =	sdelay $0x1  }
0x78: {  	v4 =	vld.idx.msk [tilespmem:v1+s2+$0x20 ss:$0x1], $0xffff  }
0x79: {  	v5 =	vand.u32 $0x3FFF, v2  }
0x7a: {  	v63 =	vld.idx.msk [tilespmem:v1+s2+$0x30 ss:$0x1], $0xffff;
	v2 =	vshra.s32 v2, $0xE;
	[tilespmem:s2+$0x5200] =	vst v5  }
0x7b: {  	[tilespmem:s2+$0x5280] =	vst v2;
	v2 =	vand.u32 $0x3FFF, v3  }
0x7c: {  	p1 =	por p0, p0;
	[tilespmem:s2+$0x5210] =	vst v2;
	v2 =	vshra.s32 v3, $0xE  }
.Ltmp2:
0x7d: {  	[tilespmem:s2+$0x5290] =	vst v2;
	v2 =	vand.u32 $0x3FFF, v4;
	(pc) =	sbr.rel @p1 .LBB2_7-.Ltmp2, $4  }
0x7e: {  	[tilespmem:s2+$0x5220] =	vst v2;
	v2 =	vshra.s32 v4, $0xE  }
0x7f: {  	[tilespmem:s2+$0x52A0] =	vst v2;
	v2 =	vand.u32 $0x3FFF, v63  }
0x80: {  	[tilespmem:s2+$0x5230] =	vst v2;
	v2 =	vshra.s32 v63, $0xE  }
0x81: {  	p0 =	por $0x0, $0x0;
	[tilespmem:s2+$0x52B0] =	vst v2;
	s2 =	simm.s32 $0x40  }
0x82: {  	[tilespmem:s14], [sflag:$0x5] =	stream.indirect.gather [hbm4b:s6+s5], $0x20, s13, s5, $0xb8;
	[tilespmem:$0xD140] =	vst v63  }
0x83: {  	s2 =	simm.s32 $0x2A80  }
0x84: {  	[tilespmem:s16], [sflag:$0x6] =	stream.indirect.gather [hbm4b:s0+s5], $0x10, s15, s5, $0xb8;
	[tilespmem:$0xD140] =	vst v63  }
0x85: {  	s7 =	simm.s32 $0x3A40;
	v1 =	vld [tilespmem:s2+$0x70]  }
0x86: {  	v2 =	vld [tilespmem:s7+$0x30]  }
0x87: {  	v3 =	vld [tilespmem:s7+$0xFFFFFFC0]  }
0x88: {  	v4 =	vld [tilespmem:s2+$0xFFFFFFB0]  }
0x89: {  	v5 =	vld [tilespmem:s7+$0xFFFFFFD0]  }
0x8a: {  	v6 =	vld [tilespmem:s2+$0xFFFFFFD0]  }
0x8b: {  	v7 =	vld [tilespmem:s7+$0xFFFFFFE0]  }
0x8c: {  	v8 =	vld [tilespmem:s7+$0xFFFFFFF0]  }
0x8d: {  	v10 =	vld [tilespmem:s2+$0x10]  }
0x8e: {  	v1 =	vadd.f32 v2, v1;
	v2 =	vld [tilespmem:s2+$0xFFFFFFF0]  }
0x8f: {  	v13 =	vld [tilespmem:s2+$0xFFFFFF90]  }
0x90: {  	v4 =	vadd.f32 v5, v4;
	v5 =	vld [tilespmem:s7+$0x0];
	v9 =	vmul.f32 $2.000000030e-01, v1  }
0x91: {  	v11 =	vld [tilespmem:s7+$0x10];
	v6 =	vadd.f32 v7, v6  }
0x92: {  	v7 =	vld [tilespmem:s2+$0x30];
	v1 =	vmax.f32 v1, v9;
	v9 =	vmul.f32 $2.000000030e-01, v4  }
0x93: {  	v12 =	vmul.f32 $2.000000030e-01, v6;
	v2 =	vadd.f32 v8, v2;
	v8 =	vld [tilespmem:s2+$0x50]  }
0x94: {  	v3 =	vadd.f32 v3, v13;
	v4 =	vmax.f32 v4, v9;
	v9 =	vld [tilespmem:s7+$0x20]  }
0x95: {  	s25 =	simm.s32 $0x3AC0;
	v6 =	vmax.f32 v6, v12;
	v5 =	vadd.f32 v5, v10;
	v12 =	vmul.f32 $2.000000030e-01, v2  }
0x96: {  	s22 =	simm.s32 $0x2B80;
	v15 =	vld [tilespmem:s25+$0xFFFFFFD0];
	v14 =	vmul.f32 $2.000000030e-01, v3;
	v1 =	vmul.f32 $1.442695020e+00, v1  }
0x97: {  	v16 =	vld [tilespmem:s22+$0xFFFFFFD0];
	v7 =	vadd.f32 v11, v7;
	v2 =	vmax.f32 v2, v12;
	v12 =	vmul.f32 $2.000000030e-01, v5  }
0x98: {  	v19 =	vld [tilespmem:s22+$0xFFFFFFF0];
	(erf) = vpow2.f32 v1;
	v4 =	vmul.f32 $1.442695020e+00, v4  }
0x99: {  	v20 =	vld [tilespmem:s25+$0xFFFFFFF0];
	v5 =	vmax.f32 v5, v12;
	v12 =	vmul.f32 $2.000000030e-01, v7;
	v8 =	vadd.f32 v9, v8  }
0x9a: {  	v24 =	vld [tilespmem:s25+$0x0];
	v6 =	vmul.f32 $1.442695020e+00, v6;
	(erf) = vpow2.f32 v4  }
0x9b: {  	v25 =	vld [tilespmem:s22+$0x30];
	v2 =	vmul.f32 $1.442695020e+00, v2;
	v7 =	vmax.f32 v7, v12;
	v12 =	vmul.f32 $2.000000030e-01, v8  }
0x9c: {  	v26 =	vld [tilespmem:s22+$0x50];
	v3 =	vmax.f32 v3, v14;
	(erf) = vpow2.f32 v6;
	v5 =	vmul.f32 $1.442695020e+00, v5  }
0x9d: {  	v14 =	vld [tilespmem:s22+$0xFFFFFFB0];
	(erf) = vpow2.f32 v2;
	v7 =	vmul.f32 $1.442695020e+00, v7;
	v8 =	vmax.f32 v8, v12  }
0x9e: {  	(erf) = vpow2.f32 v5;
	v5 =	vld [tilespmem:s22+$0x70];
	v8 =	vmul.f32 $1.442695020e+00, v8  }
0x9f: {  	v3 =	vmul.f32 $1.442695020e+00, v3;
	(erf) = vpow2.f32 v7;
	v7 =	vld [tilespmem:s25+$0x30]  }
0xa0: {  	v9 =	vld [tilespmem:s2+$0x60]  }
0xa1: {  	v10 =	vld [tilespmem:s2+$0xFFFFFFA0]  }
0xa2: {  	v11 =	vld [tilespmem:s2+$0xFFFFFFC0];
	(erf) = vpow2.f32 v8;
	v8 =	vpop (erf)  }
0xa3: {  	v4 =	vld [tilespmem:s2+$0xFFFFFFE0];
	(erf) = vpow2.f32 v3;
	v8 =	vbroadcast v8, $0x0;
	v3 =	vpop (erf)  }
0xa4: {  	v5 =	vadd.f32 v7, v5;
	v18 =	vbroadcast v3, $0x0;
	v3 =	vld [tilespmem:s25+$0xFFFFFFE0]  }
0xa5: {  	v13 =	vld [tilespmem:s2+$0x20];
	v17 =	vpop (erf);
	v9 =	vmul.f32 v8, v9  }
0xa6: {  	v1 =	vld [tilespmem:s2+$0xFFFFFF80];
	v7 =	vpop (erf);
	v17 =	vbroadcast v17, $0x0;
	v21 =	vmul.f32 $2.000000030e-01, v5  }
0xa7: {  	v14 =	vadd.f32 v15, v14;
	v15 =	vld [tilespmem:s22+$0x10];
	v7 =	vbroadcast v7, $0x0;
	v10 =	vmul.f32 v18, v10;
	v22 =	vpop (erf)  }
0xa8: {  	s26 =	simm.s32 $0x4240;
	v6 =	vld [tilespmem:s2+$0x0];
	v11 =	vmul.f32 v17, v11;
	v22 =	vbroadcast v22, $0x0;
	v5 =	vmax.f32 v5, v21  }
0xa9: {  	s28 =	simm.s32 $0x4A40;
	v2 =	vld [tilespmem:s2+$0x40];
	[tilespmem:s26+$0x30] =	vst v9;
	v23 =	vmul.f32 v7, v4;
	v4 =	vpop (erf);
	v5 =	vmul.f32 $1.442695020e+00, v5;
	v16 =	vadd.f32 v3, v16  }
0xaa: {  	v19 =	vadd.f32 v20, v19;
	v9 =	vld [tilespmem:s25+$0x10];
	[tilespmem:s28+$0x30] =	vst v8;
	v62 =	vbroadcast v4, $0x0;
	v4 =	vmul.f32 $2.000000030e-01, v14  }
0xab: {  	v12 =	vld [tilespmem:s25+$0xFFFFFFC0];
	[tilespmem:s26+$0xFFFFFFD0] =	vst v10;
	v3 =	vpop (erf);
	(erf) = vpow2.f32 v5;
	v63 =	vmul.f32 $2.000000030e-01, v16  }
0xac: {  	v15 =	vadd.f32 v24, v15;
	[tilespmem:s28+$0xFFFFFFD0] =	vst v18;
	v18 =	vmul.f32 $2.000000030e-01, v19;
	v8 =	vpop (erf);
	v10 =	vmax.f32 v14, v4;
	v14 =	vld [tilespmem:s25+$0x20]  }
0xad: {  	v6 =	vmul.f32 v22, v6;
	[tilespmem:s26+$0xFFFFFFE0] =	vst v11;
	v4 =	vbroadcast v8, $0x0;
	v8 =	vmax.f32 v16, v63;
	v16 =	vld [tilespmem:s22+$0xFFFFFF90]  }
0xae: {  	v5 =	vld [tilespmem:s22+$0xFFFFFF80];
	[tilespmem:s28+$0xFFFFFFE0] =	vst v17;
	v17 =	vmax.f32 v19, v18;
	v19 =	vmul.f32 $2.000000030e-01, v15;
	v11 =	vmul.f32 $1.442695020e+00, v10  }
0xaf: {  	v3 =	vbroadcast v3, $0x0;
	[tilespmem:s26+$0xFFFFFFF0] =	vst v23;
	v13 =	vmul.f32 v62, v13;
	v10 =	vld [tilespmem:s22+$0xFFFFFFA0];
	v18 =	vadd.f32 v9, v25  }
0xb0: {  	[tilespmem:s28+$0xFFFFFFF0] =	vst v7;
	v9 =	vld [tilespmem:s22+$0xFFFFFFE0];
	v7 =	vmax.f32 v15, v19;
	v20 =	vmul.f32 $1.442695020e+00, v8;
	(erf) = vpow2.f32 v11  }
0xb1: {  	v8 =	vld [tilespmem:s22+$0xFFFFFFC0];
	v11 =	vmul.f32 $1.442695020e+00, v17;
	v15 =	vmul.f32 $2.000000030e-01, v18;
	v17 =	vadd.f32 v14, v26  }
0xb2: {  	[tilespmem:s26+$0x0] =	vst v6;
	v19 =	vmul.f32 $1.442695020e+00, v7;
	(erf) = vpow2.f32 v20;
	v14 =	vadd.f32 v12, v16;
	v12 =	vld [tilespmem:s22+$0x60]  }
0xb3: {  	s30 =	simm.s32 $0x4A40;
	[tilespmem:s28+$0x0] =	vst v22;
	v7 =	vld [tilespmem:s22+$0x0];
	v6 =	vmax.f32 v18, v15;
	(erf) = vpow2.f32 v11;
	v18 =	vmul.f32 $2.000000030e-01, v17  }
0xb4: {  	[tilespmem:s26+$0x10] =	vst v13;
	v15 =	vmul.f32 $1.442695020e+00, v6;
	v6 =	vld [tilespmem:s22+$0x20];
	v13 =	vpop (erf);
	v16 =	vmul.f32 $2.000000030e-01, v14  }
0xb5: {  	s7 =	simm.s32 $0x2C80;
	s2 =	simm.s32 $0x8;
	[tilespmem:s28+$0x10] =	vst v62;
	v11 =	vld [tilespmem:s22+$0x40];
	s22 =	simm.s32 $0x4240;
	(erf) = vpow2.f32 v19;
	v17 =	vmax.f32 v17, v18;
	v13 =	vbroadcast v13, $0x0  }
.LBB2_9:
0xb6: {  	v18 =	vld [tilespmem:s7+$0x70];
	v14 =	vmax.f32 v14, v16;
	v16 =	vmul.f32 $1.442695020e+00, v17;
	s25 =	sadd.s32 $0x80, s25;
	(erf) = vpow2.f32 v15  }
0xb7: {  	v15 =	vld [tilespmem:s25+$0x30];
	v14 =	vmul.f32 $1.442695020e+00, v14;
	v19 =	vmul.f32 v13, v12  }
0xb8: {  	s2 =	sadd.s32 $0x8, s2;
	s26 =	sadd.s32 $0x80, s26;
	v17 =	vld [tilespmem:s25+$0xFFFFFFC0];
	(erf) = vpow2.f32 v16;
	v16 =	vmul.f32 v4, v1;
	v1 =	vmov v5  }
0xb9: {  	s28 =	sadd.s32 $0x80, s28;
	p0 =	slt.u32 s2, $0x78;
	v5 =	vld [tilespmem:s7+$0xFFFFFFB0];
	[tilespmem:s26+$0x30] =	vst v19;
	(erf) = vpow2.f32 v14;
	v12 =	vpop (erf);
	v14 =	vmul.f32 v3, v2  }
0xba: {  	v19 =	vld [tilespmem:s25+$0xFFFFFFD0];
	v12 =	vbroadcast v12, $0x0;
	[tilespmem:s28+$0x30] =	vst v13;
	v2 =	vmov v11  }
0xbb: {  	v11 =	vld [tilespmem:s7+$0xFFFFFFD0];
	v13 =	vpop (erf);
	[tilespmem:s22+$0xFFFFFFC0] =	vst v16  }
0xbc: {  	v16 =	vld [tilespmem:s25+$0xFFFFFFE0];
	v15 =	vadd.f32 v15, v18;
	v21 =	vmul.f32 v12, v10;
	v13 =	vbroadcast v13, $0x0;
	v18 =	vpop (erf);
	[tilespmem:s30+$0xFFFFFFC0] =	vst v4  }
0xbd: {  	v4 =	vld [tilespmem:s7+$0xFFFFFFF0];
	v18 =	vbroadcast v18, $0x0;
	[tilespmem:s22+$0x20] =	vst v14;
	s22 =	smov.u32 s26  }
0xbe: {  	v14 =	vld [tilespmem:s25+$0xFFFFFFF0];
	v20 =	vmul.f32 $2.000000030e-01, v15;
	[tilespmem:s26+$0xFFFFFFD0] =	vst v21;
	v8 =	vmul.f32 v13, v8;
	v10 =	vpop (erf)  }
0xbf: {  	v5 =	vadd.f32 v19, v5;
	v19 =	vld [tilespmem:s7+$0x10];
	[tilespmem:s28+$0xFFFFFFD0] =	vst v12;
	v9 =	vmul.f32 v18, v9;
	v10 =	vbroadcast v10, $0x0;
	v12 =	vpop (erf)  }
0xc0: {  	v21 =	vld [tilespmem:s25+$0x0];
	v15 =	vmax.f32 v15, v20;
	[tilespmem:s26+$0xFFFFFFE0] =	vst v8;
	v8 =	vbroadcast v12, $0x0  }
0xc1: {  	v12 =	vmul.f32 $2.000000030e-01, v5;
	v11 =	vadd.f32 v16, v11;
	v16 =	vld [tilespmem:s7+$0x30];
	v15 =	vmul.f32 $1.442695020e+00, v15;
	[tilespmem:s28+$0xFFFFFFE0] =	vst v13;
	v13 =	vpop (erf)  }
0xc2: {  	v7 =	vmul.f32 v10, v7;
	v20 =	vld [tilespmem:s25+$0x10];
	[tilespmem:s26+$0xFFFFFFF0] =	vst v9;
	v9 =	vbroadcast v13, $0x0;
	v13 =	vpop (erf)  }
0xc3: {  	v22 =	vmul.f32 $2.000000030e-01, v11;
	v14 =	vadd.f32 v14, v4;
	v23 =	vld [tilespmem:s7+$0x50];
	(erf) = vpow2.f32 v15;
	[tilespmem:s28+$0xFFFFFFF0] =	vst v18  }
0xc4: {  	v6 =	vmul.f32 v8, v6;
	v12 =	vmax.f32 v5, v12;
	v4 =	vbroadcast v13, $0x0;
	v15 =	vld [tilespmem:s25+$0x20];
	[tilespmem:s26+$0x0] =	vst v7  }
0xc5: {  	v7 =	vld [tilespmem:s7+$0xFFFFFF90];
	v11 =	vmax.f32 v11, v22;
	v13 =	vmul.f32 $2.000000030e-01, v14;
	v18 =	vadd.f32 v21, v19;
	[tilespmem:s28+$0x0] =	vst v10  }
0xc6: {  	v12 =	vmul.f32 $1.442695020e+00, v12;
	v5 =	vld [tilespmem:s7+$0xFFFFFF80];
	v11 =	vmul.f32 $1.442695020e+00, v11;
	[tilespmem:s26+$0x10] =	vst v6  }
0xc7: {  	v10 =	vld [tilespmem:s7+$0xFFFFFFA0];
	v6 =	vmax.f32 v14, v13;
	v13 =	vmul.f32 $2.000000030e-01, v18;
	v16 =	vadd.f32 v20, v16;
	[tilespmem:s28+$0x10] =	vst v8  }
0xc8: {  	v8 =	vld [tilespmem:s7+$0xFFFFFFC0];
	v6 =	vmul.f32 $1.442695020e+00, v6;
	(erf) = vpow2.f32 v12;
	[tilespmem:s30+$0x20] =	vst v3;
	v3 =	vmov v9;
	s30 =	smov.u32 s28  }
.Ltmp3:
0xc9: {  	v9 =	vld [tilespmem:s7+$0xFFFFFFE0];
	v12 =	vmax.f32 v18, v13;
	v13 =	vmul.f32 $2.000000030e-01, v16;
	v18 =	vadd.f32 v15, v23;
	(pc) =	sbr.rel @p0 .LBB2_9-.Ltmp3, $4  }
0xca: {  	v14 =	vadd.f32 v17, v7;
	v19 =	vmul.f32 $1.442695020e+00, v12;
	v12 =	vld [tilespmem:s7+$0x60];
	(erf) = vpow2.f32 v11  }
0xcb: {  	v7 =	vld [tilespmem:s7+$0x0];
	v11 =	vmax.f32 v16, v13;
	v13 =	vmul.f32 $2.000000030e-01, v18;
	(erf) = vpow2.f32 v6  }
0xcc: {  	v16 =	vmul.f32 $2.000000030e-01, v14;
	v15 =	vmul.f32 $1.442695020e+00, v11;
	v6 =	vld [tilespmem:s7+$0x20];
	v20 =	vpop (erf)  }
0xcd: {  	v17 =	vmax.f32 v18, v13;
	v11 =	vld [tilespmem:s7+$0x40];
	v13 =	vbroadcast v20, $0x0;
	s7 =	sadd.s32 $0x100, s7;
	(erf) = vpow2.f32 v19  }
0xce: {  	_ = 	snop  }
0xcf: {  	v1 =	vmul.f32 v4, v1  }
0xd0: {  	v55 =	vmul.f32 $1.442695020e+00, v17;
	v12 =	vmul.f32 v13, v12  }
0xd1: {  	(erf) = vpow2.f32 v15;
	s2 =	sadd.s32 $0x80, s26;
	v2 =	vmul.f32 v3, v2;
	[tilespmem:s22+$0xFFFFFFC0] =	vst v1;
	v56 =	vpop (erf)  }
0xd2: {  	v14 =	vmax.f32 v14, v16;
	[tilespmem:s2+$0x30] =	vst v12;
	v12 =	vbroadcast v56, $0x0  }
0xd3: {  	v14 =	vmul.f32 $1.442695020e+00, v14;
	[tilespmem:s22+$0x20] =	vst v2;
	(erf) = vpow2.f32 v55;
	v57 =	vpop (erf)  }
0xd4: {  	[tilespmem:s30+$0xFFFFFFC0] =	vst v4;
	v1 =	vmul.f32 v12, v10;
	v58 =	vbroadcast v57, $0x0  }
0xd5: {  	[tilespmem:s30+$0x20] =	vst v3;
	(erf) = vpow2.f32 v14  }
0xd6: {  	s7 =	sadd.s32 $0x80, s28;
	v59 =	vpop (erf);
	[tilespmem:s2+$0xFFFFFFD0] =	vst v1;
	v1 =	vmul.f32 v58, v8  }
0xd7: {  	[tilespmem:s7+$0x30] =	vst v13;
	v2 =	vbroadcast v59, $0x0  }
0xd8: {  	v60 =	vpop (erf);
	[tilespmem:s7+$0xFFFFFFD0] =	vst v12  }
0xd9: {  	v61 =	vmul.f32 v2, v9;
	v4 =	vbroadcast v60, $0x0;
	[tilespmem:s2+$0xFFFFFFE0] =	vst v1  }
0xda: {  	[tilespmem:s7+$0xFFFFFFE0] =	vst v58;
	v1 =	vpop (erf)  }
0xdb: {  	[tilespmem:s2+$0xFFFFFFF0] =	vst v61;
	v7 =	vmul.f32 v4, v7;
	v1 =	vbroadcast v1, $0x0  }
0xdc: {  	[tilespmem:s7+$0xFFFFFFF0] =	vst v2;
	v62 =	vpop (erf)  }
0xdd: {  	[tilespmem:s2+$0x0] =	vst v7;
	v63 =	vbroadcast v62, $0x0;
	v6 =	vmul.f32 v1, v6  }
0xde: {  	v2 =	vpop (erf);
	[tilespmem:s7+$0x0] =	vst v4  }
0xdf: {  	v2 =	vbroadcast v2, $0x0;
	v3 =	vmul.f32 v63, v11;
	[tilespmem:s2+$0x10] =	vst v6  }
0xe0: {  	[tilespmem:s7+$0x10] =	vst v1  }
0xe1: {  	v1 =	vmul.f32 v2, v5;
	[tilespmem:s2+$0x20] =	vst v3  }
0xe2: {  	[tilespmem:s7+$0x20] =	vst v63  }
0xe3: {  	[tilespmem:s2+$0xFFFFFFC0] =	vst v1  }
0xe4: {  	[tilespmem:s7+$0xFFFFFFC0] =	vst v2  }
0xe5: {  	[spmem:s3] =	stream.indirect.scatter.add.f32 [tilespmem:s17], [sflag:$0x3], $0x10, s10, s5, $0xb8;
	[tilespmem:$0xD140] =	vst v63  }
0xe6: {  	_ = 	snop  }
0xe7: {  	[spmem:s4] =	stream.indirect.scatter.add.f32 [tilespmem:s18], [sflag:$0x4], $0x10, s10, s5, $0xb8;
	[tilespmem:$0xD140] =	vst v63  }
0xe8: {  	p0 =	seq.s32 s23, $0x28;
	_ =	swait.ge [sflag:s19], $0x1000  }
.Ltmp4:
0xe9: {  	[sflag:s19] =	ssyncset.done $0x0;
	(pc) =	sbr.rel @p0 .LBB2_14-.Ltmp4, $4  }
0xea: {  	[sflag:s19] =	ssyncadd.s32 $0xFFFFF000  }
0xeb: {  	_ =	swait.ge [sflag:s29], $0x800  }
0xec: {  	[sflag:s29] =	ssyncset.done $0x0  }
0xed: {  	[sflag:s29] =	ssyncadd.s32 $0xFFFFF800  }
0xee: {  	_ =	swait.ge [sflag:s20], $0x800;
	s7 =	sadd.s32 $0x100, s24  }
0xef: {  	[sflag:s20] =	ssyncset.done $0x0;
	v1 =	vmov s7  }
0xf0: {  	[sflag:s20] =	ssyncadd.s32 $0xFFFFF800  }
0xf1: {  	_ =	swait.ge [sflag:s21], $0x800  }
0xf2: {  	[sflag:s21] =	ssyncset.done $0x0  }
0xf3: {  	s2 =	simm.s32 $0x0;
	p0 =	por $0x1, $0x1;
	[sflag:s21] =	ssyncadd.s32 $0xFFFFF800  }
.LBB2_12:
0xf4: {  	v2 =	vld.idx.msk [tilespmem:v1+s2+$0x0 ss:$0x1], $0xffff;
	_ =	sdelay $0x1  }
0xf5: {  	v3 =	vld.idx.msk [tilespmem:v1+s2+$0x10 ss:$0x1], $0xffff;
	_ =	sdelay $0x1  }
0xf6: {  	v4 =	vld.idx.msk [tilespmem:v1+s2+$0x20 ss:$0x1], $0xffff  }
0xf7: {  	v5 =	vand.u32 $0x3FFF, v2  }
0xf8: {  	v63 =	vld.idx.msk [tilespmem:v1+s2+$0x30 ss:$0x1], $0xffff;
	v2 =	vshra.s32 v2, $0xE;
	[tilespmem:s2+$0x2900] =	vst v5  }
0xf9: {  	[tilespmem:s2+$0x2980] =	vst v2;
	v2 =	vand.u32 $0x3FFF, v3  }
0xfa: {  	p1 =	por p0, p0;
	[tilespmem:s2+$0x2910] =	vst v2;
	v2 =	vshra.s32 v3, $0xE  }
.Ltmp5:
0xfb: {  	[tilespmem:s2+$0x2990] =	vst v2;
	v2 =	vand.u32 $0x3FFF, v4;
	(pc) =	sbr.rel @p1 .LBB2_12-.Ltmp5, $4  }
0xfc: {  	[tilespmem:s2+$0x2920] =	vst v2;
	v2 =	vshra.s32 v4, $0xE  }
0xfd: {  	[tilespmem:s2+$0x29A0] =	vst v2;
	v2 =	vand.u32 $0x3FFF, v63  }
0xfe: {  	[tilespmem:s2+$0x2930] =	vst v2;
	v2 =	vshra.s32 v63, $0xE  }
0xff: {  	p0 =	por $0x0, $0x0;
	[tilespmem:s2+$0x29B0] =	vst v2;
	s2 =	simm.s32 $0x40  }
0x100: {  	s2 =	simm.s32 $0x2900;
	s7 =	simm.s32 $0x2A00  }
0x101: {  	[tilespmem:s7], [sflag:$0x1] =	stream.indirect.gather [hbm4b:s6+s5], $0x20, s2, s5, $0xb8;
	[tilespmem:$0xD140] =	vst v63  }
0x102: {  	_ = 	snop  }
0x103: {  	[tilespmem:s11], [sflag:$0x2] =	stream.indirect.gather [hbm4b:s0+s5], $0x10, s10, s5, $0xb8;
	[tilespmem:$0xD140] =	vst v63  }
.LBB2_14:
0x104: {  	s2 =	simm.s32 $0x5380  }
0x105: {  	s7 =	simm.s32 $0x6340;
	v1 =	vld [tilespmem:s2+$0x70]  }
0x106: {  	v2 =	vld [tilespmem:s7+$0x30]  }
0x107: {  	v3 =	vld [tilespmem:s7+$0xFFFFFFC0]  }
0x108: {  	v4 =	vld [tilespmem:s2+$0xFFFFFFB0]  }
0x109: {  	v5 =	vld [tilespmem:s7+$0xFFFFFFD0]  }
0x10a: {  	v6 =	vld [tilespmem:s2+$0xFFFFFFD0]  }
0x10b: {  	v7 =	vld [tilespmem:s7+$0xFFFFFFE0]  }
0x10c: {  	v8 =	vld [tilespmem:s7+$0xFFFFFFF0]  }
0x10d: {  	v10 =	vld [tilespmem:s2+$0x10]  }
0x10e: {  	v1 =	vadd.f32 v2, v1;
	v2 =	vld [tilespmem:s2+$0xFFFFFFF0]  }
0x10f: {  	v13 =	vld [tilespmem:s2+$0xFFFFFF90]  }
0x110: {  	v4 =	vadd.f32 v5, v4;
	v5 =	vld [tilespmem:s7+$0x0];
	v9 =	vmul.f32 $2.000000030e-01, v1  }
0x111: {  	v11 =	vld [tilespmem:s7+$0x10];
	v6 =	vadd.f32 v7, v6  }
0x112: {  	v7 =	vld [tilespmem:s2+$0x30];
	v1 =	vmax.f32 v1, v9;
	v9 =	vmul.f32 $2.000000030e-01, v4  }
0x113: {  	v12 =	vmul.f32 $2.000000030e-01, v6;
	v2 =	vadd.f32 v8, v2;
	v8 =	vld [tilespmem:s2+$0x50]  }
0x114: {  	v3 =	vadd.f32 v3, v13;
	v4 =	vmax.f32 v4, v9;
	v9 =	vld [tilespmem:s7+$0x20]  }
0x115: {  	s24 =	simm.s32 $0x63C0;
	v6 =	vmax.f32 v6, v12;
	v5 =	vadd.f32 v5, v10;
	v12 =	vmul.f32 $2.000000030e-01, v2  }
0x116: {  	s30 =	simm.s32 $0x5480;
	v15 =	vld [tilespmem:s24+$0xFFFFFFD0];
	v14 =	vmul.f32 $2.000000030e-01, v3;
	v1 =	vmul.f32 $1.442695020e+00, v1  }
0x117: {  	v16 =	vld [tilespmem:s30+$0xFFFFFFD0];
	v7 =	vadd.f32 v11, v7;
	v2 =	vmax.f32 v2, v12;
	v12 =	vmul.f32 $2.000000030e-01, v5  }
0x118: {  	v19 =	vld [tilespmem:s30+$0xFFFFFFF0];
	(erf) = vpow2.f32 v1;
	v4 =	vmul.f32 $1.442695020e+00, v4  }
0x119: {  	v20 =	vld [tilespmem:s24+$0xFFFFFFF0];
	v5 =	vmax.f32 v5, v12;
	v12 =	vmul.f32 $2.000000030e-01, v7;
	v8 =	vadd.f32 v9, v8  }
0x11a: {  	v24 =	vld [tilespmem:s24+$0x0];
	v6 =	vmul.f32 $1.442695020e+00, v6;
	(erf) = vpow2.f32 v4  }
0x11b: {  	v25 =	vld [tilespmem:s30+$0x30];
	v2 =	vmul.f32 $1.442695020e+00, v2;
	v7 =	vmax.f32 v7, v12;
	v12 =	vmul.f32 $2.000000030e-01, v8  }
0x11c: {  	v26 =	vld [tilespmem:s30+$0x50];
	v3 =	vmax.f32 v3, v14;
	(erf) = vpow2.f32 v6;
	v5 =	vmul.f32 $1.442695020e+00, v5  }
0x11d: {  	v14 =	vld [tilespmem:s30+$0xFFFFFFB0];
	(erf) = vpow2.f32 v2;
	v7 =	vmul.f32 $1.442695020e+00, v7;
	v8 =	vmax.f32 v8, v12  }
0x11e: {  	(erf) = vpow2.f32 v5;
	v5 =	vld [tilespmem:s30+$0x70];
	v8 =	vmul.f32 $1.442695020e+00, v8  }
0x11f: {  	v3 =	vmul.f32 $1.442695020e+00, v3;
	(erf) = vpow2.f32 v7;
	v7 =	vld [tilespmem:s24+$0x30]  }
0x120: {  	v9 =	vld [tilespmem:s2+$0x60]  }
0x121: {  	v10 =	vld [tilespmem:s2+$0xFFFFFFA0]  }
0x122: {  	v11 =	vld [tilespmem:s2+$0xFFFFFFC0];
	(erf) = vpow2.f32 v8;
	v8 =	vpop (erf)  }
0x123: {  	v4 =	vld [tilespmem:s2+$0xFFFFFFE0];
	(erf) = vpow2.f32 v3;
	v8 =	vbroadcast v8, $0x0;
	v3 =	vpop (erf)  }
0x124: {  	v5 =	vadd.f32 v7, v5;
	v18 =	vbroadcast v3, $0x0;
	v3 =	vld [tilespmem:s24+$0xFFFFFFE0]  }
0x125: {  	v13 =	vld [tilespmem:s2+$0x20];
	v17 =	vpop (erf);
	v9 =	vmul.f32 v8, v9  }
0x126: {  	v1 =	vld [tilespmem:s2+$0xFFFFFF80];
	v7 =	vpop (erf);
	v17 =	vbroadcast v17, $0x0;
	v21 =	vmul.f32 $2.000000030e-01, v5  }
0x127: {  	v14 =	vadd.f32 v15, v14;
	v15 =	vld [tilespmem:s30+$0x10];
	v7 =	vbroadcast v7, $0x0;
	v10 =	vmul.f32 v18, v10;
	v22 =	vpop (erf)  }
0x128: {  	s25 =	simm.s32 $0x6B40;
	v6 =	vld [tilespmem:s2+$0x0];
	v11 =	vmul.f32 v17, v11;
	v22 =	vbroadcast v22, $0x0;
	v5 =	vmax.f32 v5, v21  }
0x129: {  	s26 =	simm.s32 $0x7340;
	v2 =	vld [tilespmem:s2+$0x40];
	[tilespmem:s25+$0x30] =	vst v9;
	v23 =	vmul.f32 v7, v4;
	v4 =	vpop (erf);
	v5 =	vmul.f32 $1.442695020e+00, v5;
	v16 =	vadd.f32 v3, v16  }
0x12a: {  	v19 =	vadd.f32 v20, v19;
	v9 =	vld [tilespmem:s24+$0x10];
	[tilespmem:s26+$0x30] =	vst v8;
	v62 =	vbroadcast v4, $0x0;
	v4 =	vmul.f32 $2.000000030e-01, v14  }
0x12b: {  	v12 =	vld [tilespmem:s24+$0xFFFFFFC0];
	[tilespmem:s25+$0xFFFFFFD0] =	vst v10;
	v3 =	vpop (erf);
	(erf) = vpow2.f32 v5;
	v63 =	vmul.f32 $2.000000030e-01, v16  }
0x12c: {  	v15 =	vadd.f32 v24, v15;
	[tilespmem:s26+$0xFFFFFFD0] =	vst v18;
	v18 =	vmul.f32 $2.000000030e-01, v19;
	v8 =	vpop (erf);
	v10 =	vmax.f32 v14, v4;
	v14 =	vld [tilespmem:s24+$0x20]  }
0x12d: {  	v6 =	vmul.f32 v22, v6;
	[tilespmem:s25+$0xFFFFFFE0] =	vst v11;
	v4 =	vbroadcast v8, $0x0;
	v8 =	vmax.f32 v16, v63;
	v16 =	vld [tilespmem:s30+$0xFFFFFF90]  }
0x12e: {  	v5 =	vld [tilespmem:s30+$0xFFFFFF80];
	[tilespmem:s26+$0xFFFFFFE0] =	vst v17;
	v17 =	vmax.f32 v19, v18;
	v19 =	vmul.f32 $2.000000030e-01, v15;
	v11 =	vmul.f32 $1.442695020e+00, v10  }
0x12f: {  	v3 =	vbroadcast v3, $0x0;
	[tilespmem:s25+$0xFFFFFFF0] =	vst v23;
	v13 =	vmul.f32 v62, v13;
	v10 =	vld [tilespmem:s30+$0xFFFFFFA0];
	v18 =	vadd.f32 v9, v25  }
0x130: {  	[tilespmem:s26+$0xFFFFFFF0] =	vst v7;
	v9 =	vld [tilespmem:s30+$0xFFFFFFE0];
	v7 =	vmax.f32 v15, v19;
	v20 =	vmul.f32 $1.442695020e+00, v8;
	(erf) = vpow2.f32 v11  }
0x131: {  	v8 =	vld [tilespmem:s30+$0xFFFFFFC0];
	v11 =	vmul.f32 $1.442695020e+00, v17;
	v15 =	vmul.f32 $2.000000030e-01, v18;
	v17 =	vadd.f32 v14, v26  }
0x132: {  	[tilespmem:s25+$0x0] =	vst v6;
	v19 =	vmul.f32 $1.442695020e+00, v7;
	(erf) = vpow2.f32 v20;
	v14 =	vadd.f32 v12, v16;
	v12 =	vld [tilespmem:s30+$0x60]  }
0x133: {  	s22 =	simm.s32 $0x6B40;
	[tilespmem:s26+$0x0] =	vst v22;
	v7 =	vld [tilespmem:s30+$0x0];
	v6 =	vmax.f32 v18, v15;
	(erf) = vpow2.f32 v11;
	v18 =	vmul.f32 $2.000000030e-01, v17  }
0x134: {  	[tilespmem:s25+$0x10] =	vst v13;
	v15 =	vmul.f32 $1.442695020e+00, v6;
	v6 =	vld [tilespmem:s30+$0x20];
	v13 =	vpop (erf);
	v16 =	vmul.f32 $2.000000030e-01, v14  }
0x135: {  	s28 =	simm.s32 $0x7340;
	s7 =	simm.s32 $0x5580;
	s2 =	simm.s32 $0x8;
	[tilespmem:s26+$0x10] =	vst v62;
	v11 =	vld [tilespmem:s30+$0x40];
	(erf) = vpow2.f32 v19;
	v17 =	vmax.f32 v17, v18;
	v13 =	vbroadcast v13, $0x0  }
.LBB2_15:
0x136: {  	v18 =	vld [tilespmem:s7+$0x70];
	v14 =	vmax.f32 v14, v16;
	v16 =	vmul.f32 $1.442695020e+00, v17;
	s24 =	sadd.s32 $0x80, s24;
	(erf) = vpow2.f32 v15  }
0x137: {  	v15 =	vld [tilespmem:s24+$0x30];
	v14 =	vmul.f32 $1.442695020e+00, v14;
	v19 =	vmul.f32 v13, v12  }
0x138: {  	s2 =	sadd.s32 $0x8, s2;
	s25 =	sadd.s32 $0x80, s25;
	v17 =	vld [tilespmem:s24+$0xFFFFFFC0];
	(erf) = vpow2.f32 v16;
	v16 =	vmul.f32 v4, v1;
	v1 =	vmov v5  }
0x139: {  	s26 =	sadd.s32 $0x80, s26;
	p0 =	slt.u32 s2, $0x78;
	v5 =	vld [tilespmem:s7+$0xFFFFFFB0];
	[tilespmem:s25+$0x30] =	vst v19;
	(erf) = vpow2.f32 v14;
	v12 =	vpop (erf);
	v14 =	vmul.f32 v3, v2  }
0x13a: {  	v19 =	vld [tilespmem:s24+$0xFFFFFFD0];
	v12 =	vbroadcast v12, $0x0;
	[tilespmem:s26+$0x30] =	vst v13;
	v2 =	vmov v11  }
0x13b: {  	v11 =	vld [tilespmem:s7+$0xFFFFFFD0];
	v13 =	vpop (erf);
	[tilespmem:s22+$0xFFFFFFC0] =	vst v16  }
0x13c: {  	v16 =	vld [tilespmem:s24+$0xFFFFFFE0];
	v15 =	vadd.f32 v15, v18;
	v21 =	vmul.f32 v12, v10;
	v13 =	vbroadcast v13, $0x0;
	v18 =	vpop (erf);
	[tilespmem:s28+$0xFFFFFFC0] =	vst v4  }
0x13d: {  	v4 =	vld [tilespmem:s7+$0xFFFFFFF0];
	v18 =	vbroadcast v18, $0x0;
	[tilespmem:s22+$0x20] =	vst v14;
	s22 =	smov.u32 s25  }
0x13e: {  	v14 =	vld [tilespmem:s24+$0xFFFFFFF0];
	v20 =	vmul.f32 $2.000000030e-01, v15;
	[tilespmem:s25+$0xFFFFFFD0] =	vst v21;
	v8 =	vmul.f32 v13, v8;
	v10 =	vpop (erf)  }
0x13f: {  	v5 =	vadd.f32 v19, v5;
	v19 =	vld [tilespmem:s7+$0x10];
	[tilespmem:s26+$0xFFFFFFD0] =	vst v12;
	v9 =	vmul.f32 v18, v9;
	v10 =	vbroadcast v10, $0x0;
	v12 =	vpop (erf)  }
0x140: {  	v21 =	vld [tilespmem:s24+$0x0];
	v15 =	vmax.f32 v15, v20;
	[tilespmem:s25+$0xFFFFFFE0] =	vst v8;
	v8 =	vbroadcast v12, $0x0  }
0x141: {  	v12 =	vmul.f32 $2.000000030e-01, v5;
	v11 =	vadd.f32 v16, v11;
	v16 =	vld [tilespmem:s7+$0x30];
	v15 =	vmul.f32 $1.442695020e+00, v15;
	[tilespmem:s26+$0xFFFFFFE0] =	vst v13;
	v13 =	vpop (erf)  }
0x142: {  	v7 =	vmul.f32 v10, v7;
	v20 =	vld [tilespmem:s24+$0x10];
	[tilespmem:s25+$0xFFFFFFF0] =	vst v9;
	v9 =	vbroadcast v13, $0x0;
	v13 =	vpop (erf)  }
0x143: {  	v22 =	vmul.f32 $2.000000030e-01, v11;
	v14 =	vadd.f32 v14, v4;
	v23 =	vld [tilespmem:s7+$0x50];
	(erf) = vpow2.f32 v15;
	[tilespmem:s26+$0xFFFFFFF0] =	vst v18  }
0x144: {  	v6 =	vmul.f32 v8, v6;
	v12 =	vmax.f32 v5, v12;
	v4 =	vbroadcast v13, $0x0;
	v15 =	vld [tilespmem:s24+$0x20];
	[tilespmem:s25+$0x0] =	vst v7  }
0x145: {  	v7 =	vld [tilespmem:s7+$0xFFFFFF90];
	v11 =	vmax.f32 v11, v22;
	v13 =	vmul.f32 $2.000000030e-01, v14;
	v18 =	vadd.f32 v21, v19;
	[tilespmem:s26+$0x0] =	vst v10  }
0x146: {  	v12 =	vmul.f32 $1.442695020e+00, v12;
	v5 =	vld [tilespmem:s7+$0xFFFFFF80];
	v11 =	vmul.f32 $1.442695020e+00, v11;
	[tilespmem:s25+$0x10] =	vst v6  }
0x147: {  	v10 =	vld [tilespmem:s7+$0xFFFFFFA0];
	v6 =	vmax.f32 v14, v13;
	v13 =	vmul.f32 $2.000000030e-01, v18;
	v16 =	vadd.f32 v20, v16;
	[tilespmem:s26+$0x10] =	vst v8  }
0x148: {  	v8 =	vld [tilespmem:s7+$0xFFFFFFC0];
	v6 =	vmul.f32 $1.442695020e+00, v6;
	(erf) = vpow2.f32 v12;
	[tilespmem:s28+$0x20] =	vst v3;
	v3 =	vmov v9;
	s28 =	smov.u32 s26  }
.Ltmp6:
0x149: {  	v9 =	vld [tilespmem:s7+$0xFFFFFFE0];
	v12 =	vmax.f32 v18, v13;
	v13 =	vmul.f32 $2.000000030e-01, v16;
	v18 =	vadd.f32 v15, v23;
	(pc) =	sbr.rel @p0 .LBB2_15-.Ltmp6, $4  }
0x14a: {  	v14 =	vadd.f32 v17, v7;
	v19 =	vmul.f32 $1.442695020e+00, v12;
	v12 =	vld [tilespmem:s7+$0x60];
	(erf) = vpow2.f32 v11  }
0x14b: {  	v7 =	vld [tilespmem:s7+$0x0];
	v11 =	vmax.f32 v16, v13;
	v13 =	vmul.f32 $2.000000030e-01, v18;
	(erf) = vpow2.f32 v6  }
0x14c: {  	v16 =	vmul.f32 $2.000000030e-01, v14;
	v15 =	vmul.f32 $1.442695020e+00, v11;
	v6 =	vld [tilespmem:s7+$0x20];
	v20 =	vpop (erf)  }
0x14d: {  	v17 =	vmax.f32 v18, v13;
	v11 =	vld [tilespmem:s7+$0x40];
	v13 =	vbroadcast v20, $0x0;
	s7 =	sadd.s32 $0x100, s7;
	(erf) = vpow2.f32 v19  }
0x14e: {  	_ = 	snop  }
0x14f: {  	v1 =	vmul.f32 v4, v1  }
0x150: {  	v55 =	vmul.f32 $1.442695020e+00, v17;
	v12 =	vmul.f32 v13, v12  }
0x151: {  	(erf) = vpow2.f32 v15;
	s2 =	sadd.s32 $0x80, s25;
	v2 =	vmul.f32 v3, v2;
	[tilespmem:s22+$0xFFFFFFC0] =	vst v1;
	v56 =	vpop (erf)  }
0x152: {  	v14 =	vmax.f32 v14, v16;
	[tilespmem:s2+$0x30] =	vst v12;
	v12 =	vbroadcast v56, $0x0  }
0x153: {  	v14 =	vmul.f32 $1.442695020e+00, v14;
	[tilespmem:s22+$0x20] =	vst v2;
	(erf) = vpow2.f32 v55;
	v57 =	vpop (erf)  }
0x154: {  	[tilespmem:s28+$0xFFFFFFC0] =	vst v4;
	v1 =	vmul.f32 v12, v10;
	v58 =	vbroadcast v57, $0x0  }
0x155: {  	[tilespmem:s28+$0x20] =	vst v3;
	(erf) = vpow2.f32 v14  }
0x156: {  	s7 =	sadd.s32 $0x80, s26;
	v59 =	vpop (erf);
	[tilespmem:s2+$0xFFFFFFD0] =	vst v1;
	v1 =	vmul.f32 v58, v8  }
0x157: {  	[tilespmem:s7+$0x30] =	vst v13;
	v2 =	vbroadcast v59, $0x0  }
0x158: {  	v60 =	vpop (erf);
	[tilespmem:s7+$0xFFFFFFD0] =	vst v12  }
0x159: {  	v61 =	vmul.f32 v2, v9;
	v4 =	vbroadcast v60, $0x0;
	[tilespmem:s2+$0xFFFFFFE0] =	vst v1  }
0x15a: {  	[tilespmem:s7+$0xFFFFFFE0] =	vst v58;
	v1 =	vpop (erf)  }
0x15b: {  	[tilespmem:s2+$0xFFFFFFF0] =	vst v61;
	v7 =	vmul.f32 v4, v7;
	v1 =	vbroadcast v1, $0x0  }
0x15c: {  	[tilespmem:s7+$0xFFFFFFF0] =	vst v2;
	v62 =	vpop (erf)  }
0x15d: {  	[tilespmem:s2+$0x0] =	vst v7;
	v63 =	vbroadcast v62, $0x0;
	v6 =	vmul.f32 v1, v6  }
0x15e: {  	v2 =	vpop (erf);
	[tilespmem:s7+$0x0] =	vst v4  }
0x15f: {  	v2 =	vbroadcast v2, $0x0;
	v3 =	vmul.f32 v63, v11;
	[tilespmem:s2+$0x10] =	vst v6  }
0x160: {  	[tilespmem:s7+$0x10] =	vst v1  }
0x161: {  	s23 =	sadd.s32 $0x1, s23;
	v1 =	vmul.f32 v2, v5;
	[tilespmem:s2+$0x20] =	vst v3  }
0x162: {  	p0 =	sne.s32 s23, $0x29;
	[tilespmem:s7+$0x20] =	vst v63  }
.Ltmp7:
0x163: {  	[tilespmem:s2+$0xFFFFFFC0] =	vst v1;
	(pc) =	sbr.rel @p0 .LBB2_6-.Ltmp7, $4  }
0x164: {  	[tilespmem:s7+$0xFFFFFFC0] =	vst v2  }
0x165: {  	[spmem:s3] =	stream.indirect.scatter.add.f32 [tilespmem:s8], [sflag:$0x7], $0x10, s15, s5, $0xb8;
	[tilespmem:$0xD140] =	vst v63  }
0x166: {  	_ = 	snop  }
0x167: {  	[spmem:s4] =	stream.indirect.scatter.add.f32 [tilespmem:s9], [sflag:$0x8], $0x10, s15, s5, $0xb8;
	[tilespmem:$0xD140] =	vst v63  }
0x168: {  	_ =	swait.ge [sflag:s20], $0x800  }
0x169: {  	[sflag:s20] =	ssyncset.done $0x0  }
0x16a: {  	[sflag:s20] =	ssyncadd.s32 $0xFFFFF800  }
0x16b: {  	_ =	swait.ge [sflag:s21], $0x800  }
0x16c: {  	[sflag:s21] =	ssyncset.done $0x0  }
0x16d: {  	s2 =	simm.s32 $0x7;
	[sflag:s21] =	ssyncadd.s32 $0xFFFFF800  }
0x16e: {  	_ =	swait.ge [sflag:s2], $0x800  }
0x16f: {  	[sflag:s2] =	ssyncset.done $0x0  }
0x170: {  	s23 =	simm.s32 $0x8;
	[sflag:s2] =	ssyncadd.s32 $0xFFFFF800  }
0x171: {  	_ =	swait.ge [sflag:s23], $0x800  }
0x172: {  	[sflag:s23] =	ssyncset.done $0x0  }
0x173: {  	[sflag:s23] =	ssyncadd.s32 $0xFFFFF800  }
0x174: {  	s24 =	stileid.u32;
	[bflag:$0x0] =	sbarrier.arrive $0xFFFF  }
0x175: {  	s2 =	sshll.u32 s24, $0x6;
	s22 =	rddreg [dreg:$0x6]  }
0x176: {  	s2 =	sor.u32 $0x1C09, s2;
	s23 =	rddreg [dreg:$0x8];
	s7 =	sshrl.u32 s22, $0x3  }
0x177: {  	[hbm:s23], [sflag:s2] =	dma.local [spmem:s7], $0x100  }
0x178: {  	_ =	swait.ge [sflag:s31], $0x100  }
0x179: {  	[sflag:s31] =	ssyncset.done $0x0;
	s23 =	rddreg [dreg:$0x7]  }
0x17a: {  	s24 =	rddreg [dreg:$0x9];
	[sflag:s31] =	ssyncadd.s32 $0xFFFFFF00;
	s25 =	sshrl.u32 s23, $0x3  }
0x17b: {  	[hbm:s24], [sflag:s2] =	dma.local [spmem:s25], $0x100  }
0x17c: {  	_ =	swait.ge [sflag:s31], $0x100  }
0x17d: {  	[sflag:s31] =	ssyncset.done $0x0;
	s25 =	rddreg [dreg:$0x12]  }
0x17e: {  	s30 =	rddreg [dreg:$0xa];
	[sflag:s31] =	ssyncadd.s32 $0xFFFFFF00;
	s26 =	sshrl.u32 s25, $0x3  }
0x17f: {  	[hbm:s30], [sflag:s2] =	dma.local [spmem:s26], $0x100  }
0x180: {  	_ =	swait.ge [sflag:s31], $0x100  }
0x181: {  	[sflag:s31] =	ssyncset.done $0x0;
	s26 =	rddreg [dreg:$0x13]  }
0x182: {  	s30 =	rddreg [dreg:$0xb];
	[sflag:s31] =	ssyncadd.s32 $0xFFFFFF00;
	s24 =	sshrl.u32 s26, $0x3  }
0x183: {  	[hbm:s30], [sflag:s2] =	dma.local [spmem:s24], $0x100  }
0x184: {  	_ =	swait.ge [sflag:s31], $0x100  }
0x185: {  	[sflag:s31] =	ssyncset.done $0x0;
	s28 =	rddreg [dreg:$0x14]  }
0x186: {  	s30 =	rddreg [dreg:$0xc];
	[sflag:s31] =	ssyncadd.s32 $0xFFFFFF00;
	s24 =	sshrl.u32 s28, $0x3  }
0x187: {  	[hbm:s30], [sflag:s2] =	dma.local [spmem:s24], $0x100  }
0x188: {  	_ =	swait.ge [sflag:s31], $0x100  }
0x189: {  	[sflag:s31] =	ssyncset.done $0x0;
	s24 =	rddreg [dreg:$0x15]  }
0x18a: {  	s30 =	rddreg [dreg:$0xd];
	[sflag:s31] =	ssyncadd.s32 $0xFFFFFF00;
	s7 =	sshrl.u32 s24, $0x3  }
0x18b: {  	[hbm:s30], [sflag:s2] =	dma.local [spmem:s7], $0x100  }
0x18c: {  	_ =	swait.ge [sflag:s31], $0x100  }
0x18d: {  	[sflag:s31] =	ssyncset.done $0x0;
	s24 =	rddreg [dreg:$0x16]  }
0x18e: {  	s30 =	rddreg [dreg:$0xe];
	[sflag:s31] =	ssyncadd.s32 $0xFFFFFF00;
	s7 =	sshrl.u32 s24, $0x3  }
0x18f: {  	[hbm:s30], [sflag:s2] =	dma.local [spmem:s7], $0x100  }
0x190: {  	_ =	swait.ge [sflag:s31], $0x100  }
0x191: {  	[sflag:s31] =	ssyncset.done $0x0;
	s24 =	rddreg [dreg:$0x17]  }
0x192: {  	s30 =	rddreg [dreg:$0xf];
	[sflag:s31] =	ssyncadd.s32 $0xFFFFFF00;
	s7 =	sshrl.u32 s24, $0x3  }
0x193: {  	[hbm:s30], [sflag:s2] =	dma.local [spmem:s7], $0x100  }
0x194: {  	_ =	swait.ge [sflag:s31], $0x100  }
0x195: {  	[sflag:s31] =	ssyncset.done $0x0;
	s24 =	rddreg [dreg:$0x18]  }
0x196: {  	s30 =	rddreg [dreg:$0x10];
	[sflag:s31] =	ssyncadd.s32 $0xFFFFFF00;
	s7 =	sshrl.u32 s24, $0x3  }
0x197: {  	[hbm:s30], [sflag:s2] =	dma.local [spmem:s7], $0xE4  }
0x198: {  	_ =	swait.ge [sflag:s31], $0xE4  }
0x199: {  	[sflag:s31] =	ssyncset.done $0x0;
	s24 =	rddreg [dreg:$0x19]  }
0x19a: {  	s30 =	rddreg [dreg:$0x11];
	[sflag:s31] =	ssyncadd.s32 $0xFFFFFF1C;
	s7 =	sshrl.u32 s24, $0x3  }
0x19b: {  	[hbm:s30], [sflag:s2] =	dma.local [spmem:s7], $0xE4  }
0x19c: {  	_ =	swait.ge [sflag:s31], $0xE4  }
0x19d: {  	s24 =	rddreg [dreg:$0x1b]  }
0x19e: {  	s30 =	rddreg [dreg:$0x1a];
	s7 =	sadd.s32 $0x1, s24  }
0x19f: {  	p0 =	sne.s32 s7, s30  }
.Ltmp8:
0x1a0: {  	_ = 	snop;
	(pc) =	sbr.rel @p0 .LBB2_1-.Ltmp8, $3  }
0x1a1: {  	_ =	sdelay $0x1  }
0x1a2: {  	[sflag:s31] =	ssyncset.done $0x0  }
0x1a3: {  	[sflag:s31] =	ssyncadd.s32 $0xFFFFFF1C  }
0x1a4: {  	_ =	sfence.sel $0x180000  }
0x1a5: {  	[bflag:$0x0] =	sbarrier.arrive $0xFFFF  }
0x1a6: {  	_ =	strace $0x9000004A  }
0x1a7: {  	s0 =	stileid.u32;
	[bflag:$0x2] =	sbarrier.arrive $0xFFFF  }
0x1a8: {  	p0 =	sne.s32 s0, $0x0;
	s0 =	rddreg [dreg:$0x4]  }
0x1a9: {  	s0 =	sadd.s32 @!p0 $0x100000, s0  }
0x1aa: {  	[sflag:s0] =	ssyncadd.tile.s32 @!p0 $0x1;
	_ =	shalt  }
.Lfunc_end2:
_tile_overlayer_lowered:
.L_overlay_start_2:
0x1ab: {  	(tag) =	ssettag $0x2  }
0x1ac: {  	s0 =	rddreg [dreg:$0x0];
	s2 =	stileid.u32  }
0x1ad: {  	s1 =	rddreg [dreg:$0x1];
	p0 =	sne.s32 s2, $0x0  }
0x1ae: {  	s3 =	rddreg [dreg:$0x2];
	[bflag:$0x3] =	sbarrier.arrive $0xFFFF;
	s2 =	simm.s32 @!p0 $0x1C09  }
0x1af: {  	[timem:s3], [sflag:s2] =	dma.local @!p0 [hbm:s0], s1  }
0x1b0: {  	s0 =	simm.s32 @!p0 $0x9  }
0x1b1: {  	_ =	swait.ge @!p0 [sflag:s0], s1  }
0x1b2: {  	s1 =	ssub.s32 @!p0 $0x0, s1;
	[sflag:s0] =	ssyncset.done @!p0 $0x0  }
0x1b3: {  	[sflag:s0] =	ssyncadd.s32 @!p0 s1  }
0x1b4: {  	[bflag:$0x3] =	sbarrier.arrive $0xFFFF  }
0x1b5: {  	_ =	shalt  }

// kernel: kernel.7.cloned.1.call-start
scs
__scs_entry_jumppad:
0x0: {  	(pc) =	sbr.rel $0x88, $3  }
0x1: {  	(tag) =	ssettag $0x0;
	lr =	simm.s32 $0x1  }
0x2: {  	[smem:$0x3F97] =	sst lr;
	_ =	strace $0xD0000000  }
0x3: {  	_ = 	snop  }
0x4: {  	_ = 	snop  }
0x5: {  	_ = 	snop  }
0x6: {  	_ = 	snop  }
0x7: {  	_ = 	snop  }
__scs_overlays_trampoline_lowered:
0x8: {  	[smem:$0x3FA6] =	sst s0  }
0x9: {  	[smem:$0x3FA7] =	sst s1  }
0xa: {  	[smem:$0x3FA8] =	sst s2  }
0xb: {  	[smem:$0x3FA9] =	sst s3  }
0xc: {  	[smem:$0x3FAA] =	sst s4  }
0xd: {  	[smem:$0x3FAB] =	sst s5  }
0xe: {  	[smem:$0x3FAC] =	sst s6  }
0xf: {  	[smem:$0x3FAD] =	sst s7  }
0x10: {  	[smem:$0x3FAE] =	sst s8  }
0x11: {  	[smem:$0x3FAF] =	sst s9;
	s0 =	simm.s32 @!p0 $0x0  }
0x12: {  	s1 =	sld [smem:$0x3F95];
	s0 =	simm.s32 @p0 $0x1  }
0x13: {  	[smem:$0x3FB0] =	sst s0;
	s0 =	simm.s32 @!p1 $0x0  }
0x14: {  	s2 =	sld [smem:$0x3F94];
	s0 =	simm.s32 @p1 $0x1  }
0x15: {  	[smem:$0x3FB1] =	sst s0;
	s0 =	simm.s32 @!p2 $0x0  }
0x16: {  	s3 =	sld [smem:$0x3FDB];
	s0 =	simm.s32 @p2 $0x1  }
0x17: {  	s4 =	simm.s32 $0x1BF5;
	[smem:$0x3FB3] =	sst s0  }
0x18: {  	s0 =	sld [smem:$0x3F96];
	_ =	swait.ge [sflag:s4], $0x0  }
0x19: {  	s7 =	sld [smem:$0x3F97]  }
0x1a: {  	s8 =	sadd.s32 $0xFFFFE003, lr  }
0x1b: {  	s9 =	sadd.s32 $0xFFFFFEF7, lr;
	s5 =	simm.s32 $0xFFFFFFFF;
	p2 =	slt.u32 s8, $0xFFFFF086  }
0x1c: {  	p1 =	slt.u32 s9, $0xF7A;
	s5 =	simm.s32 @!p2 $0x0  }
0x1d: {  	s5 =	simm.s32 @p1 $0x1;
	p0 =	seq.s32 s7, s2  }
0x1e: {  	s7 =	smul.u32 @!p0 $0xF7A, s2;
	p2 =	seq.s32 @!p0 s5, $0x0  }
0x1f: {  	s9 =	smul.u32 $0xF7A, s1;
	s8 =	simm.s32 @!p0 $0x1BF5;
	p2 =	por !p2, p0  }
0x20: {  	[sflag:s8] =	ssyncset.s32 @!p0 $0xFFFFF086;
	s6 =	sadd.s32 @!p0 s3, s7;
	s7 =	simm.s32 @!p0 $0x108  }
0x21: {  	s3 =	sadd.s32 s3, s9;
	s6 =	sadd.s32 @!p0 $0x88, s6;
	s7 =	simm.s32 @p2 $0x1082  }
0x22: {  	[simem:s7], [sflag:s8] =	dma.local @!p0 [hbm:s6], $0xF7A  }
0x23: {  	s9 =	sor.u32 $0xD0000000, s2;
	s6 =	simm.s32 $0x108;
	_ =	swait.ge @!p0 [sflag:s8], $0x0  }
0x24: {  	s3 =	sadd.s32 $0x88, s3;
	s6 =	simm.s32 @!p1 $0x1082;
	[sflag:s4] =	ssyncset.s32 $0xFFFFF086  }
0x25: {  	[simem:s6], [sflag:s4] =	dma.local [hbm:s3], $0xF7A  }
0x26: {  	[smem:$0x3F97] =	sst s1;
	(tag) =	ssettag s2;
	_ =	strace s9  }
0x27: {  	s1 =	sld [smem:$0x3FA7]  }
0x28: {  	s2 =	sld [smem:$0x3FA8]  }
0x29: {  	s4 =	sld [smem:$0x3FAA]  }
0x2a: {  	p0 =	seq.s32 s5, $0x0;
	s5 =	sld [smem:$0x3FAB]  }
0x2b: {  	s6 =	sld [smem:$0x3FAC]  }
0x2c: {  	s7 =	sld [smem:$0x3FAD]  }
0x2d: {  	s3 =	simm.s32 $0x108;
	s8 =	sld [smem:$0x3FAE]  }
0x2e: {  	s3 =	simm.s32 @!p0 $0x1082;
	s9 =	sld [smem:$0x3FAF]  }
0x2f: {  	lr =	sadd.s32 s0, s3;
	s0 =	sld [smem:$0x3FA6]  }
0x30: {  	s3 =	sld [smem:$0x3FA9]  }
0x31: {  	[smem:$0x3FB2] =	sst s10  }
0x32: {  	s10 =	sld [smem:$0x3FB0];
	_ =	sdelay $0x3  }
0x33: {  	p0 =	seq.s32 s10, $0x1;
	s10 =	sld [smem:$0x3FB2];
	_ =	sdelay $0x3  }
0x34: {  	[smem:$0x3FB2] =	sst s10  }
0x35: {  	s10 =	sld [smem:$0x3FB1];
	_ =	sdelay $0x3  }
0x36: {  	p1 =	seq.s32 s10, $0x1;
	s10 =	sld [smem:$0x3FB2];
	_ =	sdelay $0x3  }
0x37: {  	[smem:$0x3FB2] =	sst s10  }
0x38: {  	s10 =	sld [smem:$0x3FB3]  }
0x39: {  	_ = 	snop;
	(pc) =	sbr.ind lr, $3  }
0x3a: {  	_ = 	snop  }
0x3b: {  	_ = 	snop  }
0x3c: {  	p2 =	seq.s32 s10, $0x1;
	s10 =	sld [smem:$0x3FB2]  }
0x3d: {  	_ =	shalt  }
0x3e: {  	_ =	shalt  }
0x3f: {  	_ =	shalt  }
0x40: {  	_ =	shalt  }
0x41: {  	_ =	shalt  }
0x42: {  	_ =	shalt  }
0x43: {  	_ =	shalt  }
0x44: {  	_ =	shalt  }
0x45: {  	_ =	shalt  }
0x46: {  	_ =	shalt  }
0x47: {  	_ =	shalt  }
0x48: {  	_ =	shalt  }
0x49: {  	_ =	shalt  }
0x4a: {  	_ =	shalt  }
0x4b: {  	_ =	shalt  }
0x4c: {  	_ =	shalt  }
0x4d: {  	_ =	shalt  }
0x4e: {  	_ =	shalt  }
0x4f: {  	_ =	shalt  }
0x50: {  	_ =	shalt  }
0x51: {  	_ =	shalt  }
0x52: {  	_ =	shalt  }
0x53: {  	_ =	shalt  }
0x54: {  	_ =	shalt  }
0x55: {  	_ =	shalt  }
0x56: {  	_ =	shalt  }
0x57: {  	_ =	shalt  }
0x58: {  	_ =	shalt  }
0x59: {  	_ =	shalt  }
0x5a: {  	_ =	shalt  }
0x5b: {  	_ =	shalt  }
0x5c: {  	_ =	shalt  }
0x5d: {  	_ =	shalt  }
0x5e: {  	_ =	shalt  }
0x5f: {  	_ =	shalt  }
0x60: {  	_ =	shalt  }
0x61: {  	_ =	shalt  }
0x62: {  	_ =	shalt  }
0x63: {  	_ =	shalt  }
0x64: {  	_ =	shalt  }
0x65: {  	_ =	shalt  }
0x66: {  	_ =	shalt  }
0x67: {  	_ =	shalt  }
0x68: {  	_ =	shalt  }
0x69: {  	_ =	shalt  }
0x6a: {  	_ =	shalt  }
0x6b: {  	_ =	shalt  }
0x6c: {  	_ =	shalt  }
0x6d: {  	_ =	shalt  }
0x6e: {  	_ =	shalt  }
0x6f: {  	_ =	shalt  }
0x70: {  	_ =	shalt  }
0x71: {  	_ =	shalt  }
0x72: {  	_ =	shalt  }
0x73: {  	_ =	shalt  }
0x74: {  	_ =	shalt  }
0x75: {  	_ =	shalt  }
0x76: {  	_ =	shalt  }
0x77: {  	_ =	shalt  }
0x78: {  	_ =	shalt  }
0x79: {  	_ =	shalt  }
0x7a: {  	_ =	shalt  }
0x7b: {  	_ =	shalt  }
0x7c: {  	_ =	shalt  }
0x7d: {  	_ =	shalt  }
0x7e: {  	_ =	shalt  }
0x7f: {  	_ =	shalt  }
0x80: {  	_ =	shalt  }
0x81: {  	_ =	shalt  }
0x82: {  	_ =	shalt  }
0x83: {  	_ =	shalt  }
0x84: {  	_ =	shalt  }
0x85: {  	_ =	shalt  }
0x86: {  	_ =	shalt  }
0x87: {  	_ =	shalt  }
.Lfunc_end0:
.L_simem_size_0:
called_computation_lowered:
.L_overlay_start_0:
0x88: {  	s2 =	sld [smem:$0x3FD9]  }
0x89: {  	s3 =	sld [smem:$0x3FFE];
	_ =	sdelay $0x1  }
0x8a: {  	s1 =	srdreg.scid  }
0x8b: {  	s0 =	sand.u32 $0x1, s1  }
0x8c: {  	s16 =	sshll.u32 s0, $0xA;
	s2 =	sadd.s32 s3, s2  }
0x8d: {  	s2 =	sadd.s32 s2, s16  }
0x8e: {  	[smem:$0x3FBE] =	sst s2  }
0x8f: {  	_ = 	snop  }
0x90: {  	(tm) =	ssettm $0x1  }
0x91: {  	s17 =	sld [smem:$0x3FFB];
	_ =	sdelay $0x3  }
0x92: {  	_ =	strace s17  }
0x93: {  	s2 =	sld [smem:$0x3FFC];
	_ =	sdelay $0x3  }
0x94: {  	_ =	strace s2  }
0x95: {  	s2 =	sld [smem:$0x3FFD];
	_ =	sdelay $0x3  }
0x96: {  	_ =	strace s2  }
0x97: {  	_ =	strace $0x8FFFFFFF  }
0x98: {  	s18 =	sld [smem:$0x3FDB];
	_ =	sdelay $0x1  }
0x99: {  	s19 =	simm.s32 $_scs_section_size  }
0x9a: {  	s4 =	simm.s32 $_size__tile_overlayer_lowered;
	s5 =	simm.s32 $_tile_overlayer_lowered  }
0x9b: {  	s22 =	simm.s32 $0x1BFF;
	s21 =	sshll.u32 s5, $0x1;
	s2 =	sadd.s32 s19, s18  }
0x9c: {  	s6 =	simm.s32 $0x0;
	s20 =	sshll.u32 s4, $0x1;
	s4 =	sadd.s32 s21, s2  }
0x9d: {  	[timem:s6], [sflag:s22] =	dma.local [hbm:s4], s20  }
0x9e: {  	_ =	swait.ge [sflag:s22], s20  }
0x9f: {  	s3 =	ssub.s32 $0x0, s20;
	[sflag:s22] =	ssyncset.done $0x0  }
0xa0: {  	[sflag:s22] =	ssyncadd.s32 s3;
	_ =	sdelay $0x1  }
0xa1: {  	s23 =	simm.s32 $0x1B8B  }
0xa2: {  	_ =	swait.ge [sflag:s23], $0x1  }
0xa3: {  	[sflag:s23] =	ssyncset.done $0x0  }
0xa4: {  	s25 =	simm.s32 $0x1B8E;
	s24 =	sld [smem:$0x3FFE];
	[sflag:s23] =	ssyncadd.s32 $0xFFFFFFFF  }
0xa5: {  	s26 =	simm.s32 $execute0_lowered;
	[smem:$0x3FD2] =	sst s25  }
0xa6: {  	s4 =	sshll.u32 s26, $0x1;
	_ =	strace $0x80000046;
	[dreg:$0x1] =	wrdreg $0xFFFFFFFF  }
0xa7: {  	s28 =	simm.s32 $_size_execute0_lowered;
	s2 =	sadd.s32 s2, s4;
	[dreg:$0x0] =	wrdreg $0x0  }
0xa8: {  	s4 =	sshll.u32 s28, $0x1;
	[dreg:$0x2] =	wrdreg s2  }
0xa9: {  	[dreg:$0x3] =	wrdreg s4  }
0xaa: {  	[dreg:$0x4] =	wrdreg $0xC0  }
0xab: {  	_ =	task [dreg:s6], $0x5FFFF  }
0xac: {  	[dreg:$0x1] =	wrdreg $0xFFFFFFFF  }
0xad: {  	[dreg:$0x0] =	wrdreg $0x60  }
0xae: {  	[dreg:$0x2] =	wrdreg s24  }
0xaf: {  	[dreg:$0x3] =	wrdreg $0xED000  }
0xb0: {  	[dreg:$0x4] =	wrdreg $0x189800  }
0xb1: {  	[dreg:$0x5] =	wrdreg $0x9  }
0xb2: {  	_ =	task.clear_ibuf [dreg:s6], $0x6FFFF;
	_ =	strace $0x90000046  }
0xb3: {  	s29 =	simm.s32 $0x9;
	_ =	strace $0x80000048  }
0xb4: {  	_ =	swait.ge [sflag:s29], $0x1  }
0xb5: {  	[sflag:s29] =	ssyncadd.s32 $0xFFFFFFFF  }
0xb6: {  	_ =	strace $0x90000048  }
0xb7: {  	_ =	sfence  }
0xb8: {  	s30 =	sld [smem:$0x0];
	_ =	sdelay $0x2  }
0xb9: {  	s31 =	sshll.u32 s1, $0xD;
	s1 =	sshrl.u32 s1, $0x2  }
0xba: {  	s3 =	sand.u32 $0x4000, s31;
	s1 =	sadd.s32 s1, s30  }
0xbb: {  	s0 =	sor.u32 s3, s0;
	s1 =	sshll.u32 s1, $0x11  }
0xbc: {  	s0 =	sor.u32 s1, s0  }
0xbd: {  	s0 =	sadd.s32 $0x8F2B, s0  }
0xbe: {  	[sflag:s0] =	ssyncadd.remote.s32 $0x1  }
0xbf: {  	_ =	sfence.sel $0xFFFF  }
0xc0: {  	[dreg:$0x0] =	wrdreg $0xFFFFFFFF;
	(pc) =	sbr.abs _section_cstart, $3  }
0xc1: {  	[dreg:$0x1] =	wrdreg $0xFFFFFFFF  }
0xc2: {  	_ =	task.clear_ibuf [dreg:s6], $0x2FFFF;
	_ =	strace $0x9FFFFFFF  }
0xc3: {  	(tm) =	ssettm $0x7FFFFFFF  }
tec
execute0_lowered:
.L_overlay_start_1:
0x0: {  	(tag) =	ssettag $0x1  }
0x1: {  	s1 =	rddreg [dreg:$0x0];
	s2 =	simm.s32 $0x0;
	s17 =	stileid.u32  }
0x2: {  	s0 =	srdreg.scid;
	s28 =	simm.s32 $0x4;
	s3 =	smul.u32 $0x272, s17  }
0x3: {  	s29 =	simm.s32 $0x5;
	s0 =	sand.u32 $0x1, s0;
	s7 =	smul.u32 $0x9C80, s17  }
0x4: {  	[smem:$0x7FF] =	sst s2;
	s4 =	sadd.s32 $0x2B400, s1;
	s11 =	smul.u32 $0x9C800, s0  }
0x5: {  	s5 =	sadd.s32 $0x3600, s1;
	s25 =	ssub.s32 $0x2, s0;
	s14 =	smul.u32 $0x27200, s0  }
0x6: {  	s6 =	sshrl.u32 s25, $0x1;
	s8 =	sadd.s32 $0x80, s3;
	s10 =	sadd.s32 $0x100, s3  }
0x7: {  	s12 =	sadd.s32 $0x180, s3;
	s3 =	sadd.s32 $0x200, s3;
	s2 =	ssub.s32 s25, s6  }
0x8: {  	s6 =	smul.u32 $0x2720, s17;
	s9 =	sshll.u32 s8, $0x6;
	s8 =	sshll.u32 s8, $0x4  }
0x9: {  	s13 =	sshll.u32 s10, $0x6;
	s10 =	sshll.u32 s10, $0x4;
	s18 =	sshll.u32 s12, $0x6  }
0xa: {  	s19 =	sshll.u32 s12, $0x4;
	s26 =	sadd.s32 s7, s11;
	s20 =	sshll.u32 s3, $0x6  }
0xb: {  	s3 =	sshll.u32 s3, $0x4;
	s17 =	smul.u32 $0xA40, s17;
	s12 =	sshrl.u32 s26, $0x3  }
0xc: {  	s21 =	sadd.s32 s11, s9;
	s22 =	sadd.s32 s14, s8;
	s15 =	sadd.s32 s6, s14  }
0xd: {  	s25 =	sadd.s32 s14, s10;
	s12 =	sadd.s32 s4, s12;
	s15 =	sshrl.u32 s15, $0x3  }
0xe: {  	[dreg:$0x4] =	wrdreg s12;
	s12 =	sshrl.u32 s21, $0x3;
	s16 =	sadd.s32 s5, s15  }
0xf: {  	s26 =	sadd.s32 s11, s18;
	s12 =	sadd.s32 s4, s12;
	[dreg:$0x5] =	wrdreg s16  }
0x10: {  	s15 =	sshrl.u32 s22, $0x3;
	s16 =	sadd.s32 s11, s13;
	[dreg:$0x6] =	wrdreg s12  }
0x11: {  	s23 =	sadd.s32 s5, s15;
	s11 =	sadd.s32 s11, s20;
	s15 =	sshrl.u32 s26, $0x3  }
0x12: {  	s12 =	sshrl.u32 s25, $0x3;
	[dreg:$0x7] =	wrdreg s23;
	s15 =	sadd.s32 s4, s15  }
0x13: {  	s16 =	sshrl.u32 s16, $0x3;
	s11 =	sshrl.u32 s11, $0x3;
	[dreg:$0x9] =	wrdreg s15  }
0x14: {  	s24 =	sadd.s32 s4, s16;
	s4 =	sadd.s32 s4, s11;
	s11 =	rddreg [dreg:$0x1]  }
0x15: {  	s22 =	sadd.s32 s17, s1;
	s16 =	sadd.s32 s5, s12;
	s12 =	rddreg [dreg:$0x2]  }
0x16: {  	s17 =	sadd.s32 $0x17200, s1;
	s23 =	sadd.s32 $0x21000, s22;
	[dreg:$0x8] =	wrdreg s24  }
0x17: {  	s22 =	simm.s32 $0x6;
	s15 =	sadd.s32 s14, s19;
	[dreg:$0xa] =	wrdreg s4  }
0x18: {  	s14 =	sadd.s32 s14, s3;
	[dreg:$0xb] =	wrdreg s16;
	s4 =	sshrl.u32 s15, $0x3  }
0x19: {  	s21 =	sshrl.u32 s14, $0x3;
	s15 =	sadd.s32 $0xA9C00, s1;
	s16 =	sadd.s32 $0xD400, s1  }
0x1a: {  	s7 =	sadd.s32 s7, s11;
	s30 =	sadd.s32 s6, s12;
	s4 =	sadd.s32 s5, s4  }
0x1b: {  	s31 =	sadd.s32 s9, s11;
	[dreg:$0xc] =	wrdreg s4;
	s4 =	sadd.s32 s5, s21  }
0x1c: {  	s24 =	sadd.s32 s8, s12;
	s25 =	sadd.s32 s13, s11;
	[dreg:$0xd] =	wrdreg s4  }
0x1d: {  	s26 =	sadd.s32 s10, s12;
	_ =	strace $0x80000047;
	[dreg:$0xe] =	wrdreg s23  }
0x1e: {  	s18 =	sadd.s32 s18, s11;
	s19 =	sadd.s32 s19, s12;
	[dreg:$0x12] =	wrdreg s24  }
0x1f: {  	s6 =	smul.u32 $0x2710, s0;
	s10 =	simm.s32 $0xB;
	[dreg:$0x13] =	wrdreg s25  }
0x20: {  	s0 =	simm.s32 $0x1;
	s4 =	sadd.s32 s20, s11;
	[dreg:$0x14] =	wrdreg s26  }
0x21: {  	s8 =	simm.s32 $0x2;
	s5 =	sadd.s32 s3, s12;
	[dreg:$0x17] =	wrdreg s4  }
0x22: {  	s9 =	simm.s32 $0x3;
	s13 =	simm.s32 $0x8B80;
	[dreg:$0x18] =	wrdreg s5  }
0x23: {  	s14 =	simm.s32 $0x8D00;
	s3 =	simm.s32 $0x5200;
	[dreg:$0xf] =	wrdreg s7  }
0x24: {  	s21 =	simm.s32 $0x8380;
	s20 =	simm.s32 $0x5280;
	[dreg:$0x10] =	wrdreg s30  }
0x25: {  	s26 =	smax.u32 s2, $0x1;
	s2 =	simm.s32 $0x80;
	[dreg:$0x11] =	wrdreg s31  }
0x26: {  	s4 =	simm.s32 $0x5380;
	s23 =	simm.s32 $0x7;
	[dreg:$0x15] =	wrdreg s18  }
0x27: {  	v5 =	vmov s6;
	s24 =	simm.s32 $0x8;
	s25 =	simm.s32 $0x8C00;
	[dreg:$0x16] =	wrdreg s19  }
0x28: {  	v0 =	vimm.f32 $0.0e+00;
	s5 =	simm.s32 $0x0;
	[tilespmem:$0x1FFF0] =	vst v5;
	[dreg:$0x19] =	wrdreg s26;
	s26 =	simm.s32 $0xBD00  }
.LBB2_1:
0x29: {  	s1 =	simm.s32 $0x0;
	s6 =	rddreg [dreg:$0xe]  }
0x2a: {  	[tilespmem:s1], [sflag:$0x1] =	stream.linear.gather [hbm4b:s6+s1], $0x5200, $0x38;
	[tilespmem:$0x1B0A0] =	vst v63  }
0x2b: {  	s1 =	simm.s32 $0xC520  }
0x2c: {  	[tilespmem:s1+$0x0] =	vst v0  }
0x2d: {  	[tilespmem:s1+$0xFFFFFFE0] =	vst v0  }
0x2e: {  	[tilespmem:s1+$0x10] =	vst v0  }
0x2f: {  	[dreg:$0x1a] =	wrdreg s5;
	s5 =	simm.s32 $0x40;
	s6 =	simm.s32 $0x0;
	[tilespmem:s1+$0xFFFFFFF0] =	vst v0  }
.LBB2_2:
0x30: {  	p0 =	sne.s32 s5, $0x1FC0  }
0x31: {  	[tilespmem:s6+$0xE500] =	vst v0;
	s1 =	sadd.s32 $0x40, s1;
	s6 =	smov.u32 s5;
	s5 =	sadd.s32 $0x40, s5  }
.Ltmp0:
0x32: {  	[tilespmem:s1+$0x0] =	vst v0;
	(pc) =	sbr.rel @p0 .LBB2_2-.Ltmp0, $4  }
0x33: {  	_ = 	snop  }
0x34: {  	[tilespmem:s1+$0xFFFFFFE0] =	vst v0  }
0x35: {  	[tilespmem:s1+$0x10] =	vst v0  }
0x36: {  	s6 =	sshra.s32 s6, $0x2;
	[tilespmem:s1+$0xFFFFFFF0] =	vst v0  }
0x37: {  	[tilespmem:s6+$0xE500] =	vst v0;
	s5 =	simm.s32 $0xC500  }
0x38: {  	[spmem:s7] =	stream.linear.scatter [tilespmem:s5], [sflag:$0xB], $0x2000, $0x38;
	[tilespmem:$0x1B0A0] =	vst v63  }
0x39: {  	_ =	swait.ge [sflag:s10], $0x2000  }
0x3a: {  	[sflag:s10] =	ssyncset.done $0x0  }
0x3b: {  	s6 =	simm.s32 $0xE500;
	[sflag:s10] =	ssyncadd.s32 $0xFFFFE000  }
0x3c: {  	[spmem:s30] =	stream.linear.scatter [tilespmem:s6], [sflag:$0xB], $0x800, $0x38;
	[tilespmem:$0x1B0A0] =	vst v63  }
0x3d: {  	_ =	swait.ge [sflag:s10], $0x800  }
0x3e: {  	[sflag:s10] =	ssyncset.done $0x0  }
0x3f: {  	[sflag:s10] =	ssyncadd.s32 $0xFFFFF800  }
0x40: {  	[spmem:s31] =	stream.linear.scatter [tilespmem:s5], [sflag:$0xB], $0x2000, $0x38;
	[tilespmem:$0x1B0A0] =	vst v63  }
0x41: {  	_ =	swait.ge [sflag:s10], $0x2000  }
0x42: {  	[sflag:s10] =	ssyncset.done $0x0  }
0x43: {  	s1 =	rddreg [dreg:$0x12];
	[sflag:s10] =	ssyncadd.s32 $0xFFFFE000  }
0x44: {  	[spmem:s1] =	stream.linear.scatter [tilespmem:s6], [sflag:$0xB], $0x800, $0x38;
	[tilespmem:$0x1B0A0] =	vst v63  }
0x45: {  	_ =	swait.ge [sflag:s10], $0x800  }
0x46: {  	[sflag:s10] =	ssyncset.done $0x0  }
0x47: {  	s31 =	rddreg [dreg:$0x13];
	[sflag:s10] =	ssyncadd.s32 $0xFFFFF800  }
0x48: {  	[spmem:s31] =	stream.linear.scatter [tilespmem:s5], [sflag:$0xB], $0x2000, $0x38;
	[tilespmem:$0x1B0A0] =	vst v63  }
0x49: {  	_ =	swait.ge [sflag:s10], $0x2000  }
0x4a: {  	[sflag:s10] =	ssyncset.done $0x0  }
0x4b: {  	s7 =	rddreg [dreg:$0x14];
	[sflag:s10] =	ssyncadd.s32 $0xFFFFE000  }
0x4c: {  	[spmem:s7] =	stream.linear.scatter [tilespmem:s6], [sflag:$0xB], $0x800, $0x38;
	[tilespmem:$0x1B0A0] =	vst v63  }
0x4d: {  	_ =	swait.ge [sflag:s10], $0x800  }
0x4e: {  	[sflag:s10] =	ssyncset.done $0x0  }
0x4f: {  	[sflag:s10] =	ssyncadd.s32 $0xFFFFF800  }
0x50: {  	[spmem:s18] =	stream.linear.scatter [tilespmem:s5], [sflag:$0xB], $0x2000, $0x38;
	[tilespmem:$0x1B0A0] =	vst v63  }
0x51: {  	_ =	swait.ge [sflag:s10], $0x2000  }
0x52: {  	[sflag:s10] =	ssyncset.done $0x0  }
0x53: {  	[sflag:s10] =	ssyncadd.s32 $0xFFFFE000  }
0x54: {  	[spmem:s19] =	stream.linear.scatter [tilespmem:s6], [sflag:$0xB], $0x800, $0x38;
	[tilespmem:$0x1B0A0] =	vst v63  }
0x55: {  	_ =	swait.ge [sflag:s10], $0x800  }
0x56: {  	[sflag:s10] =	ssyncset.done $0x0  }
0x57: {  	s30 =	rddreg [dreg:$0x17];
	[sflag:s10] =	ssyncadd.s32 $0xFFFFF800  }
0x58: {  	[spmem:s30] =	stream.linear.scatter [tilespmem:s5], [sflag:$0xB], $0x1C80, $0x38;
	[tilespmem:$0x1B0A0] =	vst v63  }
0x59: {  	_ =	swait.ge [sflag:s10], $0x1C80  }
0x5a: {  	[sflag:s10] =	ssyncset.done $0x0  }
0x5b: {  	s31 =	rddreg [dreg:$0x18];
	[sflag:s10] =	ssyncadd.s32 $0xFFFFE380  }
0x5c: {  	[spmem:s31] =	stream.linear.scatter [tilespmem:s6], [sflag:$0xB], $0x720, $0x38;
	[tilespmem:$0x1B0A0] =	vst v63  }
0x5d: {  	_ =	swait.ge [sflag:s10], $0x720  }
0x5e: {  	[sflag:s10] =	ssyncset.done $0x0  }
0x5f: {  	[sflag:s10] =	ssyncadd.s32 $0xFFFFF8E0  }
0x60: {  	_ =	swait.ge [sflag:s0], $0x5200  }
0x61: {  	[sflag:s0] =	ssyncset.done $0x0  }
0x62: {  	[sflag:s0] =	ssyncadd.s32 $0xFFFFAE00  }
0x63: {  	p0 =	por $0x1, $0x1;
	s1 =	simm.s32 $0x0;
	[bflag:$0x0] =	sbarrier.arrive $0xFFFF  }
.LBB2_4:
0x64: {  	v0 =	vld [tilespmem:s1+$0x0];
	_ =	sdelay $0x1  }
0x65: {  	s5 =	sor.u32 $0x10, s1  }
0x66: {  	s30 =	sor.u32 $0x20, s1;
	v1 =	vld [tilespmem:s5+$0x0]  }
0x67: {  	s31 =	sor.u32 $0x30, s1;
	v3 =	vld [tilespmem:s30+$0x0]  }
0x68: {  	v56 =	vld [tilespmem:s31+$0x0];
	v2 =	vand.u32 $0x3FFF, v0;
	v0 =	vshra.s32 v0, $0xE  }
0x69: {  	v2 =	vadd.s32 v5, v2;
	[tilespmem:s1+$0x5280] =	vst v0  }
0x6a: {  	v0 =	vadd.s32 v5, v0;
	[tilespmem:s1+$0x5200] =	vst v2  }
0x6b: {  	v57 =	vshra.s32 v1, $0xE;
	[tilespmem:s1+$0x5300] =	vst v0  }
0x6c: {  	v60 =	vshra.s32 v3, $0xE;
	[tilespmem:s1+$0x5290] =	vst v57  }
0x6d: {  	v54 =	vand.u32 $0x3FFF, v1;
	v63 =	vshra.s32 v56, $0xE;
	[tilespmem:s1+$0x52A0] =	vst v60  }
0x6e: {  	v55 =	vadd.s32 v5, v54;
	[tilespmem:s1+$0x52B0] =	vst v63  }
0x6f: {  	p1 =	por p0, p0;
	v58 =	vand.u32 $0x3FFF, v3;
	v0 =	vadd.s32 v5, v57;
	[tilespmem:s1+$0x5210] =	vst v55  }
.Ltmp1:
0x70: {  	v61 =	vand.u32 $0x3FFF, v56;
	v59 =	vadd.s32 v5, v58;
	[tilespmem:s1+$0x5310] =	vst v0;
	(pc) =	sbr.rel @p1 .LBB2_4-.Ltmp1, $4  }
0x71: {  	v62 =	vadd.s32 v5, v61;
	[tilespmem:s1+$0x5220] =	vst v59  }
0x72: {  	v0 =	vadd.s32 v5, v60;
	[tilespmem:s1+$0x5230] =	vst v62  }
0x73: {  	[tilespmem:s1+$0x5320] =	vst v0;
	v0 =	vadd.s32 v5, v63  }
0x74: {  	p0 =	por $0x0, $0x0;
	[tilespmem:s1+$0x5330] =	vst v0;
	s1 =	simm.s32 $0x40  }
0x75: {  	[tilespmem:s4], [sflag:$0x1] =	stream.indirect.gather [hbm4b:s15+s2], $0x40, s3, s2, $0xb8;
	[tilespmem:$0x1B0A0] =	vst v63  }
0x76: {  	s1 =	simm.s32 $0x7380  }
0x77: {  	[tilespmem:s1], [sflag:$0x2] =	stream.indirect.gather [hbm4b:s16+s2], $0x10, s3, s2, $0xb8;
	[tilespmem:$0x1B0A0] =	vst v63  }
0x78: {  	s31 =	simm.s32 $0x5300;
	s5 =	simm.s32 $0x7B80;
	s1 =	simm.s32 $0x0  }
0x79: {  	[tilespmem:s5], [sflag:$0x3] =	stream.indirect.gather [hbm4b:s17+s2], $0x10, s31, s2, $0xb8;
	[tilespmem:$0x1B0A0] =	vst v63  }
.LBB2_6:
0x7a: {  	_ =	swait.ge [sflag:s0], $0x2000  }
0x7b: {  	[sflag:s0] =	ssyncset.done $0x0  }
0x7c: {  	[sflag:s0] =	ssyncadd.s32 $0xFFFFE000  }
0x7d: {  	_ =	swait.ge [sflag:s8], $0x800  }
0x7e: {  	[sflag:s8] =	ssyncset.done $0x0  }
0x7f: {  	[sflag:s8] =	ssyncadd.s32 $0xFFFFF800  }
0x80: {  	_ =	swait.ge [sflag:s9], $0x800  }
0x81: {  	p0 =	seq.s32 s1, $0x0;
	s6 =	sshll.u32 s1, $0xA;
	[sflag:s9] =	ssyncset.done $0x0  }
0x82: {  	s5 =	simm.s32 @!p0 $0x9;
	s31 =	sshra.s32 s6, $0x2;
	[sflag:s9] =	ssyncadd.s32 $0xFFFFF800  }
0x83: {  	s6 =	sor.u32 $0x80, s31;
	_ =	swait.ge @!p0 [sflag:s5], $0x2000  }
0x84: {  	v0 =	vmov s6;
	[sflag:s5] =	ssyncset.done @!p0 $0x0  }
0x85: {  	[sflag:s5] =	ssyncadd.s32 @!p0 $0xFFFFE000;
	s5 =	simm.s32 @!p0 $0xA  }
0x86: {  	_ =	swait.ge @!p0 [sflag:s5], $0x800  }
0x87: {  	[sflag:s5] =	ssyncset.done @!p0 $0x0  }
0x88: {  	[sflag:s5] =	ssyncadd.s32 @!p0 $0xFFFFF800;
	p0 =	por $0x1, $0x1;
	s5 =	simm.s32 $0x0  }
.LBB2_7:
0x89: {  	v1 =	vld.idx.msk [tilespmem:v0+s5+$0x0 ss:$0x1], $0xffff;
	_ =	sdelay $0x1  }
0x8a: {  	v2 =	vld.idx.msk [tilespmem:v0+s5+$0x10 ss:$0x1], $0xffff;
	_ =	sdelay $0x2  }
0x8b: {  	v4 =	vld.idx.msk [tilespmem:v0+s5+$0x20 ss:$0x1], $0xffff;
	v3 =	vand.u32 $0x3FFF, v1;
	v1 =	vshra.s32 v1, $0xE  }
0x8c: {  	v3 =	vadd.s32 v5, v3;
	[tilespmem:s5+$0x8C00] =	vst v1  }
0x8d: {  	v1 =	vadd.s32 v5, v1;
	[tilespmem:s5+$0x8B80] =	vst v3;
	v3 =	vand.u32 $0x3FFF, v2  }
0x8e: {  	[tilespmem:s5+$0x8C80] =	vst v1;
	v1 =	vadd.s32 v5, v3;
	v3 =	vld.idx.msk [tilespmem:v0+s5+$0x30 ss:$0x1], $0xffff  }
0x8f: {  	[tilespmem:s5+$0x8B90] =	vst v1;
	v1 =	vshra.s32 v2, $0xE  }
0x90: {  	v2 =	vand.u32 $0x3FFF, v4;
	[tilespmem:s5+$0x8C10] =	vst v1;
	v1 =	vadd.s32 v5, v1  }
0x91: {  	[tilespmem:s5+$0x8C90] =	vst v1;
	v1 =	vadd.s32 v5, v2  }
0x92: {  	p1 =	por p0, p0;
	[tilespmem:s5+$0x8BA0] =	vst v1;
	v1 =	vshra.s32 v4, $0xE  }
.Ltmp2:
0x93: {  	[tilespmem:s5+$0x8C20] =	vst v1;
	v1 =	vadd.s32 v5, v1;
	v2 =	vand.u32 $0x3FFF, v3;
	(pc) =	sbr.rel @p1 .LBB2_7-.Ltmp2, $4  }
0x94: {  	[tilespmem:s5+$0x8CA0] =	vst v1;
	v1 =	vadd.s32 v5, v2  }
0x95: {  	[tilespmem:s5+$0x8BB0] =	vst v1;
	v1 =	vshra.s32 v3, $0xE  }
0x96: {  	[tilespmem:s5+$0x8C30] =	vst v1;
	v1 =	vadd.s32 v5, v1  }
0x97: {  	p0 =	por $0x0, $0x0;
	[tilespmem:s5+$0x8CB0] =	vst v1;
	s5 =	simm.s32 $0x40  }
0x98: {  	[tilespmem:s14], [sflag:$0x6] =	stream.indirect.gather [hbm4b:s15+s2], $0x40, s13, s2, $0xb8;
	[tilespmem:$0x1B0A0] =	vst v63  }
0x99: {  	s5 =	simm.s32 $0xAD00  }
0x9a: {  	[tilespmem:s5], [sflag:$0x7] =	stream.indirect.gather [hbm4b:s16+s2], $0x10, s13, s2, $0xb8;
	[tilespmem:$0x1B0A0] =	vst v63  }
0x9b: {  	s18 =	simm.s32 $0x8C80;
	s6 =	simm.s32 $0xB500;
	s19 =	simm.s32 $0x7400  }
0x9c: {  	[tilespmem:s6], [sflag:$0x8] =	stream.indirect.gather [hbm4b:s17+s2], $0x10, s18, s2, $0xb8;
	[tilespmem:$0x1B0A0] =	vst v63  }
0x9d: {  	s5 =	simm.s32 $0x7C00;
	v0 =	vld [tilespmem:s19+$0x70]  }
0x9e: {  	v1 =	vld [tilespmem:s5+$0x70]  }
0x9f: {  	v3 =	vld [tilespmem:s5+$0xFFFFFF80]  }
0xa0: {  	v2 =	vld [tilespmem:s19+$0xFFFFFF90]  }
0xa1: {  	v4 =	vld [tilespmem:s5+$0xFFFFFF90]  }
0xa2: {  	v5 =	vld [tilespmem:s19+$0xFFFFFFA0]  }
0xa3: {  	v6 =	vld [tilespmem:s5+$0xFFFFFFA0]  }
0xa4: {  	v7 =	vld [tilespmem:s19+$0xFFFFFFB0]  }
0xa5: {  	v8 =	vld [tilespmem:s5+$0xFFFFFFB0]  }
0xa6: {  	v9 =	vld [tilespmem:s5+$0xFFFFFFC0]  }
0xa7: {  	v11 =	vld [tilespmem:s19+$0xFFFFFFD0]  }
0xa8: {  	v12 =	vld [tilespmem:s5+$0xFFFFFFE0];
	v0 =	vadd.f32 v1, v0  }
0xa9: {  	v1 =	vld [tilespmem:s19+$0xFFFFFFC0];
	v5 =	vadd.f32 v6, v5  }
0xaa: {  	v2 =	vadd.f32 v4, v2;
	v4 =	vld [tilespmem:s5+$0xFFFFFFD0];
	v10 =	vmul.f32 $2.000000030e-01, v0  }
0xab: {  	v6 =	vld [tilespmem:s19+$0xFFFFFFE0];
	v13 =	vmul.f32 $2.000000030e-01, v5  }
0xac: {  	v7 =	vadd.f32 v8, v7;
	v8 =	vld [tilespmem:s19+$0xFFFFFFF0];
	v0 =	vmax.f32 v0, v10  }
0xad: {  	v10 =	vmul.f32 $2.000000030e-01, v2;
	v5 =	vmax.f32 v5, v13;
	v13 =	vld [tilespmem:s5+$0x0];
	v0 =	vmul.f32 $1.442695020e+00, v0  }
0xae: {  	v1 =	vadd.f32 v9, v1;
	v9 =	vld [tilespmem:s19+$0x0]  }
0xaf: {  	(erf) = vpow2.f32 v0;
	v0 =	vmax.f32 v2, v10;
	v2 =	vld [tilespmem:s5+$0xFFFFFFF0];
	v10 =	vmul.f32 $2.000000030e-01, v7  }
0xb0: {  	v5 =	vmul.f32 $1.442695020e+00, v5;
	v4 =	vadd.f32 v4, v11;
	v11 =	vld [tilespmem:s19+$0x10];
	v0 =	vmul.f32 $1.442695020e+00, v0  }
0xb1: {  	v6 =	vadd.f32 v12, v6;
	v12 =	vld [tilespmem:s19+$0x20];
	v7 =	vmax.f32 v7, v10;
	v10 =	vmul.f32 $2.000000030e-01, v1  }
0xb2: {  	v7 =	vmul.f32 $1.442695020e+00, v7;
	(erf) = vpow2.f32 v0;
	v0 =	vld [tilespmem:s5+$0x10]  }
0xb3: {  	v1 =	vmax.f32 v1, v10;
	v10 =	vmul.f32 $2.000000030e-01, v4;
	(erf) = vpow2.f32 v5;
	v5 =	vld [tilespmem:s5+$0x20]  }
0xb4: {  	v1 =	vmul.f32 $1.442695020e+00, v1;
	v2 =	vadd.f32 v2, v8;
	v8 =	vld [tilespmem:s19+$0x30]  }
0xb5: {  	(erf) = vpow2.f32 v7;
	v7 =	vld [tilespmem:s5+$0x30];
	v4 =	vmax.f32 v4, v10;
	v10 =	vmul.f32 $2.000000030e-01, v6  }
0xb6: {  	v14 =	vld [tilespmem:s5+$0x50];
	v9 =	vadd.f32 v13, v9;
	v4 =	vmul.f32 $1.442695020e+00, v4;
	(erf) = vpow2.f32 v1  }
0xb7: {  	v13 =	vld [tilespmem:s19+$0x40];
	v6 =	vmax.f32 v6, v10;
	v10 =	vmul.f32 $2.000000030e-01, v2;
	v0 =	vadd.f32 v0, v11  }
0xb8: {  	v1 =	vld [tilespmem:s5+$0x40];
	v6 =	vmul.f32 $1.442695020e+00, v6;
	v5 =	vadd.f32 v5, v12;
	(erf) = vpow2.f32 v4  }
0xb9: {  	v11 =	vld [tilespmem:s19+$0x50];
	v2 =	vmax.f32 v2, v10;
	v10 =	vmul.f32 $2.000000030e-01, v9;
	v12 =	vmul.f32 $2.000000030e-01, v0  }
0xba: {  	v2 =	vmul.f32 $1.442695020e+00, v2;
	(erf) = vpow2.f32 v6;
	v6 =	vadd.f32 v7, v8;
	v7 =	vld [tilespmem:s5+$0x60]  }
0xbb: {  	v8 =	vld [tilespmem:s19+$0xFFFFFF80];
	v4 =	vmax.f32 v9, v10;
	v9 =	vmul.f32 $2.000000030e-01, v5  }
0xbc: {  	v10 =	vld [tilespmem:s19+$0x60];
	v0 =	vmax.f32 v0, v12;
	(erf) = vpow2.f32 v2;
	v2 =	vmul.f32 $2.000000030e-01, v6  }
0xbd: {  	v1 =	vadd.f32 v1, v13;
	v4 =	vmul.f32 $1.442695020e+00, v4;
	v5 =	vmax.f32 v5, v9  }
0xbe: {  	v0 =	vmul.f32 $1.442695020e+00, v0;
	v9 =	vadd.f32 v14, v11;
	v5 =	vmul.f32 $1.442695020e+00, v5  }
0xbf: {  	(erf) = vpow2.f32 v4;
	v4 =	vmax.f32 v6, v2;
	v6 =	vmul.f32 $2.000000030e-01, v1  }
0xc0: {  	s7 =	simm.s32 $0x8400;
	v4 =	vmul.f32 $1.442695020e+00, v4;
	v3 =	vadd.f32 v3, v8;
	v2 =	vpop (erf);
	(erf) = vpow2.f32 v0  }
0xc1: {  	v0 =	vadd.f32 v7, v10;
	v1 =	vmax.f32 v1, v6;
	v6 =	vmul.f32 $2.000000030e-01, v9;
	[tilespmem:s7+$0x70] =	vst v2  }
0xc2: {  	s6 =	simm.s32 $0x5580;
	v7 =	vpop (erf);
	v1 =	vmul.f32 $1.442695020e+00, v1;
	(erf) = vpow2.f32 v5;
	[tilespmem:$0x1FF90] =	vst v2  }
0xc3: {  	v10 =	vmul.f32 $2.000000030e-01, v0;
	v5 =	vmax.f32 v9, v6;
	v6 =	vmul.f32 $2.000000030e-01, v3;
	v8 =	vld [tilespmem:s6+$0x1F0];
	[tilespmem:s7+$0xFFFFFF90] =	vst v7  }
0xc4: {  	v9 =	vpop (erf);
	(erf) = vpow2.f32 v4;
	v4 =	vmul.f32 $1.442695020e+00, v5;
	v11 =	vld [tilespmem:s6+$0xFFFFFE40]  }
0xc5: {  	v12 =	vld [tilespmem:s6+$0xFFFFFE50];
	v0 =	vmax.f32 v0, v10  }
0xc6: {  	v19 =	vld [tilespmem:s6+$0xFFFFFE60];
	v5 =	vpop (erf);
	(erf) = vpow2.f32 v1;
	v1 =	vmax.f32 v3, v6;
	v0 =	vmul.f32 $1.442695020e+00, v0  }
0xc7: {  	[tilespmem:s7+$0xFFFFFFA0] =	vst v9;
	v13 =	vld [tilespmem:s6+$0xFFFFFE70];
	v3 =	vpop (erf);
	(erf) = vpow2.f32 v4;
	v1 =	vmul.f32 $1.442695020e+00, v1  }
0xc8: {  	v15 =	vld [tilespmem:s6+$0xFFFFFE80];
	v4 =	vpop (erf);
	(erf) = vpow2.f32 v0  }
0xc9: {  	v17 =	vld [tilespmem:s6+$0xFFFFFE90];
	v16 =	vpop (erf);
	(erf) = vpow2.f32 v1  }
0xca: {  	v10 =	vld [tilespmem:s6+$0xFFFFFEB0];
	v18 =	vpop (erf)  }
0xcb: {  	[tilespmem:s7+$0xFFFFFFB0] =	vst v5;
	v0 =	vbroadcast v2, $0x3;
	v2 =	vld [tilespmem:s6+$0xFFFFFEA0];
	v20 =	vpop (erf)  }
0xcc: {  	v21 =	vld [tilespmem:s6+$0xFFFFFED0];
	v24 =	vpop (erf)  }
0xcd: {  	v30 =	vld [tilespmem:s6+$0xFFFFFEE0];
	v28 =	vpop (erf)  }
0xce: {  	[tilespmem:s7+$0xFFFFFFC0] =	vst v3;
	v33 =	vld [tilespmem:s6+$0xFFFFFEF0];
	v1 =	vpop (erf)  }
0xcf: {  	v35 =	vld [tilespmem:s6+$0xFFFFFF00];
	v23 =	vmul.f32 v8, v0;
	v0 =	vpop (erf)  }
0xd0: {  	v38 =	vld [tilespmem:s6+$0xFFFFFF10];
	v14 =	vpop (erf)  }
0xd1: {  	v40 =	vld [tilespmem:s6+$0xFFFFFF20];
	v6 =	vpop (erf)  }
0xd2: {  	v44 =	vld [tilespmem:s6+$0xFFFFFF30];
	v41 =	vpop (erf)  }
0xd3: {  	v48 =	vbroadcast v4, $0x3;
	v8 =	vld [tilespmem:s6+$0xFFFFFEC0];
	[tilespmem:s7+$0xFFFFFF80] =	vst v41  }
0xd4: {  	v46 =	vld [tilespmem:s6+$0xFFFFFE00]  }
0xd5: {  	v45 =	vbroadcast v4, $0x0;
	v47 =	vbroadcast v4, $0x1;
	v49 =	vld [tilespmem:s6+$0xFFFFFE10];
	[tilespmem:$0x1FE90] =	vst v48  }
0xd6: {  	v27 =	vbroadcast v4, $0x2;
	[tilespmem:s7+$0xFFFFFFD0] =	vst v4;
	v4 =	vbroadcast v16, $0x1  }
0xd7: {  	v22 =	vbroadcast v7, $0x0  }
0xd8: {  	v25 =	vbroadcast v7, $0x1;
	v52 =	vld [tilespmem:s6+$0xFFFFFE20];
	[tilespmem:$0x1FEA0] =	vst v4;
	v4 =	vbroadcast v16, $0x2  }
0xd9: {  	v26 =	vbroadcast v7, $0x2;
	v7 =	vbroadcast v7, $0x3;
	v54 =	vld [tilespmem:s6+$0xFFFFFE30]  }
0xda: {  	v53 =	vbroadcast v41, $0x0;
	v55 =	vld [tilespmem:s6+$0xFFFFFF40];
	[tilespmem:$0x1FEB0] =	vst v4;
	v4 =	vbroadcast v16, $0x3  }
0xdb: {  	v60 =	vbroadcast v16, $0x0;
	v57 =	vbroadcast v41, $0x1;
	v58 =	vld [tilespmem:s6+$0xFFFFFF50]  }
0xdc: {  	v46 =	vmul.f32 v53, v46;
	v53 =	vld [tilespmem:s6+$0xFFFFFF60];
	[tilespmem:$0x1FEC0] =	vst v4;
	v4 =	vbroadcast v18, $0x0  }
0xdd: {  	v59 =	vbroadcast v41, $0x2;
	v41 =	vbroadcast v41, $0x3;
	[tilespmem:s7+$0xFFFFFFE0] =	vst v16;
	v16 =	vld [tilespmem:s6+$0xFFFFFF70]  }
0xde: {  	v49 =	vmul.f32 v57, v49;
	v57 =	vld [tilespmem:s6+$0xFFFFFF80];
	[tilespmem:$0x1FED0] =	vst v4;
	v4 =	vbroadcast v18, $0x1  }
0xdf: {  	v29 =	vbroadcast v9, $0x0;
	v32 =	vbroadcast v9, $0x2  }
0xe0: {  	v11 =	vmul.f32 v22, v11;
	v41 =	vmul.f32 v54, v41;
	v54 =	vld [tilespmem:s6+$0xFFFFFF90];
	[tilespmem:$0x1FEE0] =	vst v4  }
0xe1: {  	v22 =	vbroadcast v18, $0x2;
	[tilespmem:s7+$0xFFFFFFF0] =	vst v18;
	v18 =	vbroadcast v18, $0x3  }
0xe2: {  	v31 =	vbroadcast v9, $0x1;
	v9 =	vbroadcast v9, $0x3;
	v61 =	vld [tilespmem:s6+$0xFFFFFFA0]  }
0xe3: {  	v7 =	vmul.f32 v13, v7;
	v2 =	vmul.f32 v32, v2;
	v13 =	vld [tilespmem:s6+$0xFFFFFFB0];
	[tilespmem:$0x1FEF0] =	vst v18  }
0xe4: {  	v51 =	vmul.f32 v29, v15;
	v29 =	vld [tilespmem:s6+$0xFFFFFFC0]  }
0xe5: {  	v34 =	vbroadcast v5, $0x0;
	v62 =	vld [tilespmem:s6+$0xFFFFFFD0];
	[tilespmem:$0x1FF00] =	vst v2;
	v2 =	vmul.f32 v10, v9;
	_ =	sdelay $0x1  }
0xe6: {  	v36 =	vbroadcast v5, $0x1;
	[tilespmem:$0x1FF10] =	vst v2;
	v2 =	vmul.f32 v34, v8  }
0xe7: {  	[tilespmem:s7+$0x0] =	vst v20  }
0xe8: {  	v37 =	vbroadcast v5, $0x2;
	v63 =	vld [tilespmem:s6+$0xFFFFFFE0];
	[tilespmem:$0x1FF20] =	vst v2;
	v2 =	vmul.f32 v36, v21;
	_ =	sdelay $0x1  }
0xe9: {  	v5 =	vbroadcast v5, $0x3;
	v8 =	vld [tilespmem:s6+$0xFFFFFFF0];
	[tilespmem:$0x1FF30] =	vst v2;
	v2 =	vmul.f32 v37, v30;
	_ =	sdelay $0x1  }
0xea: {  	v39 =	vbroadcast v3, $0x0;
	[tilespmem:$0x1FF40] =	vst v2;
	v2 =	vmul.f32 v33, v5;
	_ =	sdelay $0x1  }
0xeb: {  	v42 =	vbroadcast v3, $0x1;
	v10 =	vld [tilespmem:s6+$0x0];
	[tilespmem:$0x1FF50] =	vst v2;
	v2 =	vmul.f32 v39, v35;
	_ =	sdelay $0x1  }
0xec: {  	v43 =	vbroadcast v3, $0x2;
	v15 =	vld [tilespmem:s6+$0x10];
	[tilespmem:$0x1FF60] =	vst v2;
	v2 =	vmul.f32 v42, v38;
	_ =	sdelay $0x1  }
0xed: {  	v3 =	vbroadcast v3, $0x3;
	[tilespmem:$0x1FF70] =	vst v2;
	v2 =	vmul.f32 v43, v40  }
0xee: {  	[tilespmem:s7+$0x10] =	vst v24  }
0xef: {  	v42 =	vld [tilespmem:s6+$0x20];
	[tilespmem:$0x1FF80] =	vst v2;
	v2 =	vmul.f32 v44, v3  }
0xf0: {  	[tilespmem:s6+$0x1F0] =	vst v23  }
0xf1: {  	v43 =	vld [tilespmem:s6+$0x30];
	[tilespmem:$0x1FFB0] =	vst v2;
	v2 =	vmul.f32 v45, v55  }
0xf2: {  	[tilespmem:s6+$0xFFFFFE00] =	vst v46  }
0xf3: {  	v44 =	vld [tilespmem:s6+$0x40];
	[tilespmem:$0x1FFD0] =	vst v2  }
0xf4: {  	v52 =	vmul.f32 v59, v52;
	[tilespmem:s6+$0xFFFFFE10] =	vst v49  }
0xf5: {  	[tilespmem:s7+$0x20] =	vst v28  }
0xf6: {  	[tilespmem:s6+$0xFFFFFE20] =	vst v52  }
0xf7: {  	v2 =	vld [tilespmem:$0x1FE90];
	_ =	sdelay $0x2  }
0xf8: {  	[tilespmem:s6+$0xFFFFFE30] =	vst v41  }
0xf9: {  	[tilespmem:s6+$0xFFFFFE40] =	vst v11  }
0xfa: {  	v12 =	vmul.f32 v25, v12;
	v25 =	vmul.f32 v16, v2;
	v2 =	vld [tilespmem:$0x1FEA0]  }
0xfb: {  	v45 =	vld [tilespmem:s6+$0x50]  }
0xfc: {  	v4 =	vmul.f32 v26, v19;
	v26 =	vmul.f32 v47, v58;
	v47 =	vld [tilespmem:s6+$0x60]  }
0xfd: {  	v27 =	vmul.f32 v27, v53;
	v53 =	vld [tilespmem:s6+$0x70]  }
0xfe: {  	v18 =	vld [tilespmem:s6+$0x90]  }
0xff: {  	v16 =	vld [tilespmem:s6+$0x80];
	v30 =	vmul.f32 v2, v54;
	v2 =	vbroadcast v28, $0x3  }
0x100: {  	[tilespmem:s7+$0x30] =	vst v1;
	v54 =	vld [tilespmem:s6+$0xA0]  }
0x101: {  	[tilespmem:$0x1FFA0] =	vst v2;
	v2 =	vld [tilespmem:$0x1FEB0];
	_ =	sdelay $0x4  }
0x102: {  	v34 =	vmul.f32 v2, v61;
	v2 =	vbroadcast v1, $0x0  }
0x103: {  	[tilespmem:s6+$0xFFFFFE50] =	vst v12;
	v61 =	vld [tilespmem:s6+$0xB0]  }
0x104: {  	[tilespmem:$0x1FFC0] =	vst v2;
	v2 =	vld [tilespmem:$0x1FEC0];
	_ =	sdelay $0x3  }
0x105: {  	v59 =	vmul.f32 v31, v17  }
0x106: {  	v31 =	vmul.f32 v13, v2;
	v2 =	vbroadcast v1, $0x1  }
0x107: {  	v56 =	vbroadcast v20, $0x0;
	v50 =	vbroadcast v20, $0x1;
	[tilespmem:s6+$0xFFFFFE60] =	vst v4  }
0x108: {  	v48 =	vbroadcast v20, $0x3;
	v17 =	vbroadcast v20, $0x2;
	v20 =	vld [tilespmem:s6+$0xC0];
	[tilespmem:$0x1FFE0] =	vst v2  }
0x109: {  	v2 =	vld [tilespmem:$0x1FED0];
	[tilespmem:s6+$0xFFFFFE70] =	vst v7  }
0x10a: {  	v3 =	vld [tilespmem:$0x1FEE0];
	_ =	sdelay $0x2  }
0x10b: {  	[tilespmem:s7+$0x40] =	vst v0  }
0x10c: {  	[tilespmem:s6+$0xFFFFFE80] =	vst v51;
	v35 =	vmul.f32 v2, v29;
	v2 =	vbroadcast v1, $0x2  }
0x10d: {  	v32 =	vmul.f32 v3, v62;
	v3 =	vbroadcast v1, $0x3;
	v1 =	vld [tilespmem:$0x1FEF0];
	_ =	sdelay $0x3  }
0x10e: {  	[tilespmem:s6+$0xFFFFFE90] =	vst v59  }
0x10f: {  	v37 =	vmul.f32 v8, v1;
	v1 =	vld [tilespmem:$0x1FF00];
	_ =	sdelay $0x3  }
0x110: {  	[tilespmem:s7+$0x50] =	vst v14  }
0x111: {  	v5 =	vbroadcast v0, $0x0;
	v11 =	vbroadcast v0, $0x3;
	[tilespmem:s6+$0xFFFFFEA0] =	vst v1  }
0x112: {  	v7 =	vbroadcast v0, $0x2;
	v8 =	vbroadcast v0, $0x1;
	v0 =	vld [tilespmem:$0x1FF10];
	_ =	sdelay $0x4  }
0x113: {  	[tilespmem:s6+$0xFFFFFEB0] =	vst v0  }
0x114: {  	v0 =	vld [tilespmem:$0x1FF20];
	_ =	sdelay $0x4  }
0x115: {  	[tilespmem:s6+$0xFFFFFEC0] =	vst v0  }
0x116: {  	v0 =	vld [tilespmem:$0x1FF30];
	_ =	sdelay $0x3  }
0x117: {  	[tilespmem:s7+$0x60] =	vst v6  }
0x118: {  	[tilespmem:s6+$0xFFFFFED0] =	vst v0  }
0x119: {  	v0 =	vld [tilespmem:$0x1FF40];
	_ =	sdelay $0x4  }
0x11a: {  	[tilespmem:s6+$0xFFFFFEE0] =	vst v0  }
0x11b: {  	v0 =	vld [tilespmem:$0x1FF50];
	_ =	sdelay $0x4  }
0x11c: {  	[tilespmem:s6+$0xFFFFFEF0] =	vst v0  }
0x11d: {  	v0 =	vld [tilespmem:$0x1FF60];
	_ =	sdelay $0x4  }
0x11e: {  	[tilespmem:s6+$0xFFFFFF00] =	vst v0  }
0x11f: {  	v0 =	vld [tilespmem:$0x1FF70];
	_ =	sdelay $0x4  }
0x120: {  	[tilespmem:s6+$0xFFFFFF10] =	vst v0  }
0x121: {  	v0 =	vld [tilespmem:$0x1FF80];
	_ =	sdelay $0x4  }
0x122: {  	[tilespmem:s6+$0xFFFFFF20] =	vst v0  }
0x123: {  	v4 =	vld [tilespmem:$0x1FFA0];
	_ =	sdelay $0x2  }
0x124: {  	v40 =	vbroadcast v24, $0x0;
	_ =	sdelay $0x1  }
0x125: {  	v46 =	vmul.f32 v40, v44;
	v40 =	vmul.f32 v61, v4;
	v4 =	vld [tilespmem:$0x1FFB0]  }
0x126: {  	v55 =	vld [tilespmem:s6+$0xD0]  }
0x127: {  	v58 =	vbroadcast v24, $0x3;
	v9 =	vld [tilespmem:s6+$0xE0]  }
0x128: {  	v36 =	vmul.f32 v22, v63;
	v22 =	vld [tilespmem:s6+$0xF0]  }
0x129: {  	v33 =	vmul.f32 v60, v57;
	v44 =	vmul.f32 v53, v58;
	v53 =	vld [tilespmem:s6+$0x1D0]  }
0x12a: {  	v60 =	vbroadcast v28, $0x2;
	v49 =	vbroadcast v24, $0x2;
	v0 =	vld [tilespmem:$0x1FF90];
	[tilespmem:s6+$0xFFFFFF30] =	vst v4  }
0x12b: {  	v19 =	vbroadcast v24, $0x1;
	v21 =	vbroadcast v28, $0x0;
	v4 =	vld [tilespmem:$0x1FFC0]  }
0x12c: {  	v47 =	vmul.f32 v49, v47;
	v49 =	vmul.f32 v60, v54;
	v54 =	vld [tilespmem:s6+$0x1E0]  }
0x12d: {  	v38 =	vmul.f32 v56, v10;
	v39 =	vmul.f32 v50, v15;
	v24 =	vld [tilespmem:s6+$0x100]  }
0x12e: {  	v23 =	vbroadcast v28, $0x1;
	v41 =	vmul.f32 v17, v42;
	v28 =	vld [tilespmem:s6+$0x110]  }
0x12f: {  	v42 =	vmul.f32 v43, v48;
	v43 =	vmul.f32 v19, v45;
	v50 =	vld [tilespmem:s6+$0x130]  }
0x130: {  	v45 =	vmul.f32 v23, v18;
	v23 =	vmul.f32 v4, v20;
	v4 =	vld [tilespmem:$0x1FFD0]  }
0x131: {  	v10 =	vbroadcast v14, $0x0;
	v15 =	vbroadcast v14, $0x3;
	v29 =	vld [tilespmem:s6+$0x120]  }
0x132: {  	v17 =	vbroadcast v6, $0x1;
	v18 =	vbroadcast v6, $0x3;
	v51 =	vld [tilespmem:s6+$0x140]  }
0x133: {  	v48 =	vmul.f32 v21, v16;
	v16 =	vbroadcast v6, $0x2;
	v52 =	vld [tilespmem:s6+$0x150]  }
0x134: {  	v12 =	vbroadcast v14, $0x2;
	v13 =	vbroadcast v14, $0x1;
	v56 =	vld [tilespmem:s6+$0x170]  }
0x135: {  	v14 =	vbroadcast v6, $0x0;
	v1 =	vld [tilespmem:s6+$0x160];
	v6 =	vbroadcast v0, $0x0;
	[tilespmem:s6+$0xFFFFFF40] =	vst v4  }
0x136: {  	v19 =	vbroadcast v0, $0x1;
	v21 =	vbroadcast v0, $0x2;
	v0 =	vld [tilespmem:$0x1FFE0]  }
0x137: {  	v57 =	vld [tilespmem:s6+$0x180]  }
0x138: {  	v58 =	vld [tilespmem:s6+$0x190]  }
0x139: {  	v59 =	vld [tilespmem:s6+$0x1A0]  }
0x13a: {  	v60 =	vld [tilespmem:s6+$0x1B0]  }
0x13b: {  	s30 =	simm.s32 $0x0;
	s18 =	simm.s32 $0x5580;
	s19 =	simm.s32 $0x7500;
	v61 =	vld [tilespmem:s6+$0x1C0];
	v20 =	vmul.f32 v0, v55  }
.LBB2_9:
0x13c: {  	v55 =	vld [tilespmem:s19+$0x70];
	s5 =	sadd.s32 $0x100, s5  }
0x13d: {  	[tilespmem:s6+$0xFFFFFF70] =	vst v25;
	v25 =	vld [tilespmem:s5+$0xFFFFFF90]  }
0x13e: {  	[tilespmem:s6+$0xFFFFFF60] =	vst v27;
	v0 =	vmul.f32 v22, v3;
	v3 =	vld [tilespmem:s5+$0x70]  }
0x13f: {  	[tilespmem:s6+$0xFFFFFF80] =	vst v33;
	v4 =	vmul.f32 v2, v9;
	v27 =	vmul.f32 v7, v29;
	v9 =	vld [tilespmem:s19+$0xFFFFFF90]  }
0x140: {  	[tilespmem:s6+$0xFFFFFFC0] =	vst v35;
	v29 =	vmul.f32 v50, v11;
	v11 =	vmul.f32 v12, v1;
	v1 =	vld [tilespmem:s19+$0xFFFFFFA0]  }
0x141: {  	[tilespmem:s6+$0xFFFFFFE0] =	vst v36;
	v22 =	vmul.f32 v5, v24;
	v62 =	vmul.f32 v56, v15;
	v15 =	vld [tilespmem:s5+$0xFFFFFFA0]  }
0x142: {  	[tilespmem:s6+$0xFFFFFF50] =	vst v26;
	v24 =	vmul.f32 v8, v28;
	v26 =	vmul.f32 v10, v51  }
0x143: {  	[tilespmem:s6+$0x0] =	vst v38;
	v10 =	vmul.f32 v14, v57;
	v7 =	vmul.f32 v16, v59;
	v16 =	vld [tilespmem:s19+$0xFFFFFFB0]  }
0x144: {  	[tilespmem:s6+$0x20] =	vst v41;
	v8 =	vmul.f32 v17, v58;
	v5 =	vmul.f32 v60, v18;
	v18 =	vld [tilespmem:s5+$0xFFFFFFB0]  }
0x145: {  	[tilespmem:s6+$0x40] =	vst v46;
	v14 =	vmul.f32 v19, v53;
	v53 =	vmul.f32 v21, v54;
	v21 =	vld [tilespmem:s5+$0xFFFFFFC0];
	v17 =	vadd.f32 v3, v55  }
0x146: {  	[tilespmem:s6+$0xFFFFFFA0] =	vst v34;
	v34 =	vmul.f32 v6, v61;
	v6 =	vadd.f32 v25, v9;
	v9 =	vld [tilespmem:s19+$0xFFFFFFC0];
	v1 =	vadd.f32 v15, v1  }
0x147: {  	[tilespmem:s6+$0xFFFFFF90] =	vst v30;
	v15 =	vld [tilespmem:s19+$0xFFFFFFD0];
	v19 =	vmul.f32 $2.000000030e-01, v17  }
0x148: {  	[tilespmem:s6+$0xFFFFFFB0] =	vst v31;
	v25 =	vld [tilespmem:s5+$0xFFFFFFD0];
	v30 =	vmul.f32 $2.000000030e-01, v1  }
0x149: {  	[tilespmem:s6+$0xFFFFFFD0] =	vst v32;
	v16 =	vadd.f32 v18, v16;
	v17 =	vmax.f32 v17, v19;
	v19 =	vmul.f32 $2.000000030e-01, v6  }
0x14a: {  	[tilespmem:s6+$0xFFFFFFF0] =	vst v37;
	v18 =	vld [tilespmem:s19+$0xFFFFFFE0];
	v1 =	vmax.f32 v1, v30;
	v17 =	vmul.f32 $1.442695020e+00, v17  }
0x14b: {  	[tilespmem:s6+$0x60] =	vst v47;
	v30 =	vld [tilespmem:s5+$0xFFFFFFF0];
	v9 =	vadd.f32 v21, v9;
	v6 =	vmax.f32 v6, v19;
	v19 =	vmul.f32 $2.000000030e-01, v16  }
0x14c: {  	[tilespmem:s6+$0x70] =	vst v44;
	v21 =	vld [tilespmem:s19+$0xFFFFFFF0];
	(erf) = vpow2.f32 v17;
	v6 =	vmul.f32 $1.442695020e+00, v6  }
0x14d: {  	[tilespmem:s6+$0x10] =	vst v39;
	v15 =	vadd.f32 v25, v15;
	v17 =	vld [tilespmem:s5+$0xFFFFFFE0];
	v16 =	vmax.f32 v16, v19;
	v19 =	vmul.f32 $2.000000030e-01, v9  }
0x14e: {  	[tilespmem:s6+$0x30] =	vst v42;
	(erf) = vpow2.f32 v6  }
0x14f: {  	[tilespmem:s6+$0x80] =	vst v48;
	v31 =	vld [tilespmem:s5+$0x0];
	v1 =	vmul.f32 $1.442695020e+00, v1;
	v6 =	vmax.f32 v9, v19;
	v9 =	vmul.f32 $2.000000030e-01, v15  }
0x150: {  	[tilespmem:s6+$0x90] =	vst v45;
	v25 =	vld [tilespmem:s19+$0x0]  }
0x151: {  	(erf) = vpow2.f32 v1;
	v1 =	vmax.f32 v15, v9;
	v15 =	vadd.f32 v30, v21;
	v21 =	vld [tilespmem:s19+$0x20];
	[tilespmem:s6+$0xA0] =	vst v49  }
0x152: {  	[tilespmem:s6+$0x50] =	vst v43;
	v16 =	vmul.f32 $1.442695020e+00, v16;
	v17 =	vadd.f32 v17, v18;
	v30 =	vld [tilespmem:s5+$0x20]  }
0x153: {  	v63 =	vld [tilespmem:s5+$0x10];
	v19 =	vmul.f32 $1.442695020e+00, v6  }
0x154: {  	(erf) = vpow2.f32 v16;
	v18 =	vld [tilespmem:s19+$0x10];
	v9 =	vmul.f32 $2.000000030e-01, v17  }
0x155: {  	v1 =	vmul.f32 $1.442695020e+00, v1;
	v6 =	vpop (erf);
	(erf) = vpow2.f32 v19  }
0x156: {  	v16 =	vmul.f32 $2.000000030e-01, v15;
	v9 =	vmax.f32 v17, v9;
	v17 =	vadd.f32 v31, v25;
	v25 =	vld [tilespmem:s19+$0x30];
	[tilespmem:s18+$0xC0] =	vst v23  }
0x157: {  	v19 =	vld [tilespmem:s5+$0x30];
	[tilespmem:s18+$0xD0] =	vst v20;
	(erf) = vpow2.f32 v1;
	v2 =	vadd.f32 v30, v21;
	v30 =	vpop (erf)  }
0x158: {  	v15 =	vmax.f32 v15, v16;
	v20 =	vld [tilespmem:s19+$0x40];
	[tilespmem:s18+$0xF0] =	vst v0;
	v16 =	vmul.f32 $2.000000030e-01, v17;
	v0 =	vbroadcast v30, $0x0  }
0x159: {  	v18 =	vadd.f32 v63, v18;
	v21 =	vld [tilespmem:s5+$0x40]  }
0x15a: {  	v9 =	vmul.f32 $1.442695020e+00, v9;
	[tilespmem:$0x1FB80] =	vst v0;
	v0 =	vmax.f32 v17, v16;
	v16 =	vld [tilespmem:s19+$0x50]  }
0x15b: {  	v15 =	vmul.f32 $1.442695020e+00, v15;
	v1 =	vmul.f32 $2.000000030e-01, v18;
	v17 =	vld [tilespmem:s5+$0x50]  }
0x15c: {  	s7 =	sadd.s32 $0x100, s7;
	[tilespmem:s6+$0xB0] =	vst v40;
	(erf) = vpow2.f32 v9;
	v23 =	vpop (erf);
	v0 =	vmul.f32 $1.442695020e+00, v0  }
0x15d: {  	s6 =	sadd.s32 $0x400, s6;
	[tilespmem:s7+$0xFFFFFF90] =	vst v30;
	v1 =	vmax.f32 v18, v1;
	v18 =	vpop (erf);
	(erf) = vpow2.f32 v15  }
0x15e: {  	v1 =	vmul.f32 $1.442695020e+00, v1;
	v20 =	vadd.f32 v21, v20;
	v21 =	vpop (erf);
	(erf) = vpow2.f32 v0;
	v0 =	vld [tilespmem:s6+$0xFFFFFE50]  }
0x15f: {  	v19 =	vadd.f32 v19, v25  }
0x160: {  	v9 =	vmul.f32 $2.000000030e-01, v2;
	v16 =	vadd.f32 v17, v16;
	v17 =	vpop (erf);
	(erf) = vpow2.f32 v1;
	v1 =	vld [tilespmem:s6+$0xFFFFFE70]  }
0x161: {  	v25 =	vmul.f32 $2.000000030e-01, v19  }
0x162: {  	[tilespmem:s7+$0x70] =	vst v6;
	v2 =	vmax.f32 v2, v9  }
0x163: {  	v2 =	vmul.f32 $1.442695020e+00, v2;
	[tilespmem:$0x1FBB0] =	vst v0;
	v0 =	vmax.f32 v19, v25;
	v19 =	vmul.f32 $2.000000030e-01, v20  }
0x164: {  	v28 =	vld [tilespmem:s5+$0xFFFFFF80];
	[tilespmem:s7+$0xFFFFFFA0] =	vst v23  }
0x165: {  	[tilespmem:$0x1FBE0] =	vst v1;
	v1 =	vmax.f32 v20, v19;
	v20 =	vpop (erf);
	(erf) = vpow2.f32 v2;
	v2 =	vld [tilespmem:s6+$0xFFFFFE90]  }
0x166: {  	v31 =	vld [tilespmem:s6+$0x1F0]  }
0x167: {  	[tilespmem:s18+$0x100] =	vst v22;
	v22 =	vld [tilespmem:s19+$0x60]  }
0x168: {  	v9 =	vld [tilespmem:s5+$0x60];
	v19 =	vmul.f32 $2.000000030e-01, v16  }
0x169: {  	v15 =	vld [tilespmem:s19+$0xFFFFFF80];
	v0 =	vmul.f32 $1.442695020e+00, v0  }
0x16a: {  	v3 =	vbroadcast v6, $0x3;
	v1 =	vmul.f32 $1.442695020e+00, v1;
	[tilespmem:$0x1FC20] =	vst v2;
	v2 =	vmax.f32 v16, v19  }
0x16b: {  	[tilespmem:s18+$0xE0] =	vst v4;
	(erf) = vpow2.f32 v0;
	v2 =	vmul.f32 $1.442695020e+00, v2  }
0x16c: {  	[tilespmem:s7+$0xFFFFFFB0] =	vst v18;
	v4 =	vmul.f32 v31, v3;
	v16 =	vpop (erf);
	(erf) = vpow2.f32 v1  }
0x16d: {  	v9 =	vadd.f32 v9, v22;
	v1 =	vld [tilespmem:s6+$0xFFFFFEC0];
	(erf) = vpow2.f32 v2;
	v2 =	vbroadcast v23, $0x0  }
0x16e: {  	[tilespmem:s6+$0x1F0] =	vst v4;
	v15 =	vadd.f32 v28, v15  }
0x16f: {  	v4 =	vmul.f32 $2.000000030e-01, v9;
	[tilespmem:$0x1FC10] =	vst v2;
	v2 =	vld [tilespmem:s6+$0xFFFFFED0]  }
0x170: {  	v0 =	vmul.f32 $2.000000030e-01, v15  }
0x171: {  	v9 =	vmax.f32 v9, v4  }
0x172: {  	v0 =	vmax.f32 v15, v0;
	[tilespmem:$0x1FC70] =	vst v1;
	v1 =	vmul.f32 $1.442695020e+00, v9  }
0x173: {  	v0 =	vmul.f32 $1.442695020e+00, v0  }
0x174: {  	[tilespmem:$0x1FC90] =	vst v2;
	v2 =	vpop (erf);
	(erf) = vpow2.f32 v1  }
0x175: {  	(erf) = vpow2.f32 v0;
	v0 =	vbroadcast v18, $0x0  }
0x176: {  	[tilespmem:s7+$0xFFFFFFC0] =	vst v21  }
0x177: {  	[tilespmem:$0x1FC80] =	vst v0;
	v0 =	vld [tilespmem:s6+$0xFFFFFF00]  }
0x178: {  	v3 =	vbroadcast v30, $0x1;
	_ =	sdelay $0x1  }
0x179: {  	[tilespmem:$0x1FBA0] =	vst v3;
	v3 =	vld [tilespmem:s6+$0xFFFFFE40];
	_ =	sdelay $0x1  }
0x17a: {  	[tilespmem:$0x1FCD0] =	vst v0;
	v0 =	vbroadcast v18, $0x2;
	_ =	sdelay $0x1  }
0x17b: {  	[tilespmem:$0x1FCB0] =	vst v0;
	v0 =	vld [tilespmem:s6+$0xFFFFFF10]  }
0x17c: {  	[tilespmem:$0x1FB90] =	vst v3;
	v3 =	vbroadcast v30, $0x2;
	_ =	sdelay $0x1  }
0x17d: {  	[tilespmem:$0x1FBC0] =	vst v3;
	v3 =	vld [tilespmem:s6+$0xFFFFFE60];
	_ =	sdelay $0x1  }
0x17e: {  	[tilespmem:$0x1FCF0] =	vst v0;
	v0 =	vbroadcast v21, $0x0;
	_ =	sdelay $0x1  }
0x17f: {  	[tilespmem:$0x1FCE0] =	vst v0;
	v0 =	vld [tilespmem:s6+$0xFFFFFF20]  }
0x180: {  	[tilespmem:$0x1FBD0] =	vst v3;
	v3 =	vld [tilespmem:s6+$0xFFFFFE80];
	_ =	sdelay $0x3  }
0x181: {  	[tilespmem:$0x1FD00] =	vst v0;
	v0 =	vbroadcast v21, $0x2  }
0x182: {  	[tilespmem:$0x1FC00] =	vst v3;
	v3 =	vld [tilespmem:s6+$0xFFFFFEA0]  }
0x183: {  	v13 =	vmul.f32 v13, v52;
	[tilespmem:$0x1FD10] =	vst v0;
	v0 =	vld [tilespmem:s6+$0xFFFFFF30];
	_ =	sdelay $0x1  }
0x184: {  	[tilespmem:s18+$0x150] =	vst v13  }
0x185: {  	[tilespmem:s7+$0xFFFFFFD0] =	vst v17  }
0x186: {  	[tilespmem:$0x1FC40] =	vst v3;
	v3 =	vbroadcast v30, $0x3  }
0x187: {  	[tilespmem:$0x1FD20] =	vst v0;
	v0 =	vbroadcast v17, $0x0  }
0x188: {  	[tilespmem:$0x1FBF0] =	vst v3;
	v3 =	vld [tilespmem:s6+$0xFFFFFEB0]  }
0x189: {  	[tilespmem:$0x1FD30] =	vst v0;
	v0 =	vld [tilespmem:s6+$0xFFFFFF40]  }
0x18a: {  	[tilespmem:s18+$0x160] =	vst v11;
	v1 =	vbroadcast v23, $0x2  }
0x18b: {  	[tilespmem:s18+$0x180] =	vst v10  }
0x18c: {  	v12 =	vpop (erf);
	[tilespmem:$0x1FC50] =	vst v1;
	v1 =	vld [tilespmem:s6+$0xFFFFFEF0]  }
0x18d: {  	v11 =	vpop (erf);
	[tilespmem:$0x1FC60] =	vst v3;
	v3 =	vbroadcast v23, $0x1  }
0x18e: {  	v10 =	vpop (erf);
	[tilespmem:$0x1FD40] =	vst v0;
	v0 =	vbroadcast v17, $0x2  }
0x18f: {  	v13 =	vpop (erf);
	[tilespmem:$0x1FC30] =	vst v3  }
0x190: {  	v15 =	vpop (erf);
	v3 =	vld [tilespmem:s6+$0xFFFFFEE0];
	[tilespmem:$0x1FD50] =	vst v0;
	v0 =	vbroadcast v20, $0x0  }
0x191: {  	v22 =	vbroadcast v18, $0x3;
	v9 =	vbroadcast v18, $0x1;
	[tilespmem:$0x1FCC0] =	vst v1;
	v18 =	vpop (erf)  }
0x192: {  	v1 =	vpop (erf);
	[tilespmem:$0x1FD60] =	vst v0;
	v0 =	vbroadcast v20, $0x2  }
0x193: {  	[tilespmem:s7+$0xFFFFFF80] =	vst v1  }
0x194: {  	v63 =	vbroadcast v1, $0x2;
	[tilespmem:$0x1FD70] =	vst v0;
	v0 =	vbroadcast v16, $0x0  }
0x195: {  	v4 =	vbroadcast v1, $0x3;
	[tilespmem:$0x1FCA0] =	vst v3;
	v3 =	vbroadcast v1, $0x1  }
0x196: {  	[tilespmem:$0x1FD80] =	vst v0;
	v0 =	vbroadcast v1, $0x0;
	v1 =	vbroadcast v16, $0x2;
	_ =	sdelay $0x1  }
0x197: {  	[tilespmem:$0x1FD90] =	vst v1;
	v1 =	vbroadcast v2, $0x0;
	_ =	sdelay $0x1  }
0x198: {  	[tilespmem:$0x1FDA0] =	vst v1;
	v1 =	vbroadcast v2, $0x2;
	_ =	sdelay $0x1  }
0x199: {  	[tilespmem:$0x1FDB0] =	vst v1;
	v1 =	vbroadcast v12, $0x0;
	_ =	sdelay $0x1  }
0x19a: {  	[tilespmem:$0x1FDC0] =	vst v1;
	v1 =	vbroadcast v12, $0x2;
	_ =	sdelay $0x1  }
0x19b: {  	[tilespmem:$0x1FDD0] =	vst v1;
	v1 =	vbroadcast v12, $0x3;
	_ =	sdelay $0x1  }
0x19c: {  	[tilespmem:$0x1FDE0] =	vst v1;
	v1 =	vbroadcast v11, $0x0;
	_ =	sdelay $0x1  }
0x19d: {  	[tilespmem:$0x1FDF0] =	vst v1;
	v1 =	vbroadcast v11, $0x1;
	_ =	sdelay $0x1  }
0x19e: {  	[tilespmem:$0x1FE10] =	vst v1;
	v1 =	vbroadcast v11, $0x2;
	_ =	sdelay $0x1  }
0x19f: {  	[tilespmem:$0x1FE20] =	vst v1;
	v1 =	vbroadcast v11, $0x3;
	_ =	sdelay $0x1  }
0x1a0: {  	[tilespmem:$0x1FE30] =	vst v1;
	v1 =	vbroadcast v10, $0x0;
	_ =	sdelay $0x1  }
0x1a1: {  	[tilespmem:$0x1FE60] =	vst v1;
	v1 =	vbroadcast v10, $0x1  }
0x1a2: {  	[tilespmem:s18+$0x170] =	vst v62  }
0x1a3: {  	v62 =	vld [tilespmem:s6+$0xFFFFFE00];
	[tilespmem:$0x1FE80] =	vst v1;
	v1 =	vbroadcast v10, $0x2;
	_ =	sdelay $0x1  }
0x1a4: {  	[tilespmem:$0x1FE40] =	vst v1;
	v1 =	vbroadcast v13, $0x0  }
0x1a5: {  	[tilespmem:s18+$0x190] =	vst v8  }
0x1a6: {  	[tilespmem:$0x1FE00] =	vst v1;
	v1 =	vbroadcast v13, $0x2  }
0x1a7: {  	[tilespmem:s18+$0x1A0] =	vst v7;
	v0 =	vmul.f32 v0, v62  }
0x1a8: {  	[tilespmem:$0x1FE50] =	vst v1;
	v1 =	vbroadcast v15, $0x0  }
0x1a9: {  	[tilespmem:s6+$0xFFFFFE00] =	vst v0;
	v0 =	vld [tilespmem:$0x1FB80]  }
0x1aa: {  	[tilespmem:$0x1FE70] =	vst v1;
	v1 =	vld [tilespmem:$0x1FB90]  }
0x1ab: {  	[tilespmem:s7+$0x60] =	vst v18  }
0x1ac: {  	v54 =	vbroadcast v6, $0x0;
	[tilespmem:s18+$0x1B0] =	vst v5;
	v5 =	vld [tilespmem:s6+$0xFFFFFE10]  }
0x1ad: {  	v40 =	vbroadcast v6, $0x1;
	[tilespmem:s18+$0x110] =	vst v24;
	v24 =	vbroadcast v21, $0x1  }
0x1ae: {  	v28 =	vbroadcast v21, $0x3;
	v21 =	vbroadcast v6, $0x2;
	v6 =	vld [tilespmem:$0x1FBB0]  }
0x1af: {  	v0 =	vmul.f32 v0, v1;
	v1 =	vld [tilespmem:$0x1FBA0];
	_ =	sdelay $0x1  }
0x1b0: {  	v3 =	vmul.f32 v3, v5;
	_ =	sdelay $0x1  }
0x1b1: {  	[tilespmem:s6+$0xFFFFFE10] =	vst v3;
	v3 =	vld [tilespmem:$0x1FBD0]  }
0x1b2: {  	v62 =	vmul.f32 v1, v6;
	v1 =	vld [tilespmem:$0x1FBC0];
	_ =	sdelay $0x1  }
0x1b3: {  	v7 =	vld [tilespmem:s6+$0xFFFFFE20];
	_ =	sdelay $0x1  }
0x1b4: {  	v6 =	vld [tilespmem:$0x1FBF0]  }
0x1b5: {  	v3 =	vmul.f32 v1, v3;
	v1 =	vld [tilespmem:$0x1FBE0];
	_ =	sdelay $0x1  }
0x1b6: {  	v7 =	vmul.f32 v63, v7;
	_ =	sdelay $0x1  }
0x1b7: {  	[tilespmem:s6+$0xFFFFFE20] =	vst v7;
	v7 =	vld [tilespmem:$0x1FC10]  }
0x1b8: {  	v1 =	vmul.f32 v1, v6;
	v6 =	vld [tilespmem:$0x1FC00];
	_ =	sdelay $0x1  }
0x1b9: {  	v8 =	vld [tilespmem:s6+$0xFFFFFE30];
	_ =	sdelay $0x1  }
0x1ba: {  	[tilespmem:s7+$0x20] =	vst v11;
	v11 =	vld [tilespmem:$0x1FC30]  }
0x1bb: {  	v7 =	vmul.f32 v7, v6;
	v6 =	vld [tilespmem:$0x1FC20];
	_ =	sdelay $0x1  }
0x1bc: {  	v4 =	vmul.f32 v8, v4;
	_ =	sdelay $0x1  }
0x1bd: {  	[tilespmem:s6+$0xFFFFFE30] =	vst v4;
	v4 =	vld [tilespmem:$0x1FC40]  }
0x1be: {  	[tilespmem:s18+$0x1D0] =	vst v14;
	v14 =	vmul.f32 v11, v6;
	v11 =	vld [tilespmem:$0x1FC50];
	_ =	sdelay $0x4  }
0x1bf: {  	v4 =	vmul.f32 v11, v4;
	v11 =	vld [tilespmem:$0x1FC60]  }
0x1c0: {  	[tilespmem:s18+$0x120] =	vst v27  }
0x1c1: {  	[tilespmem:s18+$0x140] =	vst v26;
	v26 =	vld [tilespmem:s6+$0xFFFFFF50]  }
0x1c2: {  	v27 =	vld [tilespmem:s6+$0xFFFFFF60];
	v19 =	vbroadcast v23, $0x3;
	[tilespmem:s7+$0x30] =	vst v10;
	v47 =	vbroadcast v10, $0x3  }
0x1c3: {  	v48 =	vbroadcast v15, $0x1;
	v49 =	vbroadcast v15, $0x2;
	[tilespmem:s6+$0xFFFFFE40] =	vst v0;
	v0 =	vld [tilespmem:$0x1FC70]  }
0x1c4: {  	[tilespmem:s7+$0x50] =	vst v15;
	v10 =	vbroadcast v15, $0x3;
	v15 =	vmul.f32 v11, v19;
	v11 =	vld [tilespmem:$0x1FC80]  }
0x1c5: {  	v25 =	vld [tilespmem:s6+$0xFFFFFF70];
	[tilespmem:s7+$0xFFFFFFE0] =	vst v20  }
0x1c6: {  	v33 =	vld [tilespmem:s6+$0xFFFFFF80]  }
0x1c7: {  	[tilespmem:s18+$0x1C0] =	vst v34;
	v34 =	vld [tilespmem:s6+$0xFFFFFFA0]  }
0x1c8: {  	v31 =	vld [tilespmem:s6+$0xFFFFFFB0];
	[tilespmem:s7+$0xFFFFFFF0] =	vst v16  }
0x1c9: {  	v35 =	vld [tilespmem:s6+$0xFFFFFFC0];
	v0 =	vmul.f32 v11, v0  }
0x1ca: {  	v32 =	vld [tilespmem:s6+$0xFFFFFFD0]  }
0x1cb: {  	[tilespmem:s6+$0xFFFFFEC0] =	vst v0;
	v0 =	vld [tilespmem:$0x1FD80]  }
0x1cc: {  	v36 =	vld [tilespmem:s6+$0xFFFFFFE0]  }
0x1cd: {  	v37 =	vld [tilespmem:s6+$0xFFFFFFF0]  }
0x1ce: {  	v30 =	vld [tilespmem:s6+$0xFFFFFF90];
	[tilespmem:s7+$0x0] =	vst v2  }
0x1cf: {  	v38 =	vld [tilespmem:s6+$0x0]  }
0x1d0: {  	v35 =	vmul.f32 v0, v35;
	v0 =	vld [tilespmem:$0x1FD90]  }
0x1d1: {  	v11 =	vld [tilespmem:$0x1FC90]  }
0x1d2: {  	v39 =	vld [tilespmem:s6+$0x10]  }
0x1d3: {  	v41 =	vld [tilespmem:s6+$0x20]  }
0x1d4: {  	[tilespmem:s7+$0x10] =	vst v12;
	v59 =	vbroadcast v12, $0x1;
	v12 =	vld [tilespmem:$0x1FCB0]  }
0x1d5: {  	[tilespmem:s18+$0x130] =	vst v29;
	v29 =	vbroadcast v17, $0x1;
	v36 =	vmul.f32 v0, v36;
	v0 =	vld [tilespmem:$0x1FDA0]  }
0x1d6: {  	v50 =	vbroadcast v17, $0x3;
	v17 =	vmul.f32 v9, v11;
	v11 =	vld [tilespmem:$0x1FCA0]  }
0x1d7: {  	v42 =	vld [tilespmem:s6+$0x30]  }
0x1d8: {  	v46 =	vld [tilespmem:s6+$0x40]  }
0x1d9: {  	v43 =	vld [tilespmem:s6+$0x50]  }
0x1da: {  	v38 =	vmul.f32 v0, v38;
	v0 =	vld [tilespmem:$0x1FDB0]  }
0x1db: {  	[tilespmem:s6+$0xFFFFFE50] =	vst v62;
	v62 =	vmul.f32 v12, v11;
	v11 =	vld [tilespmem:$0x1FCC0]  }
0x1dc: {  	v57 =	vbroadcast v2, $0x1;
	v58 =	vbroadcast v2, $0x3;
	v45 =	vld [tilespmem:s6+$0x60]  }
0x1dd: {  	[tilespmem:s18+$0x1E0] =	vst v53;
	v44 =	vld [tilespmem:s6+$0x70];
	v61 =	vbroadcast v13, $0x1;
	v53 =	vbroadcast v13, $0x3  }
0x1de: {  	v55 =	vbroadcast v18, $0x2;
	v23 =	vbroadcast v18, $0x3;
	[tilespmem:s6+$0xFFFFFE60] =	vst v3;
	v3 =	vld [tilespmem:$0x1FCD0]  }
0x1df: {  	v2 =	vbroadcast v18, $0x0;
	v41 =	vmul.f32 v0, v41;
	v0 =	vld [tilespmem:$0x1FDC0]  }
0x1e0: {  	[tilespmem:s7+$0x40] =	vst v13;
	v13 =	vbroadcast v18, $0x1;
	v18 =	vmul.f32 v11, v22;
	v11 =	vld [tilespmem:$0x1FCE0]  }
0x1e1: {  	v51 =	vbroadcast v20, $0x1;
	v26 =	vmul.f32 v29, v26;
	v29 =	vld [tilespmem:s6+$0x120]  }
0x1e2: {  	v25 =	vmul.f32 v25, v50;
	v50 =	vld [tilespmem:s6+$0x130]  }
0x1e3: {  	v52 =	vbroadcast v20, $0x3;
	v30 =	vmul.f32 v51, v30;
	v51 =	vld [tilespmem:s6+$0x140]  }
0x1e4: {  	v56 =	vbroadcast v16, $0x1;
	v46 =	vmul.f32 v0, v46;
	v0 =	vld [tilespmem:$0x1FDD0]  }
0x1e5: {  	v31 =	vmul.f32 v31, v52;
	v52 =	vld [tilespmem:s6+$0x150];
	v3 =	vmul.f32 v11, v3  }
0x1e6: {  	v32 =	vmul.f32 v56, v32;
	v56 =	vld [tilespmem:s6+$0x170]  }
0x1e7: {  	v39 =	vmul.f32 v57, v39;
	v57 =	vld [tilespmem:s6+$0x180]  }
0x1e8: {  	v11 =	vld [tilespmem:$0x1FCF0]  }
0x1e9: {  	[tilespmem:s6+$0xFFFFFF00] =	vst v3;
	v3 =	vmov v47;
	v47 =	vmul.f32 v0, v45;
	v0 =	vld [tilespmem:$0x1FDE0]  }
0x1ea: {  	v42 =	vmul.f32 v42, v58;
	v58 =	vld [tilespmem:s6+$0x190]  }
0x1eb: {  	v5 =	vld [tilespmem:s6+$0x80]  }
0x1ec: {  	[tilespmem:s6+$0xFFFFFE70] =	vst v1;
	v1 =	vld [tilespmem:$0x1FD00]  }
0x1ed: {  	v19 =	vmul.f32 v24, v11;
	v11 =	vld [tilespmem:$0x1FD10]  }
0x1ee: {  	v60 =	vbroadcast v16, $0x3;
	v44 =	vmul.f32 v44, v0;
	v0 =	vld [tilespmem:$0x1FDF0]  }
0x1ef: {  	v43 =	vmul.f32 v59, v43;
	v59 =	vld [tilespmem:s6+$0x1A0]  }
0x1f0: {  	v37 =	vmul.f32 v37, v60;
	v60 =	vld [tilespmem:s6+$0x1B0]  }
0x1f1: {  	v8 =	vld [tilespmem:s6+$0x90]  }
0x1f2: {  	v11 =	vmul.f32 v11, v1;
	v1 =	vld [tilespmem:$0x1FD20]  }
0x1f3: {  	[tilespmem:s6+$0xFFFFFED0] =	vst v17;
	v17 =	vmov v13;
	v13 =	vmov v48;
	v48 =	vmul.f32 v0, v5;
	v0 =	vld [tilespmem:$0x1FE10]  }
0x1f4: {  	v63 =	vld [tilespmem:s6+$0xA0]  }
0x1f5: {  	v20 =	vld [tilespmem:s6+$0xB0]  }
0x1f6: {  	[tilespmem:s6+$0xFFFFFE80] =	vst v7;
	v7 =	vld [tilespmem:$0x1FD40]  }
0x1f7: {  	v12 =	vmul.f32 v1, v28;
	v1 =	vld [tilespmem:$0x1FD30]  }
0x1f8: {  	v45 =	vmul.f32 v0, v8;
	v0 =	vld [tilespmem:$0x1FE20]  }
0x1f9: {  	v16 =	vld [tilespmem:s6+$0xD0]  }
0x1fa: {  	v6 =	vld [tilespmem:s6+$0xC0]  }
0x1fb: {  	[tilespmem:s6+$0xFFFFFE90] =	vst v14;
	v14 =	vmov v2;
	v2 =	vld [tilespmem:$0x1FE40]  }
0x1fc: {  	v7 =	vmul.f32 v1, v7;
	v1 =	vld [tilespmem:$0x1FD50]  }
0x1fd: {  	[tilespmem:s6+$0xFFFFFF30] =	vst v12;
	v12 =	vmov v49;
	v49 =	vmul.f32 v0, v63;
	v0 =	vld [tilespmem:$0x1FE30]  }
0x1fe: {  	[tilespmem:s6+$0xFFFFFEB0] =	vst v15;
	v15 =	vmov v10;
	v10 =	vld [tilespmem:$0x1FE70]  }
0x1ff: {  	v9 =	vld [tilespmem:s6+$0xE0]  }
0x200: {  	v22 =	vld [tilespmem:s6+$0xF0]  }
0x201: {  	v27 =	vmul.f32 v1, v27;
	v1 =	vld [tilespmem:$0x1FD60]  }
0x202: {  	[tilespmem:s6+$0xFFFFFF10] =	vst v19;
	v19 =	vmov v40;
	v40 =	vmul.f32 v20, v0;
	v0 =	vld [tilespmem:$0x1FE60]  }
0x203: {  	v24 =	vld [tilespmem:s6+$0x100]  }
0x204: {  	[tilespmem:s6+$0xFFFFFF20] =	vst v11;
	v11 =	vmov v53;
	v53 =	vld [tilespmem:s6+$0x1D0]  }
0x205: {  	v28 =	vld [tilespmem:s6+$0x110]  }
0x206: {  	s30 =	sadd.s32 $0x10, s30;
	v33 =	vmul.f32 v1, v33;
	v1 =	vld [tilespmem:$0x1FD70]  }
0x207: {  	p0 =	slt.u32 s30, $0x70;
	[tilespmem:s6+$0xFFFFFEF0] =	vst v18;
	v18 =	vmov v23;
	v23 =	vmul.f32 v0, v6;
	v0 =	vld [tilespmem:$0x1FE80]  }
.Ltmp3:
0x208: {  	v5 =	vld [tilespmem:$0x1FE00];
	(pc) =	sbr.rel @p0 .LBB2_9-.Ltmp3, $4  }
0x209: {  	[tilespmem:s6+$0xFFFFFF40] =	vst v7;
	v7 =	vld [tilespmem:$0x1FE50]  }
0x20a: {  	v8 =	vmov v61;
	v61 =	vld [tilespmem:s6+$0x1C0]  }
0x20b: {  	[tilespmem:s6+$0xFFFFFEA0] =	vst v4;
	v34 =	vmul.f32 v1, v34;
	v1 =	vld [tilespmem:s6+$0x160]  }
0x20c: {  	s19 =	sadd.s32 $0x100, s19;
	s18 =	smov.u32 s6;
	[tilespmem:s6+$0xFFFFFEE0] =	vst v62;
	v6 =	vmov v54;
	v54 =	vld [tilespmem:s6+$0x1E0];
	v20 =	vmul.f32 v0, v16;
	v16 =	vmov v55  }
0x20d: {  	[tilespmem:s6+$0xFFFFFF50] =	vst v26  }
0x20e: {  	[tilespmem:s6+$0xFFFFFF60] =	vst v27  }
0x20f: {  	[tilespmem:s6+$0xFFFFFF70] =	vst v25  }
0x210: {  	[tilespmem:s6+$0xFFFFFF80] =	vst v33  }
0x211: {  	[tilespmem:s6+$0xFFFFFF90] =	vst v30  }
0x212: {  	[tilespmem:s6+$0xFFFFFFA0] =	vst v34  }
0x213: {  	[tilespmem:s6+$0xFFFFFFB0] =	vst v31  }
0x214: {  	[tilespmem:s6+$0xFFFFFFC0] =	vst v35  }
0x215: {  	[tilespmem:s6+$0xFFFFFFD0] =	vst v32  }
0x216: {  	[tilespmem:s6+$0xFFFFFFE0] =	vst v36  }
0x217: {  	[tilespmem:s6+$0xFFFFFFF0] =	vst v37  }
0x218: {  	[tilespmem:s6+$0x0] =	vst v38  }
0x219: {  	[tilespmem:s6+$0x10] =	vst v39  }
0x21a: {  	[tilespmem:s6+$0x20] =	vst v41  }
0x21b: {  	[tilespmem:s6+$0x30] =	vst v42  }
0x21c: {  	[tilespmem:s6+$0x40] =	vst v46  }
0x21d: {  	[tilespmem:s6+$0x50] =	vst v43  }
0x21e: {  	[tilespmem:s6+$0x60] =	vst v47  }
0x21f: {  	[tilespmem:s6+$0x70] =	vst v44  }
0x220: {  	[tilespmem:s6+$0x80] =	vst v48  }
0x221: {  	[tilespmem:s6+$0x90] =	vst v45  }
0x222: {  	[tilespmem:s6+$0xA0] =	vst v49  }
0x223: {  	[tilespmem:s6+$0xB0] =	vst v40  }
0x224: {  	v0 =	vmul.f32 v2, v9;
	[tilespmem:s18+$0xC0] =	vst v23  }
0x225: {  	v46 =	vmul.f32 v22, v3;
	[tilespmem:s18+$0xD0] =	vst v20  }
0x226: {  	v47 =	vmul.f32 v5, v24;
	[tilespmem:s18+$0xE0] =	vst v0  }
0x227: {  	v48 =	vmul.f32 v8, v28;
	[tilespmem:s18+$0xF0] =	vst v46  }
0x228: {  	v50 =	vmul.f32 v50, v11;
	[tilespmem:s18+$0x100] =	vst v47  }
0x229: {  	v51 =	vmul.f32 v10, v51;
	[tilespmem:s18+$0x110] =	vst v48  }
0x22a: {  	v55 =	vmul.f32 v13, v52;
	[tilespmem:s18+$0x130] =	vst v50  }
0x22b: {  	v56 =	vmul.f32 v56, v15;
	[tilespmem:s18+$0x140] =	vst v51  }
0x22c: {  	v57 =	vmul.f32 v14, v57;
	[tilespmem:s18+$0x150] =	vst v55  }
0x22d: {  	v58 =	vmul.f32 v17, v58;
	[tilespmem:s18+$0x170] =	vst v56  }
0x22e: {  	v59 =	vmul.f32 v16, v59;
	[tilespmem:s18+$0x180] =	vst v57  }
0x22f: {  	v60 =	vmul.f32 v60, v18;
	[tilespmem:s18+$0x190] =	vst v58  }
0x230: {  	v62 =	vmul.f32 v19, v53;
	[tilespmem:s18+$0x1A0] =	vst v59  }
0x231: {  	v49 =	vmul.f32 v7, v29;
	[tilespmem:s18+$0x1B0] =	vst v60  }
0x232: {  	v61 =	vmul.f32 v6, v61;
	[tilespmem:s18+$0x1D0] =	vst v62  }
0x233: {  	[tilespmem:s18+$0x120] =	vst v49;
	v1 =	vmul.f32 v12, v1  }
0x234: {  	v63 =	vmul.f32 v21, v54;
	[tilespmem:s18+$0x1C0] =	vst v61  }
0x235: {  	[tilespmem:s18+$0x160] =	vst v1  }
0x236: {  	[tilespmem:s18+$0x1E0] =	vst v63  }
0x237: {  	[spmem:s11] =	stream.indirect.scatter.add.f32 [tilespmem:s4], [sflag:$0x4], $0x40, s20, s2, $0xb8;
	[tilespmem:$0x1B0A0] =	vst v63  }
0x238: {  	_ = 	snop  }
0x239: {  	[spmem:s12] =	stream.indirect.scatter.add.f32 [tilespmem:s21], [sflag:$0x5], $0x10, s20, s2, $0xb8;
	[tilespmem:$0x1B0A0] =	vst v63  }
0x23a: {  	_ =	swait.ge [sflag:s22], $0x2000  }
0x23b: {  	[sflag:s22] =	ssyncset.done $0x0  }
0x23c: {  	[sflag:s22] =	ssyncadd.s32 $0xFFFFE000  }
0x23d: {  	p0 =	seq.s32 s1, $0x51;
	_ =	swait.ge [sflag:s23], $0x800  }
.Ltmp4:
0x23e: {  	[sflag:s23] =	ssyncset.done $0x0;
	(pc) =	sbr.rel @p0 .LBB2_14-.Ltmp4, $4  }
0x23f: {  	[sflag:s23] =	ssyncadd.s32 $0xFFFFF800  }
0x240: {  	_ =	swait.ge [sflag:s24], $0x800  }
0x241: {  	[sflag:s24] =	ssyncset.done $0x0  }
0x242: {  	[sflag:s24] =	ssyncadd.s32 $0xFFFFF800  }
0x243: {  	_ =	swait.ge [sflag:s28], $0x2000;
	s6 =	sadd.s32 $0x100, s31  }
0x244: {  	[sflag:s28] =	ssyncset.done $0x0;
	v0 =	vmov s6  }
0x245: {  	[sflag:s28] =	ssyncadd.s32 $0xFFFFE000  }
0x246: {  	_ =	swait.ge [sflag:s29], $0x800  }
0x247: {  	[sflag:s29] =	ssyncset.done $0x0  }
0x248: {  	s5 =	simm.s32 $0x0;
	p0 =	por $0x1, $0x1;
	v5 =	vld [tilespmem:$0x1FFF0];
	[sflag:s29] =	ssyncadd.s32 $0xFFFFF800  }
.LBB2_12:
0x249: {  	v1 =	vld.idx.msk [tilespmem:v0+s5+$0x0 ss:$0x1], $0xffff;
	_ =	sdelay $0x1  }
0x24a: {  	v2 =	vld.idx.msk [tilespmem:v0+s5+$0x10 ss:$0x1], $0xffff;
	_ =	sdelay $0x2  }
0x24b: {  	v4 =	vld.idx.msk [tilespmem:v0+s5+$0x20 ss:$0x1], $0xffff;
	v3 =	vand.u32 $0x3FFF, v1;
	v1 =	vshra.s32 v1, $0xE  }
0x24c: {  	v3 =	vadd.s32 v5, v3;
	[tilespmem:s5+$0x5280] =	vst v1  }
0x24d: {  	v1 =	vadd.s32 v5, v1;
	[tilespmem:s5+$0x5200] =	vst v3;
	v3 =	vand.u32 $0x3FFF, v2  }
0x24e: {  	[tilespmem:s5+$0x5300] =	vst v1;
	v1 =	vadd.s32 v5, v3;
	v3 =	vld.idx.msk [tilespmem:v0+s5+$0x30 ss:$0x1], $0xffff  }
0x24f: {  	[tilespmem:s5+$0x5210] =	vst v1;
	v1 =	vshra.s32 v2, $0xE  }
0x250: {  	v2 =	vand.u32 $0x3FFF, v4;
	[tilespmem:s5+$0x5290] =	vst v1;
	v1 =	vadd.s32 v5, v1  }
0x251: {  	[tilespmem:s5+$0x5310] =	vst v1;
	v1 =	vadd.s32 v5, v2  }
0x252: {  	p1 =	por p0, p0;
	[tilespmem:s5+$0x5220] =	vst v1;
	v1 =	vshra.s32 v4, $0xE  }
.Ltmp5:
0x253: {  	[tilespmem:s5+$0x52A0] =	vst v1;
	v1 =	vadd.s32 v5, v1;
	v2 =	vand.u32 $0x3FFF, v3;
	(pc) =	sbr.rel @p1 .LBB2_12-.Ltmp5, $4  }
0x254: {  	[tilespmem:s5+$0x5320] =	vst v1;
	v1 =	vadd.s32 v5, v2  }
0x255: {  	[tilespmem:s5+$0x5230] =	vst v1;
	v1 =	vshra.s32 v3, $0xE  }
0x256: {  	[tilespmem:s5+$0x52B0] =	vst v1;
	v1 =	vadd.s32 v5, v1  }
0x257: {  	p0 =	por $0x0, $0x0;
	[tilespmem:s5+$0x5330] =	vst v1;
	s5 =	simm.s32 $0x40  }
0x258: {  	[tilespmem:s4], [sflag:$0x1] =	stream.indirect.gather [hbm4b:s15+s2], $0x40, s3, s2, $0xb8;
	[tilespmem:$0x1B0A0] =	vst v63  }
0x259: {  	s5 =	simm.s32 $0x7380  }
0x25a: {  	[tilespmem:s5], [sflag:$0x2] =	stream.indirect.gather [hbm4b:s16+s2], $0x10, s3, s2, $0xb8;
	[tilespmem:$0x1B0A0] =	vst v63  }
0x25b: {  	s31 =	simm.s32 $0x5300;
	s6 =	simm.s32 $0x7B80  }
0x25c: {  	[tilespmem:s6], [sflag:$0x3] =	stream.indirect.gather [hbm4b:s17+s2], $0x10, s31, s2, $0xb8;
	[tilespmem:$0x1B0A0] =	vst v63  }
.LBB2_14:
0x25d: {  	s6 =	simm.s32 $0xAD80  }
0x25e: {  	s5 =	simm.s32 $0xB580;
	v0 =	vld [tilespmem:s6+$0x70]  }
0x25f: {  	v1 =	vld [tilespmem:s5+$0x70]  }
0x260: {  	v3 =	vld [tilespmem:s5+$0xFFFFFF80]  }
0x261: {  	v2 =	vld [tilespmem:s6+$0xFFFFFF90]  }
0x262: {  	v4 =	vld [tilespmem:s5+$0xFFFFFF90]  }
0x263: {  	v5 =	vld [tilespmem:s6+$0xFFFFFFA0]  }
0x264: {  	v6 =	vld [tilespmem:s5+$0xFFFFFFA0]  }
0x265: {  	v7 =	vld [tilespmem:s6+$0xFFFFFFB0]  }
0x266: {  	v8 =	vld [tilespmem:s5+$0xFFFFFFB0]  }
0x267: {  	v9 =	vld [tilespmem:s5+$0xFFFFFFC0]  }
0x268: {  	v11 =	vld [tilespmem:s6+$0xFFFFFFD0]  }
0x269: {  	v12 =	vld [tilespmem:s5+$0xFFFFFFE0];
	v0 =	vadd.f32 v1, v0  }
0x26a: {  	v1 =	vld [tilespmem:s6+$0xFFFFFFC0];
	v5 =	vadd.f32 v6, v5  }
0x26b: {  	v2 =	vadd.f32 v4, v2;
	v4 =	vld [tilespmem:s5+$0xFFFFFFD0];
	v10 =	vmul.f32 $2.000000030e-01, v0  }
0x26c: {  	v6 =	vld [tilespmem:s6+$0xFFFFFFE0];
	v13 =	vmul.f32 $2.000000030e-01, v5  }
0x26d: {  	v7 =	vadd.f32 v8, v7;
	v8 =	vld [tilespmem:s6+$0xFFFFFFF0];
	v0 =	vmax.f32 v0, v10  }
0x26e: {  	v10 =	vmul.f32 $2.000000030e-01, v2;
	v5 =	vmax.f32 v5, v13;
	v13 =	vld [tilespmem:s5+$0x0];
	v0 =	vmul.f32 $1.442695020e+00, v0  }
0x26f: {  	v1 =	vadd.f32 v9, v1;
	v9 =	vld [tilespmem:s6+$0x0]  }
0x270: {  	(erf) = vpow2.f32 v0;
	v0 =	vmax.f32 v2, v10;
	v2 =	vld [tilespmem:s5+$0xFFFFFFF0];
	v10 =	vmul.f32 $2.000000030e-01, v7  }
0x271: {  	v5 =	vmul.f32 $1.442695020e+00, v5;
	v4 =	vadd.f32 v4, v11;
	v11 =	vld [tilespmem:s6+$0x10];
	v0 =	vmul.f32 $1.442695020e+00, v0  }
0x272: {  	v6 =	vadd.f32 v12, v6;
	v12 =	vld [tilespmem:s6+$0x20];
	v7 =	vmax.f32 v7, v10;
	v10 =	vmul.f32 $2.000000030e-01, v1  }
0x273: {  	v7 =	vmul.f32 $1.442695020e+00, v7;
	(erf) = vpow2.f32 v0;
	v0 =	vld [tilespmem:s5+$0x10]  }
0x274: {  	v1 =	vmax.f32 v1, v10;
	v10 =	vmul.f32 $2.000000030e-01, v4;
	(erf) = vpow2.f32 v5;
	v5 =	vld [tilespmem:s5+$0x20]  }
0x275: {  	v1 =	vmul.f32 $1.442695020e+00, v1;
	v2 =	vadd.f32 v2, v8;
	v8 =	vld [tilespmem:s6+$0x30]  }
0x276: {  	(erf) = vpow2.f32 v7;
	v7 =	vld [tilespmem:s5+$0x30];
	v4 =	vmax.f32 v4, v10;
	v10 =	vmul.f32 $2.000000030e-01, v6  }
0x277: {  	v14 =	vld [tilespmem:s5+$0x50];
	v9 =	vadd.f32 v13, v9;
	v4 =	vmul.f32 $1.442695020e+00, v4;
	(erf) = vpow2.f32 v1  }
0x278: {  	v13 =	vld [tilespmem:s6+$0x40];
	v6 =	vmax.f32 v6, v10;
	v10 =	vmul.f32 $2.000000030e-01, v2;
	v0 =	vadd.f32 v0, v11  }
0x279: {  	v1 =	vld [tilespmem:s5+$0x40];
	v6 =	vmul.f32 $1.442695020e+00, v6;
	v5 =	vadd.f32 v5, v12;
	(erf) = vpow2.f32 v4  }
0x27a: {  	v11 =	vld [tilespmem:s6+$0x50];
	v2 =	vmax.f32 v2, v10;
	v10 =	vmul.f32 $2.000000030e-01, v9;
	v12 =	vmul.f32 $2.000000030e-01, v0  }
0x27b: {  	v2 =	vmul.f32 $1.442695020e+00, v2;
	(erf) = vpow2.f32 v6;
	v6 =	vadd.f32 v7, v8;
	v7 =	vld [tilespmem:s5+$0x60]  }
0x27c: {  	v8 =	vld [tilespmem:s6+$0xFFFFFF80];
	v4 =	vmax.f32 v9, v10;
	v9 =	vmul.f32 $2.000000030e-01, v5  }
0x27d: {  	v10 =	vld [tilespmem:s6+$0x60];
	v0 =	vmax.f32 v0, v12;
	(erf) = vpow2.f32 v2;
	v2 =	vmul.f32 $2.000000030e-01, v6  }
0x27e: {  	v1 =	vadd.f32 v1, v13;
	v4 =	vmul.f32 $1.442695020e+00, v4;
	v5 =	vmax.f32 v5, v9  }
0x27f: {  	v0 =	vmul.f32 $1.442695020e+00, v0;
	v9 =	vadd.f32 v14, v11;
	v5 =	vmul.f32 $1.442695020e+00, v5  }
0x280: {  	(erf) = vpow2.f32 v4;
	v4 =	vmax.f32 v6, v2;
	v6 =	vmul.f32 $2.000000030e-01, v1  }
0x281: {  	s7 =	simm.s32 $0xBD80;
	v4 =	vmul.f32 $1.442695020e+00, v4;
	v3 =	vadd.f32 v3, v8;
	v2 =	vpop (erf);
	(erf) = vpow2.f32 v0  }
0x282: {  	v0 =	vadd.f32 v7, v10;
	v1 =	vmax.f32 v1, v6;
	v6 =	vmul.f32 $2.000000030e-01, v9;
	[tilespmem:s7+$0x70] =	vst v2  }
0x283: {  	s6 =	simm.s32 $0x8F00;
	v7 =	vpop (erf);
	v1 =	vmul.f32 $1.442695020e+00, v1;
	(erf) = vpow2.f32 v5;
	[tilespmem:$0x1FB20] =	vst v2  }
0x284: {  	v10 =	vmul.f32 $2.000000030e-01, v0;
	v5 =	vmax.f32 v9, v6;
	v6 =	vmul.f32 $2.000000030e-01, v3;
	v8 =	vld [tilespmem:s6+$0x1F0];
	[tilespmem:s7+$0xFFFFFF90] =	vst v7  }
0x285: {  	v9 =	vpop (erf);
	(erf) = vpow2.f32 v4;
	v4 =	vmul.f32 $1.442695020e+00, v5;
	v11 =	vld [tilespmem:s6+$0xFFFFFE40]  }
0x286: {  	v12 =	vld [tilespmem:s6+$0xFFFFFE50];
	v0 =	vmax.f32 v0, v10  }
0x287: {  	v19 =	vld [tilespmem:s6+$0xFFFFFE60];
	v5 =	vpop (erf);
	(erf) = vpow2.f32 v1;
	v1 =	vmax.f32 v3, v6;
	v0 =	vmul.f32 $1.442695020e+00, v0  }
0x288: {  	[tilespmem:s7+$0xFFFFFFA0] =	vst v9;
	v13 =	vld [tilespmem:s6+$0xFFFFFE70];
	v3 =	vpop (erf);
	(erf) = vpow2.f32 v4;
	v1 =	vmul.f32 $1.442695020e+00, v1  }
0x289: {  	v15 =	vld [tilespmem:s6+$0xFFFFFE80];
	v4 =	vpop (erf);
	(erf) = vpow2.f32 v0  }
0x28a: {  	v17 =	vld [tilespmem:s6+$0xFFFFFE90];
	v16 =	vpop (erf);
	(erf) = vpow2.f32 v1  }
0x28b: {  	v10 =	vld [tilespmem:s6+$0xFFFFFEB0];
	v18 =	vpop (erf)  }
0x28c: {  	[tilespmem:s7+$0xFFFFFFB0] =	vst v5;
	v0 =	vbroadcast v2, $0x3;
	v2 =	vld [tilespmem:s6+$0xFFFFFEA0];
	v20 =	vpop (erf)  }
0x28d: {  	v21 =	vld [tilespmem:s6+$0xFFFFFED0];
	v24 =	vpop (erf)  }
0x28e: {  	v30 =	vld [tilespmem:s6+$0xFFFFFEE0];
	v28 =	vpop (erf)  }
0x28f: {  	[tilespmem:s7+$0xFFFFFFC0] =	vst v3;
	v33 =	vld [tilespmem:s6+$0xFFFFFEF0];
	v1 =	vpop (erf)  }
0x290: {  	v35 =	vld [tilespmem:s6+$0xFFFFFF00];
	v23 =	vmul.f32 v8, v0;
	v0 =	vpop (erf)  }
0x291: {  	v38 =	vld [tilespmem:s6+$0xFFFFFF10];
	v14 =	vpop (erf)  }
0x292: {  	v40 =	vld [tilespmem:s6+$0xFFFFFF20];
	v6 =	vpop (erf)  }
0x293: {  	v44 =	vld [tilespmem:s6+$0xFFFFFF30];
	v41 =	vpop (erf)  }
0x294: {  	v48 =	vbroadcast v4, $0x3;
	v8 =	vld [tilespmem:s6+$0xFFFFFEC0];
	[tilespmem:s7+$0xFFFFFF80] =	vst v41  }
0x295: {  	v46 =	vld [tilespmem:s6+$0xFFFFFE00]  }
0x296: {  	v45 =	vbroadcast v4, $0x0;
	v47 =	vbroadcast v4, $0x1;
	v49 =	vld [tilespmem:s6+$0xFFFFFE10];
	[tilespmem:$0x1FA20] =	vst v48  }
0x297: {  	v27 =	vbroadcast v4, $0x2;
	[tilespmem:s7+$0xFFFFFFD0] =	vst v4;
	v4 =	vbroadcast v16, $0x1  }
0x298: {  	v22 =	vbroadcast v7, $0x0  }
0x299: {  	v25 =	vbroadcast v7, $0x1;
	v52 =	vld [tilespmem:s6+$0xFFFFFE20];
	[tilespmem:$0x1FA30] =	vst v4;
	v4 =	vbroadcast v16, $0x2  }
0x29a: {  	v26 =	vbroadcast v7, $0x2;
	v7 =	vbroadcast v7, $0x3;
	v54 =	vld [tilespmem:s6+$0xFFFFFE30]  }
0x29b: {  	v53 =	vbroadcast v41, $0x0;
	v55 =	vld [tilespmem:s6+$0xFFFFFF40];
	[tilespmem:$0x1FA40] =	vst v4;
	v4 =	vbroadcast v16, $0x3  }
0x29c: {  	v60 =	vbroadcast v16, $0x0;
	v57 =	vbroadcast v41, $0x1;
	v58 =	vld [tilespmem:s6+$0xFFFFFF50]  }
0x29d: {  	v46 =	vmul.f32 v53, v46;
	v53 =	vld [tilespmem:s6+$0xFFFFFF60];
	[tilespmem:$0x1FA50] =	vst v4;
	v4 =	vbroadcast v18, $0x0  }
0x29e: {  	v59 =	vbroadcast v41, $0x2;
	v41 =	vbroadcast v41, $0x3;
	[tilespmem:s7+$0xFFFFFFE0] =	vst v16;
	v16 =	vld [tilespmem:s6+$0xFFFFFF70]  }
0x29f: {  	v49 =	vmul.f32 v57, v49;
	v57 =	vld [tilespmem:s6+$0xFFFFFF80];
	[tilespmem:$0x1FA60] =	vst v4;
	v4 =	vbroadcast v18, $0x1  }
0x2a0: {  	v29 =	vbroadcast v9, $0x0;
	v32 =	vbroadcast v9, $0x2  }
0x2a1: {  	v11 =	vmul.f32 v22, v11;
	v41 =	vmul.f32 v54, v41;
	v54 =	vld [tilespmem:s6+$0xFFFFFF90];
	[tilespmem:$0x1FA70] =	vst v4  }
0x2a2: {  	v22 =	vbroadcast v18, $0x2;
	[tilespmem:s7+$0xFFFFFFF0] =	vst v18;
	v18 =	vbroadcast v18, $0x3  }
0x2a3: {  	v31 =	vbroadcast v9, $0x1;
	v9 =	vbroadcast v9, $0x3;
	v61 =	vld [tilespmem:s6+$0xFFFFFFA0]  }
0x2a4: {  	v7 =	vmul.f32 v13, v7;
	v2 =	vmul.f32 v32, v2;
	v13 =	vld [tilespmem:s6+$0xFFFFFFB0];
	[tilespmem:$0x1FA80] =	vst v18  }
0x2a5: {  	v51 =	vmul.f32 v29, v15;
	v29 =	vld [tilespmem:s6+$0xFFFFFFC0]  }
0x2a6: {  	v34 =	vbroadcast v5, $0x0;
	v62 =	vld [tilespmem:s6+$0xFFFFFFD0];
	[tilespmem:$0x1FA90] =	vst v2;
	v2 =	vmul.f32 v10, v9;
	_ =	sdelay $0x1  }
0x2a7: {  	v36 =	vbroadcast v5, $0x1;
	[tilespmem:$0x1FAA0] =	vst v2;
	v2 =	vmul.f32 v34, v8  }
0x2a8: {  	[tilespmem:s7+$0x0] =	vst v20  }
0x2a9: {  	v37 =	vbroadcast v5, $0x2;
	v63 =	vld [tilespmem:s6+$0xFFFFFFE0];
	[tilespmem:$0x1FAB0] =	vst v2;
	v2 =	vmul.f32 v36, v21;
	_ =	sdelay $0x1  }
0x2aa: {  	v5 =	vbroadcast v5, $0x3;
	v8 =	vld [tilespmem:s6+$0xFFFFFFF0];
	[tilespmem:$0x1FAC0] =	vst v2;
	v2 =	vmul.f32 v37, v30;
	_ =	sdelay $0x1  }
0x2ab: {  	v39 =	vbroadcast v3, $0x0;
	[tilespmem:$0x1FAD0] =	vst v2;
	v2 =	vmul.f32 v33, v5;
	_ =	sdelay $0x1  }
0x2ac: {  	v42 =	vbroadcast v3, $0x1;
	v10 =	vld [tilespmem:s6+$0x0];
	[tilespmem:$0x1FAE0] =	vst v2;
	v2 =	vmul.f32 v39, v35;
	_ =	sdelay $0x1  }
0x2ad: {  	v43 =	vbroadcast v3, $0x2;
	v15 =	vld [tilespmem:s6+$0x10];
	[tilespmem:$0x1FAF0] =	vst v2;
	v2 =	vmul.f32 v42, v38;
	_ =	sdelay $0x1  }
0x2ae: {  	v3 =	vbroadcast v3, $0x3;
	[tilespmem:$0x1FB00] =	vst v2;
	v2 =	vmul.f32 v43, v40  }
0x2af: {  	[tilespmem:s7+$0x10] =	vst v24  }
0x2b0: {  	v42 =	vld [tilespmem:s6+$0x20];
	[tilespmem:$0x1FB10] =	vst v2;
	v2 =	vmul.f32 v44, v3  }
0x2b1: {  	[tilespmem:s6+$0x1F0] =	vst v23  }
0x2b2: {  	v43 =	vld [tilespmem:s6+$0x30];
	[tilespmem:$0x1FB40] =	vst v2;
	v2 =	vmul.f32 v45, v55  }
0x2b3: {  	[tilespmem:s6+$0xFFFFFE00] =	vst v46  }
0x2b4: {  	v44 =	vld [tilespmem:s6+$0x40];
	[tilespmem:$0x1FB60] =	vst v2  }
0x2b5: {  	v52 =	vmul.f32 v59, v52;
	[tilespmem:s6+$0xFFFFFE10] =	vst v49  }
0x2b6: {  	[tilespmem:s7+$0x20] =	vst v28  }
0x2b7: {  	[tilespmem:s6+$0xFFFFFE20] =	vst v52  }
0x2b8: {  	v2 =	vld [tilespmem:$0x1FA20];
	_ =	sdelay $0x2  }
0x2b9: {  	[tilespmem:s6+$0xFFFFFE30] =	vst v41  }
0x2ba: {  	[tilespmem:s6+$0xFFFFFE40] =	vst v11  }
0x2bb: {  	v12 =	vmul.f32 v25, v12;
	v25 =	vmul.f32 v16, v2;
	v2 =	vld [tilespmem:$0x1FA30]  }
0x2bc: {  	v45 =	vld [tilespmem:s6+$0x50]  }
0x2bd: {  	v4 =	vmul.f32 v26, v19;
	v26 =	vmul.f32 v47, v58;
	v47 =	vld [tilespmem:s6+$0x60]  }
0x2be: {  	v27 =	vmul.f32 v27, v53;
	v53 =	vld [tilespmem:s6+$0x70]  }
0x2bf: {  	v18 =	vld [tilespmem:s6+$0x90]  }
0x2c0: {  	v16 =	vld [tilespmem:s6+$0x80];
	v30 =	vmul.f32 v2, v54;
	v2 =	vbroadcast v28, $0x3  }
0x2c1: {  	[tilespmem:s7+$0x30] =	vst v1;
	v54 =	vld [tilespmem:s6+$0xA0]  }
0x2c2: {  	[tilespmem:$0x1FB30] =	vst v2;
	v2 =	vld [tilespmem:$0x1FA40];
	_ =	sdelay $0x4  }
0x2c3: {  	v34 =	vmul.f32 v2, v61;
	v2 =	vbroadcast v1, $0x0  }
0x2c4: {  	[tilespmem:s6+$0xFFFFFE50] =	vst v12;
	v61 =	vld [tilespmem:s6+$0xB0]  }
0x2c5: {  	[tilespmem:$0x1FB50] =	vst v2;
	v2 =	vld [tilespmem:$0x1FA50];
	_ =	sdelay $0x3  }
0x2c6: {  	v59 =	vmul.f32 v31, v17  }
0x2c7: {  	v31 =	vmul.f32 v13, v2;
	v2 =	vbroadcast v1, $0x1  }
0x2c8: {  	v56 =	vbroadcast v20, $0x0;
	v50 =	vbroadcast v20, $0x1;
	[tilespmem:s6+$0xFFFFFE60] =	vst v4  }
0x2c9: {  	v48 =	vbroadcast v20, $0x3;
	v17 =	vbroadcast v20, $0x2;
	v20 =	vld [tilespmem:s6+$0xC0];
	[tilespmem:$0x1FB70] =	vst v2  }
0x2ca: {  	v2 =	vld [tilespmem:$0x1FA60];
	[tilespmem:s6+$0xFFFFFE70] =	vst v7  }
0x2cb: {  	v3 =	vld [tilespmem:$0x1FA70];
	_ =	sdelay $0x2  }
0x2cc: {  	[tilespmem:s7+$0x40] =	vst v0  }
0x2cd: {  	[tilespmem:s6+$0xFFFFFE80] =	vst v51;
	v35 =	vmul.f32 v2, v29;
	v2 =	vbroadcast v1, $0x2  }
0x2ce: {  	v32 =	vmul.f32 v3, v62;
	v3 =	vbroadcast v1, $0x3;
	v1 =	vld [tilespmem:$0x1FA80];
	_ =	sdelay $0x3  }
0x2cf: {  	[tilespmem:s6+$0xFFFFFE90] =	vst v59  }
0x2d0: {  	v37 =	vmul.f32 v8, v1;
	v1 =	vld [tilespmem:$0x1FA90];
	_ =	sdelay $0x3  }
0x2d1: {  	[tilespmem:s7+$0x50] =	vst v14  }
0x2d2: {  	v5 =	vbroadcast v0, $0x0;
	v11 =	vbroadcast v0, $0x3;
	[tilespmem:s6+$0xFFFFFEA0] =	vst v1  }
0x2d3: {  	v7 =	vbroadcast v0, $0x2;
	v8 =	vbroadcast v0, $0x1;
	v0 =	vld [tilespmem:$0x1FAA0];
	_ =	sdelay $0x4  }
0x2d4: {  	[tilespmem:s6+$0xFFFFFEB0] =	vst v0  }
0x2d5: {  	v0 =	vld [tilespmem:$0x1FAB0];
	_ =	sdelay $0x4  }
0x2d6: {  	[tilespmem:s6+$0xFFFFFEC0] =	vst v0  }
0x2d7: {  	v0 =	vld [tilespmem:$0x1FAC0];
	_ =	sdelay $0x3  }
0x2d8: {  	[tilespmem:s7+$0x60] =	vst v6  }
0x2d9: {  	[tilespmem:s6+$0xFFFFFED0] =	vst v0  }
0x2da: {  	v0 =	vld [tilespmem:$0x1FAD0];
	_ =	sdelay $0x4  }
0x2db: {  	[tilespmem:s6+$0xFFFFFEE0] =	vst v0  }
0x2dc: {  	v0 =	vld [tilespmem:$0x1FAE0];
	_ =	sdelay $0x4  }
0x2dd: {  	[tilespmem:s6+$0xFFFFFEF0] =	vst v0  }
0x2de: {  	v0 =	vld [tilespmem:$0x1FAF0];
	_ =	sdelay $0x4  }
0x2df: {  	[tilespmem:s6+$0xFFFFFF00] =	vst v0  }
0x2e0: {  	v0 =	vld [tilespmem:$0x1FB00];
	_ =	sdelay $0x4  }
0x2e1: {  	[tilespmem:s6+$0xFFFFFF10] =	vst v0  }
0x2e2: {  	v0 =	vld [tilespmem:$0x1FB10];
	_ =	sdelay $0x4  }
0x2e3: {  	[tilespmem:s6+$0xFFFFFF20] =	vst v0  }
0x2e4: {  	v4 =	vld [tilespmem:$0x1FB30];
	_ =	sdelay $0x2  }
0x2e5: {  	v40 =	vbroadcast v24, $0x0;
	_ =	sdelay $0x1  }
0x2e6: {  	v46 =	vmul.f32 v40, v44;
	v40 =	vmul.f32 v61, v4;
	v4 =	vld [tilespmem:$0x1FB40]  }
0x2e7: {  	v55 =	vld [tilespmem:s6+$0xD0]  }
0x2e8: {  	v58 =	vbroadcast v24, $0x3;
	v9 =	vld [tilespmem:s6+$0xE0]  }
0x2e9: {  	v36 =	vmul.f32 v22, v63;
	v22 =	vld [tilespmem:s6+$0xF0]  }
0x2ea: {  	v33 =	vmul.f32 v60, v57;
	v44 =	vmul.f32 v53, v58;
	v53 =	vld [tilespmem:s6+$0x1D0]  }
0x2eb: {  	v60 =	vbroadcast v28, $0x2;
	v49 =	vbroadcast v24, $0x2;
	v0 =	vld [tilespmem:$0x1FB20];
	[tilespmem:s6+$0xFFFFFF30] =	vst v4  }
0x2ec: {  	v19 =	vbroadcast v24, $0x1;
	v21 =	vbroadcast v28, $0x0;
	v4 =	vld [tilespmem:$0x1FB50]  }
0x2ed: {  	v47 =	vmul.f32 v49, v47;
	v49 =	vmul.f32 v60, v54;
	v54 =	vld [tilespmem:s6+$0x1E0]  }
0x2ee: {  	v38 =	vmul.f32 v56, v10;
	v39 =	vmul.f32 v50, v15;
	v24 =	vld [tilespmem:s6+$0x100]  }
0x2ef: {  	v23 =	vbroadcast v28, $0x1;
	v41 =	vmul.f32 v17, v42;
	v28 =	vld [tilespmem:s6+$0x110]  }
0x2f0: {  	v42 =	vmul.f32 v43, v48;
	v43 =	vmul.f32 v19, v45;
	v50 =	vld [tilespmem:s6+$0x130]  }
0x2f1: {  	v45 =	vmul.f32 v23, v18;
	v23 =	vmul.f32 v4, v20;
	v4 =	vld [tilespmem:$0x1FB60]  }
0x2f2: {  	v10 =	vbroadcast v14, $0x0;
	v15 =	vbroadcast v14, $0x3;
	v29 =	vld [tilespmem:s6+$0x120]  }
0x2f3: {  	v17 =	vbroadcast v6, $0x1;
	v18 =	vbroadcast v6, $0x3;
	v51 =	vld [tilespmem:s6+$0x140]  }
0x2f4: {  	v48 =	vmul.f32 v21, v16;
	v16 =	vbroadcast v6, $0x2;
	v52 =	vld [tilespmem:s6+$0x150]  }
0x2f5: {  	v12 =	vbroadcast v14, $0x2;
	v13 =	vbroadcast v14, $0x1;
	v56 =	vld [tilespmem:s6+$0x170]  }
0x2f6: {  	v14 =	vbroadcast v6, $0x0;
	v1 =	vld [tilespmem:s6+$0x160];
	v6 =	vbroadcast v0, $0x0;
	[tilespmem:s6+$0xFFFFFF40] =	vst v4  }
0x2f7: {  	v19 =	vbroadcast v0, $0x1;
	v21 =	vbroadcast v0, $0x2;
	v0 =	vld [tilespmem:$0x1FB70]  }
0x2f8: {  	v57 =	vld [tilespmem:s6+$0x180]  }
0x2f9: {  	v58 =	vld [tilespmem:s6+$0x190]  }
0x2fa: {  	v59 =	vld [tilespmem:s6+$0x1A0]  }
0x2fb: {  	v60 =	vld [tilespmem:s6+$0x1B0]  }
0x2fc: {  	s30 =	simm.s32 $0x0;
	s19 =	simm.s32 $0xAE80;
	s18 =	simm.s32 $0x8F00;
	v61 =	vld [tilespmem:s6+$0x1C0];
	v20 =	vmul.f32 v0, v55  }
.LBB2_15:
0x2fd: {  	v55 =	vld [tilespmem:s19+$0x70];
	s5 =	sadd.s32 $0x100, s5  }
0x2fe: {  	[tilespmem:s6+$0xFFFFFF70] =	vst v25;
	v25 =	vld [tilespmem:s5+$0xFFFFFF90]  }
0x2ff: {  	[tilespmem:s6+$0xFFFFFF60] =	vst v27;
	v0 =	vmul.f32 v22, v3;
	v3 =	vld [tilespmem:s5+$0x70]  }
0x300: {  	[tilespmem:s6+$0xFFFFFF80] =	vst v33;
	v4 =	vmul.f32 v2, v9;
	v27 =	vmul.f32 v7, v29;
	v9 =	vld [tilespmem:s19+$0xFFFFFF90]  }
0x301: {  	[tilespmem:s6+$0xFFFFFFC0] =	vst v35;
	v29 =	vmul.f32 v50, v11;
	v11 =	vmul.f32 v12, v1;
	v1 =	vld [tilespmem:s19+$0xFFFFFFA0]  }
0x302: {  	[tilespmem:s6+$0xFFFFFFE0] =	vst v36;
	v22 =	vmul.f32 v5, v24;
	v62 =	vmul.f32 v56, v15;
	v15 =	vld [tilespmem:s5+$0xFFFFFFA0]  }
0x303: {  	[tilespmem:s6+$0xFFFFFF50] =	vst v26;
	v24 =	vmul.f32 v8, v28;
	v26 =	vmul.f32 v10, v51  }
0x304: {  	[tilespmem:s6+$0x0] =	vst v38;
	v10 =	vmul.f32 v14, v57;
	v7 =	vmul.f32 v16, v59;
	v16 =	vld [tilespmem:s19+$0xFFFFFFB0]  }
0x305: {  	[tilespmem:s6+$0x20] =	vst v41;
	v8 =	vmul.f32 v17, v58;
	v5 =	vmul.f32 v60, v18;
	v18 =	vld [tilespmem:s5+$0xFFFFFFB0]  }
0x306: {  	[tilespmem:s6+$0x40] =	vst v46;
	v14 =	vmul.f32 v19, v53;
	v53 =	vmul.f32 v21, v54;
	v21 =	vld [tilespmem:s5+$0xFFFFFFC0];
	v17 =	vadd.f32 v3, v55  }
0x307: {  	[tilespmem:s6+$0xFFFFFFA0] =	vst v34;
	v34 =	vmul.f32 v6, v61;
	v6 =	vadd.f32 v25, v9;
	v9 =	vld [tilespmem:s19+$0xFFFFFFC0];
	v1 =	vadd.f32 v15, v1  }
0x308: {  	[tilespmem:s6+$0xFFFFFF90] =	vst v30;
	v15 =	vld [tilespmem:s19+$0xFFFFFFD0];
	v19 =	vmul.f32 $2.000000030e-01, v17  }
0x309: {  	[tilespmem:s6+$0xFFFFFFB0] =	vst v31;
	v25 =	vld [tilespmem:s5+$0xFFFFFFD0];
	v30 =	vmul.f32 $2.000000030e-01, v1  }
0x30a: {  	[tilespmem:s6+$0xFFFFFFD0] =	vst v32;
	v16 =	vadd.f32 v18, v16;
	v17 =	vmax.f32 v17, v19;
	v19 =	vmul.f32 $2.000000030e-01, v6  }
0x30b: {  	[tilespmem:s6+$0xFFFFFFF0] =	vst v37;
	v18 =	vld [tilespmem:s19+$0xFFFFFFE0];
	v1 =	vmax.f32 v1, v30;
	v17 =	vmul.f32 $1.442695020e+00, v17  }
0x30c: {  	[tilespmem:s6+$0x60] =	vst v47;
	v30 =	vld [tilespmem:s5+$0xFFFFFFF0];
	v9 =	vadd.f32 v21, v9;
	v6 =	vmax.f32 v6, v19;
	v19 =	vmul.f32 $2.000000030e-01, v16  }
0x30d: {  	[tilespmem:s6+$0x70] =	vst v44;
	v21 =	vld [tilespmem:s19+$0xFFFFFFF0];
	(erf) = vpow2.f32 v17;
	v6 =	vmul.f32 $1.442695020e+00, v6  }
0x30e: {  	[tilespmem:s6+$0x10] =	vst v39;
	v15 =	vadd.f32 v25, v15;
	v17 =	vld [tilespmem:s5+$0xFFFFFFE0];
	v16 =	vmax.f32 v16, v19;
	v19 =	vmul.f32 $2.000000030e-01, v9  }
0x30f: {  	[tilespmem:s6+$0x30] =	vst v42;
	(erf) = vpow2.f32 v6  }
0x310: {  	[tilespmem:s6+$0x80] =	vst v48;
	v31 =	vld [tilespmem:s5+$0x0];
	v1 =	vmul.f32 $1.442695020e+00, v1;
	v6 =	vmax.f32 v9, v19;
	v9 =	vmul.f32 $2.000000030e-01, v15  }
0x311: {  	[tilespmem:s6+$0x90] =	vst v45;
	v25 =	vld [tilespmem:s19+$0x0]  }
0x312: {  	(erf) = vpow2.f32 v1;
	v1 =	vmax.f32 v15, v9;
	v15 =	vadd.f32 v30, v21;
	v21 =	vld [tilespmem:s19+$0x20];
	[tilespmem:s6+$0xA0] =	vst v49  }
0x313: {  	[tilespmem:s6+$0x50] =	vst v43;
	v16 =	vmul.f32 $1.442695020e+00, v16;
	v17 =	vadd.f32 v17, v18;
	v30 =	vld [tilespmem:s5+$0x20]  }
0x314: {  	v63 =	vld [tilespmem:s5+$0x10];
	v19 =	vmul.f32 $1.442695020e+00, v6  }
0x315: {  	(erf) = vpow2.f32 v16;
	v18 =	vld [tilespmem:s19+$0x10];
	v9 =	vmul.f32 $2.000000030e-01, v17  }
0x316: {  	v1 =	vmul.f32 $1.442695020e+00, v1;
	v6 =	vpop (erf);
	(erf) = vpow2.f32 v19  }
0x317: {  	v16 =	vmul.f32 $2.000000030e-01, v15;
	v9 =	vmax.f32 v17, v9;
	v17 =	vadd.f32 v31, v25;
	v25 =	vld [tilespmem:s19+$0x30];
	[tilespmem:s18+$0xC0] =	vst v23  }
0x318: {  	v19 =	vld [tilespmem:s5+$0x30];
	[tilespmem:s18+$0xD0] =	vst v20;
	(erf) = vpow2.f32 v1;
	v2 =	vadd.f32 v30, v21;
	v30 =	vpop (erf)  }
0x319: {  	v15 =	vmax.f32 v15, v16;
	v20 =	vld [tilespmem:s19+$0x40];
	[tilespmem:s18+$0xF0] =	vst v0;
	v16 =	vmul.f32 $2.000000030e-01, v17;
	v0 =	vbroadcast v30, $0x0  }
0x31a: {  	v18 =	vadd.f32 v63, v18;
	v21 =	vld [tilespmem:s5+$0x40]  }
0x31b: {  	v9 =	vmul.f32 $1.442695020e+00, v9;
	[tilespmem:$0x1F710] =	vst v0;
	v0 =	vmax.f32 v17, v16;
	v16 =	vld [tilespmem:s19+$0x50]  }
0x31c: {  	v15 =	vmul.f32 $1.442695020e+00, v15;
	v1 =	vmul.f32 $2.000000030e-01, v18;
	v17 =	vld [tilespmem:s5+$0x50]  }
0x31d: {  	s7 =	sadd.s32 $0x100, s7;
	[tilespmem:s6+$0xB0] =	vst v40;
	(erf) = vpow2.f32 v9;
	v23 =	vpop (erf);
	v0 =	vmul.f32 $1.442695020e+00, v0  }
0x31e: {  	s6 =	sadd.s32 $0x400, s6;
	[tilespmem:s7+$0xFFFFFF90] =	vst v30;
	v1 =	vmax.f32 v18, v1;
	v18 =	vpop (erf);
	(erf) = vpow2.f32 v15  }
0x31f: {  	v1 =	vmul.f32 $1.442695020e+00, v1;
	v20 =	vadd.f32 v21, v20;
	v21 =	vpop (erf);
	(erf) = vpow2.f32 v0;
	v0 =	vld [tilespmem:s6+$0xFFFFFE50]  }
0x320: {  	v19 =	vadd.f32 v19, v25  }
0x321: {  	v9 =	vmul.f32 $2.000000030e-01, v2;
	v16 =	vadd.f32 v17, v16;
	v17 =	vpop (erf);
	(erf) = vpow2.f32 v1;
	v1 =	vld [tilespmem:s6+$0xFFFFFE70]  }
0x322: {  	v25 =	vmul.f32 $2.000000030e-01, v19  }
0x323: {  	[tilespmem:s7+$0x70] =	vst v6;
	v2 =	vmax.f32 v2, v9  }
0x324: {  	v2 =	vmul.f32 $1.442695020e+00, v2;
	[tilespmem:$0x1F740] =	vst v0;
	v0 =	vmax.f32 v19, v25;
	v19 =	vmul.f32 $2.000000030e-01, v20  }
0x325: {  	v28 =	vld [tilespmem:s5+$0xFFFFFF80];
	[tilespmem:s7+$0xFFFFFFA0] =	vst v23  }
0x326: {  	[tilespmem:$0x1F770] =	vst v1;
	v1 =	vmax.f32 v20, v19;
	v20 =	vpop (erf);
	(erf) = vpow2.f32 v2;
	v2 =	vld [tilespmem:s6+$0xFFFFFE90]  }
0x327: {  	v31 =	vld [tilespmem:s6+$0x1F0]  }
0x328: {  	[tilespmem:s18+$0x100] =	vst v22;
	v22 =	vld [tilespmem:s19+$0x60]  }
0x329: {  	v9 =	vld [tilespmem:s5+$0x60];
	v19 =	vmul.f32 $2.000000030e-01, v16  }
0x32a: {  	v15 =	vld [tilespmem:s19+$0xFFFFFF80];
	v0 =	vmul.f32 $1.442695020e+00, v0  }
0x32b: {  	v3 =	vbroadcast v6, $0x3;
	v1 =	vmul.f32 $1.442695020e+00, v1;
	[tilespmem:$0x1F7B0] =	vst v2;
	v2 =	vmax.f32 v16, v19  }
0x32c: {  	[tilespmem:s18+$0xE0] =	vst v4;
	(erf) = vpow2.f32 v0;
	v2 =	vmul.f32 $1.442695020e+00, v2  }
0x32d: {  	[tilespmem:s7+$0xFFFFFFB0] =	vst v18;
	v4 =	vmul.f32 v31, v3;
	v16 =	vpop (erf);
	(erf) = vpow2.f32 v1  }
0x32e: {  	v9 =	vadd.f32 v9, v22;
	v1 =	vld [tilespmem:s6+$0xFFFFFEC0];
	(erf) = vpow2.f32 v2;
	v2 =	vbroadcast v23, $0x0  }
0x32f: {  	[tilespmem:s6+$0x1F0] =	vst v4;
	v15 =	vadd.f32 v28, v15  }
0x330: {  	v4 =	vmul.f32 $2.000000030e-01, v9;
	[tilespmem:$0x1F7A0] =	vst v2;
	v2 =	vld [tilespmem:s6+$0xFFFFFED0]  }
0x331: {  	v0 =	vmul.f32 $2.000000030e-01, v15  }
0x332: {  	v9 =	vmax.f32 v9, v4  }
0x333: {  	v0 =	vmax.f32 v15, v0;
	[tilespmem:$0x1F800] =	vst v1;
	v1 =	vmul.f32 $1.442695020e+00, v9  }
0x334: {  	v0 =	vmul.f32 $1.442695020e+00, v0  }
0x335: {  	[tilespmem:$0x1F820] =	vst v2;
	v2 =	vpop (erf);
	(erf) = vpow2.f32 v1  }
0x336: {  	(erf) = vpow2.f32 v0;
	v0 =	vbroadcast v18, $0x0  }
0x337: {  	[tilespmem:s7+$0xFFFFFFC0] =	vst v21  }
0x338: {  	[tilespmem:$0x1F810] =	vst v0;
	v0 =	vld [tilespmem:s6+$0xFFFFFF00]  }
0x339: {  	v3 =	vbroadcast v30, $0x1;
	_ =	sdelay $0x1  }
0x33a: {  	[tilespmem:$0x1F730] =	vst v3;
	v3 =	vld [tilespmem:s6+$0xFFFFFE40];
	_ =	sdelay $0x1  }
0x33b: {  	[tilespmem:$0x1F860] =	vst v0;
	v0 =	vbroadcast v18, $0x2;
	_ =	sdelay $0x1  }
0x33c: {  	[tilespmem:$0x1F840] =	vst v0;
	v0 =	vld [tilespmem:s6+$0xFFFFFF10]  }
0x33d: {  	[tilespmem:$0x1F720] =	vst v3;
	v3 =	vbroadcast v30, $0x2;
	_ =	sdelay $0x1  }
0x33e: {  	[tilespmem:$0x1F750] =	vst v3;
	v3 =	vld [tilespmem:s6+$0xFFFFFE60];
	_ =	sdelay $0x1  }
0x33f: {  	[tilespmem:$0x1F880] =	vst v0;
	v0 =	vbroadcast v21, $0x0;
	_ =	sdelay $0x1  }
0x340: {  	[tilespmem:$0x1F870] =	vst v0;
	v0 =	vld [tilespmem:s6+$0xFFFFFF20]  }
0x341: {  	[tilespmem:$0x1F760] =	vst v3;
	v3 =	vld [tilespmem:s6+$0xFFFFFE80];
	_ =	sdelay $0x3  }
0x342: {  	[tilespmem:$0x1F890] =	vst v0;
	v0 =	vbroadcast v21, $0x2  }
0x343: {  	[tilespmem:$0x1F790] =	vst v3;
	v3 =	vld [tilespmem:s6+$0xFFFFFEA0]  }
0x344: {  	v13 =	vmul.f32 v13, v52;
	[tilespmem:$0x1F8A0] =	vst v0;
	v0 =	vld [tilespmem:s6+$0xFFFFFF30];
	_ =	sdelay $0x1  }
0x345: {  	[tilespmem:s18+$0x150] =	vst v13  }
0x346: {  	[tilespmem:s7+$0xFFFFFFD0] =	vst v17  }
0x347: {  	[tilespmem:$0x1F7D0] =	vst v3;
	v3 =	vbroadcast v30, $0x3  }
0x348: {  	[tilespmem:$0x1F8B0] =	vst v0;
	v0 =	vbroadcast v17, $0x0  }
0x349: {  	[tilespmem:$0x1F780] =	vst v3;
	v3 =	vld [tilespmem:s6+$0xFFFFFEB0]  }
0x34a: {  	[tilespmem:$0x1F8C0] =	vst v0;
	v0 =	vld [tilespmem:s6+$0xFFFFFF40]  }
0x34b: {  	[tilespmem:s18+$0x160] =	vst v11;
	v1 =	vbroadcast v23, $0x2  }
0x34c: {  	[tilespmem:s18+$0x180] =	vst v10  }
0x34d: {  	v12 =	vpop (erf);
	[tilespmem:$0x1F7E0] =	vst v1;
	v1 =	vld [tilespmem:s6+$0xFFFFFEF0]  }
0x34e: {  	v11 =	vpop (erf);
	[tilespmem:$0x1F7F0] =	vst v3;
	v3 =	vbroadcast v23, $0x1  }
0x34f: {  	v10 =	vpop (erf);
	[tilespmem:$0x1F8D0] =	vst v0;
	v0 =	vbroadcast v17, $0x2  }
0x350: {  	v13 =	vpop (erf);
	[tilespmem:$0x1F7C0] =	vst v3  }
0x351: {  	v15 =	vpop (erf);
	v3 =	vld [tilespmem:s6+$0xFFFFFEE0];
	[tilespmem:$0x1F8E0] =	vst v0;
	v0 =	vbroadcast v20, $0x0  }
0x352: {  	v22 =	vbroadcast v18, $0x3;
	v9 =	vbroadcast v18, $0x1;
	[tilespmem:$0x1F850] =	vst v1;
	v18 =	vpop (erf)  }
0x353: {  	v1 =	vpop (erf);
	[tilespmem:$0x1F8F0] =	vst v0;
	v0 =	vbroadcast v20, $0x2  }
0x354: {  	[tilespmem:s7+$0xFFFFFF80] =	vst v1  }
0x355: {  	v63 =	vbroadcast v1, $0x2;
	[tilespmem:$0x1F900] =	vst v0;
	v0 =	vbroadcast v16, $0x0  }
0x356: {  	v4 =	vbroadcast v1, $0x3;
	[tilespmem:$0x1F830] =	vst v3;
	v3 =	vbroadcast v1, $0x1  }
0x357: {  	[tilespmem:$0x1F910] =	vst v0;
	v0 =	vbroadcast v1, $0x0;
	v1 =	vbroadcast v16, $0x2;
	_ =	sdelay $0x1  }
0x358: {  	[tilespmem:$0x1F920] =	vst v1;
	v1 =	vbroadcast v2, $0x0;
	_ =	sdelay $0x1  }
0x359: {  	[tilespmem:$0x1F930] =	vst v1;
	v1 =	vbroadcast v2, $0x2;
	_ =	sdelay $0x1  }
0x35a: {  	[tilespmem:$0x1F940] =	vst v1;
	v1 =	vbroadcast v12, $0x0;
	_ =	sdelay $0x1  }
0x35b: {  	[tilespmem:$0x1F950] =	vst v1;
	v1 =	vbroadcast v12, $0x2;
	_ =	sdelay $0x1  }
0x35c: {  	[tilespmem:$0x1F960] =	vst v1;
	v1 =	vbroadcast v12, $0x3;
	_ =	sdelay $0x1  }
0x35d: {  	[tilespmem:$0x1F970] =	vst v1;
	v1 =	vbroadcast v11, $0x0;
	_ =	sdelay $0x1  }
0x35e: {  	[tilespmem:$0x1F980] =	vst v1;
	v1 =	vbroadcast v11, $0x1;
	_ =	sdelay $0x1  }
0x35f: {  	[tilespmem:$0x1F9A0] =	vst v1;
	v1 =	vbroadcast v11, $0x2;
	_ =	sdelay $0x1  }
0x360: {  	[tilespmem:$0x1F9B0] =	vst v1;
	v1 =	vbroadcast v11, $0x3;
	_ =	sdelay $0x1  }
0x361: {  	[tilespmem:$0x1F9C0] =	vst v1;
	v1 =	vbroadcast v10, $0x0;
	_ =	sdelay $0x1  }
0x362: {  	[tilespmem:$0x1F9F0] =	vst v1;
	v1 =	vbroadcast v10, $0x1  }
0x363: {  	[tilespmem:s18+$0x170] =	vst v62  }
0x364: {  	v62 =	vld [tilespmem:s6+$0xFFFFFE00];
	[tilespmem:$0x1FA10] =	vst v1;
	v1 =	vbroadcast v10, $0x2;
	_ =	sdelay $0x1  }
0x365: {  	[tilespmem:$0x1F9D0] =	vst v1;
	v1 =	vbroadcast v13, $0x0  }
0x366: {  	[tilespmem:s18+$0x190] =	vst v8  }
0x367: {  	[tilespmem:$0x1F990] =	vst v1;
	v1 =	vbroadcast v13, $0x2  }
0x368: {  	[tilespmem:s18+$0x1A0] =	vst v7;
	v0 =	vmul.f32 v0, v62  }
0x369: {  	[tilespmem:$0x1F9E0] =	vst v1;
	v1 =	vbroadcast v15, $0x0  }
0x36a: {  	[tilespmem:s6+$0xFFFFFE00] =	vst v0;
	v0 =	vld [tilespmem:$0x1F710]  }
0x36b: {  	[tilespmem:$0x1FA00] =	vst v1;
	v1 =	vld [tilespmem:$0x1F720]  }
0x36c: {  	[tilespmem:s7+$0x60] =	vst v18  }
0x36d: {  	v54 =	vbroadcast v6, $0x0;
	[tilespmem:s18+$0x1B0] =	vst v5;
	v5 =	vld [tilespmem:s6+$0xFFFFFE10]  }
0x36e: {  	v40 =	vbroadcast v6, $0x1;
	[tilespmem:s18+$0x110] =	vst v24;
	v24 =	vbroadcast v21, $0x1  }
0x36f: {  	v28 =	vbroadcast v21, $0x3;
	v21 =	vbroadcast v6, $0x2;
	v6 =	vld [tilespmem:$0x1F740]  }
0x370: {  	v0 =	vmul.f32 v0, v1;
	v1 =	vld [tilespmem:$0x1F730];
	_ =	sdelay $0x1  }
0x371: {  	v3 =	vmul.f32 v3, v5;
	_ =	sdelay $0x1  }
0x372: {  	[tilespmem:s6+$0xFFFFFE10] =	vst v3;
	v3 =	vld [tilespmem:$0x1F760]  }
0x373: {  	v62 =	vmul.f32 v1, v6;
	v1 =	vld [tilespmem:$0x1F750];
	_ =	sdelay $0x1  }
0x374: {  	v7 =	vld [tilespmem:s6+$0xFFFFFE20];
	_ =	sdelay $0x1  }
0x375: {  	v6 =	vld [tilespmem:$0x1F780]  }
0x376: {  	v3 =	vmul.f32 v1, v3;
	v1 =	vld [tilespmem:$0x1F770];
	_ =	sdelay $0x1  }
0x377: {  	v7 =	vmul.f32 v63, v7;
	_ =	sdelay $0x1  }
0x378: {  	[tilespmem:s6+$0xFFFFFE20] =	vst v7;
	v7 =	vld [tilespmem:$0x1F7A0]  }
0x379: {  	v1 =	vmul.f32 v1, v6;
	v6 =	vld [tilespmem:$0x1F790];
	_ =	sdelay $0x1  }
0x37a: {  	v8 =	vld [tilespmem:s6+$0xFFFFFE30];
	_ =	sdelay $0x1  }
0x37b: {  	[tilespmem:s7+$0x20] =	vst v11;
	v11 =	vld [tilespmem:$0x1F7C0]  }
0x37c: {  	v7 =	vmul.f32 v7, v6;
	v6 =	vld [tilespmem:$0x1F7B0];
	_ =	sdelay $0x1  }
0x37d: {  	v4 =	vmul.f32 v8, v4;
	_ =	sdelay $0x1  }
0x37e: {  	[tilespmem:s6+$0xFFFFFE30] =	vst v4;
	v4 =	vld [tilespmem:$0x1F7D0]  }
0x37f: {  	[tilespmem:s18+$0x1D0] =	vst v14;
	v14 =	vmul.f32 v11, v6;
	v11 =	vld [tilespmem:$0x1F7E0];
	_ =	sdelay $0x4  }
0x380: {  	v4 =	vmul.f32 v11, v4;
	v11 =	vld [tilespmem:$0x1F7F0]  }
0x381: {  	[tilespmem:s18+$0x120] =	vst v27  }
0x382: {  	[tilespmem:s18+$0x140] =	vst v26;
	v26 =	vld [tilespmem:s6+$0xFFFFFF50]  }
0x383: {  	v27 =	vld [tilespmem:s6+$0xFFFFFF60];
	v19 =	vbroadcast v23, $0x3;
	[tilespmem:s7+$0x30] =	vst v10;
	v47 =	vbroadcast v10, $0x3  }
0x384: {  	v48 =	vbroadcast v15, $0x1;
	v49 =	vbroadcast v15, $0x2;
	[tilespmem:s6+$0xFFFFFE40] =	vst v0;
	v0 =	vld [tilespmem:$0x1F800]  }
0x385: {  	[tilespmem:s7+$0x50] =	vst v15;
	v10 =	vbroadcast v15, $0x3;
	v15 =	vmul.f32 v11, v19;
	v11 =	vld [tilespmem:$0x1F810]  }
0x386: {  	v25 =	vld [tilespmem:s6+$0xFFFFFF70];
	[tilespmem:s7+$0xFFFFFFE0] =	vst v20  }
0x387: {  	v33 =	vld [tilespmem:s6+$0xFFFFFF80]  }
0x388: {  	[tilespmem:s18+$0x1C0] =	vst v34;
	v34 =	vld [tilespmem:s6+$0xFFFFFFA0]  }
0x389: {  	v31 =	vld [tilespmem:s6+$0xFFFFFFB0];
	[tilespmem:s7+$0xFFFFFFF0] =	vst v16  }
0x38a: {  	v35 =	vld [tilespmem:s6+$0xFFFFFFC0];
	v0 =	vmul.f32 v11, v0  }
0x38b: {  	v32 =	vld [tilespmem:s6+$0xFFFFFFD0]  }
0x38c: {  	[tilespmem:s6+$0xFFFFFEC0] =	vst v0;
	v0 =	vld [tilespmem:$0x1F910]  }
0x38d: {  	v36 =	vld [tilespmem:s6+$0xFFFFFFE0]  }
0x38e: {  	v37 =	vld [tilespmem:s6+$0xFFFFFFF0]  }
0x38f: {  	v30 =	vld [tilespmem:s6+$0xFFFFFF90];
	[tilespmem:s7+$0x0] =	vst v2  }
0x390: {  	v38 =	vld [tilespmem:s6+$0x0]  }
0x391: {  	v35 =	vmul.f32 v0, v35;
	v0 =	vld [tilespmem:$0x1F920]  }
0x392: {  	v11 =	vld [tilespmem:$0x1F820]  }
0x393: {  	v39 =	vld [tilespmem:s6+$0x10]  }
0x394: {  	v41 =	vld [tilespmem:s6+$0x20]  }
0x395: {  	[tilespmem:s7+$0x10] =	vst v12;
	v59 =	vbroadcast v12, $0x1;
	v12 =	vld [tilespmem:$0x1F840]  }
0x396: {  	[tilespmem:s18+$0x130] =	vst v29;
	v29 =	vbroadcast v17, $0x1;
	v36 =	vmul.f32 v0, v36;
	v0 =	vld [tilespmem:$0x1F930]  }
0x397: {  	v50 =	vbroadcast v17, $0x3;
	v17 =	vmul.f32 v9, v11;
	v11 =	vld [tilespmem:$0x1F830]  }
0x398: {  	v42 =	vld [tilespmem:s6+$0x30]  }
0x399: {  	v46 =	vld [tilespmem:s6+$0x40]  }
0x39a: {  	v43 =	vld [tilespmem:s6+$0x50]  }
0x39b: {  	v38 =	vmul.f32 v0, v38;
	v0 =	vld [tilespmem:$0x1F940]  }
0x39c: {  	[tilespmem:s6+$0xFFFFFE50] =	vst v62;
	v62 =	vmul.f32 v12, v11;
	v11 =	vld [tilespmem:$0x1F850]  }
0x39d: {  	v57 =	vbroadcast v2, $0x1;
	v58 =	vbroadcast v2, $0x3;
	v45 =	vld [tilespmem:s6+$0x60]  }
0x39e: {  	[tilespmem:s18+$0x1E0] =	vst v53;
	v44 =	vld [tilespmem:s6+$0x70];
	v61 =	vbroadcast v13, $0x1;
	v53 =	vbroadcast v13, $0x3  }
0x39f: {  	v55 =	vbroadcast v18, $0x2;
	v23 =	vbroadcast v18, $0x3;
	[tilespmem:s6+$0xFFFFFE60] =	vst v3;
	v3 =	vld [tilespmem:$0x1F860]  }
0x3a0: {  	v2 =	vbroadcast v18, $0x0;
	v41 =	vmul.f32 v0, v41;
	v0 =	vld [tilespmem:$0x1F950]  }
0x3a1: {  	[tilespmem:s7+$0x40] =	vst v13;
	v13 =	vbroadcast v18, $0x1;
	v18 =	vmul.f32 v11, v22;
	v11 =	vld [tilespmem:$0x1F870]  }
0x3a2: {  	v51 =	vbroadcast v20, $0x1;
	v26 =	vmul.f32 v29, v26;
	v29 =	vld [tilespmem:s6+$0x120]  }
0x3a3: {  	v25 =	vmul.f32 v25, v50;
	v50 =	vld [tilespmem:s6+$0x130]  }
0x3a4: {  	v52 =	vbroadcast v20, $0x3;
	v30 =	vmul.f32 v51, v30;
	v51 =	vld [tilespmem:s6+$0x140]  }
0x3a5: {  	v56 =	vbroadcast v16, $0x1;
	v46 =	vmul.f32 v0, v46;
	v0 =	vld [tilespmem:$0x1F960]  }
0x3a6: {  	v31 =	vmul.f32 v31, v52;
	v52 =	vld [tilespmem:s6+$0x150];
	v3 =	vmul.f32 v11, v3  }
0x3a7: {  	v32 =	vmul.f32 v56, v32;
	v56 =	vld [tilespmem:s6+$0x170]  }
0x3a8: {  	v39 =	vmul.f32 v57, v39;
	v57 =	vld [tilespmem:s6+$0x180]  }
0x3a9: {  	v11 =	vld [tilespmem:$0x1F880]  }
0x3aa: {  	[tilespmem:s6+$0xFFFFFF00] =	vst v3;
	v3 =	vmov v47;
	v47 =	vmul.f32 v0, v45;
	v0 =	vld [tilespmem:$0x1F970]  }
0x3ab: {  	v42 =	vmul.f32 v42, v58;
	v58 =	vld [tilespmem:s6+$0x190]  }
0x3ac: {  	v5 =	vld [tilespmem:s6+$0x80]  }
0x3ad: {  	[tilespmem:s6+$0xFFFFFE70] =	vst v1;
	v1 =	vld [tilespmem:$0x1F890]  }
0x3ae: {  	v19 =	vmul.f32 v24, v11;
	v11 =	vld [tilespmem:$0x1F8A0]  }
0x3af: {  	v60 =	vbroadcast v16, $0x3;
	v44 =	vmul.f32 v44, v0;
	v0 =	vld [tilespmem:$0x1F980]  }
0x3b0: {  	v43 =	vmul.f32 v59, v43;
	v59 =	vld [tilespmem:s6+$0x1A0]  }
0x3b1: {  	v37 =	vmul.f32 v37, v60;
	v60 =	vld [tilespmem:s6+$0x1B0]  }
0x3b2: {  	v8 =	vld [tilespmem:s6+$0x90]  }
0x3b3: {  	v11 =	vmul.f32 v11, v1;
	v1 =	vld [tilespmem:$0x1F8B0]  }
0x3b4: {  	[tilespmem:s6+$0xFFFFFED0] =	vst v17;
	v17 =	vmov v13;
	v13 =	vmov v48;
	v48 =	vmul.f32 v0, v5;
	v0 =	vld [tilespmem:$0x1F9A0]  }
0x3b5: {  	v63 =	vld [tilespmem:s6+$0xA0]  }
0x3b6: {  	v20 =	vld [tilespmem:s6+$0xB0]  }
0x3b7: {  	[tilespmem:s6+$0xFFFFFE80] =	vst v7;
	v7 =	vld [tilespmem:$0x1F8D0]  }
0x3b8: {  	v12 =	vmul.f32 v1, v28;
	v1 =	vld [tilespmem:$0x1F8C0]  }
0x3b9: {  	v45 =	vmul.f32 v0, v8;
	v0 =	vld [tilespmem:$0x1F9B0]  }
0x3ba: {  	v16 =	vld [tilespmem:s6+$0xD0]  }
0x3bb: {  	v6 =	vld [tilespmem:s6+$0xC0]  }
0x3bc: {  	[tilespmem:s6+$0xFFFFFE90] =	vst v14;
	v14 =	vmov v2;
	v2 =	vld [tilespmem:$0x1F9D0]  }
0x3bd: {  	v7 =	vmul.f32 v1, v7;
	v1 =	vld [tilespmem:$0x1F8E0]  }
0x3be: {  	[tilespmem:s6+$0xFFFFFF30] =	vst v12;
	v12 =	vmov v49;
	v49 =	vmul.f32 v0, v63;
	v0 =	vld [tilespmem:$0x1F9C0]  }
0x3bf: {  	[tilespmem:s6+$0xFFFFFEB0] =	vst v15;
	v15 =	vmov v10;
	v10 =	vld [tilespmem:$0x1FA00]  }
0x3c0: {  	v9 =	vld [tilespmem:s6+$0xE0]  }
0x3c1: {  	v22 =	vld [tilespmem:s6+$0xF0]  }
0x3c2: {  	v27 =	vmul.f32 v1, v27;
	v1 =	vld [tilespmem:$0x1F8F0]  }
0x3c3: {  	[tilespmem:s6+$0xFFFFFF10] =	vst v19;
	v19 =	vmov v40;
	v40 =	vmul.f32 v20, v0;
	v0 =	vld [tilespmem:$0x1F9F0]  }
0x3c4: {  	v24 =	vld [tilespmem:s6+$0x100]  }
0x3c5: {  	[tilespmem:s6+$0xFFFFFF20] =	vst v11;
	v11 =	vmov v53;
	v53 =	vld [tilespmem:s6+$0x1D0]  }
0x3c6: {  	v28 =	vld [tilespmem:s6+$0x110]  }
0x3c7: {  	s30 =	sadd.s32 $0x10, s30;
	v33 =	vmul.f32 v1, v33;
	v1 =	vld [tilespmem:$0x1F900]  }
0x3c8: {  	p0 =	slt.u32 s30, $0x70;
	[tilespmem:s6+$0xFFFFFEF0] =	vst v18;
	v18 =	vmov v23;
	v23 =	vmul.f32 v0, v6;
	v0 =	vld [tilespmem:$0x1FA10]  }
.Ltmp6:
0x3c9: {  	v5 =	vld [tilespmem:$0x1F990];
	(pc) =	sbr.rel @p0 .LBB2_15-.Ltmp6, $4  }
0x3ca: {  	[tilespmem:s6+$0xFFFFFF40] =	vst v7;
	v7 =	vld [tilespmem:$0x1F9E0]  }
0x3cb: {  	v8 =	vmov v61;
	v61 =	vld [tilespmem:s6+$0x1C0]  }
0x3cc: {  	[tilespmem:s6+$0xFFFFFEA0] =	vst v4;
	v34 =	vmul.f32 v1, v34;
	v1 =	vld [tilespmem:s6+$0x160]  }
0x3cd: {  	s19 =	sadd.s32 $0x100, s19;
	s18 =	smov.u32 s6;
	[tilespmem:s6+$0xFFFFFEE0] =	vst v62;
	v6 =	vmov v54;
	v54 =	vld [tilespmem:s6+$0x1E0];
	v20 =	vmul.f32 v0, v16;
	v16 =	vmov v55  }
0x3ce: {  	[tilespmem:s6+$0xFFFFFF50] =	vst v26  }
0x3cf: {  	[tilespmem:s6+$0xFFFFFF60] =	vst v27  }
0x3d0: {  	[tilespmem:s6+$0xFFFFFF70] =	vst v25  }
0x3d1: {  	[tilespmem:s6+$0xFFFFFF80] =	vst v33  }
0x3d2: {  	[tilespmem:s6+$0xFFFFFF90] =	vst v30  }
0x3d3: {  	[tilespmem:s6+$0xFFFFFFA0] =	vst v34  }
0x3d4: {  	[tilespmem:s6+$0xFFFFFFB0] =	vst v31  }
0x3d5: {  	[tilespmem:s6+$0xFFFFFFC0] =	vst v35  }
0x3d6: {  	[tilespmem:s6+$0xFFFFFFD0] =	vst v32  }
0x3d7: {  	[tilespmem:s6+$0xFFFFFFE0] =	vst v36  }
0x3d8: {  	[tilespmem:s6+$0xFFFFFFF0] =	vst v37  }
0x3d9: {  	[tilespmem:s6+$0x0] =	vst v38  }
0x3da: {  	[tilespmem:s6+$0x10] =	vst v39  }
0x3db: {  	[tilespmem:s6+$0x20] =	vst v41  }
0x3dc: {  	[tilespmem:s6+$0x30] =	vst v42  }
0x3dd: {  	[tilespmem:s6+$0x40] =	vst v46  }
0x3de: {  	[tilespmem:s6+$0x50] =	vst v43  }
0x3df: {  	[tilespmem:s6+$0x60] =	vst v47  }
0x3e0: {  	[tilespmem:s6+$0x70] =	vst v44  }
0x3e1: {  	[tilespmem:s6+$0x80] =	vst v48  }
0x3e2: {  	[tilespmem:s6+$0x90] =	vst v45  }
0x3e3: {  	[tilespmem:s6+$0xA0] =	vst v49  }
0x3e4: {  	[tilespmem:s6+$0xB0] =	vst v40  }
0x3e5: {  	v0 =	vmul.f32 v2, v9;
	[tilespmem:s18+$0xC0] =	vst v23  }
0x3e6: {  	v47 =	vmul.f32 v22, v3;
	[tilespmem:s18+$0xD0] =	vst v20  }
0x3e7: {  	v3 =	vmul.f32 v5, v24;
	[tilespmem:s18+$0xE0] =	vst v0  }
0x3e8: {  	v48 =	vmul.f32 v8, v28;
	[tilespmem:s18+$0xF0] =	vst v47  }
0x3e9: {  	v51 =	vmul.f32 v10, v51;
	[tilespmem:s18+$0x100] =	vst v3  }
0x3ea: {  	v55 =	vmul.f32 v13, v52;
	[tilespmem:s18+$0x110] =	vst v48  }
0x3eb: {  	v56 =	vmul.f32 v56, v15;
	[tilespmem:s18+$0x140] =	vst v51  }
0x3ec: {  	v57 =	vmul.f32 v14, v57;
	[tilespmem:s18+$0x150] =	vst v55  }
0x3ed: {  	v58 =	vmul.f32 v17, v58;
	[tilespmem:s18+$0x170] =	vst v56  }
0x3ee: {  	v59 =	vmul.f32 v16, v59;
	[tilespmem:s18+$0x180] =	vst v57  }
0x3ef: {  	v60 =	vmul.f32 v60, v18;
	[tilespmem:s18+$0x190] =	vst v58  }
0x3f0: {  	v62 =	vmul.f32 v19, v53;
	[tilespmem:s18+$0x1A0] =	vst v59  }
0x3f1: {  	v49 =	vmul.f32 v7, v29;
	[tilespmem:s18+$0x1B0] =	vst v60  }
0x3f2: {  	v3 =	vmul.f32 v50, v11;
	[tilespmem:s18+$0x1D0] =	vst v62  }
0x3f3: {  	v61 =	vmul.f32 v6, v61;
	[tilespmem:s18+$0x120] =	vst v49  }
0x3f4: {  	s1 =	sadd.s32 $0x1, s1;
	v1 =	vmul.f32 v12, v1;
	[tilespmem:s18+$0x130] =	vst v3  }
0x3f5: {  	p0 =	sne.s32 s1, $0x52;
	v63 =	vmul.f32 v21, v54;
	[tilespmem:s18+$0x1C0] =	vst v61  }
.Ltmp7:
0x3f6: {  	[tilespmem:s18+$0x160] =	vst v1;
	(pc) =	sbr.rel @p0 .LBB2_6-.Ltmp7, $4  }
0x3f7: {  	[tilespmem:s18+$0x1E0] =	vst v63  }
0x3f8: {  	[spmem:s11] =	stream.indirect.scatter.add.f32 [tilespmem:s14], [sflag:$0x9], $0x40, s25, s2, $0xb8;
	[tilespmem:$0x1B0A0] =	vst v63  }
0x3f9: {  	_ = 	snop  }
0x3fa: {  	v5 =	vld [tilespmem:$0x1FFF0];
	[spmem:s12] =	stream.indirect.scatter.add.f32 [tilespmem:s26], [sflag:$0xA], $0x10, s25, s2, $0xb8  }
0x3fb: {  	_ =	swait.ge [sflag:s28], $0x2000  }
0x3fc: {  	[sflag:s28] =	ssyncset.done $0x0  }
0x3fd: {  	[sflag:s28] =	ssyncadd.s32 $0xFFFFE000  }
0x3fe: {  	_ =	swait.ge [sflag:s29], $0x800  }
0x3ff: {  	[sflag:s29] =	ssyncset.done $0x0  }
0x400: {  	s1 =	simm.s32 $0x9;
	[sflag:s29] =	ssyncadd.s32 $0xFFFFF800  }
0x401: {  	_ =	swait.ge [sflag:s1], $0x2000  }
0x402: {  	[sflag:s1] =	ssyncset.done $0x0  }
0x403: {  	s6 =	simm.s32 $0xA;
	[sflag:s1] =	ssyncadd.s32 $0xFFFFE000  }
0x404: {  	_ =	swait.ge [sflag:s6], $0x800  }
0x405: {  	[sflag:s6] =	ssyncset.done $0x0  }
0x406: {  	[sflag:s6] =	ssyncadd.s32 $0xFFFFF800  }
0x407: {  	s7 =	stileid.u32;
	[bflag:$0x0] =	sbarrier.arrive $0xFFFF  }
0x408: {  	s1 =	sshll.u32 s7, $0x6;
	s7 =	rddreg [dreg:$0xf]  }
0x409: {  	s1 =	sor.u32 $0x1C0B, s1;
	s6 =	rddreg [dreg:$0x4];
	s5 =	sshrl.u32 s7, $0x3  }
0x40a: {  	[hbm:s6], [sflag:s1] =	dma.local [spmem:s5], $0x400  }
0x40b: {  	_ =	swait.ge [sflag:s10], $0x400  }
0x40c: {  	[sflag:s10] =	ssyncset.done $0x0;
	s30 =	rddreg [dreg:$0x10]  }
0x40d: {  	s19 =	rddreg [dreg:$0x5];
	[sflag:s10] =	ssyncadd.s32 $0xFFFFFC00;
	s18 =	sshrl.u32 s30, $0x3  }
0x40e: {  	[hbm:s19], [sflag:s1] =	dma.local [spmem:s18], $0x100  }
0x40f: {  	_ =	swait.ge [sflag:s10], $0x100  }
0x410: {  	[sflag:s10] =	ssyncset.done $0x0;
	s31 =	rddreg [dreg:$0x11]  }
0x411: {  	s19 =	rddreg [dreg:$0x6];
	[sflag:s10] =	ssyncadd.s32 $0xFFFFFF00;
	s18 =	sshrl.u32 s31, $0x3  }
0x412: {  	[hbm:s19], [sflag:s1] =	dma.local [spmem:s18], $0x400  }
0x413: {  	_ =	swait.ge [sflag:s10], $0x400  }
0x414: {  	[sflag:s10] =	ssyncset.done $0x0;
	s18 =	rddreg [dreg:$0x12]  }
0x415: {  	s19 =	rddreg [dreg:$0x7];
	[sflag:s10] =	ssyncadd.s32 $0xFFFFFC00;
	s5 =	sshrl.u32 s18, $0x3  }
0x416: {  	[hbm:s19], [sflag:s1] =	dma.local [spmem:s5], $0x100  }
0x417: {  	_ =	swait.ge [sflag:s10], $0x100  }
0x418: {  	[sflag:s10] =	ssyncset.done $0x0;
	s18 =	rddreg [dreg:$0x13]  }
0x419: {  	s19 =	rddreg [dreg:$0x8];
	[sflag:s10] =	ssyncadd.s32 $0xFFFFFF00;
	s5 =	sshrl.u32 s18, $0x3  }
0x41a: {  	[hbm:s19], [sflag:s1] =	dma.local [spmem:s5], $0x400  }
0x41b: {  	_ =	swait.ge [sflag:s10], $0x400  }
0x41c: {  	[sflag:s10] =	ssyncset.done $0x0;
	s18 =	rddreg [dreg:$0x14]  }
0x41d: {  	s19 =	rddreg [dreg:$0xb];
	[sflag:s10] =	ssyncadd.s32 $0xFFFFFC00;
	s5 =	sshrl.u32 s18, $0x3  }
0x41e: {  	[hbm:s19], [sflag:s1] =	dma.local [spmem:s5], $0x100  }
0x41f: {  	_ =	swait.ge [sflag:s10], $0x100  }
0x420: {  	[sflag:s10] =	ssyncset.done $0x0;
	s18 =	rddreg [dreg:$0x15]  }
0x421: {  	s19 =	rddreg [dreg:$0x9];
	[sflag:s10] =	ssyncadd.s32 $0xFFFFFF00;
	s6 =	sshrl.u32 s18, $0x3  }
0x422: {  	[hbm:s19], [sflag:s1] =	dma.local [spmem:s6], $0x400  }
0x423: {  	_ =	swait.ge [sflag:s10], $0x400  }
0x424: {  	[sflag:s10] =	ssyncset.done $0x0;
	s19 =	rddreg [dreg:$0x16]  }
0x425: {  	s6 =	rddreg [dreg:$0xc];
	[sflag:s10] =	ssyncadd.s32 $0xFFFFFC00;
	s5 =	sshrl.u32 s19, $0x3  }
0x426: {  	[hbm:s6], [sflag:s1] =	dma.local [spmem:s5], $0x100  }
0x427: {  	_ =	swait.ge [sflag:s10], $0x100  }
0x428: {  	[sflag:s10] =	ssyncset.done $0x0;
	s6 =	rddreg [dreg:$0x17]  }
0x429: {  	[sflag:s10] =	ssyncadd.s32 $0xFFFFFF00;
	s5 =	sshrl.u32 s6, $0x3;
	s6 =	rddreg [dreg:$0xa]  }
0x42a: {  	[hbm:s6], [sflag:s1] =	dma.local [spmem:s5], $0x390  }
0x42b: {  	_ =	swait.ge [sflag:s10], $0x390  }
0x42c: {  	[sflag:s10] =	ssyncset.done $0x0;
	s6 =	rddreg [dreg:$0x18]  }
0x42d: {  	[sflag:s10] =	ssyncadd.s32 $0xFFFFFC70;
	s5 =	sshrl.u32 s6, $0x3;
	s6 =	rddreg [dreg:$0xd]  }
0x42e: {  	[hbm:s6], [sflag:s1] =	dma.local [spmem:s5], $0xE4  }
0x42f: {  	_ =	swait.ge [sflag:s10], $0xE4  }
0x430: {  	s1 =	rddreg [dreg:$0x1a]  }
0x431: {  	s6 =	rddreg [dreg:$0x19];
	s5 =	sadd.s32 $0x1, s1  }
0x432: {  	p0 =	sne.s32 s5, s6  }
.Ltmp8:
0x433: {  	_ = 	snop;
	(pc) =	sbr.rel @p0 .LBB2_1-.Ltmp8, $3  }
0x434: {  	_ =	sdelay $0x1  }
0x435: {  	[sflag:s10] =	ssyncset.done $0x0  }
0x436: {  	v0 =	vimm.f32 $0.0e+00;
	[sflag:s10] =	ssyncadd.s32 $0xFFFFFF1C  }
0x437: {  	_ =	sfence.sel $0x180000  }
0x438: {  	[bflag:$0x0] =	sbarrier.arrive $0xFFFF  }
0x439: {  	_ =	strace $0x90000047  }
0x43a: {  	s0 =	stileid.u32;
	[bflag:$0x2] =	sbarrier.arrive $0xFFFF  }
0x43b: {  	p0 =	sne.s32 s0, $0x0;
	s0 =	rddreg [dreg:$0x3]  }
0x43c: {  	s0 =	sadd.s32 @!p0 $0x100000, s0  }
0x43d: {  	[sflag:s0] =	ssyncadd.tile.s32 @!p0 $0x1;
	_ =	shalt  }
.Lfunc_end2:
_tile_overlayer_lowered:
.L_overlay_start_2:
0x43e: {  	(tag) =	ssettag $0x2  }
0x43f: {  	s0 =	rddreg [dreg:$0x0];
	s2 =	stileid.u32  }
0x440: {  	s1 =	rddreg [dreg:$0x1];
	p0 =	sne.s32 s2, $0x0  }
0x441: {  	s3 =	rddreg [dreg:$0x2];
	[bflag:$0x3] =	sbarrier.arrive $0xFFFF;
	s2 =	simm.s32 @!p0 $0x1C0B  }
0x442: {  	[timem:s3], [sflag:s2] =	dma.local @!p0 [hbm:s0], s1  }
0x443: {  	s0 =	simm.s32 @!p0 $0xB  }
0x444: {  	_ =	swait.ge @!p0 [sflag:s0], s1  }
0x445: {  	s1 =	ssub.s32 @!p0 $0x0, s1;
	[sflag:s0] =	ssyncset.done @!p0 $0x0  }
0x446: {  	[sflag:s0] =	ssyncadd.s32 @!p0 s1  }
0x447: {  	[bflag:$0x3] =	sbarrier.arrive $0xFFFF  }
0x448: {  	_ =	shalt  }

</sc_bundles>
